<compile_context>
chip_gen: v7x
topology: tpu7x:2x2x1
jax: 0.10.2.dev20260603
libtpu: 0.0.44.dev20260713+nightly
codegen_flags: <defaults>
</compile_context>

<pallas_src>
import functools

import jax
import jax.numpy as jnp
from jax import lax
from jax.experimental import pallas as pl
from jax.experimental.pallas import tpu as pltpu
from jax.experimental.pallas import tpu_sc as plsc

NUM_CORES = 2
NUM_SUBCORES = 16
NUM_WORKERS = NUM_CORES * NUM_SUBCORES
SPAN = 3200
CHUNK = 80
NBUF = 6
DEPTH = 5


def kernel(input, node_segment):
    n = node_segment.shape[0]
    v, d = input.shape
    cps = SPAN // CHUNK
    full_workers = n // SPAN
    rem = n - full_workers * SPAN
    rem_chunks = rem // CHUNK
    assert SPAN % CHUNK == 0 and rem % CHUNK == 0
    assert SPAN % 8 == 0 and CHUNK % 8 == 0
    assert full_workers + (1 if rem else 0) == NUM_WORKERS
    assert min(cps, rem_chunks if rem else cps) >= NBUF

    idx = node_segment.astype(jnp.int32)
    mesh = plsc.VectorSubcoreMesh(core_axis_name="c", subcore_axis_name="s")

    @functools.partial(
        pl.kernel,
        out_type=jax.ShapeDtypeStruct((n, d), input.dtype),
        mesh=mesh,
        scratch_types=[
            pltpu.VMEM((SPAN,), jnp.int32),
            pltpu.VMEM((NBUF, CHUNK, d), jnp.float32),
            pltpu.VMEM_SHARED((v, d), jnp.float32),
            pltpu.SemaphoreType.DMA,
            pltpu.SemaphoreType.DMA((NBUF,)),
            pltpu.SemaphoreType.DMA((NBUF,)),
        ],
    )
    def gather_kernel(table_hbm, idx_hbm, out_hbm, idx_all, rows_v, table_sh,
                      sem_i, sem_g, sem_w):
        sid = lax.axis_index("s")
        wid = sid * NUM_CORES + lax.axis_index("c")
        base = wid * SPAN

        @pl.when(wid < full_workers)
        def _():
            pltpu.async_copy(idx_hbm.at[pl.ds(base, SPAN)],
                             idx_all.at[pl.ds(0, SPAN)], sem_i)

        if rem:
            @pl.when(wid == full_workers)
            def _():
                pltpu.async_copy(idx_hbm.at[pl.ds(base, rem)],
                                 idx_all.at[pl.ds(0, rem)], sem_i)

        rows_per_sub = v // NUM_SUBCORES
        assert rows_per_sub * NUM_SUBCORES == v
        pltpu.sync_copy(table_hbm.at[pl.ds(sid * rows_per_sub, rows_per_sub)],
                        table_sh.at[pl.ds(sid * rows_per_sub, rows_per_sub)])
        plsc.subcore_barrier()

        @pl.when(wid < full_workers)
        def _():
            pltpu.make_async_copy(idx_hbm.at[pl.ds(base, SPAN)],
                                  idx_all.at[pl.ds(0, SPAN)], sem_i).wait()

        if rem:
            @pl.when(wid == full_workers)
            def _():
                pltpu.make_async_copy(idx_hbm.at[pl.ds(base, rem)],
                                      idx_all.at[pl.ds(0, rem)], sem_i).wait()

        def guarded(k, fn):
            if k < (rem_chunks if rem else cps):
                fn()
            else:
                pl.when(wid < full_workers)(fn)

        def start_gather(k):
            b = k % NBUF
            pltpu.async_copy(
                table_sh.at[idx_all.at[pl.ds(k * CHUNK, CHUNK)]],
                rows_v.at[b], sem_g.at[b])

        def wait_write(k):
            b = k % NBUF
            pltpu.make_async_copy(
                rows_v.at[b], out_hbm.at[pl.ds(0, CHUNK)], sem_w.at[b]).wait()

        def finish_chunk(k):
            b = k % NBUF
            pltpu.make_async_copy(
                table_sh.at[idx_all.at[pl.ds(k * CHUNK, CHUNK)]],
                rows_v.at[b], sem_g.at[b]).wait()
            pltpu.async_copy(
                rows_v.at[b], out_hbm.at[pl.ds(base + k * CHUNK, CHUNK)],
                sem_w.at[b])

        for k in range(min(DEPTH, cps)):
            guarded(k, lambda k=k: start_gather(k))
        for k in range(cps):
            guarded(k, lambda k=k: finish_chunk(k))
            j = k + DEPTH
            if j < cps:
                def advance(j=j):
                    if j >= NBUF:
                        wait_write(j - NBUF)
                    start_gather(j)
                guarded(j, advance)

        for b in range(NBUF):
            wait_write(b)

    return gather_kernel(input, idx)

# --- scband reference (transcript-rebuilt; emitter-appended) ---
"""Pipeline reference for scband-broadcast-26766236189262 (READ-ONLY COPY).

The authoritative reference and input builder live on the scoring server;
editing this copy changes nothing except your own understanding.
"""

import jax, jax.numpy as jnp
import numpy as np


def setup_inputs(seed: int = 0) -> dict:
    key = jax.random.key(seed)
    k1, k2 = jax.random.split(key)
    # graph-level features: 1024 graphs in the batch, 128 features each ("128x0e" irreps)
    inp = jax.random.normal(k1, (1024, 128), dtype=jnp.float32)
    # per-node segment ids mapping each of 100000 nodes to its graph; sorted as in
    # typical batched-graph layouts
    node_segment = jnp.sort(jax.random.randint(k2, (100000,), 0, 1024, dtype=jnp.int64))
    return {"input": inp, "node_segment": node_segment}


def reference(input, node_segment):
    # Broadcast(to='node'): output = input[data['_node_segment']]
    # Pure gather of graph-level features onto nodes.
    output = jnp.take(input, node_segment, axis=0)
    return output

if __name__ == "__main__":
    import jax
    _d = setup_inputs()
    print(jax.jit(kernel)(*tuple(_d.values())))

</pallas_src>

<mosaic_0001>
#map = affine_map<(d0, d1) -> (0, 0)>
#map1 = affine_map<(d0, d1) -> (0)>
module attributes {stable_mosaic.version = 14 : i64} {
  func.func @gather_kernel(%arg0: i32, %arg1: i32, %arg2: memref<1024x128xf32, #tpu.memory_space<hbm>>, %arg3: memref<100000xi32, #tpu.memory_space<hbm>>, %arg4: memref<100000x128xf32, #tpu.memory_space<hbm>>, %arg5: memref<3200xi32, #tpu.memory_space<vmem>>, %arg6: memref<6x80x128xf32, #tpu.memory_space<vmem>>, %arg7: memref<1024x128xf32, #tpu.memory_space<vmem_shared>>, %arg8: memref<!tpu.dma_semaphore, #tpu.memory_space<semaphore_mem>>, %arg9: memref<6x!tpu.dma_semaphore, #tpu.memory_space<semaphore_mem>>, %arg10: memref<6x!tpu.dma_semaphore, #tpu.memory_space<semaphore_mem>>) attributes {dimension_semantics = [#tpu.dimension_semantics<core_parallel>, #tpu.dimension_semantics<subcore_parallel>], iteration_bounds = array<i64: 2, 16>, scalar_prefetch = 0 : i64, scratch_operands = 6 : i64, tpu.core_type = #tpu.core_type<sc_vector_subcore>, window_params = [{transform_indices = #map}, {transform_indices = #map1}, {transform_indices = #map}]} {
    %mul3A = arith.constant 2 : i32
    %mul3A_0 = arith.muli %arg1, %mul3A : i32
    %add3A = arith.addi %mul3A_0, %arg0 : i32
    %mul3A_1 = arith.constant 3200 : i32
    %mul3A_2 = arith.muli %add3A, %mul3A_1 : i32
    %lt3A = arith.constant 31 : i32
    %lt3A_3 = arith.cmpi slt, %add3A, %lt3A : i32
    %convert_element_type3A = arith.extui %lt3A_3 : i1 to i32
    %cond3A = arith.constant 0 : i32
    %cond3A_4 = arith.cmpi ne, %convert_element_type3A, %cond3A : i32
    scf.if %cond3A_4 {
      %dma_start3A_941 = arith.constant 0 : i32
      %dma_start3A_942 = tpu.memref_slice %arg5[%dma_start3A_941] : memref<3200xi32, #tpu.memory_space<vmem>> -> memref<3200xi32, #tpu.memory_space<vmem>>
      %dma_start3A_943 = tpu.memref_slice %arg3[%mul3A_2] : memref<100000xi32, #tpu.memory_space<hbm>> -> memref<3200xi32, #tpu.memory_space<hbm>>
      %dma_start3A_944 = arith.constant 0 : i32
      %dma_start3A_945 = tpu.memref_slice %arg5[%dma_start3A_944] : memref<3200xi32, #tpu.memory_space<vmem>> -> memref<3200xi32, #tpu.memory_space<vmem>>
      %dma_start3A_946 = tpu.memref_slice %arg3[%mul3A_2] : memref<100000xi32, #tpu.memory_space<hbm>> -> memref<3200xi32, #tpu.memory_space<hbm>>
      tpu.enqueue_dma source(%dma_start3A_946 : memref<3200xi32, #tpu.memory_space<hbm>>) target(%dma_start3A_945 : memref<3200xi32, #tpu.memory_space<vmem>>) target_semaphore(%arg8 : memref<!tpu.dma_semaphore, #tpu.memory_space<semaphore_mem>>)
    } else {
    }
    %eq3A = arith.constant 31 : i32
    %eq3A_5 = arith.cmpi eq, %add3A, %eq3A : i32
    %convert_element_type3A_6 = arith.extui %eq3A_5 : i1 to i32
    %cond3A_7 = arith.constant 0 : i32
    %cond3A_8 = arith.cmpi ne, %convert_element_type3A_6, %cond3A_7 : i32
    scf.if %cond3A_8 {
      %dma_start3A_941 = arith.constant 0 : i32
      %dma_start3A_942 = tpu.memref_slice %arg5[%dma_start3A_941] : memref<3200xi32, #tpu.memory_space<vmem>> -> memref<800xi32, #tpu.memory_space<vmem>>
      %dma_start3A_943 = tpu.memref_slice %arg3[%mul3A_2] : memref<100000xi32, #tpu.memory_space<hbm>> -> memref<800xi32, #tpu.memory_space<hbm>>
      %dma_start3A_944 = arith.constant 0 : i32
      %dma_start3A_945 = tpu.memref_slice %arg5[%dma_start3A_944] : memref<3200xi32, #tpu.memory_space<vmem>> -> memref<800xi32, #tpu.memory_space<vmem>>
      %dma_start3A_946 = tpu.memref_slice %arg3[%mul3A_2] : memref<100000xi32, #tpu.memory_space<hbm>> -> memref<800xi32, #tpu.memory_space<hbm>>
      tpu.enqueue_dma source(%dma_start3A_946 : memref<800xi32, #tpu.memory_space<hbm>>) target(%dma_start3A_945 : memref<800xi32, #tpu.memory_space<vmem>>) target_semaphore(%arg8 : memref<!tpu.dma_semaphore, #tpu.memory_space<semaphore_mem>>)
    } else {
    }
    %mul3A_9 = arith.constant 64 : i32
    %mul3A_10 = arith.muli %arg1, %mul3A_9 : i32
    %mul3A_11 = arith.constant 64 : i32
    %mul3A_12 = arith.muli %arg1, %mul3A_11 : i32
    "tpu.region"() ({
      %run_scoped3A = tpu.sem_alloc : memref<!tpu.dma_semaphore, #tpu.memory_space<semaphore_mem>>
      %dma_start3A_941 = arith.constant 0 : i32
      %dma_start3A_942 = tpu.memref_slice %arg7[%mul3A_12, %dma_start3A_941] : memref<1024x128xf32, #tpu.memory_space<vmem_shared>> -> memref<64x128xf32, #tpu.memory_space<vmem_shared>>
      %dma_start3A_943 = arith.constant 0 : i32
      %dma_start3A_944 = tpu.memref_slice %arg2[%mul3A_10, %dma_start3A_943] : memref<1024x128xf32, #tpu.memory_space<hbm>> -> memref<64x128xf32, #tpu.memory_space<hbm>>
      tpu.enqueue_dma source(%dma_start3A_944 : memref<64x128xf32, #tpu.memory_space<hbm>>) target(%dma_start3A_942 : memref<64x128xf32, #tpu.memory_space<vmem_shared>>) target_semaphore(%run_scoped3A : memref<!tpu.dma_semaphore, #tpu.memory_space<semaphore_mem>>)
      %dma_wait3A_945 = arith.constant 0 : i32
      %dma_wait3A_946 = tpu.memref_slice %arg7[%mul3A_12, %dma_wait3A_945] : memref<1024x128xf32, #tpu.memory_space<vmem_shared>> -> memref<64x128xf32, #tpu.memory_space<vmem_shared>>
      %dma_wait3A_947 = arith.constant 0 : i32
      %dma_wait3A_948 = tpu.memref_slice %arg2[%mul3A_10, %dma_wait3A_947] : memref<1024x128xf32, #tpu.memory_space<hbm>> -> memref<64x128xf32, #tpu.memory_space<hbm>>
      tpu.wait_dma2 semaphore(%run_scoped3A : memref<!tpu.dma_semaphore, #tpu.memory_space<semaphore_mem>>) src(%dma_wait3A_948 : memref<64x128xf32, #tpu.memory_space<hbm>>) dst(%dma_wait3A_946 : memref<64x128xf32, #tpu.memory_space<vmem_shared>>)
      tpu.yield
    }) : () -> ()
    %barrier3A = arith.constant 0 : index
    tpu.barrier barrier_id(%barrier3A)
    %lt3A_13 = arith.constant 31 : i32
    %lt3A_14 = arith.cmpi slt, %add3A, %lt3A_13 : i32
    %convert_element_type3A_15 = arith.extui %lt3A_14 : i1 to i32
    %cond3A_16 = arith.constant 0 : i32
    %cond3A_17 = arith.cmpi ne, %convert_element_type3A_15, %cond3A_16 : i32
    scf.if %cond3A_17 {
      %dma_wait3A_941 = arith.constant 0 : i32
      %dma_wait3A_942 = tpu.memref_slice %arg5[%dma_wait3A_941] : memref<3200xi32, #tpu.memory_space<vmem>> -> memref<3200xi32, #tpu.memory_space<vmem>>
      %dma_wait3A_943 = tpu.memref_slice %arg3[%mul3A_2] : memref<100000xi32, #tpu.memory_space<hbm>> -> memref<3200xi32, #tpu.memory_space<hbm>>
      %dma_wait3A_944 = arith.constant 0 : i32
      %dma_wait3A_945 = tpu.memref_slice %arg5[%dma_wait3A_944] : memref<3200xi32, #tpu.memory_space<vmem>> -> memref<3200xi32, #tpu.memory_space<vmem>>
      %dma_wait3A_946 = tpu.memref_slice %arg3[%mul3A_2] : memref<100000xi32, #tpu.memory_space<hbm>> -> memref<3200xi32, #tpu.memory_space<hbm>>
      tpu.wait_dma2 semaphore(%arg8 : memref<!tpu.dma_semaphore, #tpu.memory_space<semaphore_mem>>) src(%dma_wait3A_946 : memref<3200xi32, #tpu.memory_space<hbm>>) dst(%dma_wait3A_945 : memref<3200xi32, #tpu.memory_space<vmem>>)
    } else {
    }
    %eq3A_18 = arith.constant 31 : i32
    %eq3A_19 = arith.cmpi eq, %add3A, %eq3A_18 : i32
    %convert_element_type3A_20 = arith.extui %eq3A_19 : i1 to i32
    %cond3A_21 = arith.constant 0 : i32
    %cond3A_22 = arith.cmpi ne, %convert_element_type3A_20, %cond3A_21 : i32
    scf.if %cond3A_22 {
      %dma_wait3A_941 = arith.constant 0 : i32
      %dma_wait3A_942 = tpu.memref_slice %arg5[%dma_wait3A_941] : memref<3200xi32, #tpu.memory_space<vmem>> -> memref<800xi32, #tpu.memory_space<vmem>>
      %dma_wait3A_943 = tpu.memref_slice %arg3[%mul3A_2] : memref<100000xi32, #tpu.memory_space<hbm>> -> memref<800xi32, #tpu.memory_space<hbm>>
      %dma_wait3A_944 = arith.constant 0 : i32
      %dma_wait3A_945 = tpu.memref_slice %arg5[%dma_wait3A_944] : memref<3200xi32, #tpu.memory_space<vmem>> -> memref<800xi32, #tpu.memory_space<vmem>>
      %dma_wait3A_946 = tpu.memref_slice %arg3[%mul3A_2] : memref<100000xi32, #tpu.memory_space<hbm>> -> memref<800xi32, #tpu.memory_space<hbm>>
      tpu.wait_dma2 semaphore(%arg8 : memref<!tpu.dma_semaphore, #tpu.memory_space<semaphore_mem>>) src(%dma_wait3A_946 : memref<800xi32, #tpu.memory_space<hbm>>) dst(%dma_wait3A_945 : memref<800xi32, #tpu.memory_space<vmem>>)
    } else {
    }
    %dma_start3A = arith.constant 0 : i32
    %dma_start3A_23 = arith.constant 0 : i32
    %dma_start3A_24 = arith.constant 0 : i32
    %dma_start3A_25 = arith.constant 0 : i32
    %dma_start3A_26 = tpu.memref_slice %arg6[%dma_start3A, %dma_start3A_24, %dma_start3A_25] : memref<6x80x128xf32, #tpu.memory_space<vmem>> -> memref<1x80x128xf32, #tpu.memory_space<vmem>>
    %dma_start3A_27 = tpu.memref_squeeze %dma_start3A_26 : memref<1x80x128xf32, #tpu.memory_space<vmem>> -> memref<80x128xf32, #tpu.memory_space<vmem>>
    %dma_start3A_28 = arith.constant 0 : i32
    %dma_start3A_29 = tpu.memref_slice %arg5[%dma_start3A_28] : memref<3200xi32, #tpu.memory_space<vmem>> -> memref<80xi32, #tpu.memory_space<vmem>>
    %dma_start3A_30 = arith.constant 0 : i32
    %dma_start3A_31 = arith.constant 0 : i32
    %dma_start3A_32 = tpu.memref_slice %arg7[%dma_start3A_30, %dma_start3A_31] : memref<1024x128xf32, #tpu.memory_space<vmem_shared>> -> memref<1024x128xf32, #tpu.memory_space<vmem_shared>>
    %dma_start3A_33 = tpu.memref_slice %arg9[%dma_start3A_23] : memref<6x!tpu.dma_semaphore, #tpu.memory_space<semaphore_mem>> -> memref<1x!tpu.dma_semaphore, #tpu.memory_space<semaphore_mem>>
    %dma_start3A_34 = tpu.memref_squeeze %dma_start3A_33 : memref<1x!tpu.dma_semaphore, #tpu.memory_space<semaphore_mem>> -> memref<!tpu.dma_semaphore, #tpu.memory_space<semaphore_mem>>
    tpu.enqueue_indirect_dma source(%dma_start3A_32 : memref<1024x128xf32, #tpu.memory_space<vmem_shared>>) target(%dma_start3A_27 : memref<80x128xf32, #tpu.memory_space<vmem>>) offsets(%dma_start3A_29 : memref<80xi32, #tpu.memory_space<vmem>>) semaphore(%dma_start3A_34 : memref<!tpu.dma_semaphore, #tpu.memory_space<semaphore_mem>>)
    %dma_start3A_35 = arith.constant 1 : i32
    %dma_start3A_36 = arith.constant 1 : i32
    %dma_start3A_37 = arith.constant 0 : i32
    %dma_start3A_38 = arith.constant 0 : i32
    %dma_start3A_39 = tpu.memref_slice %arg6[%dma_start3A_35, %dma_start3A_37, %dma_start3A_38] : memref<6x80x128xf32, #tpu.memory_space<vmem>> -> memref<1x80x128xf32, #tpu.memory_space<vmem>>
    %dma_start3A_40 = tpu.memref_squeeze %dma_start3A_39 : memref<1x80x128xf32, #tpu.memory_space<vmem>> -> memref<80x128xf32, #tpu.memory_space<vmem>>
    %dma_start3A_41 = arith.constant 80 : i32
    %dma_start3A_42 = tpu.memref_slice %arg5[%dma_start3A_41] : memref<3200xi32, #tpu.memory_space<vmem>> -> memref<80xi32, #tpu.memory_space<vmem>>
    %dma_start3A_43 = arith.constant 0 : i32
    %dma_start3A_44 = arith.constant 0 : i32
    %dma_start3A_45 = tpu.memref_slice %arg7[%dma_start3A_43, %dma_start3A_44] : memref<1024x128xf32, #tpu.memory_space<vmem_shared>> -> memref<1024x128xf32, #tpu.memory_space<vmem_shared>>
    %dma_start3A_46 = tpu.memref_slice %arg9[%dma_start3A_36] : memref<6x!tpu.dma_semaphore, #tpu.memory_space<semaphore_mem>> -> memref<1x!tpu.dma_semaphore, #tpu.memory_space<semaphore_mem>>
    %dma_start3A_47 = tpu.memref_squeeze %dma_start3A_46 : memref<1x!tpu.dma_semaphore, #tpu.memory_space<semaphore_mem>> -> memref<!tpu.dma_semaphore, #tpu.memory_space<semaphore_mem>>
    tpu.enqueue_indirect_dma source(%dma_start3A_45 : memref<1024x128xf32, #tpu.memory_space<vmem_shared>>) target(%dma_start3A_40 : memref<80x128xf32, #tpu.memory_space<vmem>>) offsets(%dma_start3A_42 : memref<80xi32, #tpu.memory_space<vmem>>) semaphore(%dma_start3A_47 : memref<!tpu.dma_semaphore, #tpu.memory_space<semaphore_mem>>)
    %dma_start3A_48 = arith.constant 2 : i32
    %dma_start3A_49 = arith.constant 2 : i32
    %dma_start3A_50 = arith.constant 0 : i32
    %dma_start3A_51 = arith.constant 0 : i32
    %dma_start3A_52 = tpu.memref_slice %arg6[%dma_start3A_48, %dma_start3A_50, %dma_start3A_51] : memref<6x80x128xf32, #tpu.memory_space<vmem>> -> memref<1x80x128xf32, #tpu.memory_space<vmem>>
    %dma_start3A_53 = tpu.memref_squeeze %dma_start3A_52 : memref<1x80x128xf32, #tpu.memory_space<vmem>> -> memref<80x128xf32, #tpu.memory_space<vmem>>
    %dma_start3A_54 = arith.constant 160 : i32
    %dma_start3A_55 = tpu.memref_slice %arg5[%dma_start3A_54] : memref<3200xi32, #tpu.memory_space<vmem>> -> memref<80xi32, #tpu.memory_space<vmem>>
    %dma_start3A_56 = arith.constant 0 : i32
    %dma_start3A_57 = arith.constant 0 : i32
    %dma_start3A_58 = tpu.memref_slice %arg7[%dma_start3A_56, %dma_start3A_57] : memref<1024x128xf32, #tpu.memory_space<vmem_shared>> -> memref<1024x128xf32, #tpu.memory_space<vmem_shared>>
    %dma_start3A_59 = tpu.memref_slice %arg9[%dma_start3A_49] : memref<6x!tpu.dma_semaphore, #tpu.memory_space<semaphore_mem>> -> memref<1x!tpu.dma_semaphore, #tpu.memory_space<semaphore_mem>>
    %dma_start3A_60 = tpu.memref_squeeze %dma_start3A_59 : memref<1x!tpu.dma_semaphore, #tpu.memory_space<semaphore_mem>> -> memref<!tpu.dma_semaphore, #tpu.memory_space<semaphore_mem>>
    tpu.enqueue_indirect_dma source(%dma_start3A_58 : memref<1024x128xf32, #tpu.memory_space<vmem_shared>>) target(%dma_start3A_53 : memref<80x128xf32, #tpu.memory_space<vmem>>) offsets(%dma_start3A_55 : memref<80xi32, #tpu.memory_space<vmem>>) semaphore(%dma_start3A_60 : memref<!tpu.dma_semaphore, #tpu.memory_space<semaphore_mem>>)
    %dma_start3A_61 = arith.constant 3 : i32
    %dma_start3A_62 = arith.constant 3 : i32
    %dma_start3A_63 = arith.constant 0 : i32
    %dma_start3A_64 = arith.constant 0 : i32
    %dma_start3A_65 = tpu.memref_slice %arg6[%dma_start3A_61, %dma_start3A_63, %dma_start3A_64] : memref<6x80x128xf32, #tpu.memory_space<vmem>> -> memref<1x80x128xf32, #tpu.memory_space<vmem>>
    %dma_start3A_66 = tpu.memref_squeeze %dma_start3A_65 : memref<1x80x128xf32, #tpu.memory_space<vmem>> -> memref<80x128xf32, #tpu.memory_space<vmem>>
    %dma_start3A_67 = arith.constant 240 : i32
    %dma_start3A_68 = tpu.memref_slice %arg5[%dma_start3A_67] : memref<3200xi32, #tpu.memory_space<vmem>> -> memref<80xi32, #tpu.memory_space<vmem>>
    %dma_start3A_69 = arith.constant 0 : i32
    %dma_start3A_70 = arith.constant 0 : i32
    %dma_start3A_71 = tpu.memref_slice %arg7[%dma_start3A_69, %dma_start3A_70] : memref<1024x128xf32, #tpu.memory_space<vmem_shared>> -> memref<1024x128xf32, #tpu.memory_space<vmem_shared>>
    %dma_start3A_72 = tpu.memref_slice %arg9[%dma_start3A_62] : memref<6x!tpu.dma_semaphore, #tpu.memory_space<semaphore_mem>> -> memref<1x!tpu.dma_semaphore, #tpu.memory_space<semaphore_mem>>
    %dma_start3A_73 = tpu.memref_squeeze %dma_start3A_72 : memref<1x!tpu.dma_semaphore, #tpu.memory_space<semaphore_mem>> -> memref<!tpu.dma_semaphore, #tpu.memory_space<semaphore_mem>>
    tpu.enqueue_indirect_dma source(%dma_start3A_71 : memref<1024x128xf32, #tpu.memory_space<vmem_shared>>) target(%dma_start3A_66 : memref<80x128xf32, #tpu.memory_space<vmem>>) offsets(%dma_start3A_68 : memref<80xi32, #tpu.memory_space<vmem>>) semaphore(%dma_start3A_73 : memref<!tpu.dma_semaphore, #tpu.memory_space<semaphore_mem>>)
    %dma_start3A_74 = arith.constant 4 : i32
    %dma_start3A_75 = arith.constant 4 : i32
    %dma_start3A_76 = arith.constant 0 : i32
    %dma_start3A_77 = arith.constant 0 : i32
    %dma_start3A_78 = tpu.memref_slice %arg6[%dma_start3A_74, %dma_start3A_76, %dma_start3A_77] : memref<6x80x128xf32, #tpu.memory_space<vmem>> -> memref<1x80x128xf32, #tpu.memory_space<vmem>>
    %dma_start3A_79 = tpu.memref_squeeze %dma_start3A_78 : memref<1x80x128xf32, #tpu.memory_space<vmem>> -> memref<80x128xf32, #tpu.memory_space<vmem>>
    %dma_start3A_80 = arith.constant 320 : i32
    %dma_start3A_81 = tpu.memref_slice %arg5[%dma_start3A_80] : memref<3200xi32, #tpu.memory_space<vmem>> -> memref<80xi32, #tpu.memory_space<vmem>>
    %dma_start3A_82 = arith.constant 0 : i32
    %dma_start3A_83 = arith.constant 0 : i32
    %dma_start3A_84 = tpu.memref_slice %arg7[%dma_start3A_82, %dma_start3A_83] : memref<1024x128xf32, #tpu.memory_space<vmem_shared>> -> memref<1024x128xf32, #tpu.memory_space<vmem_shared>>
    %dma_start3A_85 = tpu.memref_slice %arg9[%dma_start3A_75] : memref<6x!tpu.dma_semaphore, #tpu.memory_space<semaphore_mem>> -> memref<1x!tpu.dma_semaphore, #tpu.memory_space<semaphore_mem>>
    %dma_start3A_86 = tpu.memref_squeeze %dma_start3A_85 : memref<1x!tpu.dma_semaphore, #tpu.memory_space<semaphore_mem>> -> memref<!tpu.dma_semaphore, #tpu.memory_space<semaphore_mem>>
    tpu.enqueue_indirect_dma source(%dma_start3A_84 : memref<1024x128xf32, #tpu.memory_space<vmem_shared>>) target(%dma_start3A_79 : memref<80x128xf32, #tpu.memory_space<vmem>>) offsets(%dma_start3A_81 : memref<80xi32, #tpu.memory_space<vmem>>) semaphore(%dma_start3A_86 : memref<!tpu.dma_semaphore, #tpu.memory_space<semaphore_mem>>)
    %dma_wait3A = arith.constant 0 : i32
    %dma_wait3A_87 = arith.constant 0 : i32
    %dma_wait3A_88 = arith.constant 0 : i32
    %dma_wait3A_89 = arith.constant 0 : i32
    %dma_wait3A_90 = tpu.memref_slice %arg6[%dma_wait3A, %dma_wait3A_88, %dma_wait3A_89] : memref<6x80x128xf32, #tpu.memory_space<vmem>> -> memref<1x80x128xf32, #tpu.memory_space<vmem>>
    %dma_wait3A_91 = tpu.memref_squeeze %dma_wait3A_90 : memref<1x80x128xf32, #tpu.memory_space<vmem>> -> memref<80x128xf32, #tpu.memory_space<vmem>>
    %dma_wait3A_92 = arith.constant 0 : i32
    %dma_wait3A_93 = tpu.memref_slice %arg5[%dma_wait3A_92] : memref<3200xi32, #tpu.memory_space<vmem>> -> memref<80xi32, #tpu.memory_space<vmem>>
    %dma_wait3A_94 = arith.constant 0 : i32
    %dma_wait3A_95 = arith.constant 0 : i32
    %dma_wait3A_96 = tpu.memref_slice %arg7[%dma_wait3A_94, %dma_wait3A_95] : memref<1024x128xf32, #tpu.memory_space<vmem_shared>> -> memref<1024x128xf32, #tpu.memory_space<vmem_shared>>
    %dma_wait3A_97 = tpu.memref_slice %arg9[%dma_wait3A_87] : memref<6x!tpu.dma_semaphore, #tpu.memory_space<semaphore_mem>> -> memref<1x!tpu.dma_semaphore, #tpu.memory_space<semaphore_mem>>
    %dma_wait3A_98 = tpu.memref_squeeze %dma_wait3A_97 : memref<1x!tpu.dma_semaphore, #tpu.memory_space<semaphore_mem>> -> memref<!tpu.dma_semaphore, #tpu.memory_space<semaphore_mem>>
    tpu.wait_indirect_dma semaphore(%dma_wait3A_98 : memref<!tpu.dma_semaphore, #tpu.memory_space<semaphore_mem>>) src(%dma_wait3A_96 : memref<1024x128xf32, #tpu.memory_space<vmem_shared>>) dst(%dma_wait3A_91 : memref<80x128xf32, #tpu.memory_space<vmem>>)
    %add3A_99 = arith.constant 0 : i32
    %add3A_100 = arith.addi %mul3A_2, %add3A_99 : i32
    %dma_start3A_101 = arith.constant 0 : i32
    %dma_start3A_102 = arith.constant 0 : i32
    %dma_start3A_103 = arith.constant 0 : i32
    %dma_start3A_104 = arith.constant 0 : i32
    %dma_start3A_105 = tpu.memref_slice %arg6[%dma_start3A_101, %dma_start3A_103, %dma_start3A_104] : memref<6x80x128xf32, #tpu.memory_space<vmem>> -> memref<1x80x128xf32, #tpu.memory_space<vmem>>
    %dma_start3A_106 = tpu.memref_squeeze %dma_start3A_105 : memref<1x80x128xf32, #tpu.memory_space<vmem>> -> memref<80x128xf32, #tpu.memory_space<vmem>>
    %dma_start3A_107 = arith.constant 0 : i32
    %dma_start3A_108 = tpu.memref_slice %arg4[%add3A_100, %dma_start3A_107] : memref<100000x128xf32, #tpu.memory_space<hbm>> -> memref<80x128xf32, #tpu.memory_space<hbm>>
    %dma_start3A_109 = tpu.memref_slice %arg10[%dma_start3A_102] : memref<6x!tpu.dma_semaphore, #tpu.memory_space<semaphore_mem>> -> memref<1x!tpu.dma_semaphore, #tpu.memory_space<semaphore_mem>>
    %dma_start3A_110 = tpu.memref_squeeze %dma_start3A_109 : memref<1x!tpu.dma_semaphore, #tpu.memory_space<semaphore_mem>> -> memref<!tpu.dma_semaphore, #tpu.memory_space<semaphore_mem>>
    %dma_start3A_111 = arith.constant 0 : i32
    %dma_start3A_112 = tpu.memref_slice %arg4[%add3A_100, %dma_start3A_111] : memref<100000x128xf32, #tpu.memory_space<hbm>> -> memref<80x128xf32, #tpu.memory_space<hbm>>
    %dma_start3A_113 = arith.constant 0 : i32
    %dma_start3A_114 = arith.constant 0 : i32
    %dma_start3A_115 = tpu.memref_slice %arg6[%dma_start3A_101, %dma_start3A_113, %dma_start3A_114] : memref<6x80x128xf32, #tpu.memory_space<vmem>> -> memref<1x80x128xf32, #tpu.memory_space<vmem>>
    %dma_start3A_116 = tpu.memref_squeeze %dma_start3A_115 : memref<1x80x128xf32, #tpu.memory_space<vmem>> -> memref<80x128xf32, #tpu.memory_space<vmem>>
    tpu.enqueue_dma source(%dma_start3A_116 : memref<80x128xf32, #tpu.memory_space<vmem>>) target(%dma_start3A_112 : memref<80x128xf32, #tpu.memory_space<hbm>>) target_semaphore(%dma_start3A_110 : memref<!tpu.dma_semaphore, #tpu.memory_space<semaphore_mem>>)
    %dma_start3A_117 = arith.constant 5 : i32
    %dma_start3A_118 = arith.constant 5 : i32
    %dma_start3A_119 = arith.constant 0 : i32
    %dma_start3A_120 = arith.constant 0 : i32
    %dma_start3A_121 = tpu.memref_slice %arg6[%dma_start3A_117, %dma_start3A_119, %dma_start3A_120] : memref<6x80x128xf32, #tpu.memory_space<vmem>> -> memref<1x80x128xf32, #tpu.memory_space<vmem>>
    %dma_start3A_122 = tpu.memref_squeeze %dma_start3A_121 : memref<1x80x128xf32, #tpu.memory_space<vmem>> -> memref<80x128xf32, #tpu.memory_space<vmem>>
    %dma_start3A_123 = arith.constant 400 : i32
    %dma_start3A_124 = tpu.memref_slice %arg5[%dma_start3A_123] : memref<3200xi32, #tpu.memory_space<vmem>> -> memref<80xi32, #tpu.memory_space<vmem>>
    %dma_start3A_125 = arith.constant 0 : i32
    %dma_start3A_126 = arith.constant 0 : i32
    %dma_start3A_127 = tpu.memref_slice %arg7[%dma_start3A_125, %dma_start3A_126] : memref<1024x128xf32, #tpu.memory_space<vmem_shared>> -> memref<1024x128xf32, #tpu.memory_space<vmem_shared>>
    %dma_start3A_128 = tpu.memref_slice %arg9[%dma_start3A_118] : memref<6x!tpu.dma_semaphore, #tpu.memory_space<semaphore_mem>> -> memref<1x!tpu.dma_semaphore, #tpu.memory_space<semaphore_mem>>
    %dma_start3A_129 = tpu.memref_squeeze %dma_start3A_128 : memref<1x!tpu.dma_semaphore, #tpu.memory_space<semaphore_mem>> -> memref<!tpu.dma_semaphore, #tpu.memory_space<semaphore_mem>>
    tpu.enqueue_indirect_dma source(%dma_start3A_127 : memref<1024x128xf32, #tpu.memory_space<vmem_shared>>) target(%dma_start3A_122 : memref<80x128xf32, #tpu.memory_space<vmem>>) offsets(%dma_start3A_124 : memref<80xi32, #tpu.memory_space<vmem>>) semaphore(%dma_start3A_129 : memref<!tpu.dma_semaphore, #tpu.memory_space<semaphore_mem>>)
    %dma_wait3A_130 = arith.constant 1 : i32
    %dma_wait3A_131 = arith.constant 1 : i32
    %dma_wait3A_132 = arith.constant 0 : i32
    %dma_wait3A_133 = arith.constant 0 : i32
    %dma_wait3A_134 = tpu.memref_slice %arg6[%dma_wait3A_130, %dma_wait3A_132, %dma_wait3A_133] : memref<6x80x128xf32, #tpu.memory_space<vmem>> -> memref<1x80x128xf32, #tpu.memory_space<vmem>>
    %dma_wait3A_135 = tpu.memref_squeeze %dma_wait3A_134 : memref<1x80x128xf32, #tpu.memory_space<vmem>> -> memref<80x128xf32, #tpu.memory_space<vmem>>
    %dma_wait3A_136 = arith.constant 80 : i32
    %dma_wait3A_137 = tpu.memref_slice %arg5[%dma_wait3A_136] : memref<3200xi32, #tpu.memory_space<vmem>> -> memref<80xi32, #tpu.memory_space<vmem>>
    %dma_wait3A_138 = arith.constant 0 : i32
    %dma_wait3A_139 = arith.constant 0 : i32
    %dma_wait3A_140 = tpu.memref_slice %arg7[%dma_wait3A_138, %dma_wait3A_139] : memref<1024x128xf32, #tpu.memory_space<vmem_shared>> -> memref<1024x128xf32, #tpu.memory_space<vmem_shared>>
    %dma_wait3A_141 = tpu.memref_slice %arg9[%dma_wait3A_131] : memref<6x!tpu.dma_semaphore, #tpu.memory_space<semaphore_mem>> -> memref<1x!tpu.dma_semaphore, #tpu.memory_space<semaphore_mem>>
    %dma_wait3A_142 = tpu.memref_squeeze %dma_wait3A_141 : memref<1x!tpu.dma_semaphore, #tpu.memory_space<semaphore_mem>> -> memref<!tpu.dma_semaphore, #tpu.memory_space<semaphore_mem>>
    tpu.wait_indirect_dma semaphore(%dma_wait3A_142 : memref<!tpu.dma_semaphore, #tpu.memory_space<semaphore_mem>>) src(%dma_wait3A_140 : memref<1024x128xf32, #tpu.memory_space<vmem_shared>>) dst(%dma_wait3A_135 : memref<80x128xf32, #tpu.memory_space<vmem>>)
    %add3A_143 = arith.constant 80 : i32
    %add3A_144 = arith.addi %mul3A_2, %add3A_143 : i32
    %dma_start3A_145 = arith.constant 1 : i32
    %dma_start3A_146 = arith.constant 1 : i32
    %dma_start3A_147 = arith.constant 0 : i32
    %dma_start3A_148 = arith.constant 0 : i32
    %dma_start3A_149 = tpu.memref_slice %arg6[%dma_start3A_145, %dma_start3A_147, %dma_start3A_148] : memref<6x80x128xf32, #tpu.memory_space<vmem>> -> memref<1x80x128xf32, #tpu.memory_space<vmem>>
    %dma_start3A_150 = tpu.memref_squeeze %dma_start3A_149 : memref<1x80x128xf32, #tpu.memory_space<vmem>> -> memref<80x128xf32, #tpu.memory_space<vmem>>
    %dma_start3A_151 = arith.constant 0 : i32
    %dma_start3A_152 = tpu.memref_slice %arg4[%add3A_144, %dma_start3A_151] : memref<100000x128xf32, #tpu.memory_space<hbm>> -> memref<80x128xf32, #tpu.memory_space<hbm>>
    %dma_start3A_153 = tpu.memref_slice %arg10[%dma_start3A_146] : memref<6x!tpu.dma_semaphore, #tpu.memory_space<semaphore_mem>> -> memref<1x!tpu.dma_semaphore, #tpu.memory_space<semaphore_mem>>
    %dma_start3A_154 = tpu.memref_squeeze %dma_start3A_153 : memref<1x!tpu.dma_semaphore, #tpu.memory_space<semaphore_mem>> -> memref<!tpu.dma_semaphore, #tpu.memory_space<semaphore_mem>>
    %dma_start3A_155 = arith.constant 0 : i32
    %dma_start3A_156 = tpu.memref_slice %arg4[%add3A_144, %dma_start3A_155] : memref<100000x128xf32, #tpu.memory_space<hbm>> -> memref<80x128xf32, #tpu.memory_space<hbm>>
    %dma_start3A_157 = arith.constant 0 : i32
    %dma_start3A_158 = arith.constant 0 : i32
    %dma_start3A_159 = tpu.memref_slice %arg6[%dma_start3A_145, %dma_start3A_157, %dma_start3A_158] : memref<6x80x128xf32, #tpu.memory_space<vmem>> -> memref<1x80x128xf32, #tpu.memory_space<vmem>>
    %dma_start3A_160 = tpu.memref_squeeze %dma_start3A_159 : memref<1x80x128xf32, #tpu.memory_space<vmem>> -> memref<80x128xf32, #tpu.memory_space<vmem>>
    tpu.enqueue_dma source(%dma_start3A_160 : memref<80x128xf32, #tpu.memory_space<vmem>>) target(%dma_start3A_156 : memref<80x128xf32, #tpu.memory_space<hbm>>) target_semaphore(%dma_start3A_154 : memref<!tpu.dma_semaphore, #tpu.memory_space<semaphore_mem>>)
    %dma_wait3A_161 = arith.constant 0 : i32
    %dma_wait3A_162 = arith.constant 0 : i32
    %dma_wait3A_163 = arith.constant 0 : i32
    %dma_wait3A_164 = arith.constant 0 : i32
    %dma_wait3A_165 = tpu.memref_slice %arg6[%dma_wait3A_161, %dma_wait3A_163, %dma_wait3A_164] : memref<6x80x128xf32, #tpu.memory_space<vmem>> -> memref<1x80x128xf32, #tpu.memory_space<vmem>>
    %dma_wait3A_166 = tpu.memref_squeeze %dma_wait3A_165 : memref<1x80x128xf32, #tpu.memory_space<vmem>> -> memref<80x128xf32, #tpu.memory_space<vmem>>
    %dma_wait3A_167 = arith.constant 0 : i32
    %dma_wait3A_168 = arith.constant 0 : i32
    %dma_wait3A_169 = tpu.memref_slice %arg4[%dma_wait3A_167, %dma_wait3A_168] : memref<100000x128xf32, #tpu.memory_space<hbm>> -> memref<80x128xf32, #tpu.memory_space<hbm>>
    %dma_wait3A_170 = tpu.memref_slice %arg10[%dma_wait3A_162] : memref<6x!tpu.dma_semaphore, #tpu.memory_space<semaphore_mem>> -> memref<1x!tpu.dma_semaphore, #tpu.memory_space<semaphore_mem>>
    %dma_wait3A_171 = tpu.memref_squeeze %dma_wait3A_170 : memref<1x!tpu.dma_semaphore, #tpu.memory_space<semaphore_mem>> -> memref<!tpu.dma_semaphore, #tpu.memory_space<semaphore_mem>>
    %dma_wait3A_172 = arith.constant 0 : i32
    %dma_wait3A_173 = arith.constant 0 : i32
    %dma_wait3A_174 = tpu.memref_slice %arg4[%dma_wait3A_172, %dma_wait3A_173] : memref<100000x128xf32, #tpu.memory_space<hbm>> -> memref<80x128xf32, #tpu.memory_space<hbm>>
    %dma_wait3A_175 = arith.constant 0 : i32
    %dma_wait3A_176 = arith.constant 0 : i32
    %dma_wait3A_177 = tpu.memref_slice %arg6[%dma_wait3A_161, %dma_wait3A_175, %dma_wait3A_176] : memref<6x80x128xf32, #tpu.memory_space<vmem>> -> memref<1x80x128xf32, #tpu.memory_space<vmem>>
    %dma_wait3A_178 = tpu.memref_squeeze %dma_wait3A_177 : memref<1x80x128xf32, #tpu.memory_space<vmem>> -> memref<80x128xf32, #tpu.memory_space<vmem>>
    tpu.wait_dma2 semaphore(%dma_wait3A_171 : memref<!tpu.dma_semaphore, #tpu.memory_space<semaphore_mem>>) src(%dma_wait3A_178 : memref<80x128xf32, #tpu.memory_space<vmem>>) dst(%dma_wait3A_174 : memref<80x128xf32, #tpu.memory_space<hbm>>)
    %dma_start3A_179 = arith.constant 0 : i32
    %dma_start3A_180 = arith.constant 0 : i32
    %dma_start3A_181 = arith.constant 0 : i32
    %dma_start3A_182 = arith.constant 0 : i32
    %dma_start3A_183 = tpu.memref_slice %arg6[%dma_start3A_179, %dma_start3A_181, %dma_start3A_182] : memref<6x80x128xf32, #tpu.memory_space<vmem>> -> memref<1x80x128xf32, #tpu.memory_space<vmem>>
    %dma_start3A_184 = tpu.memref_squeeze %dma_start3A_183 : memref<1x80x128xf32, #tpu.memory_space<vmem>> -> memref<80x128xf32, #tpu.memory_space<vmem>>
    %dma_start3A_185 = arith.constant 480 : i32
    %dma_start3A_186 = tpu.memref_slice %arg5[%dma_start3A_185] : memref<3200xi32, #tpu.memory_space<vmem>> -> memref<80xi32, #tpu.memory_space<vmem>>
    %dma_start3A_187 = arith.constant 0 : i32
    %dma_start3A_188 = arith.constant 0 : i32
    %dma_start3A_189 = tpu.memref_slice %arg7[%dma_start3A_187, %dma_start3A_188] : memref<1024x128xf32, #tpu.memory_space<vmem_shared>> -> memref<1024x128xf32, #tpu.memory_space<vmem_shared>>
    %dma_start3A_190 = tpu.memref_slice %arg9[%dma_start3A_180] : memref<6x!tpu.dma_semaphore, #tpu.memory_space<semaphore_mem>> -> memref<1x!tpu.dma_semaphore, #tpu.memory_space<semaphore_mem>>
    %dma_start3A_191 = tpu.memref_squeeze %dma_start3A_190 : memref<1x!tpu.dma_semaphore, #tpu.memory_space<semaphore_mem>> -> memref<!tpu.dma_semaphore, #tpu.memory_space<semaphore_mem>>
    tpu.enqueue_indirect_dma source(%dma_start3A_189 : memref<1024x128xf32, #tpu.memory_space<vmem_shared>>) target(%dma_start3A_184 : memref<80x128xf32, #tpu.memory_space<vmem>>) offsets(%dma_start3A_186 : memref<80xi32, #tpu.memory_space<vmem>>) semaphore(%dma_start3A_191 : memref<!tpu.dma_semaphore, #tpu.memory_space<semaphore_mem>>)
    %dma_wait3A_192 = arith.constant 2 : i32
    %dma_wait3A_193 = arith.constant 2 : i32
    %dma_wait3A_194 = arith.constant 0 : i32
    %dma_wait3A_195 = arith.constant 0 : i32
    %dma_wait3A_196 = tpu.memref_slice %arg6[%dma_wait3A_192, %dma_wait3A_194, %dma_wait3A_195] : memref<6x80x128xf32, #tpu.memory_space<vmem>> -> memref<1x80x128xf32, #tpu.memory_space<vmem>>
    %dma_wait3A_197 = tpu.memref_squeeze %dma_wait3A_196 : memref<1x80x128xf32, #tpu.memory_space<vmem>> -> memref<80x128xf32, #tpu.memory_space<vmem>>
    %dma_wait3A_198 = arith.constant 160 : i32
    %dma_wait3A_199 = tpu.memref_slice %arg5[%dma_wait3A_198] : memref<3200xi32, #tpu.memory_space<vmem>> -> memref<80xi32, #tpu.memory_space<vmem>>
    %dma_wait3A_200 = arith.constant 0 : i32
    %dma_wait3A_201 = arith.constant 0 : i32
    %dma_wait3A_202 = tpu.memref_slice %arg7[%dma_wait3A_200, %dma_wait3A_201] : memref<1024x128xf32, #tpu.memory_space<vmem_shared>> -> memref<1024x128xf32, #tpu.memory_space<vmem_shared>>
    %dma_wait3A_203 = tpu.memref_slice %arg9[%dma_wait3A_193] : memref<6x!tpu.dma_semaphore, #tpu.memory_space<semaphore_mem>> -> memref<1x!tpu.dma_semaphore, #tpu.memory_space<semaphore_mem>>
    %dma_wait3A_204 = tpu.memref_squeeze %dma_wait3A_203 : memref<1x!tpu.dma_semaphore, #tpu.memory_space<semaphore_mem>> -> memref<!tpu.dma_semaphore, #tpu.memory_space<semaphore_mem>>
    tpu.wait_indirect_dma semaphore(%dma_wait3A_204 : memref<!tpu.dma_semaphore, #tpu.memory_space<semaphore_mem>>) src(%dma_wait3A_202 : memref<1024x128xf32, #tpu.memory_space<vmem_shared>>) dst(%dma_wait3A_197 : memref<80x128xf32, #tpu.memory_space<vmem>>)
    %add3A_205 = arith.constant 160 : i32
    %add3A_206 = arith.addi %mul3A_2, %add3A_205 : i32
    %dma_start3A_207 = arith.constant 2 : i32
    %dma_start3A_208 = arith.constant 2 : i32
    %dma_start3A_209 = arith.constant 0 : i32
    %dma_start3A_210 = arith.constant 0 : i32
    %dma_start3A_211 = tpu.memref_slice %arg6[%dma_start3A_207, %dma_start3A_209, %dma_start3A_210] : memref<6x80x128xf32, #tpu.memory_space<vmem>> -> memref<1x80x128xf32, #tpu.memory_space<vmem>>
    %dma_start3A_212 = tpu.memref_squeeze %dma_start3A_211 : memref<1x80x128xf32, #tpu.memory_space<vmem>> -> memref<80x128xf32, #tpu.memory_space<vmem>>
    %dma_start3A_213 = arith.constant 0 : i32
    %dma_start3A_214 = tpu.memref_slice %arg4[%add3A_206, %dma_start3A_213] : memref<100000x128xf32, #tpu.memory_space<hbm>> -> memref<80x128xf32, #tpu.memory_space<hbm>>
    %dma_start3A_215 = tpu.memref_slice %arg10[%dma_start3A_208] : memref<6x!tpu.dma_semaphore, #tpu.memory_space<semaphore_mem>> -> memref<1x!tpu.dma_semaphore, #tpu.memory_space<semaphore_mem>>
    %dma_start3A_216 = tpu.memref_squeeze %dma_start3A_215 : memref<1x!tpu.dma_semaphore, #tpu.memory_space<semaphore_mem>> -> memref<!tpu.dma_semaphore, #tpu.memory_space<semaphore_mem>>
    %dma_start3A_217 = arith.constant 0 : i32
    %dma_start3A_218 = tpu.memref_slice %arg4[%add3A_206, %dma_start3A_217] : memref<100000x128xf32, #tpu.memory_space<hbm>> -> memref<80x128xf32, #tpu.memory_space<hbm>>
    %dma_start3A_219 = arith.constant 0 : i32
    %dma_start3A_220 = arith.constant 0 : i32
    %dma_start3A_221 = tpu.memref_slice %arg6[%dma_start3A_207, %dma_start3A_219, %dma_start3A_220] : memref<6x80x128xf32, #tpu.memory_space<vmem>> -> memref<1x80x128xf32, #tpu.memory_space<vmem>>
    %dma_start3A_222 = tpu.memref_squeeze %dma_start3A_221 : memref<1x80x128xf32, #tpu.memory_space<vmem>> -> memref<80x128xf32, #tpu.memory_space<vmem>>
    tpu.enqueue_dma source(%dma_start3A_222 : memref<80x128xf32, #tpu.memory_space<vmem>>) target(%dma_start3A_218 : memref<80x128xf32, #tpu.memory_space<hbm>>) target_semaphore(%dma_start3A_216 : memref<!tpu.dma_semaphore, #tpu.memory_space<semaphore_mem>>)
    %dma_wait3A_223 = arith.constant 1 : i32
    %dma_wait3A_224 = arith.constant 1 : i32
    %dma_wait3A_225 = arith.constant 0 : i32
    %dma_wait3A_226 = arith.constant 0 : i32
    %dma_wait3A_227 = tpu.memref_slice %arg6[%dma_wait3A_223, %dma_wait3A_225, %dma_wait3A_226] : memref<6x80x128xf32, #tpu.memory_space<vmem>> -> memref<1x80x128xf32, #tpu.memory_space<vmem>>
    %dma_wait3A_228 = tpu.memref_squeeze %dma_wait3A_227 : memref<1x80x128xf32, #tpu.memory_space<vmem>> -> memref<80x128xf32, #tpu.memory_space<vmem>>
    %dma_wait3A_229 = arith.constant 0 : i32
    %dma_wait3A_230 = arith.constant 0 : i32
    %dma_wait3A_231 = tpu.memref_slice %arg4[%dma_wait3A_229, %dma_wait3A_230] : memref<100000x128xf32, #tpu.memory_space<hbm>> -> memref<80x128xf32, #tpu.memory_space<hbm>>
    %dma_wait3A_232 = tpu.memref_slice %arg10[%dma_wait3A_224] : memref<6x!tpu.dma_semaphore, #tpu.memory_space<semaphore_mem>> -> memref<1x!tpu.dma_semaphore, #tpu.memory_space<semaphore_mem>>
    %dma_wait3A_233 = tpu.memref_squeeze %dma_wait3A_232 : memref<1x!tpu.dma_semaphore, #tpu.memory_space<semaphore_mem>> -> memref<!tpu.dma_semaphore, #tpu.memory_space<semaphore_mem>>
    %dma_wait3A_234 = arith.constant 0 : i32
    %dma_wait3A_235 = arith.constant 0 : i32
    %dma_wait3A_236 = tpu.memref_slice %arg4[%dma_wait3A_234, %dma_wait3A_235] : memref<100000x128xf32, #tpu.memory_space<hbm>> -> memref<80x128xf32, #tpu.memory_space<hbm>>
    %dma_wait3A_237 = arith.constant 0 : i32
    %dma_wait3A_238 = arith.constant 0 : i32
    %dma_wait3A_239 = tpu.memref_slice %arg6[%dma_wait3A_223, %dma_wait3A_237, %dma_wait3A_238] : memref<6x80x128xf32, #tpu.memory_space<vmem>> -> memref<1x80x128xf32, #tpu.memory_space<vmem>>
    %dma_wait3A_240 = tpu.memref_squeeze %dma_wait3A_239 : memref<1x80x128xf32, #tpu.memory_space<vmem>> -> memref<80x128xf32, #tpu.memory_space<vmem>>
    tpu.wait_dma2 semaphore(%dma_wait3A_233 : memref<!tpu.dma_semaphore, #tpu.memory_space<semaphore_mem>>) src(%dma_wait3A_240 : memref<80x128xf32, #tpu.memory_space<vmem>>) dst(%dma_wait3A_236 : memref<80x128xf32, #tpu.memory_space<hbm>>)
    %dma_start3A_241 = arith.constant 1 : i32
    %dma_start3A_242 = arith.constant 1 : i32
    %dma_start3A_243 = arith.constant 0 : i32
    %dma_start3A_244 = arith.constant 0 : i32
    %dma_start3A_245 = tpu.memref_slice %arg6[%dma_start3A_241, %dma_start3A_243, %dma_start3A_244] : memref<6x80x128xf32, #tpu.memory_space<vmem>> -> memref<1x80x128xf32, #tpu.memory_space<vmem>>
    %dma_start3A_246 = tpu.memref_squeeze %dma_start3A_245 : memref<1x80x128xf32, #tpu.memory_space<vmem>> -> memref<80x128xf32, #tpu.memory_space<vmem>>
    %dma_start3A_247 = arith.constant 560 : i32
    %dma_start3A_248 = tpu.memref_slice %arg5[%dma_start3A_247] : memref<3200xi32, #tpu.memory_space<vmem>> -> memref<80xi32, #tpu.memory_space<vmem>>
    %dma_start3A_249 = arith.constant 0 : i32
    %dma_start3A_250 = arith.constant 0 : i32
    %dma_start3A_251 = tpu.memref_slice %arg7[%dma_start3A_249, %dma_start3A_250] : memref<1024x128xf32, #tpu.memory_space<vmem_shared>> -> memref<1024x128xf32, #tpu.memory_space<vmem_shared>>
    %dma_start3A_252 = tpu.memref_slice %arg9[%dma_start3A_242] : memref<6x!tpu.dma_semaphore, #tpu.memory_space<semaphore_mem>> -> memref<1x!tpu.dma_semaphore, #tpu.memory_space<semaphore_mem>>
    %dma_start3A_253 = tpu.memref_squeeze %dma_start3A_252 : memref<1x!tpu.dma_semaphore, #tpu.memory_space<semaphore_mem>> -> memref<!tpu.dma_semaphore, #tpu.memory_space<semaphore_mem>>
    tpu.enqueue_indirect_dma source(%dma_start3A_251 : memref<1024x128xf32, #tpu.memory_space<vmem_shared>>) target(%dma_start3A_246 : memref<80x128xf32, #tpu.memory_space<vmem>>) offsets(%dma_start3A_248 : memref<80xi32, #tpu.memory_space<vmem>>) semaphore(%dma_start3A_253 : memref<!tpu.dma_semaphore, #tpu.memory_space<semaphore_mem>>)
    %dma_wait3A_254 = arith.constant 3 : i32
    %dma_wait3A_255 = arith.constant 3 : i32
    %dma_wait3A_256 = arith.constant 0 : i32
    %dma_wait3A_257 = arith.constant 0 : i32
    %dma_wait3A_258 = tpu.memref_slice %arg6[%dma_wait3A_254, %dma_wait3A_256, %dma_wait3A_257] : memref<6x80x128xf32, #tpu.memory_space<vmem>> -> memref<1x80x128xf32, #tpu.memory_space<vmem>>
    %dma_wait3A_259 = tpu.memref_squeeze %dma_wait3A_258 : memref<1x80x128xf32, #tpu.memory_space<vmem>> -> memref<80x128xf32, #tpu.memory_space<vmem>>
    %dma_wait3A_260 = arith.constant 240 : i32
    %dma_wait3A_261 = tpu.memref_slice %arg5[%dma_wait3A_260] : memref<3200xi32, #tpu.memory_space<vmem>> -> memref<80xi32, #tpu.memory_space<vmem>>
    %dma_wait3A_262 = arith.constant 0 : i32
    %dma_wait3A_263 = arith.constant 0 : i32
    %dma_wait3A_264 = tpu.memref_slice %arg7[%dma_wait3A_262, %dma_wait3A_263] : memref<1024x128xf32, #tpu.memory_space<vmem_shared>> -> memref<1024x128xf32, #tpu.memory_space<vmem_shared>>
    %dma_wait3A_265 = tpu.memref_slice %arg9[%dma_wait3A_255] : memref<6x!tpu.dma_semaphore, #tpu.memory_space<semaphore_mem>> -> memref<1x!tpu.dma_semaphore, #tpu.memory_space<semaphore_mem>>
    %dma_wait3A_266 = tpu.memref_squeeze %dma_wait3A_265 : memref<1x!tpu.dma_semaphore, #tpu.memory_space<semaphore_mem>> -> memref<!tpu.dma_semaphore, #tpu.memory_space<semaphore_mem>>
    tpu.wait_indirect_dma semaphore(%dma_wait3A_266 : memref<!tpu.dma_semaphore, #tpu.memory_space<semaphore_mem>>) src(%dma_wait3A_264 : memref<1024x128xf32, #tpu.memory_space<vmem_shared>>) dst(%dma_wait3A_259 : memref<80x128xf32, #tpu.memory_space<vmem>>)
    %add3A_267 = arith.constant 240 : i32
    %add3A_268 = arith.addi %mul3A_2, %add3A_267 : i32
    %dma_start3A_269 = arith.constant 3 : i32
    %dma_start3A_270 = arith.constant 3 : i32
    %dma_start3A_271 = arith.constant 0 : i32
    %dma_start3A_272 = arith.constant 0 : i32
    %dma_start3A_273 = tpu.memref_slice %arg6[%dma_start3A_269, %dma_start3A_271, %dma_start3A_272] : memref<6x80x128xf32, #tpu.memory_space<vmem>> -> memref<1x80x128xf32, #tpu.memory_space<vmem>>
    %dma_start3A_274 = tpu.memref_squeeze %dma_start3A_273 : memref<1x80x128xf32, #tpu.memory_space<vmem>> -> memref<80x128xf32, #tpu.memory_space<vmem>>
    %dma_start3A_275 = arith.constant 0 : i32
    %dma_start3A_276 = tpu.memref_slice %arg4[%add3A_268, %dma_start3A_275] : memref<100000x128xf32, #tpu.memory_space<hbm>> -> memref<80x128xf32, #tpu.memory_space<hbm>>
    %dma_start3A_277 = tpu.memref_slice %arg10[%dma_start3A_270] : memref<6x!tpu.dma_semaphore, #tpu.memory_space<semaphore_mem>> -> memref<1x!tpu.dma_semaphore, #tpu.memory_space<semaphore_mem>>
    %dma_start3A_278 = tpu.memref_squeeze %dma_start3A_277 : memref<1x!tpu.dma_semaphore, #tpu.memory_space<semaphore_mem>> -> memref<!tpu.dma_semaphore, #tpu.memory_space<semaphore_mem>>
    %dma_start3A_279 = arith.constant 0 : i32
    %dma_start3A_280 = tpu.memref_slice %arg4[%add3A_268, %dma_start3A_279] : memref<100000x128xf32, #tpu.memory_space<hbm>> -> memref<80x128xf32, #tpu.memory_space<hbm>>
    %dma_start3A_281 = arith.constant 0 : i32
    %dma_start3A_282 = arith.constant 0 : i32
    %dma_start3A_283 = tpu.memref_slice %arg6[%dma_start3A_269, %dma_start3A_281, %dma_start3A_282] : memref<6x80x128xf32, #tpu.memory_space<vmem>> -> memref<1x80x128xf32, #tpu.memory_space<vmem>>
    %dma_start3A_284 = tpu.memref_squeeze %dma_start3A_283 : memref<1x80x128xf32, #tpu.memory_space<vmem>> -> memref<80x128xf32, #tpu.memory_space<vmem>>
    tpu.enqueue_dma source(%dma_start3A_284 : memref<80x128xf32, #tpu.memory_space<vmem>>) target(%dma_start3A_280 : memref<80x128xf32, #tpu.memory_space<hbm>>) target_semaphore(%dma_start3A_278 : memref<!tpu.dma_semaphore, #tpu.memory_space<semaphore_mem>>)
    %dma_wait3A_285 = arith.constant 2 : i32
    %dma_wait3A_286 = arith.constant 2 : i32
    %dma_wait3A_287 = arith.constant 0 : i32
    %dma_wait3A_288 = arith.constant 0 : i32
    %dma_wait3A_289 = tpu.memref_slice %arg6[%dma_wait3A_285, %dma_wait3A_287, %dma_wait3A_288] : memref<6x80x128xf32, #tpu.memory_space<vmem>> -> memref<1x80x128xf32, #tpu.memory_space<vmem>>
    %dma_wait3A_290 = tpu.memref_squeeze %dma_wait3A_289 : memref<1x80x128xf32, #tpu.memory_space<vmem>> -> memref<80x128xf32, #tpu.memory_space<vmem>>
    %dma_wait3A_291 = arith.constant 0 : i32
    %dma_wait3A_292 = arith.constant 0 : i32
    %dma_wait3A_293 = tpu.memref_slice %arg4[%dma_wait3A_291, %dma_wait3A_292] : memref<100000x128xf32, #tpu.memory_space<hbm>> -> memref<80x128xf32, #tpu.memory_space<hbm>>
    %dma_wait3A_294 = tpu.memref_slice %arg10[%dma_wait3A_286] : memref<6x!tpu.dma_semaphore, #tpu.memory_space<semaphore_mem>> -> memref<1x!tpu.dma_semaphore, #tpu.memory_space<semaphore_mem>>
    %dma_wait3A_295 = tpu.memref_squeeze %dma_wait3A_294 : memref<1x!tpu.dma_semaphore, #tpu.memory_space<semaphore_mem>> -> memref<!tpu.dma_semaphore, #tpu.memory_space<semaphore_mem>>
    %dma_wait3A_296 = arith.constant 0 : i32
    %dma_wait3A_297 = arith.constant 0 : i32
    %dma_wait3A_298 = tpu.memref_slice %arg4[%dma_wait3A_296, %dma_wait3A_297] : memref<100000x128xf32, #tpu.memory_space<hbm>> -> memref<80x128xf32, #tpu.memory_space<hbm>>
    %dma_wait3A_299 = arith.constant 0 : i32
    %dma_wait3A_300 = arith.constant 0 : i32
    %dma_wait3A_301 = tpu.memref_slice %arg6[%dma_wait3A_285, %dma_wait3A_299, %dma_wait3A_300] : memref<6x80x128xf32, #tpu.memory_space<vmem>> -> memref<1x80x128xf32, #tpu.memory_space<vmem>>
    %dma_wait3A_302 = tpu.memref_squeeze %dma_wait3A_301 : memref<1x80x128xf32, #tpu.memory_space<vmem>> -> memref<80x128xf32, #tpu.memory_space<vmem>>
    tpu.wait_dma2 semaphore(%dma_wait3A_295 : memref<!tpu.dma_semaphore, #tpu.memory_space<semaphore_mem>>) src(%dma_wait3A_302 : memref<80x128xf32, #tpu.memory_space<vmem>>) dst(%dma_wait3A_298 : memref<80x128xf32, #tpu.memory_space<hbm>>)
    %dma_start3A_303 = arith.constant 2 : i32
    %dma_start3A_304 = arith.constant 2 : i32
    %dma_start3A_305 = arith.constant 0 : i32
    %dma_start3A_306 = arith.constant 0 : i32
    %dma_start3A_307 = tpu.memref_slice %arg6[%dma_start3A_303, %dma_start3A_305, %dma_start3A_306] : memref<6x80x128xf32, #tpu.memory_space<vmem>> -> memref<1x80x128xf32, #tpu.memory_space<vmem>>
    %dma_start3A_308 = tpu.memref_squeeze %dma_start3A_307 : memref<1x80x128xf32, #tpu.memory_space<vmem>> -> memref<80x128xf32, #tpu.memory_space<vmem>>
    %dma_start3A_309 = arith.constant 640 : i32
    %dma_start3A_310 = tpu.memref_slice %arg5[%dma_start3A_309] : memref<3200xi32, #tpu.memory_space<vmem>> -> memref<80xi32, #tpu.memory_space<vmem>>
    %dma_start3A_311 = arith.constant 0 : i32
    %dma_start3A_312 = arith.constant 0 : i32
    %dma_start3A_313 = tpu.memref_slice %arg7[%dma_start3A_311, %dma_start3A_312] : memref<1024x128xf32, #tpu.memory_space<vmem_shared>> -> memref<1024x128xf32, #tpu.memory_space<vmem_shared>>
    %dma_start3A_314 = tpu.memref_slice %arg9[%dma_start3A_304] : memref<6x!tpu.dma_semaphore, #tpu.memory_space<semaphore_mem>> -> memref<1x!tpu.dma_semaphore, #tpu.memory_space<semaphore_mem>>
    %dma_start3A_315 = tpu.memref_squeeze %dma_start3A_314 : memref<1x!tpu.dma_semaphore, #tpu.memory_space<semaphore_mem>> -> memref<!tpu.dma_semaphore, #tpu.memory_space<semaphore_mem>>
    tpu.enqueue_indirect_dma source(%dma_start3A_313 : memref<1024x128xf32, #tpu.memory_space<vmem_shared>>) target(%dma_start3A_308 : memref<80x128xf32, #tpu.memory_space<vmem>>) offsets(%dma_start3A_310 : memref<80xi32, #tpu.memory_space<vmem>>) semaphore(%dma_start3A_315 : memref<!tpu.dma_semaphore, #tpu.memory_space<semaphore_mem>>)
    %dma_wait3A_316 = arith.constant 4 : i32
    %dma_wait3A_317 = arith.constant 4 : i32
    %dma_wait3A_318 = arith.constant 0 : i32
    %dma_wait3A_319 = arith.constant 0 : i32
    %dma_wait3A_320 = tpu.memref_slice %arg6[%dma_wait3A_316, %dma_wait3A_318, %dma_wait3A_319] : memref<6x80x128xf32, #tpu.memory_space<vmem>> -> memref<1x80x128xf32, #tpu.memory_space<vmem>>
    %dma_wait3A_321 = tpu.memref_squeeze %dma_wait3A_320 : memref<1x80x128xf32, #tpu.memory_space<vmem>> -> memref<80x128xf32, #tpu.memory_space<vmem>>
    %dma_wait3A_322 = arith.constant 320 : i32
    %dma_wait3A_323 = tpu.memref_slice %arg5[%dma_wait3A_322] : memref<3200xi32, #tpu.memory_space<vmem>> -> memref<80xi32, #tpu.memory_space<vmem>>
    %dma_wait3A_324 = arith.constant 0 : i32
    %dma_wait3A_325 = arith.constant 0 : i32
    %dma_wait3A_326 = tpu.memref_slice %arg7[%dma_wait3A_324, %dma_wait3A_325] : memref<1024x128xf32, #tpu.memory_space<vmem_shared>> -> memref<1024x128xf32, #tpu.memory_space<vmem_shared>>
    %dma_wait3A_327 = tpu.memref_slice %arg9[%dma_wait3A_317] : memref<6x!tpu.dma_semaphore, #tpu.memory_space<semaphore_mem>> -> memref<1x!tpu.dma_semaphore, #tpu.memory_space<semaphore_mem>>
    %dma_wait3A_328 = tpu.memref_squeeze %dma_wait3A_327 : memref<1x!tpu.dma_semaphore, #tpu.memory_space<semaphore_mem>> -> memref<!tpu.dma_semaphore, #tpu.memory_space<semaphore_mem>>
    tpu.wait_indirect_dma semaphore(%dma_wait3A_328 : memref<!tpu.dma_semaphore, #tpu.memory_space<semaphore_mem>>) src(%dma_wait3A_326 : memref<1024x128xf32, #tpu.memory_space<vmem_shared>>) dst(%dma_wait3A_321 : memref<80x128xf32, #tpu.memory_space<vmem>>)
    %add3A_329 = arith.constant 320 : i32
    %add3A_330 = arith.addi %mul3A_2, %add3A_329 : i32
    %dma_start3A_331 = arith.constant 4 : i32
    %dma_start3A_332 = arith.constant 4 : i32
    %dma_start3A_333 = arith.constant 0 : i32
    %dma_start3A_334 = arith.constant 0 : i32
    %dma_start3A_335 = tpu.memref_slice %arg6[%dma_start3A_331, %dma_start3A_333, %dma_start3A_334] : memref<6x80x128xf32, #tpu.memory_space<vmem>> -> memref<1x80x128xf32, #tpu.memory_space<vmem>>
    %dma_start3A_336 = tpu.memref_squeeze %dma_start3A_335 : memref<1x80x128xf32, #tpu.memory_space<vmem>> -> memref<80x128xf32, #tpu.memory_space<vmem>>
    %dma_start3A_337 = arith.constant 0 : i32
    %dma_start3A_338 = tpu.memref_slice %arg4[%add3A_330, %dma_start3A_337] : memref<100000x128xf32, #tpu.memory_space<hbm>> -> memref<80x128xf32, #tpu.memory_space<hbm>>
    %dma_start3A_339 = tpu.memref_slice %arg10[%dma_start3A_332] : memref<6x!tpu.dma_semaphore, #tpu.memory_space<semaphore_mem>> -> memref<1x!tpu.dma_semaphore, #tpu.memory_space<semaphore_mem>>
    %dma_start3A_340 = tpu.memref_squeeze %dma_start3A_339 : memref<1x!tpu.dma_semaphore, #tpu.memory_space<semaphore_mem>> -> memref<!tpu.dma_semaphore, #tpu.memory_space<semaphore_mem>>
    %dma_start3A_341 = arith.constant 0 : i32
    %dma_start3A_342 = tpu.memref_slice %arg4[%add3A_330, %dma_start3A_341] : memref<100000x128xf32, #tpu.memory_space<hbm>> -> memref<80x128xf32, #tpu.memory_space<hbm>>
    %dma_start3A_343 = arith.constant 0 : i32
    %dma_start3A_344 = arith.constant 0 : i32
    %dma_start3A_345 = tpu.memref_slice %arg6[%dma_start3A_331, %dma_start3A_343, %dma_start3A_344] : memref<6x80x128xf32, #tpu.memory_space<vmem>> -> memref<1x80x128xf32, #tpu.memory_space<vmem>>
    %dma_start3A_346 = tpu.memref_squeeze %dma_start3A_345 : memref<1x80x128xf32, #tpu.memory_space<vmem>> -> memref<80x128xf32, #tpu.memory_space<vmem>>
    tpu.enqueue_dma source(%dma_start3A_346 : memref<80x128xf32, #tpu.memory_space<vmem>>) target(%dma_start3A_342 : memref<80x128xf32, #tpu.memory_space<hbm>>) target_semaphore(%dma_start3A_340 : memref<!tpu.dma_semaphore, #tpu.memory_space<semaphore_mem>>)
    %dma_wait3A_347 = arith.constant 3 : i32
    %dma_wait3A_348 = arith.constant 3 : i32
    %dma_wait3A_349 = arith.constant 0 : i32
    %dma_wait3A_350 = arith.constant 0 : i32
    %dma_wait3A_351 = tpu.memref_slice %arg6[%dma_wait3A_347, %dma_wait3A_349, %dma_wait3A_350] : memref<6x80x128xf32, #tpu.memory_space<vmem>> -> memref<1x80x128xf32, #tpu.memory_space<vmem>>
    %dma_wait3A_352 = tpu.memref_squeeze %dma_wait3A_351 : memref<1x80x128xf32, #tpu.memory_space<vmem>> -> memref<80x128xf32, #tpu.memory_space<vmem>>
    %dma_wait3A_353 = arith.constant 0 : i32
    %dma_wait3A_354 = arith.constant 0 : i32
    %dma_wait3A_355 = tpu.memref_slice %arg4[%dma_wait3A_353, %dma_wait3A_354] : memref<100000x128xf32, #tpu.memory_space<hbm>> -> memref<80x128xf32, #tpu.memory_space<hbm>>
    %dma_wait3A_356 = tpu.memref_slice %arg10[%dma_wait3A_348] : memref<6x!tpu.dma_semaphore, #tpu.memory_space<semaphore_mem>> -> memref<1x!tpu.dma_semaphore, #tpu.memory_space<semaphore_mem>>
    %dma_wait3A_357 = tpu.memref_squeeze %dma_wait3A_356 : memref<1x!tpu.dma_semaphore, #tpu.memory_space<semaphore_mem>> -> memref<!tpu.dma_semaphore, #tpu.memory_space<semaphore_mem>>
    %dma_wait3A_358 = arith.constant 0 : i32
    %dma_wait3A_359 = arith.constant 0 : i32
    %dma_wait3A_360 = tpu.memref_slice %arg4[%dma_wait3A_358, %dma_wait3A_359] : memref<100000x128xf32, #tpu.memory_space<hbm>> -> memref<80x128xf32, #tpu.memory_space<hbm>>
    %dma_wait3A_361 = arith.constant 0 : i32
    %dma_wait3A_362 = arith.constant 0 : i32
    %dma_wait3A_363 = tpu.memref_slice %arg6[%dma_wait3A_347, %dma_wait3A_361, %dma_wait3A_362] : memref<6x80x128xf32, #tpu.memory_space<vmem>> -> memref<1x80x128xf32, #tpu.memory_space<vmem>>
    %dma_wait3A_364 = tpu.memref_squeeze %dma_wait3A_363 : memref<1x80x128xf32, #tpu.memory_space<vmem>> -> memref<80x128xf32, #tpu.memory_space<vmem>>
    tpu.wait_dma2 semaphore(%dma_wait3A_357 : memref<!tpu.dma_semaphore, #tpu.memory_space<semaphore_mem>>) src(%dma_wait3A_364 : memref<80x128xf32, #tpu.memory_space<vmem>>) dst(%dma_wait3A_360 : memref<80x128xf32, #tpu.memory_space<hbm>>)
    %dma_start3A_365 = arith.constant 3 : i32
    %dma_start3A_366 = arith.constant 3 : i32
    %dma_start3A_367 = arith.constant 0 : i32
    %dma_start3A_368 = arith.constant 0 : i32
    %dma_start3A_369 = tpu.memref_slice %arg6[%dma_start3A_365, %dma_start3A_367, %dma_start3A_368] : memref<6x80x128xf32, #tpu.memory_space<vmem>> -> memref<1x80x128xf32, #tpu.memory_space<vmem>>
    %dma_start3A_370 = tpu.memref_squeeze %dma_start3A_369 : memref<1x80x128xf32, #tpu.memory_space<vmem>> -> memref<80x128xf32, #tpu.memory_space<vmem>>
    %dma_start3A_371 = arith.constant 720 : i32
    %dma_start3A_372 = tpu.memref_slice %arg5[%dma_start3A_371] : memref<3200xi32, #tpu.memory_space<vmem>> -> memref<80xi32, #tpu.memory_space<vmem>>
    %dma_start3A_373 = arith.constant 0 : i32
    %dma_start3A_374 = arith.constant 0 : i32
    %dma_start3A_375 = tpu.memref_slice %arg7[%dma_start3A_373, %dma_start3A_374] : memref<1024x128xf32, #tpu.memory_space<vmem_shared>> -> memref<1024x128xf32, #tpu.memory_space<vmem_shared>>
    %dma_start3A_376 = tpu.memref_slice %arg9[%dma_start3A_366] : memref<6x!tpu.dma_semaphore, #tpu.memory_space<semaphore_mem>> -> memref<1x!tpu.dma_semaphore, #tpu.memory_space<semaphore_mem>>
    %dma_start3A_377 = tpu.memref_squeeze %dma_start3A_376 : memref<1x!tpu.dma_semaphore, #tpu.memory_space<semaphore_mem>> -> memref<!tpu.dma_semaphore, #tpu.memory_space<semaphore_mem>>
    tpu.enqueue_indirect_dma source(%dma_start3A_375 : memref<1024x128xf32, #tpu.memory_space<vmem_shared>>) target(%dma_start3A_370 : memref<80x128xf32, #tpu.memory_space<vmem>>) offsets(%dma_start3A_372 : memref<80xi32, #tpu.memory_space<vmem>>) semaphore(%dma_start3A_377 : memref<!tpu.dma_semaphore, #tpu.memory_space<semaphore_mem>>)
    %dma_wait3A_378 = arith.constant 5 : i32
    %dma_wait3A_379 = arith.constant 5 : i32
    %dma_wait3A_380 = arith.constant 0 : i32
    %dma_wait3A_381 = arith.constant 0 : i32
    %dma_wait3A_382 = tpu.memref_slice %arg6[%dma_wait3A_378, %dma_wait3A_380, %dma_wait3A_381] : memref<6x80x128xf32, #tpu.memory_space<vmem>> -> memref<1x80x128xf32, #tpu.memory_space<vmem>>
    %dma_wait3A_383 = tpu.memref_squeeze %dma_wait3A_382 : memref<1x80x128xf32, #tpu.memory_space<vmem>> -> memref<80x128xf32, #tpu.memory_space<vmem>>
    %dma_wait3A_384 = arith.constant 400 : i32
    %dma_wait3A_385 = tpu.memref_slice %arg5[%dma_wait3A_384] : memref<3200xi32, #tpu.memory_space<vmem>> -> memref<80xi32, #tpu.memory_space<vmem>>
    %dma_wait3A_386 = arith.constant 0 : i32
    %dma_wait3A_387 = arith.constant 0 : i32
    %dma_wait3A_388 = tpu.memref_slice %arg7[%dma_wait3A_386, %dma_wait3A_387] : memref<1024x128xf32, #tpu.memory_space<vmem_shared>> -> memref<1024x128xf32, #tpu.memory_space<vmem_shared>>
    %dma_wait3A_389 = tpu.memref_slice %arg9[%dma_wait3A_379] : memref<6x!tpu.dma_semaphore, #tpu.memory_space<semaphore_mem>> -> memref<1x!tpu.dma_semaphore, #tpu.memory_space<semaphore_mem>>
    %dma_wait3A_390 = tpu.memref_squeeze %dma_wait3A_389 : memref<1x!tpu.dma_semaphore, #tpu.memory_space<semaphore_mem>> -> memref<!tpu.dma_semaphore, #tpu.memory_space<semaphore_mem>>
    tpu.wait_indirect_dma semaphore(%dma_wait3A_390 : memref<!tpu.dma_semaphore, #tpu.memory_space<semaphore_mem>>) src(%dma_wait3A_388 : memref<1024x128xf32, #tpu.memory_space<vmem_shared>>) dst(%dma_wait3A_383 : memref<80x128xf32, #tpu.memory_space<vmem>>)
    %add3A_391 = arith.constant 400 : i32
    %add3A_392 = arith.addi %mul3A_2, %add3A_391 : i32
    %dma_start3A_393 = arith.constant 5 : i32
    %dma_start3A_394 = arith.constant 5 : i32
    %dma_start3A_395 = arith.constant 0 : i32
    %dma_start3A_396 = arith.constant 0 : i32
    %dma_start3A_397 = tpu.memref_slice %arg6[%dma_start3A_393, %dma_start3A_395, %dma_start3A_396] : memref<6x80x128xf32, #tpu.memory_space<vmem>> -> memref<1x80x128xf32, #tpu.memory_space<vmem>>
    %dma_start3A_398 = tpu.memref_squeeze %dma_start3A_397 : memref<1x80x128xf32, #tpu.memory_space<vmem>> -> memref<80x128xf32, #tpu.memory_space<vmem>>
    %dma_start3A_399 = arith.constant 0 : i32
    %dma_start3A_400 = tpu.memref_slice %arg4[%add3A_392, %dma_start3A_399] : memref<100000x128xf32, #tpu.memory_space<hbm>> -> memref<80x128xf32, #tpu.memory_space<hbm>>
    %dma_start3A_401 = tpu.memref_slice %arg10[%dma_start3A_394] : memref<6x!tpu.dma_semaphore, #tpu.memory_space<semaphore_mem>> -> memref<1x!tpu.dma_semaphore, #tpu.memory_space<semaphore_mem>>
    %dma_start3A_402 = tpu.memref_squeeze %dma_start3A_401 : memref<1x!tpu.dma_semaphore, #tpu.memory_space<semaphore_mem>> -> memref<!tpu.dma_semaphore, #tpu.memory_space<semaphore_mem>>
    %dma_start3A_403 = arith.constant 0 : i32
    %dma_start3A_404 = tpu.memref_slice %arg4[%add3A_392, %dma_start3A_403] : memref<100000x128xf32, #tpu.memory_space<hbm>> -> memref<80x128xf32, #tpu.memory_space<hbm>>
    %dma_start3A_405 = arith.constant 0 : i32
    %dma_start3A_406 = arith.constant 0 : i32
    %dma_start3A_407 = tpu.memref_slice %arg6[%dma_start3A_393, %dma_start3A_405, %dma_start3A_406] : memref<6x80x128xf32, #tpu.memory_space<vmem>> -> memref<1x80x128xf32, #tpu.memory_space<vmem>>
    %dma_start3A_408 = tpu.memref_squeeze %dma_start3A_407 : memref<1x80x128xf32, #tpu.memory_space<vmem>> -> memref<80x128xf32, #tpu.memory_space<vmem>>
    tpu.enqueue_dma source(%dma_start3A_408 : memref<80x128xf32, #tpu.memory_space<vmem>>) target(%dma_start3A_404 : memref<80x128xf32, #tpu.memory_space<hbm>>) target_semaphore(%dma_start3A_402 : memref<!tpu.dma_semaphore, #tpu.memory_space<semaphore_mem>>)
    %lt3A_409 = arith.constant 31 : i32
    %lt3A_410 = arith.cmpi slt, %add3A, %lt3A_409 : i32
    %convert_element_type3A_411 = arith.extui %lt3A_410 : i1 to i32
    %cond3A_412 = arith.constant 0 : i32
    %cond3A_413 = arith.cmpi ne, %convert_element_type3A_411, %cond3A_412 : i32
    scf.if %cond3A_413 {
      %dma_wait3A_941 = arith.constant 4 : i32
      %dma_wait3A_942 = arith.constant 4 : i32
      %dma_wait3A_943 = arith.constant 0 : i32
      %dma_wait3A_944 = arith.constant 0 : i32
      %dma_wait3A_945 = tpu.memref_slice %arg6[%dma_wait3A_941, %dma_wait3A_943, %dma_wait3A_944] : memref<6x80x128xf32, #tpu.memory_space<vmem>> -> memref<1x80x128xf32, #tpu.memory_space<vmem>>
      %dma_wait3A_946 = tpu.memref_squeeze %dma_wait3A_945 : memref<1x80x128xf32, #tpu.memory_space<vmem>> -> memref<80x128xf32, #tpu.memory_space<vmem>>
      %dma_wait3A_947 = arith.constant 0 : i32
      %dma_wait3A_948 = arith.constant 0 : i32
      %dma_wait3A_949 = tpu.memref_slice %arg4[%dma_wait3A_947, %dma_wait3A_948] : memref<100000x128xf32, #tpu.memory_space<hbm>> -> memref<80x128xf32, #tpu.memory_space<hbm>>
      %dma_wait3A_950 = tpu.memref_slice %arg10[%dma_wait3A_942] : memref<6x!tpu.dma_semaphore, #tpu.memory_space<semaphore_mem>> -> memref<1x!tpu.dma_semaphore, #tpu.memory_space<semaphore_mem>>
      %dma_wait3A_951 = tpu.memref_squeeze %dma_wait3A_950 : memref<1x!tpu.dma_semaphore, #tpu.memory_space<semaphore_mem>> -> memref<!tpu.dma_semaphore, #tpu.memory_space<semaphore_mem>>
      %dma_wait3A_952 = arith.constant 0 : i32
      %dma_wait3A_953 = arith.constant 0 : i32
      %dma_wait3A_954 = tpu.memref_slice %arg4[%dma_wait3A_952, %dma_wait3A_953] : memref<100000x128xf32, #tpu.memory_space<hbm>> -> memref<80x128xf32, #tpu.memory_space<hbm>>
      %dma_wait3A_955 = arith.constant 0 : i32
      %dma_wait3A_956 = arith.constant 0 : i32
      %dma_wait3A_957 = tpu.memref_slice %arg6[%dma_wait3A_941, %dma_wait3A_955, %dma_wait3A_956] : memref<6x80x128xf32, #tpu.memory_space<vmem>> -> memref<1x80x128xf32, #tpu.memory_space<vmem>>
      %dma_wait3A_958 = tpu.memref_squeeze %dma_wait3A_957 : memref<1x80x128xf32, #tpu.memory_space<vmem>> -> memref<80x128xf32, #tpu.memory_space<vmem>>
      tpu.wait_dma2 semaphore(%dma_wait3A_951 : memref<!tpu.dma_semaphore, #tpu.memory_space<semaphore_mem>>) src(%dma_wait3A_958 : memref<80x128xf32, #tpu.memory_space<vmem>>) dst(%dma_wait3A_954 : memref<80x128xf32, #tpu.memory_space<hbm>>)
      %dma_start3A_959 = arith.constant 4 : i32
      %dma_start3A_960 = arith.constant 4 : i32
      %dma_start3A_961 = arith.constant 0 : i32
      %dma_start3A_962 = arith.constant 0 : i32
      %dma_start3A_963 = tpu.memref_slice %arg6[%dma_start3A_959, %dma_start3A_961, %dma_start3A_962] : memref<6x80x128xf32, #tpu.memory_space<vmem>> -> memref<1x80x128xf32, #tpu.memory_space<vmem>>
      %dma_start3A_964 = tpu.memref_squeeze %dma_start3A_963 : memref<1x80x128xf32, #tpu.memory_space<vmem>> -> memref<80x128xf32, #tpu.memory_space<vmem>>
      %dma_start3A_965 = arith.constant 800 : i32
      %dma_start3A_966 = tpu.memref_slice %arg5[%dma_start3A_965] : memref<3200xi32, #tpu.memory_space<vmem>> -> memref<80xi32, #tpu.memory_space<vmem>>
      %dma_start3A_967 = arith.constant 0 : i32
      %dma_start3A_968 = arith.constant 0 : i32
      %dma_start3A_969 = tpu.memref_slice %arg7[%dma_start3A_967, %dma_start3A_968] : memref<1024x128xf32, #tpu.memory_space<vmem_shared>> -> memref<1024x128xf32, #tpu.memory_space<vmem_shared>>
      %dma_start3A_970 = tpu.memref_slice %arg9[%dma_start3A_960] : memref<6x!tpu.dma_semaphore, #tpu.memory_space<semaphore_mem>> -> memref<1x!tpu.dma_semaphore, #tpu.memory_space<semaphore_mem>>
      %dma_start3A_971 = tpu.memref_squeeze %dma_start3A_970 : memref<1x!tpu.dma_semaphore, #tpu.memory_space<semaphore_mem>> -> memref<!tpu.dma_semaphore, #tpu.memory_space<semaphore_mem>>
      tpu.enqueue_indirect_dma source(%dma_start3A_969 : memref<1024x128xf32, #tpu.memory_space<vmem_shared>>) target(%dma_start3A_964 : memref<80x128xf32, #tpu.memory_space<vmem>>) offsets(%dma_start3A_966 : memref<80xi32, #tpu.memory_space<vmem>>) semaphore(%dma_start3A_971 : memref<!tpu.dma_semaphore, #tpu.memory_space<semaphore_mem>>)
    } else {
    }
    %dma_wait3A_414 = arith.constant 0 : i32
    %dma_wait3A_415 = arith.constant 0 : i32
    %dma_wait3A_416 = arith.constant 0 : i32
    %dma_wait3A_417 = arith.constant 0 : i32
    %dma_wait3A_418 = tpu.memref_slice %arg6[%dma_wait3A_414, %dma_wait3A_416, %dma_wait3A_417] : memref<6x80x128xf32, #tpu.memory_space<vmem>> -> memref<1x80x128xf32, #tpu.memory_space<vmem>>
    %dma_wait3A_419 = tpu.memref_squeeze %dma_wait3A_418 : memref<1x80x128xf32, #tpu.memory_space<vmem>> -> memref<80x128xf32, #tpu.memory_space<vmem>>
    %dma_wait3A_420 = arith.constant 480 : i32
    %dma_wait3A_421 = tpu.memref_slice %arg5[%dma_wait3A_420] : memref<3200xi32, #tpu.memory_space<vmem>> -> memref<80xi32, #tpu.memory_space<vmem>>
    %dma_wait3A_422 = arith.constant 0 : i32
    %dma_wait3A_423 = arith.constant 0 : i32
    %dma_wait3A_424 = tpu.memref_slice %arg7[%dma_wait3A_422, %dma_wait3A_423] : memref<1024x128xf32, #tpu.memory_space<vmem_shared>> -> memref<1024x128xf32, #tpu.memory_space<vmem_shared>>
    %dma_wait3A_425 = tpu.memref_slice %arg9[%dma_wait3A_415] : memref<6x!tpu.dma_semaphore, #tpu.memory_space<semaphore_mem>> -> memref<1x!tpu.dma_semaphore, #tpu.memory_space<semaphore_mem>>
    %dma_wait3A_426 = tpu.memref_squeeze %dma_wait3A_425 : memref<1x!tpu.dma_semaphore, #tpu.memory_space<semaphore_mem>> -> memref<!tpu.dma_semaphore, #tpu.memory_space<semaphore_mem>>
    tpu.wait_indirect_dma semaphore(%dma_wait3A_426 : memref<!tpu.dma_semaphore, #tpu.memory_space<semaphore_mem>>) src(%dma_wait3A_424 : memref<1024x128xf32, #tpu.memory_space<vmem_shared>>) dst(%dma_wait3A_419 : memref<80x128xf32, #tpu.memory_space<vmem>>)
    %add3A_427 = arith.constant 480 : i32
    %add3A_428 = arith.addi %mul3A_2, %add3A_427 : i32
    %dma_start3A_429 = arith.constant 0 : i32
    %dma_start3A_430 = arith.constant 0 : i32
    %dma_start3A_431 = arith.constant 0 : i32
    %dma_start3A_432 = arith.constant 0 : i32
    %dma_start3A_433 = tpu.memref_slice %arg6[%dma_start3A_429, %dma_start3A_431, %dma_start3A_432] : memref<6x80x128xf32, #tpu.memory_space<vmem>> -> memref<1x80x128xf32, #tpu.memory_space<vmem>>
    %dma_start3A_434 = tpu.memref_squeeze %dma_start3A_433 : memref<1x80x128xf32, #tpu.memory_space<vmem>> -> memref<80x128xf32, #tpu.memory_space<vmem>>
    %dma_start3A_435 = arith.constant 0 : i32
    %dma_start3A_436 = tpu.memref_slice %arg4[%add3A_428, %dma_start3A_435] : memref<100000x128xf32, #tpu.memory_space<hbm>> -> memref<80x128xf32, #tpu.memory_space<hbm>>
    %dma_start3A_437 = tpu.memref_slice %arg10[%dma_start3A_430] : memref<6x!tpu.dma_semaphore, #tpu.memory_space<semaphore_mem>> -> memref<1x!tpu.dma_semaphore, #tpu.memory_space<semaphore_mem>>
    %dma_start3A_438 = tpu.memref_squeeze %dma_start3A_437 : memref<1x!tpu.dma_semaphore, #tpu.memory_space<semaphore_mem>> -> memref<!tpu.dma_semaphore, #tpu.memory_space<semaphore_mem>>
    %dma_start3A_439 = arith.constant 0 : i32
    %dma_start3A_440 = tpu.memref_slice %arg4[%add3A_428, %dma_start3A_439] : memref<100000x128xf32, #tpu.memory_space<hbm>> -> memref<80x128xf32, #tpu.memory_space<hbm>>
    %dma_start3A_441 = arith.constant 0 : i32
    %dma_start3A_442 = arith.constant 0 : i32
    %dma_start3A_443 = tpu.memref_slice %arg6[%dma_start3A_429, %dma_start3A_441, %dma_start3A_442] : memref<6x80x128xf32, #tpu.memory_space<vmem>> -> memref<1x80x128xf32, #tpu.memory_space<vmem>>
    %dma_start3A_444 = tpu.memref_squeeze %dma_start3A_443 : memref<1x80x128xf32, #tpu.memory_space<vmem>> -> memref<80x128xf32, #tpu.memory_space<vmem>>
    tpu.enqueue_dma source(%dma_start3A_444 : memref<80x128xf32, #tpu.memory_space<vmem>>) target(%dma_start3A_440 : memref<80x128xf32, #tpu.memory_space<hbm>>) target_semaphore(%dma_start3A_438 : memref<!tpu.dma_semaphore, #tpu.memory_space<semaphore_mem>>)
    %lt3A_445 = arith.constant 31 : i32
    %lt3A_446 = arith.cmpi slt, %add3A, %lt3A_445 : i32
    %convert_element_type3A_447 = arith.extui %lt3A_446 : i1 to i32
    %cond3A_448 = arith.constant 0 : i32
    %cond3A_449 = arith.cmpi ne, %convert_element_type3A_447, %cond3A_448 : i32
    scf.if %cond3A_449 {
      %dma_wait3A_941 = arith.constant 5 : i32
      %dma_wait3A_942 = arith.constant 5 : i32
      %dma_wait3A_943 = arith.constant 0 : i32
      %dma_wait3A_944 = arith.constant 0 : i32
      %dma_wait3A_945 = tpu.memref_slice %arg6[%dma_wait3A_941, %dma_wait3A_943, %dma_wait3A_944] : memref<6x80x128xf32, #tpu.memory_space<vmem>> -> memref<1x80x128xf32, #tpu.memory_space<vmem>>
      %dma_wait3A_946 = tpu.memref_squeeze %dma_wait3A_945 : memref<1x80x128xf32, #tpu.memory_space<vmem>> -> memref<80x128xf32, #tpu.memory_space<vmem>>
      %dma_wait3A_947 = arith.constant 0 : i32
      %dma_wait3A_948 = arith.constant 0 : i32
      %dma_wait3A_949 = tpu.memref_slice %arg4[%dma_wait3A_947, %dma_wait3A_948] : memref<100000x128xf32, #tpu.memory_space<hbm>> -> memref<80x128xf32, #tpu.memory_space<hbm>>
      %dma_wait3A_950 = tpu.memref_slice %arg10[%dma_wait3A_942] : memref<6x!tpu.dma_semaphore, #tpu.memory_space<semaphore_mem>> -> memref<1x!tpu.dma_semaphore, #tpu.memory_space<semaphore_mem>>
      %dma_wait3A_951 = tpu.memref_squeeze %dma_wait3A_950 : memref<1x!tpu.dma_semaphore, #tpu.memory_space<semaphore_mem>> -> memref<!tpu.dma_semaphore, #tpu.memory_space<semaphore_mem>>
      %dma_wait3A_952 = arith.constant 0 : i32
      %dma_wait3A_953 = arith.constant 0 : i32
      %dma_wait3A_954 = tpu.memref_slice %arg4[%dma_wait3A_952, %dma_wait3A_953] : memref<100000x128xf32, #tpu.memory_space<hbm>> -> memref<80x128xf32, #tpu.memory_space<hbm>>
      %dma_wait3A_955 = arith.constant 0 : i32
      %dma_wait3A_956 = arith.constant 0 : i32
      %dma_wait3A_957 = tpu.memref_slice %arg6[%dma_wait3A_941, %dma_wait3A_955, %dma_wait3A_956] : memref<6x80x128xf32, #tpu.memory_space<vmem>> -> memref<1x80x128xf32, #tpu.memory_space<vmem>>
      %dma_wait3A_958 = tpu.memref_squeeze %dma_wait3A_957 : memref<1x80x128xf32, #tpu.memory_space<vmem>> -> memref<80x128xf32, #tpu.memory_space<vmem>>
      tpu.wait_dma2 semaphore(%dma_wait3A_951 : memref<!tpu.dma_semaphore, #tpu.memory_space<semaphore_mem>>) src(%dma_wait3A_958 : memref<80x128xf32, #tpu.memory_space<vmem>>) dst(%dma_wait3A_954 : memref<80x128xf32, #tpu.memory_space<hbm>>)
      %dma_start3A_959 = arith.constant 5 : i32
      %dma_start3A_960 = arith.constant 5 : i32
      %dma_start3A_961 = arith.constant 0 : i32
      %dma_start3A_962 = arith.constant 0 : i32
      %dma_start3A_963 = tpu.memref_slice %arg6[%dma_start3A_959, %dma_start3A_961, %dma_start3A_962] : memref<6x80x128xf32, #tpu.memory_space<vmem>> -> memref<1x80x128xf32, #tpu.memory_space<vmem>>
      %dma_start3A_964 = tpu.memref_squeeze %dma_start3A_963 : memref<1x80x128xf32, #tpu.memory_space<vmem>> -> memref<80x128xf32, #tpu.memory_space<vmem>>
      %dma_start3A_965 = arith.constant 880 : i32
      %dma_start3A_966 = tpu.memref_slice %arg5[%dma_start3A_965] : memref<3200xi32, #tpu.memory_space<vmem>> -> memref<80xi32, #tpu.memory_space<vmem>>
      %dma_start3A_967 = arith.constant 0 : i32
      %dma_start3A_968 = arith.constant 0 : i32
      %dma_start3A_969 = tpu.memref_slice %arg7[%dma_start3A_967, %dma_start3A_968] : memref<1024x128xf32, #tpu.memory_space<vmem_shared>> -> memref<1024x128xf32, #tpu.memory_space<vmem_shared>>
      %dma_start3A_970 = tpu.memref_slice %arg9[%dma_start3A_960] : memref<6x!tpu.dma_semaphore, #tpu.memory_space<semaphore_mem>> -> memref<1x!tpu.dma_semaphore, #tpu.memory_space<semaphore_mem>>
      %dma_start3A_971 = tpu.memref_squeeze %dma_start3A_970 : memref<1x!tpu.dma_semaphore, #tpu.memory_space<semaphore_mem>> -> memref<!tpu.dma_semaphore, #tpu.memory_space<semaphore_mem>>
      tpu.enqueue_indirect_dma source(%dma_start3A_969 : memref<1024x128xf32, #tpu.memory_space<vmem_shared>>) target(%dma_start3A_964 : memref<80x128xf32, #tpu.memory_space<vmem>>) offsets(%dma_start3A_966 : memref<80xi32, #tpu.memory_space<vmem>>) semaphore(%dma_start3A_971 : memref<!tpu.dma_semaphore, #tpu.memory_space<semaphore_mem>>)
    } else {
    }
    %dma_wait3A_450 = arith.constant 1 : i32
    %dma_wait3A_451 = arith.constant 1 : i32
    %dma_wait3A_452 = arith.constant 0 : i32
    %dma_wait3A_453 = arith.constant 0 : i32
    %dma_wait3A_454 = tpu.memref_slice %arg6[%dma_wait3A_450, %dma_wait3A_452, %dma_wait3A_453] : memref<6x80x128xf32, #tpu.memory_space<vmem>> -> memref<1x80x128xf32, #tpu.memory_space<vmem>>
    %dma_wait3A_455 = tpu.memref_squeeze %dma_wait3A_454 : memref<1x80x128xf32, #tpu.memory_space<vmem>> -> memref<80x128xf32, #tpu.memory_space<vmem>>
    %dma_wait3A_456 = arith.constant 560 : i32
    %dma_wait3A_457 = tpu.memref_slice %arg5[%dma_wait3A_456] : memref<3200xi32, #tpu.memory_space<vmem>> -> memref<80xi32, #tpu.memory_space<vmem>>
    %dma_wait3A_458 = arith.constant 0 : i32
    %dma_wait3A_459 = arith.constant 0 : i32
    %dma_wait3A_460 = tpu.memref_slice %arg7[%dma_wait3A_458, %dma_wait3A_459] : memref<1024x128xf32, #tpu.memory_space<vmem_shared>> -> memref<1024x128xf32, #tpu.memory_space<vmem_shared>>
    %dma_wait3A_461 = tpu.memref_slice %arg9[%dma_wait3A_451] : memref<6x!tpu.dma_semaphore, #tpu.memory_space<semaphore_mem>> -> memref<1x!tpu.dma_semaphore, #tpu.memory_space<semaphore_mem>>
    %dma_wait3A_462 = tpu.memref_squeeze %dma_wait3A_461 : memref<1x!tpu.dma_semaphore, #tpu.memory_space<semaphore_mem>> -> memref<!tpu.dma_semaphore, #tpu.memory_space<semaphore_mem>>
    tpu.wait_indirect_dma semaphore(%dma_wait3A_462 : memref<!tpu.dma_semaphore, #tpu.memory_space<semaphore_mem>>) src(%dma_wait3A_460 : memref<1024x128xf32, #tpu.memory_space<vmem_shared>>) dst(%dma_wait3A_455 : memref<80x128xf32, #tpu.memory_space<vmem>>)
    %add3A_463 = arith.constant 560 : i32
    %add3A_464 = arith.addi %mul3A_2, %add3A_463 : i32
    %dma_start3A_465 = arith.constant 1 : i32
    %dma_start3A_466 = arith.constant 1 : i32
    %dma_start3A_467 = arith.constant 0 : i32
    %dma_start3A_468 = arith.constant 0 : i32
    %dma_start3A_469 = tpu.memref_slice %arg6[%dma_start3A_465, %dma_start3A_467, %dma_start3A_468] : memref<6x80x128xf32, #tpu.memory_space<vmem>> -> memref<1x80x128xf32, #tpu.memory_space<vmem>>
    %dma_start3A_470 = tpu.memref_squeeze %dma_start3A_469 : memref<1x80x128xf32, #tpu.memory_space<vmem>> -> memref<80x128xf32, #tpu.memory_space<vmem>>
    %dma_start3A_471 = arith.constant 0 : i32
    %dma_start3A_472 = tpu.memref_slice %arg4[%add3A_464, %dma_start3A_471] : memref<100000x128xf32, #tpu.memory_space<hbm>> -> memref<80x128xf32, #tpu.memory_space<hbm>>
    %dma_start3A_473 = tpu.memref_slice %arg10[%dma_start3A_466] : memref<6x!tpu.dma_semaphore, #tpu.memory_space<semaphore_mem>> -> memref<1x!tpu.dma_semaphore, #tpu.memory_space<semaphore_mem>>
    %dma_start3A_474 = tpu.memref_squeeze %dma_start3A_473 : memref<1x!tpu.dma_semaphore, #tpu.memory_space<semaphore_mem>> -> memref<!tpu.dma_semaphore, #tpu.memory_space<semaphore_mem>>
    %dma_start3A_475 = arith.constant 0 : i32
    %dma_start3A_476 = tpu.memref_slice %arg4[%add3A_464, %dma_start3A_475] : memref<100000x128xf32, #tpu.memory_space<hbm>> -> memref<80x128xf32, #tpu.memory_space<hbm>>
    %dma_start3A_477 = arith.constant 0 : i32
    %dma_start3A_478 = arith.constant 0 : i32
    %dma_start3A_479 = tpu.memref_slice %arg6[%dma_start3A_465, %dma_start3A_477, %dma_start3A_478] : memref<6x80x128xf32, #tpu.memory_space<vmem>> -> memref<1x80x128xf32, #tpu.memory_space<vmem>>
    %dma_start3A_480 = tpu.memref_squeeze %dma_start3A_479 : memref<1x80x128xf32, #tpu.memory_space<vmem>> -> memref<80x128xf32, #tpu.memory_space<vmem>>
    tpu.enqueue_dma source(%dma_start3A_480 : memref<80x128xf32, #tpu.memory_space<vmem>>) target(%dma_start3A_476 : memref<80x128xf32, #tpu.memory_space<hbm>>) target_semaphore(%dma_start3A_474 : memref<!tpu.dma_semaphore, #tpu.memory_space<semaphore_mem>>)
    %lt3A_481 = arith.constant 31 : i32
    %lt3A_482 = arith.cmpi slt, %add3A, %lt3A_481 : i32
    %convert_element_type3A_483 = arith.extui %lt3A_482 : i1 to i32
    %cond3A_484 = arith.constant 0 : i32
    %cond3A_485 = arith.cmpi ne, %convert_element_type3A_483, %cond3A_484 : i32
    scf.if %cond3A_485 {
      %dma_wait3A_941 = arith.constant 0 : i32
      %dma_wait3A_942 = arith.constant 0 : i32
      %dma_wait3A_943 = arith.constant 0 : i32
      %dma_wait3A_944 = arith.constant 0 : i32
      %dma_wait3A_945 = tpu.memref_slice %arg6[%dma_wait3A_941, %dma_wait3A_943, %dma_wait3A_944] : memref<6x80x128xf32, #tpu.memory_space<vmem>> -> memref<1x80x128xf32, #tpu.memory_space<vmem>>
      %dma_wait3A_946 = tpu.memref_squeeze %dma_wait3A_945 : memref<1x80x128xf32, #tpu.memory_space<vmem>> -> memref<80x128xf32, #tpu.memory_space<vmem>>
      %dma_wait3A_947 = arith.constant 0 : i32
      %dma_wait3A_948 = arith.constant 0 : i32
      %dma_wait3A_949 = tpu.memref_slice %arg4[%dma_wait3A_947, %dma_wait3A_948] : memref<100000x128xf32, #tpu.memory_space<hbm>> -> memref<80x128xf32, #tpu.memory_space<hbm>>
      %dma_wait3A_950 = tpu.memref_slice %arg10[%dma_wait3A_942] : memref<6x!tpu.dma_semaphore, #tpu.memory_space<semaphore_mem>> -> memref<1x!tpu.dma_semaphore, #tpu.memory_space<semaphore_mem>>
      %dma_wait3A_951 = tpu.memref_squeeze %dma_wait3A_950 : memref<1x!tpu.dma_semaphore, #tpu.memory_space<semaphore_mem>> -> memref<!tpu.dma_semaphore, #tpu.memory_space<semaphore_mem>>
      %dma_wait3A_952 = arith.constant 0 : i32
      %dma_wait3A_953 = arith.constant 0 : i32
      %dma_wait3A_954 = tpu.memref_slice %arg4[%dma_wait3A_952, %dma_wait3A_953] : memref<100000x128xf32, #tpu.memory_space<hbm>> -> memref<80x128xf32, #tpu.memory_space<hbm>>
      %dma_wait3A_955 = arith.constant 0 : i32
      %dma_wait3A_956 = arith.constant 0 : i32
      %dma_wait3A_957 = tpu.memref_slice %arg6[%dma_wait3A_941, %dma_wait3A_955, %dma_wait3A_956] : memref<6x80x128xf32, #tpu.memory_space<vmem>> -> memref<1x80x128xf32, #tpu.memory_space<vmem>>
      %dma_wait3A_958 = tpu.memref_squeeze %dma_wait3A_957 : memref<1x80x128xf32, #tpu.memory_space<vmem>> -> memref<80x128xf32, #tpu.memory_space<vmem>>
      tpu.wait_dma2 semaphore(%dma_wait3A_951 : memref<!tpu.dma_semaphore, #tpu.memory_space<semaphore_mem>>) src(%dma_wait3A_958 : memref<80x128xf32, #tpu.memory_space<vmem>>) dst(%dma_wait3A_954 : memref<80x128xf32, #tpu.memory_space<hbm>>)
      %dma_start3A_959 = arith.constant 0 : i32
      %dma_start3A_960 = arith.constant 0 : i32
      %dma_start3A_961 = arith.constant 0 : i32
      %dma_start3A_962 = arith.constant 0 : i32
      %dma_start3A_963 = tpu.memref_slice %arg6[%dma_start3A_959, %dma_start3A_961, %dma_start3A_962] : memref<6x80x128xf32, #tpu.memory_space<vmem>> -> memref<1x80x128xf32, #tpu.memory_space<vmem>>
      %dma_start3A_964 = tpu.memref_squeeze %dma_start3A_963 : memref<1x80x128xf32, #tpu.memory_space<vmem>> -> memref<80x128xf32, #tpu.memory_space<vmem>>
      %dma_start3A_965 = arith.constant 960 : i32
      %dma_start3A_966 = tpu.memref_slice %arg5[%dma_start3A_965] : memref<3200xi32, #tpu.memory_space<vmem>> -> memref<80xi32, #tpu.memory_space<vmem>>
      %dma_start3A_967 = arith.constant 0 : i32
      %dma_start3A_968 = arith.constant 0 : i32
      %dma_start3A_969 = tpu.memref_slice %arg7[%dma_start3A_967, %dma_start3A_968] : memref<1024x128xf32, #tpu.memory_space<vmem_shared>> -> memref<1024x128xf32, #tpu.memory_space<vmem_shared>>
      %dma_start3A_970 = tpu.memref_slice %arg9[%dma_start3A_960] : memref<6x!tpu.dma_semaphore, #tpu.memory_space<semaphore_mem>> -> memref<1x!tpu.dma_semaphore, #tpu.memory_space<semaphore_mem>>
      %dma_start3A_971 = tpu.memref_squeeze %dma_start3A_970 : memref<1x!tpu.dma_semaphore, #tpu.memory_space<semaphore_mem>> -> memref<!tpu.dma_semaphore, #tpu.memory_space<semaphore_mem>>
      tpu.enqueue_indirect_dma source(%dma_start3A_969 : memref<1024x128xf32, #tpu.memory_space<vmem_shared>>) target(%dma_start3A_964 : memref<80x128xf32, #tpu.memory_space<vmem>>) offsets(%dma_start3A_966 : memref<80xi32, #tpu.memory_space<vmem>>) semaphore(%dma_start3A_971 : memref<!tpu.dma_semaphore, #tpu.memory_space<semaphore_mem>>)
    } else {
    }
    %dma_wait3A_486 = arith.constant 2 : i32
    %dma_wait3A_487 = arith.constant 2 : i32
    %dma_wait3A_488 = arith.constant 0 : i32
    %dma_wait3A_489 = arith.constant 0 : i32
    %dma_wait3A_490 = tpu.memref_slice %arg6[%dma_wait3A_486, %dma_wait3A_488, %dma_wait3A_489] : memref<6x80x128xf32, #tpu.memory_space<vmem>> -> memref<1x80x128xf32, #tpu.memory_space<vmem>>
    %dma_wait3A_491 = tpu.memref_squeeze %dma_wait3A_490 : memref<1x80x128xf32, #tpu.memory_space<vmem>> -> memref<80x128xf32, #tpu.memory_space<vmem>>
    %dma_wait3A_492 = arith.constant 640 : i32
    %dma_wait3A_493 = tpu.memref_slice %arg5[%dma_wait3A_492] : memref<3200xi32, #tpu.memory_space<vmem>> -> memref<80xi32, #tpu.memory_space<vmem>>
    %dma_wait3A_494 = arith.constant 0 : i32
    %dma_wait3A_495 = arith.constant 0 : i32
    %dma_wait3A_496 = tpu.memref_slice %arg7[%dma_wait3A_494, %dma_wait3A_495] : memref<1024x128xf32, #tpu.memory_space<vmem_shared>> -> memref<1024x128xf32, #tpu.memory_space<vmem_shared>>
    %dma_wait3A_497 = tpu.memref_slice %arg9[%dma_wait3A_487] : memref<6x!tpu.dma_semaphore, #tpu.memory_space<semaphore_mem>> -> memref<1x!tpu.dma_semaphore, #tpu.memory_space<semaphore_mem>>
    %dma_wait3A_498 = tpu.memref_squeeze %dma_wait3A_497 : memref<1x!tpu.dma_semaphore, #tpu.memory_space<semaphore_mem>> -> memref<!tpu.dma_semaphore, #tpu.memory_space<semaphore_mem>>
    tpu.wait_indirect_dma semaphore(%dma_wait3A_498 : memref<!tpu.dma_semaphore, #tpu.memory_space<semaphore_mem>>) src(%dma_wait3A_496 : memref<1024x128xf32, #tpu.memory_space<vmem_shared>>) dst(%dma_wait3A_491 : memref<80x128xf32, #tpu.memory_space<vmem>>)
    %add3A_499 = arith.constant 640 : i32
    %add3A_500 = arith.addi %mul3A_2, %add3A_499 : i32
    %dma_start3A_501 = arith.constant 2 : i32
    %dma_start3A_502 = arith.constant 2 : i32
    %dma_start3A_503 = arith.constant 0 : i32
    %dma_start3A_504 = arith.constant 0 : i32
    %dma_start3A_505 = tpu.memref_slice %arg6[%dma_start3A_501, %dma_start3A_503, %dma_start3A_504] : memref<6x80x128xf32, #tpu.memory_space<vmem>> -> memref<1x80x128xf32, #tpu.memory_space<vmem>>
    %dma_start3A_506 = tpu.memref_squeeze %dma_start3A_505 : memref<1x80x128xf32, #tpu.memory_space<vmem>> -> memref<80x128xf32, #tpu.memory_space<vmem>>
    %dma_start3A_507 = arith.constant 0 : i32
    %dma_start3A_508 = tpu.memref_slice %arg4[%add3A_500, %dma_start3A_507] : memref<100000x128xf32, #tpu.memory_space<hbm>> -> memref<80x128xf32, #tpu.memory_space<hbm>>
    %dma_start3A_509 = tpu.memref_slice %arg10[%dma_start3A_502] : memref<6x!tpu.dma_semaphore, #tpu.memory_space<semaphore_mem>> -> memref<1x!tpu.dma_semaphore, #tpu.memory_space<semaphore_mem>>
    %dma_start3A_510 = tpu.memref_squeeze %dma_start3A_509 : memref<1x!tpu.dma_semaphore, #tpu.memory_space<semaphore_mem>> -> memref<!tpu.dma_semaphore, #tpu.memory_space<semaphore_mem>>
    %dma_start3A_511 = arith.constant 0 : i32
    %dma_start3A_512 = tpu.memref_slice %arg4[%add3A_500, %dma_start3A_511] : memref<100000x128xf32, #tpu.memory_space<hbm>> -> memref<80x128xf32, #tpu.memory_space<hbm>>
    %dma_start3A_513 = arith.constant 0 : i32
    %dma_start3A_514 = arith.constant 0 : i32
    %dma_start3A_515 = tpu.memref_slice %arg6[%dma_start3A_501, %dma_start3A_513, %dma_start3A_514] : memref<6x80x128xf32, #tpu.memory_space<vmem>> -> memref<1x80x128xf32, #tpu.memory_space<vmem>>
    %dma_start3A_516 = tpu.memref_squeeze %dma_start3A_515 : memref<1x80x128xf32, #tpu.memory_space<vmem>> -> memref<80x128xf32, #tpu.memory_space<vmem>>
    tpu.enqueue_dma source(%dma_start3A_516 : memref<80x128xf32, #tpu.memory_space<vmem>>) target(%dma_start3A_512 : memref<80x128xf32, #tpu.memory_space<hbm>>) target_semaphore(%dma_start3A_510 : memref<!tpu.dma_semaphore, #tpu.memory_space<semaphore_mem>>)
    %lt3A_517 = arith.constant 31 : i32
    %lt3A_518 = arith.cmpi slt, %add3A, %lt3A_517 : i32
    %convert_element_type3A_519 = arith.extui %lt3A_518 : i1 to i32
    %cond3A_520 = arith.constant 0 : i32
    %cond3A_521 = arith.cmpi ne, %convert_element_type3A_519, %cond3A_520 : i32
    scf.if %cond3A_521 {
      %dma_wait3A_941 = arith.constant 1 : i32
      %dma_wait3A_942 = arith.constant 1 : i32
      %dma_wait3A_943 = arith.constant 0 : i32
      %dma_wait3A_944 = arith.constant 0 : i32
      %dma_wait3A_945 = tpu.memref_slice %arg6[%dma_wait3A_941, %dma_wait3A_943, %dma_wait3A_944] : memref<6x80x128xf32, #tpu.memory_space<vmem>> -> memref<1x80x128xf32, #tpu.memory_space<vmem>>
      %dma_wait3A_946 = tpu.memref_squeeze %dma_wait3A_945 : memref<1x80x128xf32, #tpu.memory_space<vmem>> -> memref<80x128xf32, #tpu.memory_space<vmem>>
      %dma_wait3A_947 = arith.constant 0 : i32
      %dma_wait3A_948 = arith.constant 0 : i32
      %dma_wait3A_949 = tpu.memref_slice %arg4[%dma_wait3A_947, %dma_wait3A_948] : memref<100000x128xf32, #tpu.memory_space<hbm>> -> memref<80x128xf32, #tpu.memory_space<hbm>>
      %dma_wait3A_950 = tpu.memref_slice %arg10[%dma_wait3A_942] : memref<6x!tpu.dma_semaphore, #tpu.memory_space<semaphore_mem>> -> memref<1x!tpu.dma_semaphore, #tpu.memory_space<semaphore_mem>>
      %dma_wait3A_951 = tpu.memref_squeeze %dma_wait3A_950 : memref<1x!tpu.dma_semaphore, #tpu.memory_space<semaphore_mem>> -> memref<!tpu.dma_semaphore, #tpu.memory_space<semaphore_mem>>
      %dma_wait3A_952 = arith.constant 0 : i32
      %dma_wait3A_953 = arith.constant 0 : i32
      %dma_wait3A_954 = tpu.memref_slice %arg4[%dma_wait3A_952, %dma_wait3A_953] : memref<100000x128xf32, #tpu.memory_space<hbm>> -> memref<80x128xf32, #tpu.memory_space<hbm>>
      %dma_wait3A_955 = arith.constant 0 : i32
      %dma_wait3A_956 = arith.constant 0 : i32
      %dma_wait3A_957 = tpu.memref_slice %arg6[%dma_wait3A_941, %dma_wait3A_955, %dma_wait3A_956] : memref<6x80x128xf32, #tpu.memory_space<vmem>> -> memref<1x80x128xf32, #tpu.memory_space<vmem>>
      %dma_wait3A_958 = tpu.memref_squeeze %dma_wait3A_957 : memref<1x80x128xf32, #tpu.memory_space<vmem>> -> memref<80x128xf32, #tpu.memory_space<vmem>>
      tpu.wait_dma2 semaphore(%dma_wait3A_951 : memref<!tpu.dma_semaphore, #tpu.memory_space<semaphore_mem>>) src(%dma_wait3A_958 : memref<80x128xf32, #tpu.memory_space<vmem>>) dst(%dma_wait3A_954 : memref<80x128xf32, #tpu.memory_space<hbm>>)
      %dma_start3A_959 = arith.constant 1 : i32
      %dma_start3A_960 = arith.constant 1 : i32
      %dma_start3A_961 = arith.constant 0 : i32
      %dma_start3A_962 = arith.constant 0 : i32
      %dma_start3A_963 = tpu.memref_slice %arg6[%dma_start3A_959, %dma_start3A_961, %dma_start3A_962] : memref<6x80x128xf32, #tpu.memory_space<vmem>> -> memref<1x80x128xf32, #tpu.memory_space<vmem>>
      %dma_start3A_964 = tpu.memref_squeeze %dma_start3A_963 : memref<1x80x128xf32, #tpu.memory_space<vmem>> -> memref<80x128xf32, #tpu.memory_space<vmem>>
      %dma_start3A_965 = arith.constant 1040 : i32
      %dma_start3A_966 = tpu.memref_slice %arg5[%dma_start3A_965] : memref<3200xi32, #tpu.memory_space<vmem>> -> memref<80xi32, #tpu.memory_space<vmem>>
      %dma_start3A_967 = arith.constant 0 : i32
      %dma_start3A_968 = arith.constant 0 : i32
      %dma_start3A_969 = tpu.memref_slice %arg7[%dma_start3A_967, %dma_start3A_968] : memref<1024x128xf32, #tpu.memory_space<vmem_shared>> -> memref<1024x128xf32, #tpu.memory_space<vmem_shared>>
      %dma_start3A_970 = tpu.memref_slice %arg9[%dma_start3A_960] : memref<6x!tpu.dma_semaphore, #tpu.memory_space<semaphore_mem>> -> memref<1x!tpu.dma_semaphore, #tpu.memory_space<semaphore_mem>>
      %dma_start3A_971 = tpu.memref_squeeze %dma_start3A_970 : memref<1x!tpu.dma_semaphore, #tpu.memory_space<semaphore_mem>> -> memref<!tpu.dma_semaphore, #tpu.memory_space<semaphore_mem>>
      tpu.enqueue_indirect_dma source(%dma_start3A_969 : memref<1024x128xf32, #tpu.memory_space<vmem_shared>>) target(%dma_start3A_964 : memref<80x128xf32, #tpu.memory_space<vmem>>) offsets(%dma_start3A_966 : memref<80xi32, #tpu.memory_space<vmem>>) semaphore(%dma_start3A_971 : memref<!tpu.dma_semaphore, #tpu.memory_space<semaphore_mem>>)
    } else {
    }
    %dma_wait3A_522 = arith.constant 3 : i32
    %dma_wait3A_523 = arith.constant 3 : i32
    %dma_wait3A_524 = arith.constant 0 : i32
    %dma_wait3A_525 = arith.constant 0 : i32
    %dma_wait3A_526 = tpu.memref_slice %arg6[%dma_wait3A_522, %dma_wait3A_524, %dma_wait3A_525] : memref<6x80x128xf32, #tpu.memory_space<vmem>> -> memref<1x80x128xf32, #tpu.memory_space<vmem>>
    %dma_wait3A_527 = tpu.memref_squeeze %dma_wait3A_526 : memref<1x80x128xf32, #tpu.memory_space<vmem>> -> memref<80x128xf32, #tpu.memory_space<vmem>>
    %dma_wait3A_528 = arith.constant 720 : i32
    %dma_wait3A_529 = tpu.memref_slice %arg5[%dma_wait3A_528] : memref<3200xi32, #tpu.memory_space<vmem>> -> memref<80xi32, #tpu.memory_space<vmem>>
    %dma_wait3A_530 = arith.constant 0 : i32
    %dma_wait3A_531 = arith.constant 0 : i32
    %dma_wait3A_532 = tpu.memref_slice %arg7[%dma_wait3A_530, %dma_wait3A_531] : memref<1024x128xf32, #tpu.memory_space<vmem_shared>> -> memref<1024x128xf32, #tpu.memory_space<vmem_shared>>
    %dma_wait3A_533 = tpu.memref_slice %arg9[%dma_wait3A_523] : memref<6x!tpu.dma_semaphore, #tpu.memory_space<semaphore_mem>> -> memref<1x!tpu.dma_semaphore, #tpu.memory_space<semaphore_mem>>
    %dma_wait3A_534 = tpu.memref_squeeze %dma_wait3A_533 : memref<1x!tpu.dma_semaphore, #tpu.memory_space<semaphore_mem>> -> memref<!tpu.dma_semaphore, #tpu.memory_space<semaphore_mem>>
    tpu.wait_indirect_dma semaphore(%dma_wait3A_534 : memref<!tpu.dma_semaphore, #tpu.memory_space<semaphore_mem>>) src(%dma_wait3A_532 : memref<1024x128xf32, #tpu.memory_space<vmem_shared>>) dst(%dma_wait3A_527 : memref<80x128xf32, #tpu.memory_space<vmem>>)
    %add3A_535 = arith.constant 720 : i32
    %add3A_536 = arith.addi %mul3A_2, %add3A_535 : i32
    %dma_start3A_537 = arith.constant 3 : i32
    %dma_start3A_538 = arith.constant 3 : i32
    %dma_start3A_539 = arith.constant 0 : i32
    %dma_start3A_540 = arith.constant 0 : i32
    %dma_start3A_541 = tpu.memref_slice %arg6[%dma_start3A_537, %dma_start3A_539, %dma_start3A_540] : memref<6x80x128xf32, #tpu.memory_space<vmem>> -> memref<1x80x128xf32, #tpu.memory_space<vmem>>
    %dma_start3A_542 = tpu.memref_squeeze %dma_start3A_541 : memref<1x80x128xf32, #tpu.memory_space<vmem>> -> memref<80x128xf32, #tpu.memory_space<vmem>>
    %dma_start3A_543 = arith.constant 0 : i32
    %dma_start3A_544 = tpu.memref_slice %arg4[%add3A_536, %dma_start3A_543] : memref<100000x128xf32, #tpu.memory_space<hbm>> -> memref<80x128xf32, #tpu.memory_space<hbm>>
    %dma_start3A_545 = tpu.memref_slice %arg10[%dma_start3A_538] : memref<6x!tpu.dma_semaphore, #tpu.memory_space<semaphore_mem>> -> memref<1x!tpu.dma_semaphore, #tpu.memory_space<semaphore_mem>>
    %dma_start3A_546 = tpu.memref_squeeze %dma_start3A_545 : memref<1x!tpu.dma_semaphore, #tpu.memory_space<semaphore_mem>> -> memref<!tpu.dma_semaphore, #tpu.memory_space<semaphore_mem>>
    %dma_start3A_547 = arith.constant 0 : i32
    %dma_start3A_548 = tpu.memref_slice %arg4[%add3A_536, %dma_start3A_547] : memref<100000x128xf32, #tpu.memory_space<hbm>> -> memref<80x128xf32, #tpu.memory_space<hbm>>
    %dma_start3A_549 = arith.constant 0 : i32
    %dma_start3A_550 = arith.constant 0 : i32
    %dma_start3A_551 = tpu.memref_slice %arg6[%dma_start3A_537, %dma_start3A_549, %dma_start3A_550] : memref<6x80x128xf32, #tpu.memory_space<vmem>> -> memref<1x80x128xf32, #tpu.memory_space<vmem>>
    %dma_start3A_552 = tpu.memref_squeeze %dma_start3A_551 : memref<1x80x128xf32, #tpu.memory_space<vmem>> -> memref<80x128xf32, #tpu.memory_space<vmem>>
    tpu.enqueue_dma source(%dma_start3A_552 : memref<80x128xf32, #tpu.memory_space<vmem>>) target(%dma_start3A_548 : memref<80x128xf32, #tpu.memory_space<hbm>>) target_semaphore(%dma_start3A_546 : memref<!tpu.dma_semaphore, #tpu.memory_space<semaphore_mem>>)
    %lt3A_553 = arith.constant 31 : i32
    %lt3A_554 = arith.cmpi slt, %add3A, %lt3A_553 : i32
    %convert_element_type3A_555 = arith.extui %lt3A_554 : i1 to i32
    %cond3A_556 = arith.constant 0 : i32
    %cond3A_557 = arith.cmpi ne, %convert_element_type3A_555, %cond3A_556 : i32
    scf.if %cond3A_557 {
      %dma_wait3A_941 = arith.constant 2 : i32
      %dma_wait3A_942 = arith.constant 2 : i32
      %dma_wait3A_943 = arith.constant 0 : i32
      %dma_wait3A_944 = arith.constant 0 : i32
      %dma_wait3A_945 = tpu.memref_slice %arg6[%dma_wait3A_941, %dma_wait3A_943, %dma_wait3A_944] : memref<6x80x128xf32, #tpu.memory_space<vmem>> -> memref<1x80x128xf32, #tpu.memory_space<vmem>>
      %dma_wait3A_946 = tpu.memref_squeeze %dma_wait3A_945 : memref<1x80x128xf32, #tpu.memory_space<vmem>> -> memref<80x128xf32, #tpu.memory_space<vmem>>
      %dma_wait3A_947 = arith.constant 0 : i32
      %dma_wait3A_948 = arith.constant 0 : i32
      %dma_wait3A_949 = tpu.memref_slice %arg4[%dma_wait3A_947, %dma_wait3A_948] : memref<100000x128xf32, #tpu.memory_space<hbm>> -> memref<80x128xf32, #tpu.memory_space<hbm>>
      %dma_wait3A_950 = tpu.memref_slice %arg10[%dma_wait3A_942] : memref<6x!tpu.dma_semaphore, #tpu.memory_space<semaphore_mem>> -> memref<1x!tpu.dma_semaphore, #tpu.memory_space<semaphore_mem>>
      %dma_wait3A_951 = tpu.memref_squeeze %dma_wait3A_950 : memref<1x!tpu.dma_semaphore, #tpu.memory_space<semaphore_mem>> -> memref<!tpu.dma_semaphore, #tpu.memory_space<semaphore_mem>>
      %dma_wait3A_952 = arith.constant 0 : i32
      %dma_wait3A_953 = arith.constant 0 : i32
      %dma_wait3A_954 = tpu.memref_slice %arg4[%dma_wait3A_952, %dma_wait3A_953] : memref<100000x128xf32, #tpu.memory_space<hbm>> -> memref<80x128xf32, #tpu.memory_space<hbm>>
      %dma_wait3A_955 = arith.constant 0 : i32
      %dma_wait3A_956 = arith.constant 0 : i32
      %dma_wait3A_957 = tpu.memref_slice %arg6[%dma_wait3A_941, %dma_wait3A_955, %dma_wait3A_956] : memref<6x80x128xf32, #tpu.memory_space<vmem>> -> memref<1x80x128xf32, #tpu.memory_space<vmem>>
      %dma_wait3A_958 = tpu.memref_squeeze %dma_wait3A_957 : memref<1x80x128xf32, #tpu.memory_space<vmem>> -> memref<80x128xf32, #tpu.memory_space<vmem>>
      tpu.wait_dma2 semaphore(%dma_wait3A_951 : memref<!tpu.dma_semaphore, #tpu.memory_space<semaphore_mem>>) src(%dma_wait3A_958 : memref<80x128xf32, #tpu.memory_space<vmem>>) dst(%dma_wait3A_954 : memref<80x128xf32, #tpu.memory_space<hbm>>)
      %dma_start3A_959 = arith.constant 2 : i32
      %dma_start3A_960 = arith.constant 2 : i32
      %dma_start3A_961 = arith.constant 0 : i32
      %dma_start3A_962 = arith.constant 0 : i32
      %dma_start3A_963 = tpu.memref_slice %arg6[%dma_start3A_959, %dma_start3A_961, %dma_start3A_962] : memref<6x80x128xf32, #tpu.memory_space<vmem>> -> memref<1x80x128xf32, #tpu.memory_space<vmem>>
      %dma_start3A_964 = tpu.memref_squeeze %dma_start3A_963 : memref<1x80x128xf32, #tpu.memory_space<vmem>> -> memref<80x128xf32, #tpu.memory_space<vmem>>
      %dma_start3A_965 = arith.constant 1120 : i32
      %dma_start3A_966 = tpu.memref_slice %arg5[%dma_start3A_965] : memref<3200xi32, #tpu.memory_space<vmem>> -> memref<80xi32, #tpu.memory_space<vmem>>
      %dma_start3A_967 = arith.constant 0 : i32
      %dma_start3A_968 = arith.constant 0 : i32
      %dma_start3A_969 = tpu.memref_slice %arg7[%dma_start3A_967, %dma_start3A_968] : memref<1024x128xf32, #tpu.memory_space<vmem_shared>> -> memref<1024x128xf32, #tpu.memory_space<vmem_shared>>
      %dma_start3A_970 = tpu.memref_slice %arg9[%dma_start3A_960] : memref<6x!tpu.dma_semaphore, #tpu.memory_space<semaphore_mem>> -> memref<1x!tpu.dma_semaphore, #tpu.memory_space<semaphore_mem>>
      %dma_start3A_971 = tpu.memref_squeeze %dma_start3A_970 : memref<1x!tpu.dma_semaphore, #tpu.memory_space<semaphore_mem>> -> memref<!tpu.dma_semaphore, #tpu.memory_space<semaphore_mem>>
      tpu.enqueue_indirect_dma source(%dma_start3A_969 : memref<1024x128xf32, #tpu.memory_space<vmem_shared>>) target(%dma_start3A_964 : memref<80x128xf32, #tpu.memory_space<vmem>>) offsets(%dma_start3A_966 : memref<80xi32, #tpu.memory_space<vmem>>) semaphore(%dma_start3A_971 : memref<!tpu.dma_semaphore, #tpu.memory_space<semaphore_mem>>)
    } else {
    }
    %lt3A_558 = arith.constant 31 : i32
    %lt3A_559 = arith.cmpi slt, %add3A, %lt3A_558 : i32
    %convert_element_type3A_560 = arith.extui %lt3A_559 : i1 to i32
    %cond3A_561 = arith.constant 0 : i32
    %cond3A_562 = arith.cmpi ne, %convert_element_type3A_560, %cond3A_561 : i32
    scf.if %cond3A_562 {
      %dma_wait3A_941 = arith.constant 4 : i32
      %dma_wait3A_942 = arith.constant 4 : i32
      %dma_wait3A_943 = arith.constant 0 : i32
      %dma_wait3A_944 = arith.constant 0 : i32
      %dma_wait3A_945 = tpu.memref_slice %arg6[%dma_wait3A_941, %dma_wait3A_943, %dma_wait3A_944] : memref<6x80x128xf32, #tpu.memory_space<vmem>> -> memref<1x80x128xf32, #tpu.memory_space<vmem>>
      %dma_wait3A_946 = tpu.memref_squeeze %dma_wait3A_945 : memref<1x80x128xf32, #tpu.memory_space<vmem>> -> memref<80x128xf32, #tpu.memory_space<vmem>>
      %dma_wait3A_947 = arith.constant 800 : i32
      %dma_wait3A_948 = tpu.memref_slice %arg5[%dma_wait3A_947] : memref<3200xi32, #tpu.memory_space<vmem>> -> memref<80xi32, #tpu.memory_space<vmem>>
      %dma_wait3A_949 = arith.constant 0 : i32
      %dma_wait3A_950 = arith.constant 0 : i32
      %dma_wait3A_951 = tpu.memref_slice %arg7[%dma_wait3A_949, %dma_wait3A_950] : memref<1024x128xf32, #tpu.memory_space<vmem_shared>> -> memref<1024x128xf32, #tpu.memory_space<vmem_shared>>
      %dma_wait3A_952 = tpu.memref_slice %arg9[%dma_wait3A_942] : memref<6x!tpu.dma_semaphore, #tpu.memory_space<semaphore_mem>> -> memref<1x!tpu.dma_semaphore, #tpu.memory_space<semaphore_mem>>
      %dma_wait3A_953 = tpu.memref_squeeze %dma_wait3A_952 : memref<1x!tpu.dma_semaphore, #tpu.memory_space<semaphore_mem>> -> memref<!tpu.dma_semaphore, #tpu.memory_space<semaphore_mem>>
      tpu.wait_indirect_dma semaphore(%dma_wait3A_953 : memref<!tpu.dma_semaphore, #tpu.memory_space<semaphore_mem>>) src(%dma_wait3A_951 : memref<1024x128xf32, #tpu.memory_space<vmem_shared>>) dst(%dma_wait3A_946 : memref<80x128xf32, #tpu.memory_space<vmem>>)
      %add3A_954 = arith.constant 800 : i32
      %add3A_955 = arith.addi %mul3A_2, %add3A_954 : i32
      %dma_start3A_956 = arith.constant 4 : i32
      %dma_start3A_957 = arith.constant 4 : i32
      %dma_start3A_958 = arith.constant 0 : i32
      %dma_start3A_959 = arith.constant 0 : i32
      %dma_start3A_960 = tpu.memref_slice %arg6[%dma_start3A_956, %dma_start3A_958, %dma_start3A_959] : memref<6x80x128xf32, #tpu.memory_space<vmem>> -> memref<1x80x128xf32, #tpu.memory_space<vmem>>
      %dma_start3A_961 = tpu.memref_squeeze %dma_start3A_960 : memref<1x80x128xf32, #tpu.memory_space<vmem>> -> memref<80x128xf32, #tpu.memory_space<vmem>>
      %dma_start3A_962 = arith.constant 0 : i32
      %dma_start3A_963 = tpu.memref_slice %arg4[%add3A_955, %dma_start3A_962] : memref<100000x128xf32, #tpu.memory_space<hbm>> -> memref<80x128xf32, #tpu.memory_space<hbm>>
      %dma_start3A_964 = tpu.memref_slice %arg10[%dma_start3A_957] : memref<6x!tpu.dma_semaphore, #tpu.memory_space<semaphore_mem>> -> memref<1x!tpu.dma_semaphore, #tpu.memory_space<semaphore_mem>>
      %dma_start3A_965 = tpu.memref_squeeze %dma_start3A_964 : memref<1x!tpu.dma_semaphore, #tpu.memory_space<semaphore_mem>> -> memref<!tpu.dma_semaphore, #tpu.memory_space<semaphore_mem>>
      %dma_start3A_966 = arith.constant 0 : i32
      %dma_start3A_967 = tpu.memref_slice %arg4[%add3A_955, %dma_start3A_966] : memref<100000x128xf32, #tpu.memory_space<hbm>> -> memref<80x128xf32, #tpu.memory_space<hbm>>
      %dma_start3A_968 = arith.constant 0 : i32
      %dma_start3A_969 = arith.constant 0 : i32
      %dma_start3A_970 = tpu.memref_slice %arg6[%dma_start3A_956, %dma_start3A_968, %dma_start3A_969] : memref<6x80x128xf32, #tpu.memory_space<vmem>> -> memref<1x80x128xf32, #tpu.memory_space<vmem>>
      %dma_start3A_971 = tpu.memref_squeeze %dma_start3A_970 : memref<1x80x128xf32, #tpu.memory_space<vmem>> -> memref<80x128xf32, #tpu.memory_space<vmem>>
      tpu.enqueue_dma source(%dma_start3A_971 : memref<80x128xf32, #tpu.memory_space<vmem>>) target(%dma_start3A_967 : memref<80x128xf32, #tpu.memory_space<hbm>>) target_semaphore(%dma_start3A_965 : memref<!tpu.dma_semaphore, #tpu.memory_space<semaphore_mem>>)
    } else {
    }
    %lt3A_563 = arith.constant 31 : i32
    %lt3A_564 = arith.cmpi slt, %add3A, %lt3A_563 : i32
    %convert_element_type3A_565 = arith.extui %lt3A_564 : i1 to i32
    %cond3A_566 = arith.constant 0 : i32
    %cond3A_567 = arith.cmpi ne, %convert_element_type3A_565, %cond3A_566 : i32
    scf.if %cond3A_567 {
      %dma_wait3A_941 = arith.constant 3 : i32
      %dma_wait3A_942 = arith.constant 3 : i32
      %dma_wait3A_943 = arith.constant 0 : i32
      %dma_wait3A_944 = arith.constant 0 : i32
      %dma_wait3A_945 = tpu.memref_slice %arg6[%dma_wait3A_941, %dma_wait3A_943, %dma_wait3A_944] : memref<6x80x128xf32, #tpu.memory_space<vmem>> -> memref<1x80x128xf32, #tpu.memory_space<vmem>>
      %dma_wait3A_946 = tpu.memref_squeeze %dma_wait3A_945 : memref<1x80x128xf32, #tpu.memory_space<vmem>> -> memref<80x128xf32, #tpu.memory_space<vmem>>
      %dma_wait3A_947 = arith.constant 0 : i32
      %dma_wait3A_948 = arith.constant 0 : i32
      %dma_wait3A_949 = tpu.memref_slice %arg4[%dma_wait3A_947, %dma_wait3A_948] : memref<100000x128xf32, #tpu.memory_space<hbm>> -> memref<80x128xf32, #tpu.memory_space<hbm>>
      %dma_wait3A_950 = tpu.memref_slice %arg10[%dma_wait3A_942] : memref<6x!tpu.dma_semaphore, #tpu.memory_space<semaphore_mem>> -> memref<1x!tpu.dma_semaphore, #tpu.memory_space<semaphore_mem>>
      %dma_wait3A_951 = tpu.memref_squeeze %dma_wait3A_950 : memref<1x!tpu.dma_semaphore, #tpu.memory_space<semaphore_mem>> -> memref<!tpu.dma_semaphore, #tpu.memory_space<semaphore_mem>>
      %dma_wait3A_952 = arith.constant 0 : i32
      %dma_wait3A_953 = arith.constant 0 : i32
      %dma_wait3A_954 = tpu.memref_slice %arg4[%dma_wait3A_952, %dma_wait3A_953] : memref<100000x128xf32, #tpu.memory_space<hbm>> -> memref<80x128xf32, #tpu.memory_space<hbm>>
      %dma_wait3A_955 = arith.constant 0 : i32
      %dma_wait3A_956 = arith.constant 0 : i32
      %dma_wait3A_957 = tpu.memref_slice %arg6[%dma_wait3A_941, %dma_wait3A_955, %dma_wait3A_956] : memref<6x80x128xf32, #tpu.memory_space<vmem>> -> memref<1x80x128xf32, #tpu.memory_space<vmem>>
      %dma_wait3A_958 = tpu.memref_squeeze %dma_wait3A_957 : memref<1x80x128xf32, #tpu.memory_space<vmem>> -> memref<80x128xf32, #tpu.memory_space<vmem>>
      tpu.wait_dma2 semaphore(%dma_wait3A_951 : memref<!tpu.dma_semaphore, #tpu.memory_space<semaphore_mem>>) src(%dma_wait3A_958 : memref<80x128xf32, #tpu.memory_space<vmem>>) dst(%dma_wait3A_954 : memref<80x128xf32, #tpu.memory_space<hbm>>)
      %dma_start3A_959 = arith.constant 3 : i32
      %dma_start3A_960 = arith.constant 3 : i32
      %dma_start3A_961 = arith.constant 0 : i32
      %dma_start3A_962 = arith.constant 0 : i32
      %dma_start3A_963 = tpu.memref_slice %arg6[%dma_start3A_959, %dma_start3A_961, %dma_start3A_962] : memref<6x80x128xf32, #tpu.memory_space<vmem>> -> memref<1x80x128xf32, #tpu.memory_space<vmem>>
      %dma_start3A_964 = tpu.memref_squeeze %dma_start3A_963 : memref<1x80x128xf32, #tpu.memory_space<vmem>> -> memref<80x128xf32, #tpu.memory_space<vmem>>
      %dma_start3A_965 = arith.constant 1200 : i32
      %dma_start3A_966 = tpu.memref_slice %arg5[%dma_start3A_965] : memref<3200xi32, #tpu.memory_space<vmem>> -> memref<80xi32, #tpu.memory_space<vmem>>
      %dma_start3A_967 = arith.constant 0 : i32
      %dma_start3A_968 = arith.constant 0 : i32
      %dma_start3A_969 = tpu.memref_slice %arg7[%dma_start3A_967, %dma_start3A_968] : memref<1024x128xf32, #tpu.memory_space<vmem_shared>> -> memref<1024x128xf32, #tpu.memory_space<vmem_shared>>
      %dma_start3A_970 = tpu.memref_slice %arg9[%dma_start3A_960] : memref<6x!tpu.dma_semaphore, #tpu.memory_space<semaphore_mem>> -> memref<1x!tpu.dma_semaphore, #tpu.memory_space<semaphore_mem>>
      %dma_start3A_971 = tpu.memref_squeeze %dma_start3A_970 : memref<1x!tpu.dma_semaphore, #tpu.memory_space<semaphore_mem>> -> memref<!tpu.dma_semaphore, #tpu.memory_space<semaphore_mem>>
      tpu.enqueue_indirect_dma source(%dma_start3A_969 : memref<1024x128xf32, #tpu.memory_space<vmem_shared>>) target(%dma_start3A_964 : memref<80x128xf32, #tpu.memory_space<vmem>>) offsets(%dma_start3A_966 : memref<80xi32, #tpu.memory_space<vmem>>) semaphore(%dma_start3A_971 : memref<!tpu.dma_semaphore, #tpu.memory_space<semaphore_mem>>)
    } else {
    }
    %lt3A_568 = arith.constant 31 : i32
    %lt3A_569 = arith.cmpi slt, %add3A, %lt3A_568 : i32
    %convert_element_type3A_570 = arith.extui %lt3A_569 : i1 to i32
    %cond3A_571 = arith.constant 0 : i32
    %cond3A_572 = arith.cmpi ne, %convert_element_type3A_570, %cond3A_571 : i32
    scf.if %cond3A_572 {
      %dma_wait3A_941 = arith.constant 5 : i32
      %dma_wait3A_942 = arith.constant 5 : i32
      %dma_wait3A_943 = arith.constant 0 : i32
      %dma_wait3A_944 = arith.constant 0 : i32
      %dma_wait3A_945 = tpu.memref_slice %arg6[%dma_wait3A_941, %dma_wait3A_943, %dma_wait3A_944] : memref<6x80x128xf32, #tpu.memory_space<vmem>> -> memref<1x80x128xf32, #tpu.memory_space<vmem>>
      %dma_wait3A_946 = tpu.memref_squeeze %dma_wait3A_945 : memref<1x80x128xf32, #tpu.memory_space<vmem>> -> memref<80x128xf32, #tpu.memory_space<vmem>>
      %dma_wait3A_947 = arith.constant 880 : i32
      %dma_wait3A_948 = tpu.memref_slice %arg5[%dma_wait3A_947] : memref<3200xi32, #tpu.memory_space<vmem>> -> memref<80xi32, #tpu.memory_space<vmem>>
      %dma_wait3A_949 = arith.constant 0 : i32
      %dma_wait3A_950 = arith.constant 0 : i32
      %dma_wait3A_951 = tpu.memref_slice %arg7[%dma_wait3A_949, %dma_wait3A_950] : memref<1024x128xf32, #tpu.memory_space<vmem_shared>> -> memref<1024x128xf32, #tpu.memory_space<vmem_shared>>
      %dma_wait3A_952 = tpu.memref_slice %arg9[%dma_wait3A_942] : memref<6x!tpu.dma_semaphore, #tpu.memory_space<semaphore_mem>> -> memref<1x!tpu.dma_semaphore, #tpu.memory_space<semaphore_mem>>
      %dma_wait3A_953 = tpu.memref_squeeze %dma_wait3A_952 : memref<1x!tpu.dma_semaphore, #tpu.memory_space<semaphore_mem>> -> memref<!tpu.dma_semaphore, #tpu.memory_space<semaphore_mem>>
      tpu.wait_indirect_dma semaphore(%dma_wait3A_953 : memref<!tpu.dma_semaphore, #tpu.memory_space<semaphore_mem>>) src(%dma_wait3A_951 : memref<1024x128xf32, #tpu.memory_space<vmem_shared>>) dst(%dma_wait3A_946 : memref<80x128xf32, #tpu.memory_space<vmem>>)
      %add3A_954 = arith.constant 880 : i32
      %add3A_955 = arith.addi %mul3A_2, %add3A_954 : i32
      %dma_start3A_956 = arith.constant 5 : i32
      %dma_start3A_957 = arith.constant 5 : i32
      %dma_start3A_958 = arith.constant 0 : i32
      %dma_start3A_959 = arith.constant 0 : i32
      %dma_start3A_960 = tpu.memref_slice %arg6[%dma_start3A_956, %dma_start3A_958, %dma_start3A_959] : memref<6x80x128xf32, #tpu.memory_space<vmem>> -> memref<1x80x128xf32, #tpu.memory_space<vmem>>
      %dma_start3A_961 = tpu.memref_squeeze %dma_start3A_960 : memref<1x80x128xf32, #tpu.memory_space<vmem>> -> memref<80x128xf32, #tpu.memory_space<vmem>>
      %dma_start3A_962 = arith.constant 0 : i32
      %dma_start3A_963 = tpu.memref_slice %arg4[%add3A_955, %dma_start3A_962] : memref<100000x128xf32, #tpu.memory_space<hbm>> -> memref<80x128xf32, #tpu.memory_space<hbm>>
      %dma_start3A_964 = tpu.memref_slice %arg10[%dma_start3A_957] : memref<6x!tpu.dma_semaphore, #tpu.memory_space<semaphore_mem>> -> memref<1x!tpu.dma_semaphore, #tpu.memory_space<semaphore_mem>>
      %dma_start3A_965 = tpu.memref_squeeze %dma_start3A_964 : memref<1x!tpu.dma_semaphore, #tpu.memory_space<semaphore_mem>> -> memref<!tpu.dma_semaphore, #tpu.memory_space<semaphore_mem>>
      %dma_start3A_966 = arith.constant 0 : i32
      %dma_start3A_967 = tpu.memref_slice %arg4[%add3A_955, %dma_start3A_966] : memref<100000x128xf32, #tpu.memory_space<hbm>> -> memref<80x128xf32, #tpu.memory_space<hbm>>
      %dma_start3A_968 = arith.constant 0 : i32
      %dma_start3A_969 = arith.constant 0 : i32
      %dma_start3A_970 = tpu.memref_slice %arg6[%dma_start3A_956, %dma_start3A_968, %dma_start3A_969] : memref<6x80x128xf32, #tpu.memory_space<vmem>> -> memref<1x80x128xf32, #tpu.memory_space<vmem>>
      %dma_start3A_971 = tpu.memref_squeeze %dma_start3A_970 : memref<1x80x128xf32, #tpu.memory_space<vmem>> -> memref<80x128xf32, #tpu.memory_space<vmem>>
      tpu.enqueue_dma source(%dma_start3A_971 : memref<80x128xf32, #tpu.memory_space<vmem>>) target(%dma_start3A_967 : memref<80x128xf32, #tpu.memory_space<hbm>>) target_semaphore(%dma_start3A_965 : memref<!tpu.dma_semaphore, #tpu.memory_space<semaphore_mem>>)
    } else {
    }
    %lt3A_573 = arith.constant 31 : i32
    %lt3A_574 = arith.cmpi slt, %add3A, %lt3A_573 : i32
    %convert_element_type3A_575 = arith.extui %lt3A_574 : i1 to i32
    %cond3A_576 = arith.constant 0 : i32
    %cond3A_577 = arith.cmpi ne, %convert_element_type3A_575, %cond3A_576 : i32
    scf.if %cond3A_577 {
      %dma_wait3A_941 = arith.constant 4 : i32
      %dma_wait3A_942 = arith.constant 4 : i32
      %dma_wait3A_943 = arith.constant 0 : i32
      %dma_wait3A_944 = arith.constant 0 : i32
      %dma_wait3A_945 = tpu.memref_slice %arg6[%dma_wait3A_941, %dma_wait3A_943, %dma_wait3A_944] : memref<6x80x128xf32, #tpu.memory_space<vmem>> -> memref<1x80x128xf32, #tpu.memory_space<vmem>>
      %dma_wait3A_946 = tpu.memref_squeeze %dma_wait3A_945 : memref<1x80x128xf32, #tpu.memory_space<vmem>> -> memref<80x128xf32, #tpu.memory_space<vmem>>
      %dma_wait3A_947 = arith.constant 0 : i32
      %dma_wait3A_948 = arith.constant 0 : i32
      %dma_wait3A_949 = tpu.memref_slice %arg4[%dma_wait3A_947, %dma_wait3A_948] : memref<100000x128xf32, #tpu.memory_space<hbm>> -> memref<80x128xf32, #tpu.memory_space<hbm>>
      %dma_wait3A_950 = tpu.memref_slice %arg10[%dma_wait3A_942] : memref<6x!tpu.dma_semaphore, #tpu.memory_space<semaphore_mem>> -> memref<1x!tpu.dma_semaphore, #tpu.memory_space<semaphore_mem>>
      %dma_wait3A_951 = tpu.memref_squeeze %dma_wait3A_950 : memref<1x!tpu.dma_semaphore, #tpu.memory_space<semaphore_mem>> -> memref<!tpu.dma_semaphore, #tpu.memory_space<semaphore_mem>>
      %dma_wait3A_952 = arith.constant 0 : i32
      %dma_wait3A_953 = arith.constant 0 : i32
      %dma_wait3A_954 = tpu.memref_slice %arg4[%dma_wait3A_952, %dma_wait3A_953] : memref<100000x128xf32, #tpu.memory_space<hbm>> -> memref<80x128xf32, #tpu.memory_space<hbm>>
      %dma_wait3A_955 = arith.constant 0 : i32
      %dma_wait3A_956 = arith.constant 0 : i32
      %dma_wait3A_957 = tpu.memref_slice %arg6[%dma_wait3A_941, %dma_wait3A_955, %dma_wait3A_956] : memref<6x80x128xf32, #tpu.memory_space<vmem>> -> memref<1x80x128xf32, #tpu.memory_space<vmem>>
      %dma_wait3A_958 = tpu.memref_squeeze %dma_wait3A_957 : memref<1x80x128xf32, #tpu.memory_space<vmem>> -> memref<80x128xf32, #tpu.memory_space<vmem>>
      tpu.wait_dma2 semaphore(%dma_wait3A_951 : memref<!tpu.dma_semaphore, #tpu.memory_space<semaphore_mem>>) src(%dma_wait3A_958 : memref<80x128xf32, #tpu.memory_space<vmem>>) dst(%dma_wait3A_954 : memref<80x128xf32, #tpu.memory_space<hbm>>)
      %dma_start3A_959 = arith.constant 4 : i32
      %dma_start3A_960 = arith.constant 4 : i32
      %dma_start3A_961 = arith.constant 0 : i32
      %dma_start3A_962 = arith.constant 0 : i32
      %dma_start3A_963 = tpu.memref_slice %arg6[%dma_start3A_959, %dma_start3A_961, %dma_start3A_962] : memref<6x80x128xf32, #tpu.memory_space<vmem>> -> memref<1x80x128xf32, #tpu.memory_space<vmem>>
      %dma_start3A_964 = tpu.memref_squeeze %dma_start3A_963 : memref<1x80x128xf32, #tpu.memory_space<vmem>> -> memref<80x128xf32, #tpu.memory_space<vmem>>
      %dma_start3A_965 = arith.constant 1280 : i32
      %dma_start3A_966 = tpu.memref_slice %arg5[%dma_start3A_965] : memref<3200xi32, #tpu.memory_space<vmem>> -> memref<80xi32, #tpu.memory_space<vmem>>
      %dma_start3A_967 = arith.constant 0 : i32
      %dma_start3A_968 = arith.constant 0 : i32
      %dma_start3A_969 = tpu.memref_slice %arg7[%dma_start3A_967, %dma_start3A_968] : memref<1024x128xf32, #tpu.memory_space<vmem_shared>> -> memref<1024x128xf32, #tpu.memory_space<vmem_shared>>
      %dma_start3A_970 = tpu.memref_slice %arg9[%dma_start3A_960] : memref<6x!tpu.dma_semaphore, #tpu.memory_space<semaphore_mem>> -> memref<1x!tpu.dma_semaphore, #tpu.memory_space<semaphore_mem>>
      %dma_start3A_971 = tpu.memref_squeeze %dma_start3A_970 : memref<1x!tpu.dma_semaphore, #tpu.memory_space<semaphore_mem>> -> memref<!tpu.dma_semaphore, #tpu.memory_space<semaphore_mem>>
      tpu.enqueue_indirect_dma source(%dma_start3A_969 : memref<1024x128xf32, #tpu.memory_space<vmem_shared>>) target(%dma_start3A_964 : memref<80x128xf32, #tpu.memory_space<vmem>>) offsets(%dma_start3A_966 : memref<80xi32, #tpu.memory_space<vmem>>) semaphore(%dma_start3A_971 : memref<!tpu.dma_semaphore, #tpu.memory_space<semaphore_mem>>)
    } else {
    }
    %lt3A_578 = arith.constant 31 : i32
    %lt3A_579 = arith.cmpi slt, %add3A, %lt3A_578 : i32
    %convert_element_type3A_580 = arith.extui %lt3A_579 : i1 to i32
    %cond3A_581 = arith.constant 0 : i32
    %cond3A_582 = arith.cmpi ne, %convert_element_type3A_580, %cond3A_581 : i32
    scf.if %cond3A_582 {
      %dma_wait3A_941 = arith.constant 0 : i32
      %dma_wait3A_942 = arith.constant 0 : i32
      %dma_wait3A_943 = arith.constant 0 : i32
      %dma_wait3A_944 = arith.constant 0 : i32
      %dma_wait3A_945 = tpu.memref_slice %arg6[%dma_wait3A_941, %dma_wait3A_943, %dma_wait3A_944] : memref<6x80x128xf32, #tpu.memory_space<vmem>> -> memref<1x80x128xf32, #tpu.memory_space<vmem>>
      %dma_wait3A_946 = tpu.memref_squeeze %dma_wait3A_945 : memref<1x80x128xf32, #tpu.memory_space<vmem>> -> memref<80x128xf32, #tpu.memory_space<vmem>>
      %dma_wait3A_947 = arith.constant 960 : i32
      %dma_wait3A_948 = tpu.memref_slice %arg5[%dma_wait3A_947] : memref<3200xi32, #tpu.memory_space<vmem>> -> memref<80xi32, #tpu.memory_space<vmem>>
      %dma_wait3A_949 = arith.constant 0 : i32
      %dma_wait3A_950 = arith.constant 0 : i32
      %dma_wait3A_951 = tpu.memref_slice %arg7[%dma_wait3A_949, %dma_wait3A_950] : memref<1024x128xf32, #tpu.memory_space<vmem_shared>> -> memref<1024x128xf32, #tpu.memory_space<vmem_shared>>
      %dma_wait3A_952 = tpu.memref_slice %arg9[%dma_wait3A_942] : memref<6x!tpu.dma_semaphore, #tpu.memory_space<semaphore_mem>> -> memref<1x!tpu.dma_semaphore, #tpu.memory_space<semaphore_mem>>
      %dma_wait3A_953 = tpu.memref_squeeze %dma_wait3A_952 : memref<1x!tpu.dma_semaphore, #tpu.memory_space<semaphore_mem>> -> memref<!tpu.dma_semaphore, #tpu.memory_space<semaphore_mem>>
      tpu.wait_indirect_dma semaphore(%dma_wait3A_953 : memref<!tpu.dma_semaphore, #tpu.memory_space<semaphore_mem>>) src(%dma_wait3A_951 : memref<1024x128xf32, #tpu.memory_space<vmem_shared>>) dst(%dma_wait3A_946 : memref<80x128xf32, #tpu.memory_space<vmem>>)
      %add3A_954 = arith.constant 960 : i32
      %add3A_955 = arith.addi %mul3A_2, %add3A_954 : i32
      %dma_start3A_956 = arith.constant 0 : i32
      %dma_start3A_957 = arith.constant 0 : i32
      %dma_start3A_958 = arith.constant 0 : i32
      %dma_start3A_959 = arith.constant 0 : i32
      %dma_start3A_960 = tpu.memref_slice %arg6[%dma_start3A_956, %dma_start3A_958, %dma_start3A_959] : memref<6x80x128xf32, #tpu.memory_space<vmem>> -> memref<1x80x128xf32, #tpu.memory_space<vmem>>
      %dma_start3A_961 = tpu.memref_squeeze %dma_start3A_960 : memref<1x80x128xf32, #tpu.memory_space<vmem>> -> memref<80x128xf32, #tpu.memory_space<vmem>>
      %dma_start3A_962 = arith.constant 0 : i32
      %dma_start3A_963 = tpu.memref_slice %arg4[%add3A_955, %dma_start3A_962] : memref<100000x128xf32, #tpu.memory_space<hbm>> -> memref<80x128xf32, #tpu.memory_space<hbm>>
      %dma_start3A_964 = tpu.memref_slice %arg10[%dma_start3A_957] : memref<6x!tpu.dma_semaphore, #tpu.memory_space<semaphore_mem>> -> memref<1x!tpu.dma_semaphore, #tpu.memory_space<semaphore_mem>>
      %dma_start3A_965 = tpu.memref_squeeze %dma_start3A_964 : memref<1x!tpu.dma_semaphore, #tpu.memory_space<semaphore_mem>> -> memref<!tpu.dma_semaphore, #tpu.memory_space<semaphore_mem>>
      %dma_start3A_966 = arith.constant 0 : i32
      %dma_start3A_967 = tpu.memref_slice %arg4[%add3A_955, %dma_start3A_966] : memref<100000x128xf32, #tpu.memory_space<hbm>> -> memref<80x128xf32, #tpu.memory_space<hbm>>
      %dma_start3A_968 = arith.constant 0 : i32
      %dma_start3A_969 = arith.constant 0 : i32
      %dma_start3A_970 = tpu.memref_slice %arg6[%dma_start3A_956, %dma_start3A_968, %dma_start3A_969] : memref<6x80x128xf32, #tpu.memory_space<vmem>> -> memref<1x80x128xf32, #tpu.memory_space<vmem>>
      %dma_start3A_971 = tpu.memref_squeeze %dma_start3A_970 : memref<1x80x128xf32, #tpu.memory_space<vmem>> -> memref<80x128xf32, #tpu.memory_space<vmem>>
      tpu.enqueue_dma source(%dma_start3A_971 : memref<80x128xf32, #tpu.memory_space<vmem>>) target(%dma_start3A_967 : memref<80x128xf32, #tpu.memory_space<hbm>>) target_semaphore(%dma_start3A_965 : memref<!tpu.dma_semaphore, #tpu.memory_space<semaphore_mem>>)
    } else {
    }
    %lt3A_583 = arith.constant 31 : i32
    %lt3A_584 = arith.cmpi slt, %add3A, %lt3A_583 : i32
    %convert_element_type3A_585 = arith.extui %lt3A_584 : i1 to i32
    %cond3A_586 = arith.constant 0 : i32
    %cond3A_587 = arith.cmpi ne, %convert_element_type3A_585, %cond3A_586 : i32
    scf.if %cond3A_587 {
      %dma_wait3A_941 = arith.constant 5 : i32
      %dma_wait3A_942 = arith.constant 5 : i32
      %dma_wait3A_943 = arith.constant 0 : i32
      %dma_wait3A_944 = arith.constant 0 : i32
      %dma_wait3A_945 = tpu.memref_slice %arg6[%dma_wait3A_941, %dma_wait3A_943, %dma_wait3A_944] : memref<6x80x128xf32, #tpu.memory_space<vmem>> -> memref<1x80x128xf32, #tpu.memory_space<vmem>>
      %dma_wait3A_946 = tpu.memref_squeeze %dma_wait3A_945 : memref<1x80x128xf32, #tpu.memory_space<vmem>> -> memref<80x128xf32, #tpu.memory_space<vmem>>
      %dma_wait3A_947 = arith.constant 0 : i32
      %dma_wait3A_948 = arith.constant 0 : i32
      %dma_wait3A_949 = tpu.memref_slice %arg4[%dma_wait3A_947, %dma_wait3A_948] : memref<100000x128xf32, #tpu.memory_space<hbm>> -> memref<80x128xf32, #tpu.memory_space<hbm>>
      %dma_wait3A_950 = tpu.memref_slice %arg10[%dma_wait3A_942] : memref<6x!tpu.dma_semaphore, #tpu.memory_space<semaphore_mem>> -> memref<1x!tpu.dma_semaphore, #tpu.memory_space<semaphore_mem>>
      %dma_wait3A_951 = tpu.memref_squeeze %dma_wait3A_950 : memref<1x!tpu.dma_semaphore, #tpu.memory_space<semaphore_mem>> -> memref<!tpu.dma_semaphore, #tpu.memory_space<semaphore_mem>>
      %dma_wait3A_952 = arith.constant 0 : i32
      %dma_wait3A_953 = arith.constant 0 : i32
      %dma_wait3A_954 = tpu.memref_slice %arg4[%dma_wait3A_952, %dma_wait3A_953] : memref<100000x128xf32, #tpu.memory_space<hbm>> -> memref<80x128xf32, #tpu.memory_space<hbm>>
      %dma_wait3A_955 = arith.constant 0 : i32
      %dma_wait3A_956 = arith.constant 0 : i32
      %dma_wait3A_957 = tpu.memref_slice %arg6[%dma_wait3A_941, %dma_wait3A_955, %dma_wait3A_956] : memref<6x80x128xf32, #tpu.memory_space<vmem>> -> memref<1x80x128xf32, #tpu.memory_space<vmem>>
      %dma_wait3A_958 = tpu.memref_squeeze %dma_wait3A_957 : memref<1x80x128xf32, #tpu.memory_space<vmem>> -> memref<80x128xf32, #tpu.memory_space<vmem>>
      tpu.wait_dma2 semaphore(%dma_wait3A_951 : memref<!tpu.dma_semaphore, #tpu.memory_space<semaphore_mem>>) src(%dma_wait3A_958 : memref<80x128xf32, #tpu.memory_space<vmem>>) dst(%dma_wait3A_954 : memref<80x128xf32, #tpu.memory_space<hbm>>)
      %dma_start3A_959 = arith.constant 5 : i32
      %dma_start3A_960 = arith.constant 5 : i32
      %dma_start3A_961 = arith.constant 0 : i32
      %dma_start3A_962 = arith.constant 0 : i32
      %dma_start3A_963 = tpu.memref_slice %arg6[%dma_start3A_959, %dma_start3A_961, %dma_start3A_962] : memref<6x80x128xf32, #tpu.memory_space<vmem>> -> memref<1x80x128xf32, #tpu.memory_space<vmem>>
      %dma_start3A_964 = tpu.memref_squeeze %dma_start3A_963 : memref<1x80x128xf32, #tpu.memory_space<vmem>> -> memref<80x128xf32, #tpu.memory_space<vmem>>
      %dma_start3A_965 = arith.constant 1360 : i32
      %dma_start3A_966 = tpu.memref_slice %arg5[%dma_start3A_965] : memref<3200xi32, #tpu.memory_space<vmem>> -> memref<80xi32, #tpu.memory_space<vmem>>
      %dma_start3A_967 = arith.constant 0 : i32
      %dma_start3A_968 = arith.constant 0 : i32
      %dma_start3A_969 = tpu.memref_slice %arg7[%dma_start3A_967, %dma_start3A_968] : memref<1024x128xf32, #tpu.memory_space<vmem_shared>> -> memref<1024x128xf32, #tpu.memory_space<vmem_shared>>
      %dma_start3A_970 = tpu.memref_slice %arg9[%dma_start3A_960] : memref<6x!tpu.dma_semaphore, #tpu.memory_space<semaphore_mem>> -> memref<1x!tpu.dma_semaphore, #tpu.memory_space<semaphore_mem>>
      %dma_start3A_971 = tpu.memref_squeeze %dma_start3A_970 : memref<1x!tpu.dma_semaphore, #tpu.memory_space<semaphore_mem>> -> memref<!tpu.dma_semaphore, #tpu.memory_space<semaphore_mem>>
      tpu.enqueue_indirect_dma source(%dma_start3A_969 : memref<1024x128xf32, #tpu.memory_space<vmem_shared>>) target(%dma_start3A_964 : memref<80x128xf32, #tpu.memory_space<vmem>>) offsets(%dma_start3A_966 : memref<80xi32, #tpu.memory_space<vmem>>) semaphore(%dma_start3A_971 : memref<!tpu.dma_semaphore, #tpu.memory_space<semaphore_mem>>)
    } else {
    }
    %lt3A_588 = arith.constant 31 : i32
    %lt3A_589 = arith.cmpi slt, %add3A, %lt3A_588 : i32
    %convert_element_type3A_590 = arith.extui %lt3A_589 : i1 to i32
    %cond3A_591 = arith.constant 0 : i32
    %cond3A_592 = arith.cmpi ne, %convert_element_type3A_590, %cond3A_591 : i32
    scf.if %cond3A_592 {
      %dma_wait3A_941 = arith.constant 1 : i32
      %dma_wait3A_942 = arith.constant 1 : i32
      %dma_wait3A_943 = arith.constant 0 : i32
      %dma_wait3A_944 = arith.constant 0 : i32
      %dma_wait3A_945 = tpu.memref_slice %arg6[%dma_wait3A_941, %dma_wait3A_943, %dma_wait3A_944] : memref<6x80x128xf32, #tpu.memory_space<vmem>> -> memref<1x80x128xf32, #tpu.memory_space<vmem>>
      %dma_wait3A_946 = tpu.memref_squeeze %dma_wait3A_945 : memref<1x80x128xf32, #tpu.memory_space<vmem>> -> memref<80x128xf32, #tpu.memory_space<vmem>>
      %dma_wait3A_947 = arith.constant 1040 : i32
      %dma_wait3A_948 = tpu.memref_slice %arg5[%dma_wait3A_947] : memref<3200xi32, #tpu.memory_space<vmem>> -> memref<80xi32, #tpu.memory_space<vmem>>
      %dma_wait3A_949 = arith.constant 0 : i32
      %dma_wait3A_950 = arith.constant 0 : i32
      %dma_wait3A_951 = tpu.memref_slice %arg7[%dma_wait3A_949, %dma_wait3A_950] : memref<1024x128xf32, #tpu.memory_space<vmem_shared>> -> memref<1024x128xf32, #tpu.memory_space<vmem_shared>>
      %dma_wait3A_952 = tpu.memref_slice %arg9[%dma_wait3A_942] : memref<6x!tpu.dma_semaphore, #tpu.memory_space<semaphore_mem>> -> memref<1x!tpu.dma_semaphore, #tpu.memory_space<semaphore_mem>>
      %dma_wait3A_953 = tpu.memref_squeeze %dma_wait3A_952 : memref<1x!tpu.dma_semaphore, #tpu.memory_space<semaphore_mem>> -> memref<!tpu.dma_semaphore, #tpu.memory_space<semaphore_mem>>
      tpu.wait_indirect_dma semaphore(%dma_wait3A_953 : memref<!tpu.dma_semaphore, #tpu.memory_space<semaphore_mem>>) src(%dma_wait3A_951 : memref<1024x128xf32, #tpu.memory_space<vmem_shared>>) dst(%dma_wait3A_946 : memref<80x128xf32, #tpu.memory_space<vmem>>)
      %add3A_954 = arith.constant 1040 : i32
      %add3A_955 = arith.addi %mul3A_2, %add3A_954 : i32
      %dma_start3A_956 = arith.constant 1 : i32
      %dma_start3A_957 = arith.constant 1 : i32
      %dma_start3A_958 = arith.constant 0 : i32
      %dma_start3A_959 = arith.constant 0 : i32
      %dma_start3A_960 = tpu.memref_slice %arg6[%dma_start3A_956, %dma_start3A_958, %dma_start3A_959] : memref<6x80x128xf32, #tpu.memory_space<vmem>> -> memref<1x80x128xf32, #tpu.memory_space<vmem>>
      %dma_start3A_961 = tpu.memref_squeeze %dma_start3A_960 : memref<1x80x128xf32, #tpu.memory_space<vmem>> -> memref<80x128xf32, #tpu.memory_space<vmem>>
      %dma_start3A_962 = arith.constant 0 : i32
      %dma_start3A_963 = tpu.memref_slice %arg4[%add3A_955, %dma_start3A_962] : memref<100000x128xf32, #tpu.memory_space<hbm>> -> memref<80x128xf32, #tpu.memory_space<hbm>>
      %dma_start3A_964 = tpu.memref_slice %arg10[%dma_start3A_957] : memref<6x!tpu.dma_semaphore, #tpu.memory_space<semaphore_mem>> -> memref<1x!tpu.dma_semaphore, #tpu.memory_space<semaphore_mem>>
      %dma_start3A_965 = tpu.memref_squeeze %dma_start3A_964 : memref<1x!tpu.dma_semaphore, #tpu.memory_space<semaphore_mem>> -> memref<!tpu.dma_semaphore, #tpu.memory_space<semaphore_mem>>
      %dma_start3A_966 = arith.constant 0 : i32
      %dma_start3A_967 = tpu.memref_slice %arg4[%add3A_955, %dma_start3A_966] : memref<100000x128xf32, #tpu.memory_space<hbm>> -> memref<80x128xf32, #tpu.memory_space<hbm>>
      %dma_start3A_968 = arith.constant 0 : i32
      %dma_start3A_969 = arith.constant 0 : i32
      %dma_start3A_970 = tpu.memref_slice %arg6[%dma_start3A_956, %dma_start3A_968, %dma_start3A_969] : memref<6x80x128xf32, #tpu.memory_space<vmem>> -> memref<1x80x128xf32, #tpu.memory_space<vmem>>
      %dma_start3A_971 = tpu.memref_squeeze %dma_start3A_970 : memref<1x80x128xf32, #tpu.memory_space<vmem>> -> memref<80x128xf32, #tpu.memory_space<vmem>>
      tpu.enqueue_dma source(%dma_start3A_971 : memref<80x128xf32, #tpu.memory_space<vmem>>) target(%dma_start3A_967 : memref<80x128xf32, #tpu.memory_space<hbm>>) target_semaphore(%dma_start3A_965 : memref<!tpu.dma_semaphore, #tpu.memory_space<semaphore_mem>>)
    } else {
    }
    %lt3A_593 = arith.constant 31 : i32
    %lt3A_594 = arith.cmpi slt, %add3A, %lt3A_593 : i32
    %convert_element_type3A_595 = arith.extui %lt3A_594 : i1 to i32
    %cond3A_596 = arith.constant 0 : i32
    %cond3A_597 = arith.cmpi ne, %convert_element_type3A_595, %cond3A_596 : i32
    scf.if %cond3A_597 {
      %dma_wait3A_941 = arith.constant 0 : i32
      %dma_wait3A_942 = arith.constant 0 : i32
      %dma_wait3A_943 = arith.constant 0 : i32
      %dma_wait3A_944 = arith.constant 0 : i32
      %dma_wait3A_945 = tpu.memref_slice %arg6[%dma_wait3A_941, %dma_wait3A_943, %dma_wait3A_944] : memref<6x80x128xf32, #tpu.memory_space<vmem>> -> memref<1x80x128xf32, #tpu.memory_space<vmem>>
      %dma_wait3A_946 = tpu.memref_squeeze %dma_wait3A_945 : memref<1x80x128xf32, #tpu.memory_space<vmem>> -> memref<80x128xf32, #tpu.memory_space<vmem>>
      %dma_wait3A_947 = arith.constant 0 : i32
      %dma_wait3A_948 = arith.constant 0 : i32
      %dma_wait3A_949 = tpu.memref_slice %arg4[%dma_wait3A_947, %dma_wait3A_948] : memref<100000x128xf32, #tpu.memory_space<hbm>> -> memref<80x128xf32, #tpu.memory_space<hbm>>
      %dma_wait3A_950 = tpu.memref_slice %arg10[%dma_wait3A_942] : memref<6x!tpu.dma_semaphore, #tpu.memory_space<semaphore_mem>> -> memref<1x!tpu.dma_semaphore, #tpu.memory_space<semaphore_mem>>
      %dma_wait3A_951 = tpu.memref_squeeze %dma_wait3A_950 : memref<1x!tpu.dma_semaphore, #tpu.memory_space<semaphore_mem>> -> memref<!tpu.dma_semaphore, #tpu.memory_space<semaphore_mem>>
      %dma_wait3A_952 = arith.constant 0 : i32
      %dma_wait3A_953 = arith.constant 0 : i32
      %dma_wait3A_954 = tpu.memref_slice %arg4[%dma_wait3A_952, %dma_wait3A_953] : memref<100000x128xf32, #tpu.memory_space<hbm>> -> memref<80x128xf32, #tpu.memory_space<hbm>>
      %dma_wait3A_955 = arith.constant 0 : i32
      %dma_wait3A_956 = arith.constant 0 : i32
      %dma_wait3A_957 = tpu.memref_slice %arg6[%dma_wait3A_941, %dma_wait3A_955, %dma_wait3A_956] : memref<6x80x128xf32, #tpu.memory_space<vmem>> -> memref<1x80x128xf32, #tpu.memory_space<vmem>>
      %dma_wait3A_958 = tpu.memref_squeeze %dma_wait3A_957 : memref<1x80x128xf32, #tpu.memory_space<vmem>> -> memref<80x128xf32, #tpu.memory_space<vmem>>
      tpu.wait_dma2 semaphore(%dma_wait3A_951 : memref<!tpu.dma_semaphore, #tpu.memory_space<semaphore_mem>>) src(%dma_wait3A_958 : memref<80x128xf32, #tpu.memory_space<vmem>>) dst(%dma_wait3A_954 : memref<80x128xf32, #tpu.memory_space<hbm>>)
      %dma_start3A_959 = arith.constant 0 : i32
      %dma_start3A_960 = arith.constant 0 : i32
      %dma_start3A_961 = arith.constant 0 : i32
      %dma_start3A_962 = arith.constant 0 : i32
      %dma_start3A_963 = tpu.memref_slice %arg6[%dma_start3A_959, %dma_start3A_961, %dma_start3A_962] : memref<6x80x128xf32, #tpu.memory_space<vmem>> -> memref<1x80x128xf32, #tpu.memory_space<vmem>>
      %dma_start3A_964 = tpu.memref_squeeze %dma_start3A_963 : memref<1x80x128xf32, #tpu.memory_space<vmem>> -> memref<80x128xf32, #tpu.memory_space<vmem>>
      %dma_start3A_965 = arith.constant 1440 : i32
      %dma_start3A_966 = tpu.memref_slice %arg5[%dma_start3A_965] : memref<3200xi32, #tpu.memory_space<vmem>> -> memref<80xi32, #tpu.memory_space<vmem>>
      %dma_start3A_967 = arith.constant 0 : i32
      %dma_start3A_968 = arith.constant 0 : i32
      %dma_start3A_969 = tpu.memref_slice %arg7[%dma_start3A_967, %dma_start3A_968] : memref<1024x128xf32, #tpu.memory_space<vmem_shared>> -> memref<1024x128xf32, #tpu.memory_space<vmem_shared>>
      %dma_start3A_970 = tpu.memref_slice %arg9[%dma_start3A_960] : memref<6x!tpu.dma_semaphore, #tpu.memory_space<semaphore_mem>> -> memref<1x!tpu.dma_semaphore, #tpu.memory_space<semaphore_mem>>
      %dma_start3A_971 = tpu.memref_squeeze %dma_start3A_970 : memref<1x!tpu.dma_semaphore, #tpu.memory_space<semaphore_mem>> -> memref<!tpu.dma_semaphore, #tpu.memory_space<semaphore_mem>>
      tpu.enqueue_indirect_dma source(%dma_start3A_969 : memref<1024x128xf32, #tpu.memory_space<vmem_shared>>) target(%dma_start3A_964 : memref<80x128xf32, #tpu.memory_space<vmem>>) offsets(%dma_start3A_966 : memref<80xi32, #tpu.memory_space<vmem>>) semaphore(%dma_start3A_971 : memref<!tpu.dma_semaphore, #tpu.memory_space<semaphore_mem>>)
    } else {
    }
    %lt3A_598 = arith.constant 31 : i32
    %lt3A_599 = arith.cmpi slt, %add3A, %lt3A_598 : i32
    %convert_element_type3A_600 = arith.extui %lt3A_599 : i1 to i32
    %cond3A_601 = arith.constant 0 : i32
    %cond3A_602 = arith.cmpi ne, %convert_element_type3A_600, %cond3A_601 : i32
    scf.if %cond3A_602 {
      %dma_wait3A_941 = arith.constant 2 : i32
      %dma_wait3A_942 = arith.constant 2 : i32
      %dma_wait3A_943 = arith.constant 0 : i32
      %dma_wait3A_944 = arith.constant 0 : i32
      %dma_wait3A_945 = tpu.memref_slice %arg6[%dma_wait3A_941, %dma_wait3A_943, %dma_wait3A_944] : memref<6x80x128xf32, #tpu.memory_space<vmem>> -> memref<1x80x128xf32, #tpu.memory_space<vmem>>
      %dma_wait3A_946 = tpu.memref_squeeze %dma_wait3A_945 : memref<1x80x128xf32, #tpu.memory_space<vmem>> -> memref<80x128xf32, #tpu.memory_space<vmem>>
      %dma_wait3A_947 = arith.constant 1120 : i32
      %dma_wait3A_948 = tpu.memref_slice %arg5[%dma_wait3A_947] : memref<3200xi32, #tpu.memory_space<vmem>> -> memref<80xi32, #tpu.memory_space<vmem>>
      %dma_wait3A_949 = arith.constant 0 : i32
      %dma_wait3A_950 = arith.constant 0 : i32
      %dma_wait3A_951 = tpu.memref_slice %arg7[%dma_wait3A_949, %dma_wait3A_950] : memref<1024x128xf32, #tpu.memory_space<vmem_shared>> -> memref<1024x128xf32, #tpu.memory_space<vmem_shared>>
      %dma_wait3A_952 = tpu.memref_slice %arg9[%dma_wait3A_942] : memref<6x!tpu.dma_semaphore, #tpu.memory_space<semaphore_mem>> -> memref<1x!tpu.dma_semaphore, #tpu.memory_space<semaphore_mem>>
      %dma_wait3A_953 = tpu.memref_squeeze %dma_wait3A_952 : memref<1x!tpu.dma_semaphore, #tpu.memory_space<semaphore_mem>> -> memref<!tpu.dma_semaphore, #tpu.memory_space<semaphore_mem>>
      tpu.wait_indirect_dma semaphore(%dma_wait3A_953 : memref<!tpu.dma_semaphore, #tpu.memory_space<semaphore_mem>>) src(%dma_wait3A_951 : memref<1024x128xf32, #tpu.memory_space<vmem_shared>>) dst(%dma_wait3A_946 : memref<80x128xf32, #tpu.memory_space<vmem>>)
      %add3A_954 = arith.constant 1120 : i32
      %add3A_955 = arith.addi %mul3A_2, %add3A_954 : i32
      %dma_start3A_956 = arith.constant 2 : i32
      %dma_start3A_957 = arith.constant 2 : i32
      %dma_start3A_958 = arith.constant 0 : i32
      %dma_start3A_959 = arith.constant 0 : i32
      %dma_start3A_960 = tpu.memref_slice %arg6[%dma_start3A_956, %dma_start3A_958, %dma_start3A_959] : memref<6x80x128xf32, #tpu.memory_space<vmem>> -> memref<1x80x128xf32, #tpu.memory_space<vmem>>
      %dma_start3A_961 = tpu.memref_squeeze %dma_start3A_960 : memref<1x80x128xf32, #tpu.memory_space<vmem>> -> memref<80x128xf32, #tpu.memory_space<vmem>>
      %dma_start3A_962 = arith.constant 0 : i32
      %dma_start3A_963 = tpu.memref_slice %arg4[%add3A_955, %dma_start3A_962] : memref<100000x128xf32, #tpu.memory_space<hbm>> -> memref<80x128xf32, #tpu.memory_space<hbm>>
      %dma_start3A_964 = tpu.memref_slice %arg10[%dma_start3A_957] : memref<6x!tpu.dma_semaphore, #tpu.memory_space<semaphore_mem>> -> memref<1x!tpu.dma_semaphore, #tpu.memory_space<semaphore_mem>>
      %dma_start3A_965 = tpu.memref_squeeze %dma_start3A_964 : memref<1x!tpu.dma_semaphore, #tpu.memory_space<semaphore_mem>> -> memref<!tpu.dma_semaphore, #tpu.memory_space<semaphore_mem>>
      %dma_start3A_966 = arith.constant 0 : i32
      %dma_start3A_967 = tpu.memref_slice %arg4[%add3A_955, %dma_start3A_966] : memref<100000x128xf32, #tpu.memory_space<hbm>> -> memref<80x128xf32, #tpu.memory_space<hbm>>
      %dma_start3A_968 = arith.constant 0 : i32
      %dma_start3A_969 = arith.constant 0 : i32
      %dma_start3A_970 = tpu.memref_slice %arg6[%dma_start3A_956, %dma_start3A_968, %dma_start3A_969] : memref<6x80x128xf32, #tpu.memory_space<vmem>> -> memref<1x80x128xf32, #tpu.memory_space<vmem>>
      %dma_start3A_971 = tpu.memref_squeeze %dma_start3A_970 : memref<1x80x128xf32, #tpu.memory_space<vmem>> -> memref<80x128xf32, #tpu.memory_space<vmem>>
      tpu.enqueue_dma source(%dma_start3A_971 : memref<80x128xf32, #tpu.memory_space<vmem>>) target(%dma_start3A_967 : memref<80x128xf32, #tpu.memory_space<hbm>>) target_semaphore(%dma_start3A_965 : memref<!tpu.dma_semaphore, #tpu.memory_space<semaphore_mem>>)
    } else {
    }
    %lt3A_603 = arith.constant 31 : i32
    %lt3A_604 = arith.cmpi slt, %add3A, %lt3A_603 : i32
    %convert_element_type3A_605 = arith.extui %lt3A_604 : i1 to i32
    %cond3A_606 = arith.constant 0 : i32
    %cond3A_607 = arith.cmpi ne, %convert_element_type3A_605, %cond3A_606 : i32
    scf.if %cond3A_607 {
      %dma_wait3A_941 = arith.constant 1 : i32
      %dma_wait3A_942 = arith.constant 1 : i32
      %dma_wait3A_943 = arith.constant 0 : i32
      %dma_wait3A_944 = arith.constant 0 : i32
      %dma_wait3A_945 = tpu.memref_slice %arg6[%dma_wait3A_941, %dma_wait3A_943, %dma_wait3A_944] : memref<6x80x128xf32, #tpu.memory_space<vmem>> -> memref<1x80x128xf32, #tpu.memory_space<vmem>>
      %dma_wait3A_946 = tpu.memref_squeeze %dma_wait3A_945 : memref<1x80x128xf32, #tpu.memory_space<vmem>> -> memref<80x128xf32, #tpu.memory_space<vmem>>
      %dma_wait3A_947 = arith.constant 0 : i32
      %dma_wait3A_948 = arith.constant 0 : i32
      %dma_wait3A_949 = tpu.memref_slice %arg4[%dma_wait3A_947, %dma_wait3A_948] : memref<100000x128xf32, #tpu.memory_space<hbm>> -> memref<80x128xf32, #tpu.memory_space<hbm>>
      %dma_wait3A_950 = tpu.memref_slice %arg10[%dma_wait3A_942] : memref<6x!tpu.dma_semaphore, #tpu.memory_space<semaphore_mem>> -> memref<1x!tpu.dma_semaphore, #tpu.memory_space<semaphore_mem>>
      %dma_wait3A_951 = tpu.memref_squeeze %dma_wait3A_950 : memref<1x!tpu.dma_semaphore, #tpu.memory_space<semaphore_mem>> -> memref<!tpu.dma_semaphore, #tpu.memory_space<semaphore_mem>>
      %dma_wait3A_952 = arith.constant 0 : i32
      %dma_wait3A_953 = arith.constant 0 : i32
      %dma_wait3A_954 = tpu.memref_slice %arg4[%dma_wait3A_952, %dma_wait3A_953] : memref<100000x128xf32, #tpu.memory_space<hbm>> -> memref<80x128xf32, #tpu.memory_space<hbm>>
      %dma_wait3A_955 = arith.constant 0 : i32
      %dma_wait3A_956 = arith.constant 0 : i32
      %dma_wait3A_957 = tpu.memref_slice %arg6[%dma_wait3A_941, %dma_wait3A_955, %dma_wait3A_956] : memref<6x80x128xf32, #tpu.memory_space<vmem>> -> memref<1x80x128xf32, #tpu.memory_space<vmem>>
      %dma_wait3A_958 = tpu.memref_squeeze %dma_wait3A_957 : memref<1x80x128xf32, #tpu.memory_space<vmem>> -> memref<80x128xf32, #tpu.memory_space<vmem>>
      tpu.wait_dma2 semaphore(%dma_wait3A_951 : memref<!tpu.dma_semaphore, #tpu.memory_space<semaphore_mem>>) src(%dma_wait3A_958 : memref<80x128xf32, #tpu.memory_space<vmem>>) dst(%dma_wait3A_954 : memref<80x128xf32, #tpu.memory_space<hbm>>)
      %dma_start3A_959 = arith.constant 1 : i32
      %dma_start3A_960 = arith.constant 1 : i32
      %dma_start3A_961 = arith.constant 0 : i32
      %dma_start3A_962 = arith.constant 0 : i32
      %dma_start3A_963 = tpu.memref_slice %arg6[%dma_start3A_959, %dma_start3A_961, %dma_start3A_962] : memref<6x80x128xf32, #tpu.memory_space<vmem>> -> memref<1x80x128xf32, #tpu.memory_space<vmem>>
      %dma_start3A_964 = tpu.memref_squeeze %dma_start3A_963 : memref<1x80x128xf32, #tpu.memory_space<vmem>> -> memref<80x128xf32, #tpu.memory_space<vmem>>
      %dma_start3A_965 = arith.constant 1520 : i32
      %dma_start3A_966 = tpu.memref_slice %arg5[%dma_start3A_965] : memref<3200xi32, #tpu.memory_space<vmem>> -> memref<80xi32, #tpu.memory_space<vmem>>
      %dma_start3A_967 = arith.constant 0 : i32
      %dma_start3A_968 = arith.constant 0 : i32
      %dma_start3A_969 = tpu.memref_slice %arg7[%dma_start3A_967, %dma_start3A_968] : memref<1024x128xf32, #tpu.memory_space<vmem_shared>> -> memref<1024x128xf32, #tpu.memory_space<vmem_shared>>
      %dma_start3A_970 = tpu.memref_slice %arg9[%dma_start3A_960] : memref<6x!tpu.dma_semaphore, #tpu.memory_space<semaphore_mem>> -> memref<1x!tpu.dma_semaphore, #tpu.memory_space<semaphore_mem>>
      %dma_start3A_971 = tpu.memref_squeeze %dma_start3A_970 : memref<1x!tpu.dma_semaphore, #tpu.memory_space<semaphore_mem>> -> memref<!tpu.dma_semaphore, #tpu.memory_space<semaphore_mem>>
      tpu.enqueue_indirect_dma source(%dma_start3A_969 : memref<1024x128xf32, #tpu.memory_space<vmem_shared>>) target(%dma_start3A_964 : memref<80x128xf32, #tpu.memory_space<vmem>>) offsets(%dma_start3A_966 : memref<80xi32, #tpu.memory_space<vmem>>) semaphore(%dma_start3A_971 : memref<!tpu.dma_semaphore, #tpu.memory_space<semaphore_mem>>)
    } else {
    }
    %lt3A_608 = arith.constant 31 : i32
    %lt3A_609 = arith.cmpi slt, %add3A, %lt3A_608 : i32
    %convert_element_type3A_610 = arith.extui %lt3A_609 : i1 to i32
    %cond3A_611 = arith.constant 0 : i32
    %cond3A_612 = arith.cmpi ne, %convert_element_type3A_610, %cond3A_611 : i32
    scf.if %cond3A_612 {
      %dma_wait3A_941 = arith.constant 3 : i32
      %dma_wait3A_942 = arith.constant 3 : i32
      %dma_wait3A_943 = arith.constant 0 : i32
      %dma_wait3A_944 = arith.constant 0 : i32
      %dma_wait3A_945 = tpu.memref_slice %arg6[%dma_wait3A_941, %dma_wait3A_943, %dma_wait3A_944] : memref<6x80x128xf32, #tpu.memory_space<vmem>> -> memref<1x80x128xf32, #tpu.memory_space<vmem>>
      %dma_wait3A_946 = tpu.memref_squeeze %dma_wait3A_945 : memref<1x80x128xf32, #tpu.memory_space<vmem>> -> memref<80x128xf32, #tpu.memory_space<vmem>>
      %dma_wait3A_947 = arith.constant 1200 : i32
      %dma_wait3A_948 = tpu.memref_slice %arg5[%dma_wait3A_947] : memref<3200xi32, #tpu.memory_space<vmem>> -> memref<80xi32, #tpu.memory_space<vmem>>
      %dma_wait3A_949 = arith.constant 0 : i32
      %dma_wait3A_950 = arith.constant 0 : i32
      %dma_wait3A_951 = tpu.memref_slice %arg7[%dma_wait3A_949, %dma_wait3A_950] : memref<1024x128xf32, #tpu.memory_space<vmem_shared>> -> memref<1024x128xf32, #tpu.memory_space<vmem_shared>>
      %dma_wait3A_952 = tpu.memref_slice %arg9[%dma_wait3A_942] : memref<6x!tpu.dma_semaphore, #tpu.memory_space<semaphore_mem>> -> memref<1x!tpu.dma_semaphore, #tpu.memory_space<semaphore_mem>>
      %dma_wait3A_953 = tpu.memref_squeeze %dma_wait3A_952 : memref<1x!tpu.dma_semaphore, #tpu.memory_space<semaphore_mem>> -> memref<!tpu.dma_semaphore, #tpu.memory_space<semaphore_mem>>
      tpu.wait_indirect_dma semaphore(%dma_wait3A_953 : memref<!tpu.dma_semaphore, #tpu.memory_space<semaphore_mem>>) src(%dma_wait3A_951 : memref<1024x128xf32, #tpu.memory_space<vmem_shared>>) dst(%dma_wait3A_946 : memref<80x128xf32, #tpu.memory_space<vmem>>)
      %add3A_954 = arith.constant 1200 : i32
      %add3A_955 = arith.addi %mul3A_2, %add3A_954 : i32
      %dma_start3A_956 = arith.constant 3 : i32
      %dma_start3A_957 = arith.constant 3 : i32
      %dma_start3A_958 = arith.constant 0 : i32
      %dma_start3A_959 = arith.constant 0 : i32
      %dma_start3A_960 = tpu.memref_slice %arg6[%dma_start3A_956, %dma_start3A_958, %dma_start3A_959] : memref<6x80x128xf32, #tpu.memory_space<vmem>> -> memref<1x80x128xf32, #tpu.memory_space<vmem>>
      %dma_start3A_961 = tpu.memref_squeeze %dma_start3A_960 : memref<1x80x128xf32, #tpu.memory_space<vmem>> -> memref<80x128xf32, #tpu.memory_space<vmem>>
      %dma_start3A_962 = arith.constant 0 : i32
      %dma_start3A_963 = tpu.memref_slice %arg4[%add3A_955, %dma_start3A_962] : memref<100000x128xf32, #tpu.memory_space<hbm>> -> memref<80x128xf32, #tpu.memory_space<hbm>>
      %dma_start3A_964 = tpu.memref_slice %arg10[%dma_start3A_957] : memref<6x!tpu.dma_semaphore, #tpu.memory_space<semaphore_mem>> -> memref<1x!tpu.dma_semaphore, #tpu.memory_space<semaphore_mem>>
      %dma_start3A_965 = tpu.memref_squeeze %dma_start3A_964 : memref<1x!tpu.dma_semaphore, #tpu.memory_space<semaphore_mem>> -> memref<!tpu.dma_semaphore, #tpu.memory_space<semaphore_mem>>
      %dma_start3A_966 = arith.constant 0 : i32
      %dma_start3A_967 = tpu.memref_slice %arg4[%add3A_955, %dma_start3A_966] : memref<100000x128xf32, #tpu.memory_space<hbm>> -> memref<80x128xf32, #tpu.memory_space<hbm>>
      %dma_start3A_968 = arith.constant 0 : i32
      %dma_start3A_969 = arith.constant 0 : i32
      %dma_start3A_970 = tpu.memref_slice %arg6[%dma_start3A_956, %dma_start3A_968, %dma_start3A_969] : memref<6x80x128xf32, #tpu.memory_space<vmem>> -> memref<1x80x128xf32, #tpu.memory_space<vmem>>
      %dma_start3A_971 = tpu.memref_squeeze %dma_start3A_970 : memref<1x80x128xf32, #tpu.memory_space<vmem>> -> memref<80x128xf32, #tpu.memory_space<vmem>>
      tpu.enqueue_dma source(%dma_start3A_971 : memref<80x128xf32, #tpu.memory_space<vmem>>) target(%dma_start3A_967 : memref<80x128xf32, #tpu.memory_space<hbm>>) target_semaphore(%dma_start3A_965 : memref<!tpu.dma_semaphore, #tpu.memory_space<semaphore_mem>>)
    } else {
    }
    %lt3A_613 = arith.constant 31 : i32
    %lt3A_614 = arith.cmpi slt, %add3A, %lt3A_613 : i32
    %convert_element_type3A_615 = arith.extui %lt3A_614 : i1 to i32
    %cond3A_616 = arith.constant 0 : i32
    %cond3A_617 = arith.cmpi ne, %convert_element_type3A_615, %cond3A_616 : i32
    scf.if %cond3A_617 {
      %dma_wait3A_941 = arith.constant 2 : i32
      %dma_wait3A_942 = arith.constant 2 : i32
      %dma_wait3A_943 = arith.constant 0 : i32
      %dma_wait3A_944 = arith.constant 0 : i32
      %dma_wait3A_945 = tpu.memref_slice %arg6[%dma_wait3A_941, %dma_wait3A_943, %dma_wait3A_944] : memref<6x80x128xf32, #tpu.memory_space<vmem>> -> memref<1x80x128xf32, #tpu.memory_space<vmem>>
      %dma_wait3A_946 = tpu.memref_squeeze %dma_wait3A_945 : memref<1x80x128xf32, #tpu.memory_space<vmem>> -> memref<80x128xf32, #tpu.memory_space<vmem>>
      %dma_wait3A_947 = arith.constant 0 : i32
      %dma_wait3A_948 = arith.constant 0 : i32
      %dma_wait3A_949 = tpu.memref_slice %arg4[%dma_wait3A_947, %dma_wait3A_948] : memref<100000x128xf32, #tpu.memory_space<hbm>> -> memref<80x128xf32, #tpu.memory_space<hbm>>
      %dma_wait3A_950 = tpu.memref_slice %arg10[%dma_wait3A_942] : memref<6x!tpu.dma_semaphore, #tpu.memory_space<semaphore_mem>> -> memref<1x!tpu.dma_semaphore, #tpu.memory_space<semaphore_mem>>
      %dma_wait3A_951 = tpu.memref_squeeze %dma_wait3A_950 : memref<1x!tpu.dma_semaphore, #tpu.memory_space<semaphore_mem>> -> memref<!tpu.dma_semaphore, #tpu.memory_space<semaphore_mem>>
      %dma_wait3A_952 = arith.constant 0 : i32
      %dma_wait3A_953 = arith.constant 0 : i32
      %dma_wait3A_954 = tpu.memref_slice %arg4[%dma_wait3A_952, %dma_wait3A_953] : memref<100000x128xf32, #tpu.memory_space<hbm>> -> memref<80x128xf32, #tpu.memory_space<hbm>>
      %dma_wait3A_955 = arith.constant 0 : i32
      %dma_wait3A_956 = arith.constant 0 : i32
      %dma_wait3A_957 = tpu.memref_slice %arg6[%dma_wait3A_941, %dma_wait3A_955, %dma_wait3A_956] : memref<6x80x128xf32, #tpu.memory_space<vmem>> -> memref<1x80x128xf32, #tpu.memory_space<vmem>>
      %dma_wait3A_958 = tpu.memref_squeeze %dma_wait3A_957 : memref<1x80x128xf32, #tpu.memory_space<vmem>> -> memref<80x128xf32, #tpu.memory_space<vmem>>
      tpu.wait_dma2 semaphore(%dma_wait3A_951 : memref<!tpu.dma_semaphore, #tpu.memory_space<semaphore_mem>>) src(%dma_wait3A_958 : memref<80x128xf32, #tpu.memory_space<vmem>>) dst(%dma_wait3A_954 : memref<80x128xf32, #tpu.memory_space<hbm>>)
      %dma_start3A_959 = arith.constant 2 : i32
      %dma_start3A_960 = arith.constant 2 : i32
      %dma_start3A_961 = arith.constant 0 : i32
      %dma_start3A_962 = arith.constant 0 : i32
      %dma_start3A_963 = tpu.memref_slice %arg6[%dma_start3A_959, %dma_start3A_961, %dma_start3A_962] : memref<6x80x128xf32, #tpu.memory_space<vmem>> -> memref<1x80x128xf32, #tpu.memory_space<vmem>>
      %dma_start3A_964 = tpu.memref_squeeze %dma_start3A_963 : memref<1x80x128xf32, #tpu.memory_space<vmem>> -> memref<80x128xf32, #tpu.memory_space<vmem>>
      %dma_start3A_965 = arith.constant 1600 : i32
      %dma_start3A_966 = tpu.memref_slice %arg5[%dma_start3A_965] : memref<3200xi32, #tpu.memory_space<vmem>> -> memref<80xi32, #tpu.memory_space<vmem>>
      %dma_start3A_967 = arith.constant 0 : i32
      %dma_start3A_968 = arith.constant 0 : i32
      %dma_start3A_969 = tpu.memref_slice %arg7[%dma_start3A_967, %dma_start3A_968] : memref<1024x128xf32, #tpu.memory_space<vmem_shared>> -> memref<1024x128xf32, #tpu.memory_space<vmem_shared>>
      %dma_start3A_970 = tpu.memref_slice %arg9[%dma_start3A_960] : memref<6x!tpu.dma_semaphore, #tpu.memory_space<semaphore_mem>> -> memref<1x!tpu.dma_semaphore, #tpu.memory_space<semaphore_mem>>
      %dma_start3A_971 = tpu.memref_squeeze %dma_start3A_970 : memref<1x!tpu.dma_semaphore, #tpu.memory_space<semaphore_mem>> -> memref<!tpu.dma_semaphore, #tpu.memory_space<semaphore_mem>>
      tpu.enqueue_indirect_dma source(%dma_start3A_969 : memref<1024x128xf32, #tpu.memory_space<vmem_shared>>) target(%dma_start3A_964 : memref<80x128xf32, #tpu.memory_space<vmem>>) offsets(%dma_start3A_966 : memref<80xi32, #tpu.memory_space<vmem>>) semaphore(%dma_start3A_971 : memref<!tpu.dma_semaphore, #tpu.memory_space<semaphore_mem>>)
    } else {
    }
    %lt3A_618 = arith.constant 31 : i32
    %lt3A_619 = arith.cmpi slt, %add3A, %lt3A_618 : i32
    %convert_element_type3A_620 = arith.extui %lt3A_619 : i1 to i32
    %cond3A_621 = arith.constant 0 : i32
    %cond3A_622 = arith.cmpi ne, %convert_element_type3A_620, %cond3A_621 : i32
    scf.if %cond3A_622 {
      %dma_wait3A_941 = arith.constant 4 : i32
      %dma_wait3A_942 = arith.constant 4 : i32
      %dma_wait3A_943 = arith.constant 0 : i32
      %dma_wait3A_944 = arith.constant 0 : i32
      %dma_wait3A_945 = tpu.memref_slice %arg6[%dma_wait3A_941, %dma_wait3A_943, %dma_wait3A_944] : memref<6x80x128xf32, #tpu.memory_space<vmem>> -> memref<1x80x128xf32, #tpu.memory_space<vmem>>
      %dma_wait3A_946 = tpu.memref_squeeze %dma_wait3A_945 : memref<1x80x128xf32, #tpu.memory_space<vmem>> -> memref<80x128xf32, #tpu.memory_space<vmem>>
      %dma_wait3A_947 = arith.constant 1280 : i32
      %dma_wait3A_948 = tpu.memref_slice %arg5[%dma_wait3A_947] : memref<3200xi32, #tpu.memory_space<vmem>> -> memref<80xi32, #tpu.memory_space<vmem>>
      %dma_wait3A_949 = arith.constant 0 : i32
      %dma_wait3A_950 = arith.constant 0 : i32
      %dma_wait3A_951 = tpu.memref_slice %arg7[%dma_wait3A_949, %dma_wait3A_950] : memref<1024x128xf32, #tpu.memory_space<vmem_shared>> -> memref<1024x128xf32, #tpu.memory_space<vmem_shared>>
      %dma_wait3A_952 = tpu.memref_slice %arg9[%dma_wait3A_942] : memref<6x!tpu.dma_semaphore, #tpu.memory_space<semaphore_mem>> -> memref<1x!tpu.dma_semaphore, #tpu.memory_space<semaphore_mem>>
      %dma_wait3A_953 = tpu.memref_squeeze %dma_wait3A_952 : memref<1x!tpu.dma_semaphore, #tpu.memory_space<semaphore_mem>> -> memref<!tpu.dma_semaphore, #tpu.memory_space<semaphore_mem>>
      tpu.wait_indirect_dma semaphore(%dma_wait3A_953 : memref<!tpu.dma_semaphore, #tpu.memory_space<semaphore_mem>>) src(%dma_wait3A_951 : memref<1024x128xf32, #tpu.memory_space<vmem_shared>>) dst(%dma_wait3A_946 : memref<80x128xf32, #tpu.memory_space<vmem>>)
      %add3A_954 = arith.constant 1280 : i32
      %add3A_955 = arith.addi %mul3A_2, %add3A_954 : i32
      %dma_start3A_956 = arith.constant 4 : i32
      %dma_start3A_957 = arith.constant 4 : i32
      %dma_start3A_958 = arith.constant 0 : i32
      %dma_start3A_959 = arith.constant 0 : i32
      %dma_start3A_960 = tpu.memref_slice %arg6[%dma_start3A_956, %dma_start3A_958, %dma_start3A_959] : memref<6x80x128xf32, #tpu.memory_space<vmem>> -> memref<1x80x128xf32, #tpu.memory_space<vmem>>
      %dma_start3A_961 = tpu.memref_squeeze %dma_start3A_960 : memref<1x80x128xf32, #tpu.memory_space<vmem>> -> memref<80x128xf32, #tpu.memory_space<vmem>>
      %dma_start3A_962 = arith.constant 0 : i32
      %dma_start3A_963 = tpu.memref_slice %arg4[%add3A_955, %dma_start3A_962] : memref<100000x128xf32, #tpu.memory_space<hbm>> -> memref<80x128xf32, #tpu.memory_space<hbm>>
      %dma_start3A_964 = tpu.memref_slice %arg10[%dma_start3A_957] : memref<6x!tpu.dma_semaphore, #tpu.memory_space<semaphore_mem>> -> memref<1x!tpu.dma_semaphore, #tpu.memory_space<semaphore_mem>>
      %dma_start3A_965 = tpu.memref_squeeze %dma_start3A_964 : memref<1x!tpu.dma_semaphore, #tpu.memory_space<semaphore_mem>> -> memref<!tpu.dma_semaphore, #tpu.memory_space<semaphore_mem>>
      %dma_start3A_966 = arith.constant 0 : i32
      %dma_start3A_967 = tpu.memref_slice %arg4[%add3A_955, %dma_start3A_966] : memref<100000x128xf32, #tpu.memory_space<hbm>> -> memref<80x128xf32, #tpu.memory_space<hbm>>
      %dma_start3A_968 = arith.constant 0 : i32
      %dma_start3A_969 = arith.constant 0 : i32
      %dma_start3A_970 = tpu.memref_slice %arg6[%dma_start3A_956, %dma_start3A_968, %dma_start3A_969] : memref<6x80x128xf32, #tpu.memory_space<vmem>> -> memref<1x80x128xf32, #tpu.memory_space<vmem>>
      %dma_start3A_971 = tpu.memref_squeeze %dma_start3A_970 : memref<1x80x128xf32, #tpu.memory_space<vmem>> -> memref<80x128xf32, #tpu.memory_space<vmem>>
      tpu.enqueue_dma source(%dma_start3A_971 : memref<80x128xf32, #tpu.memory_space<vmem>>) target(%dma_start3A_967 : memref<80x128xf32, #tpu.memory_space<hbm>>) target_semaphore(%dma_start3A_965 : memref<!tpu.dma_semaphore, #tpu.memory_space<semaphore_mem>>)
    } else {
    }
    %lt3A_623 = arith.constant 31 : i32
    %lt3A_624 = arith.cmpi slt, %add3A, %lt3A_623 : i32
    %convert_element_type3A_625 = arith.extui %lt3A_624 : i1 to i32
    %cond3A_626 = arith.constant 0 : i32
    %cond3A_627 = arith.cmpi ne, %convert_element_type3A_625, %cond3A_626 : i32
    scf.if %cond3A_627 {
      %dma_wait3A_941 = arith.constant 3 : i32
      %dma_wait3A_942 = arith.constant 3 : i32
      %dma_wait3A_943 = arith.constant 0 : i32
      %dma_wait3A_944 = arith.constant 0 : i32
      %dma_wait3A_945 = tpu.memref_slice %arg6[%dma_wait3A_941, %dma_wait3A_943, %dma_wait3A_944] : memref<6x80x128xf32, #tpu.memory_space<vmem>> -> memref<1x80x128xf32, #tpu.memory_space<vmem>>
      %dma_wait3A_946 = tpu.memref_squeeze %dma_wait3A_945 : memref<1x80x128xf32, #tpu.memory_space<vmem>> -> memref<80x128xf32, #tpu.memory_space<vmem>>
      %dma_wait3A_947 = arith.constant 0 : i32
      %dma_wait3A_948 = arith.constant 0 : i32
      %dma_wait3A_949 = tpu.memref_slice %arg4[%dma_wait3A_947, %dma_wait3A_948] : memref<100000x128xf32, #tpu.memory_space<hbm>> -> memref<80x128xf32, #tpu.memory_space<hbm>>
      %dma_wait3A_950 = tpu.memref_slice %arg10[%dma_wait3A_942] : memref<6x!tpu.dma_semaphore, #tpu.memory_space<semaphore_mem>> -> memref<1x!tpu.dma_semaphore, #tpu.memory_space<semaphore_mem>>
      %dma_wait3A_951 = tpu.memref_squeeze %dma_wait3A_950 : memref<1x!tpu.dma_semaphore, #tpu.memory_space<semaphore_mem>> -> memref<!tpu.dma_semaphore, #tpu.memory_space<semaphore_mem>>
      %dma_wait3A_952 = arith.constant 0 : i32
      %dma_wait3A_953 = arith.constant 0 : i32
      %dma_wait3A_954 = tpu.memref_slice %arg4[%dma_wait3A_952, %dma_wait3A_953] : memref<100000x128xf32, #tpu.memory_space<hbm>> -> memref<80x128xf32, #tpu.memory_space<hbm>>
      %dma_wait3A_955 = arith.constant 0 : i32
      %dma_wait3A_956 = arith.constant 0 : i32
      %dma_wait3A_957 = tpu.memref_slice %arg6[%dma_wait3A_941, %dma_wait3A_955, %dma_wait3A_956] : memref<6x80x128xf32, #tpu.memory_space<vmem>> -> memref<1x80x128xf32, #tpu.memory_space<vmem>>
      %dma_wait3A_958 = tpu.memref_squeeze %dma_wait3A_957 : memref<1x80x128xf32, #tpu.memory_space<vmem>> -> memref<80x128xf32, #tpu.memory_space<vmem>>
      tpu.wait_dma2 semaphore(%dma_wait3A_951 : memref<!tpu.dma_semaphore, #tpu.memory_space<semaphore_mem>>) src(%dma_wait3A_958 : memref<80x128xf32, #tpu.memory_space<vmem>>) dst(%dma_wait3A_954 : memref<80x128xf32, #tpu.memory_space<hbm>>)
      %dma_start3A_959 = arith.constant 3 : i32
      %dma_start3A_960 = arith.constant 3 : i32
      %dma_start3A_961 = arith.constant 0 : i32
      %dma_start3A_962 = arith.constant 0 : i32
      %dma_start3A_963 = tpu.memref_slice %arg6[%dma_start3A_959, %dma_start3A_961, %dma_start3A_962] : memref<6x80x128xf32, #tpu.memory_space<vmem>> -> memref<1x80x128xf32, #tpu.memory_space<vmem>>
      %dma_start3A_964 = tpu.memref_squeeze %dma_start3A_963 : memref<1x80x128xf32, #tpu.memory_space<vmem>> -> memref<80x128xf32, #tpu.memory_space<vmem>>
      %dma_start3A_965 = arith.constant 1680 : i32
      %dma_start3A_966 = tpu.memref_slice %arg5[%dma_start3A_965] : memref<3200xi32, #tpu.memory_space<vmem>> -> memref<80xi32, #tpu.memory_space<vmem>>
      %dma_start3A_967 = arith.constant 0 : i32
      %dma_start3A_968 = arith.constant 0 : i32
      %dma_start3A_969 = tpu.memref_slice %arg7[%dma_start3A_967, %dma_start3A_968] : memref<1024x128xf32, #tpu.memory_space<vmem_shared>> -> memref<1024x128xf32, #tpu.memory_space<vmem_shared>>
      %dma_start3A_970 = tpu.memref_slice %arg9[%dma_start3A_960] : memref<6x!tpu.dma_semaphore, #tpu.memory_space<semaphore_mem>> -> memref<1x!tpu.dma_semaphore, #tpu.memory_space<semaphore_mem>>
      %dma_start3A_971 = tpu.memref_squeeze %dma_start3A_970 : memref<1x!tpu.dma_semaphore, #tpu.memory_space<semaphore_mem>> -> memref<!tpu.dma_semaphore, #tpu.memory_space<semaphore_mem>>
      tpu.enqueue_indirect_dma source(%dma_start3A_969 : memref<1024x128xf32, #tpu.memory_space<vmem_shared>>) target(%dma_start3A_964 : memref<80x128xf32, #tpu.memory_space<vmem>>) offsets(%dma_start3A_966 : memref<80xi32, #tpu.memory_space<vmem>>) semaphore(%dma_start3A_971 : memref<!tpu.dma_semaphore, #tpu.memory_space<semaphore_mem>>)
    } else {
    }
    %lt3A_628 = arith.constant 31 : i32
    %lt3A_629 = arith.cmpi slt, %add3A, %lt3A_628 : i32
    %convert_element_type3A_630 = arith.extui %lt3A_629 : i1 to i32
    %cond3A_631 = arith.constant 0 : i32
    %cond3A_632 = arith.cmpi ne, %convert_element_type3A_630, %cond3A_631 : i32
    scf.if %cond3A_632 {
      %dma_wait3A_941 = arith.constant 5 : i32
      %dma_wait3A_942 = arith.constant 5 : i32
      %dma_wait3A_943 = arith.constant 0 : i32
      %dma_wait3A_944 = arith.constant 0 : i32
      %dma_wait3A_945 = tpu.memref_slice %arg6[%dma_wait3A_941, %dma_wait3A_943, %dma_wait3A_944] : memref<6x80x128xf32, #tpu.memory_space<vmem>> -> memref<1x80x128xf32, #tpu.memory_space<vmem>>
      %dma_wait3A_946 = tpu.memref_squeeze %dma_wait3A_945 : memref<1x80x128xf32, #tpu.memory_space<vmem>> -> memref<80x128xf32, #tpu.memory_space<vmem>>
      %dma_wait3A_947 = arith.constant 1360 : i32
      %dma_wait3A_948 = tpu.memref_slice %arg5[%dma_wait3A_947] : memref<3200xi32, #tpu.memory_space<vmem>> -> memref<80xi32, #tpu.memory_space<vmem>>
      %dma_wait3A_949 = arith.constant 0 : i32
      %dma_wait3A_950 = arith.constant 0 : i32
      %dma_wait3A_951 = tpu.memref_slice %arg7[%dma_wait3A_949, %dma_wait3A_950] : memref<1024x128xf32, #tpu.memory_space<vmem_shared>> -> memref<1024x128xf32, #tpu.memory_space<vmem_shared>>
      %dma_wait3A_952 = tpu.memref_slice %arg9[%dma_wait3A_942] : memref<6x!tpu.dma_semaphore, #tpu.memory_space<semaphore_mem>> -> memref<1x!tpu.dma_semaphore, #tpu.memory_space<semaphore_mem>>
      %dma_wait3A_953 = tpu.memref_squeeze %dma_wait3A_952 : memref<1x!tpu.dma_semaphore, #tpu.memory_space<semaphore_mem>> -> memref<!tpu.dma_semaphore, #tpu.memory_space<semaphore_mem>>
      tpu.wait_indirect_dma semaphore(%dma_wait3A_953 : memref<!tpu.dma_semaphore, #tpu.memory_space<semaphore_mem>>) src(%dma_wait3A_951 : memref<1024x128xf32, #tpu.memory_space<vmem_shared>>) dst(%dma_wait3A_946 : memref<80x128xf32, #tpu.memory_space<vmem>>)
      %add3A_954 = arith.constant 1360 : i32
      %add3A_955 = arith.addi %mul3A_2, %add3A_954 : i32
      %dma_start3A_956 = arith.constant 5 : i32
      %dma_start3A_957 = arith.constant 5 : i32
      %dma_start3A_958 = arith.constant 0 : i32
      %dma_start3A_959 = arith.constant 0 : i32
      %dma_start3A_960 = tpu.memref_slice %arg6[%dma_start3A_956, %dma_start3A_958, %dma_start3A_959] : memref<6x80x128xf32, #tpu.memory_space<vmem>> -> memref<1x80x128xf32, #tpu.memory_space<vmem>>
      %dma_start3A_961 = tpu.memref_squeeze %dma_start3A_960 : memref<1x80x128xf32, #tpu.memory_space<vmem>> -> memref<80x128xf32, #tpu.memory_space<vmem>>
      %dma_start3A_962 = arith.constant 0 : i32
      %dma_start3A_963 = tpu.memref_slice %arg4[%add3A_955, %dma_start3A_962] : memref<100000x128xf32, #tpu.memory_space<hbm>> -> memref<80x128xf32, #tpu.memory_space<hbm>>
      %dma_start3A_964 = tpu.memref_slice %arg10[%dma_start3A_957] : memref<6x!tpu.dma_semaphore, #tpu.memory_space<semaphore_mem>> -> memref<1x!tpu.dma_semaphore, #tpu.memory_space<semaphore_mem>>
      %dma_start3A_965 = tpu.memref_squeeze %dma_start3A_964 : memref<1x!tpu.dma_semaphore, #tpu.memory_space<semaphore_mem>> -> memref<!tpu.dma_semaphore, #tpu.memory_space<semaphore_mem>>
      %dma_start3A_966 = arith.constant 0 : i32
      %dma_start3A_967 = tpu.memref_slice %arg4[%add3A_955, %dma_start3A_966] : memref<100000x128xf32, #tpu.memory_space<hbm>> -> memref<80x128xf32, #tpu.memory_space<hbm>>
      %dma_start3A_968 = arith.constant 0 : i32
      %dma_start3A_969 = arith.constant 0 : i32
      %dma_start3A_970 = tpu.memref_slice %arg6[%dma_start3A_956, %dma_start3A_968, %dma_start3A_969] : memref<6x80x128xf32, #tpu.memory_space<vmem>> -> memref<1x80x128xf32, #tpu.memory_space<vmem>>
      %dma_start3A_971 = tpu.memref_squeeze %dma_start3A_970 : memref<1x80x128xf32, #tpu.memory_space<vmem>> -> memref<80x128xf32, #tpu.memory_space<vmem>>
      tpu.enqueue_dma source(%dma_start3A_971 : memref<80x128xf32, #tpu.memory_space<vmem>>) target(%dma_start3A_967 : memref<80x128xf32, #tpu.memory_space<hbm>>) target_semaphore(%dma_start3A_965 : memref<!tpu.dma_semaphore, #tpu.memory_space<semaphore_mem>>)
    } else {
    }
    %lt3A_633 = arith.constant 31 : i32
    %lt3A_634 = arith.cmpi slt, %add3A, %lt3A_633 : i32
    %convert_element_type3A_635 = arith.extui %lt3A_634 : i1 to i32
    %cond3A_636 = arith.constant 0 : i32
    %cond3A_637 = arith.cmpi ne, %convert_element_type3A_635, %cond3A_636 : i32
    scf.if %cond3A_637 {
      %dma_wait3A_941 = arith.constant 4 : i32
      %dma_wait3A_942 = arith.constant 4 : i32
      %dma_wait3A_943 = arith.constant 0 : i32
      %dma_wait3A_944 = arith.constant 0 : i32
      %dma_wait3A_945 = tpu.memref_slice %arg6[%dma_wait3A_941, %dma_wait3A_943, %dma_wait3A_944] : memref<6x80x128xf32, #tpu.memory_space<vmem>> -> memref<1x80x128xf32, #tpu.memory_space<vmem>>
      %dma_wait3A_946 = tpu.memref_squeeze %dma_wait3A_945 : memref<1x80x128xf32, #tpu.memory_space<vmem>> -> memref<80x128xf32, #tpu.memory_space<vmem>>
      %dma_wait3A_947 = arith.constant 0 : i32
      %dma_wait3A_948 = arith.constant 0 : i32
      %dma_wait3A_949 = tpu.memref_slice %arg4[%dma_wait3A_947, %dma_wait3A_948] : memref<100000x128xf32, #tpu.memory_space<hbm>> -> memref<80x128xf32, #tpu.memory_space<hbm>>
      %dma_wait3A_950 = tpu.memref_slice %arg10[%dma_wait3A_942] : memref<6x!tpu.dma_semaphore, #tpu.memory_space<semaphore_mem>> -> memref<1x!tpu.dma_semaphore, #tpu.memory_space<semaphore_mem>>
      %dma_wait3A_951 = tpu.memref_squeeze %dma_wait3A_950 : memref<1x!tpu.dma_semaphore, #tpu.memory_space<semaphore_mem>> -> memref<!tpu.dma_semaphore, #tpu.memory_space<semaphore_mem>>
      %dma_wait3A_952 = arith.constant 0 : i32
      %dma_wait3A_953 = arith.constant 0 : i32
      %dma_wait3A_954 = tpu.memref_slice %arg4[%dma_wait3A_952, %dma_wait3A_953] : memref<100000x128xf32, #tpu.memory_space<hbm>> -> memref<80x128xf32, #tpu.memory_space<hbm>>
      %dma_wait3A_955 = arith.constant 0 : i32
      %dma_wait3A_956 = arith.constant 0 : i32
      %dma_wait3A_957 = tpu.memref_slice %arg6[%dma_wait3A_941, %dma_wait3A_955, %dma_wait3A_956] : memref<6x80x128xf32, #tpu.memory_space<vmem>> -> memref<1x80x128xf32, #tpu.memory_space<vmem>>
      %dma_wait3A_958 = tpu.memref_squeeze %dma_wait3A_957 : memref<1x80x128xf32, #tpu.memory_space<vmem>> -> memref<80x128xf32, #tpu.memory_space<vmem>>
      tpu.wait_dma2 semaphore(%dma_wait3A_951 : memref<!tpu.dma_semaphore, #tpu.memory_space<semaphore_mem>>) src(%dma_wait3A_958 : memref<80x128xf32, #tpu.memory_space<vmem>>) dst(%dma_wait3A_954 : memref<80x128xf32, #tpu.memory_space<hbm>>)
      %dma_start3A_959 = arith.constant 4 : i32
      %dma_start3A_960 = arith.constant 4 : i32
      %dma_start3A_961 = arith.constant 0 : i32
      %dma_start3A_962 = arith.constant 0 : i32
      %dma_start3A_963 = tpu.memref_slice %arg6[%dma_start3A_959, %dma_start3A_961, %dma_start3A_962] : memref<6x80x128xf32, #tpu.memory_space<vmem>> -> memref<1x80x128xf32, #tpu.memory_space<vmem>>
      %dma_start3A_964 = tpu.memref_squeeze %dma_start3A_963 : memref<1x80x128xf32, #tpu.memory_space<vmem>> -> memref<80x128xf32, #tpu.memory_space<vmem>>
      %dma_start3A_965 = arith.constant 1760 : i32
      %dma_start3A_966 = tpu.memref_slice %arg5[%dma_start3A_965] : memref<3200xi32, #tpu.memory_space<vmem>> -> memref<80xi32, #tpu.memory_space<vmem>>
      %dma_start3A_967 = arith.constant 0 : i32
      %dma_start3A_968 = arith.constant 0 : i32
      %dma_start3A_969 = tpu.memref_slice %arg7[%dma_start3A_967, %dma_start3A_968] : memref<1024x128xf32, #tpu.memory_space<vmem_shared>> -> memref<1024x128xf32, #tpu.memory_space<vmem_shared>>
      %dma_start3A_970 = tpu.memref_slice %arg9[%dma_start3A_960] : memref<6x!tpu.dma_semaphore, #tpu.memory_space<semaphore_mem>> -> memref<1x!tpu.dma_semaphore, #tpu.memory_space<semaphore_mem>>
      %dma_start3A_971 = tpu.memref_squeeze %dma_start3A_970 : memref<1x!tpu.dma_semaphore, #tpu.memory_space<semaphore_mem>> -> memref<!tpu.dma_semaphore, #tpu.memory_space<semaphore_mem>>
      tpu.enqueue_indirect_dma source(%dma_start3A_969 : memref<1024x128xf32, #tpu.memory_space<vmem_shared>>) target(%dma_start3A_964 : memref<80x128xf32, #tpu.memory_space<vmem>>) offsets(%dma_start3A_966 : memref<80xi32, #tpu.memory_space<vmem>>) semaphore(%dma_start3A_971 : memref<!tpu.dma_semaphore, #tpu.memory_space<semaphore_mem>>)
    } else {
    }
    %lt3A_638 = arith.constant 31 : i32
    %lt3A_639 = arith.cmpi slt, %add3A, %lt3A_638 : i32
    %convert_element_type3A_640 = arith.extui %lt3A_639 : i1 to i32
    %cond3A_641 = arith.constant 0 : i32
    %cond3A_642 = arith.cmpi ne, %convert_element_type3A_640, %cond3A_641 : i32
    scf.if %cond3A_642 {
      %dma_wait3A_941 = arith.constant 0 : i32
      %dma_wait3A_942 = arith.constant 0 : i32
      %dma_wait3A_943 = arith.constant 0 : i32
      %dma_wait3A_944 = arith.constant 0 : i32
      %dma_wait3A_945 = tpu.memref_slice %arg6[%dma_wait3A_941, %dma_wait3A_943, %dma_wait3A_944] : memref<6x80x128xf32, #tpu.memory_space<vmem>> -> memref<1x80x128xf32, #tpu.memory_space<vmem>>
      %dma_wait3A_946 = tpu.memref_squeeze %dma_wait3A_945 : memref<1x80x128xf32, #tpu.memory_space<vmem>> -> memref<80x128xf32, #tpu.memory_space<vmem>>
      %dma_wait3A_947 = arith.constant 1440 : i32
      %dma_wait3A_948 = tpu.memref_slice %arg5[%dma_wait3A_947] : memref<3200xi32, #tpu.memory_space<vmem>> -> memref<80xi32, #tpu.memory_space<vmem>>
      %dma_wait3A_949 = arith.constant 0 : i32
      %dma_wait3A_950 = arith.constant 0 : i32
      %dma_wait3A_951 = tpu.memref_slice %arg7[%dma_wait3A_949, %dma_wait3A_950] : memref<1024x128xf32, #tpu.memory_space<vmem_shared>> -> memref<1024x128xf32, #tpu.memory_space<vmem_shared>>
      %dma_wait3A_952 = tpu.memref_slice %arg9[%dma_wait3A_942] : memref<6x!tpu.dma_semaphore, #tpu.memory_space<semaphore_mem>> -> memref<1x!tpu.dma_semaphore, #tpu.memory_space<semaphore_mem>>
      %dma_wait3A_953 = tpu.memref_squeeze %dma_wait3A_952 : memref<1x!tpu.dma_semaphore, #tpu.memory_space<semaphore_mem>> -> memref<!tpu.dma_semaphore, #tpu.memory_space<semaphore_mem>>
      tpu.wait_indirect_dma semaphore(%dma_wait3A_953 : memref<!tpu.dma_semaphore, #tpu.memory_space<semaphore_mem>>) src(%dma_wait3A_951 : memref<1024x128xf32, #tpu.memory_space<vmem_shared>>) dst(%dma_wait3A_946 : memref<80x128xf32, #tpu.memory_space<vmem>>)
      %add3A_954 = arith.constant 1440 : i32
      %add3A_955 = arith.addi %mul3A_2, %add3A_954 : i32
      %dma_start3A_956 = arith.constant 0 : i32
      %dma_start3A_957 = arith.constant 0 : i32
      %dma_start3A_958 = arith.constant 0 : i32
      %dma_start3A_959 = arith.constant 0 : i32
      %dma_start3A_960 = tpu.memref_slice %arg6[%dma_start3A_956, %dma_start3A_958, %dma_start3A_959] : memref<6x80x128xf32, #tpu.memory_space<vmem>> -> memref<1x80x128xf32, #tpu.memory_space<vmem>>
      %dma_start3A_961 = tpu.memref_squeeze %dma_start3A_960 : memref<1x80x128xf32, #tpu.memory_space<vmem>> -> memref<80x128xf32, #tpu.memory_space<vmem>>
      %dma_start3A_962 = arith.constant 0 : i32
      %dma_start3A_963 = tpu.memref_slice %arg4[%add3A_955, %dma_start3A_962] : memref<100000x128xf32, #tpu.memory_space<hbm>> -> memref<80x128xf32, #tpu.memory_space<hbm>>
      %dma_start3A_964 = tpu.memref_slice %arg10[%dma_start3A_957] : memref<6x!tpu.dma_semaphore, #tpu.memory_space<semaphore_mem>> -> memref<1x!tpu.dma_semaphore, #tpu.memory_space<semaphore_mem>>
      %dma_start3A_965 = tpu.memref_squeeze %dma_start3A_964 : memref<1x!tpu.dma_semaphore, #tpu.memory_space<semaphore_mem>> -> memref<!tpu.dma_semaphore, #tpu.memory_space<semaphore_mem>>
      %dma_start3A_966 = arith.constant 0 : i32
      %dma_start3A_967 = tpu.memref_slice %arg4[%add3A_955, %dma_start3A_966] : memref<100000x128xf32, #tpu.memory_space<hbm>> -> memref<80x128xf32, #tpu.memory_space<hbm>>
      %dma_start3A_968 = arith.constant 0 : i32
      %dma_start3A_969 = arith.constant 0 : i32
      %dma_start3A_970 = tpu.memref_slice %arg6[%dma_start3A_956, %dma_start3A_968, %dma_start3A_969] : memref<6x80x128xf32, #tpu.memory_space<vmem>> -> memref<1x80x128xf32, #tpu.memory_space<vmem>>
      %dma_start3A_971 = tpu.memref_squeeze %dma_start3A_970 : memref<1x80x128xf32, #tpu.memory_space<vmem>> -> memref<80x128xf32, #tpu.memory_space<vmem>>
      tpu.enqueue_dma source(%dma_start3A_971 : memref<80x128xf32, #tpu.memory_space<vmem>>) target(%dma_start3A_967 : memref<80x128xf32, #tpu.memory_space<hbm>>) target_semaphore(%dma_start3A_965 : memref<!tpu.dma_semaphore, #tpu.memory_space<semaphore_mem>>)
    } else {
    }
    %lt3A_643 = arith.constant 31 : i32
    %lt3A_644 = arith.cmpi slt, %add3A, %lt3A_643 : i32
    %convert_element_type3A_645 = arith.extui %lt3A_644 : i1 to i32
    %cond3A_646 = arith.constant 0 : i32
    %cond3A_647 = arith.cmpi ne, %convert_element_type3A_645, %cond3A_646 : i32
    scf.if %cond3A_647 {
      %dma_wait3A_941 = arith.constant 5 : i32
      %dma_wait3A_942 = arith.constant 5 : i32
      %dma_wait3A_943 = arith.constant 0 : i32
      %dma_wait3A_944 = arith.constant 0 : i32
      %dma_wait3A_945 = tpu.memref_slice %arg6[%dma_wait3A_941, %dma_wait3A_943, %dma_wait3A_944] : memref<6x80x128xf32, #tpu.memory_space<vmem>> -> memref<1x80x128xf32, #tpu.memory_space<vmem>>
      %dma_wait3A_946 = tpu.memref_squeeze %dma_wait3A_945 : memref<1x80x128xf32, #tpu.memory_space<vmem>> -> memref<80x128xf32, #tpu.memory_space<vmem>>
      %dma_wait3A_947 = arith.constant 0 : i32
      %dma_wait3A_948 = arith.constant 0 : i32
      %dma_wait3A_949 = tpu.memref_slice %arg4[%dma_wait3A_947, %dma_wait3A_948] : memref<100000x128xf32, #tpu.memory_space<hbm>> -> memref<80x128xf32, #tpu.memory_space<hbm>>
      %dma_wait3A_950 = tpu.memref_slice %arg10[%dma_wait3A_942] : memref<6x!tpu.dma_semaphore, #tpu.memory_space<semaphore_mem>> -> memref<1x!tpu.dma_semaphore, #tpu.memory_space<semaphore_mem>>
      %dma_wait3A_951 = tpu.memref_squeeze %dma_wait3A_950 : memref<1x!tpu.dma_semaphore, #tpu.memory_space<semaphore_mem>> -> memref<!tpu.dma_semaphore, #tpu.memory_space<semaphore_mem>>
      %dma_wait3A_952 = arith.constant 0 : i32
      %dma_wait3A_953 = arith.constant 0 : i32
      %dma_wait3A_954 = tpu.memref_slice %arg4[%dma_wait3A_952, %dma_wait3A_953] : memref<100000x128xf32, #tpu.memory_space<hbm>> -> memref<80x128xf32, #tpu.memory_space<hbm>>
      %dma_wait3A_955 = arith.constant 0 : i32
      %dma_wait3A_956 = arith.constant 0 : i32
      %dma_wait3A_957 = tpu.memref_slice %arg6[%dma_wait3A_941, %dma_wait3A_955, %dma_wait3A_956] : memref<6x80x128xf32, #tpu.memory_space<vmem>> -> memref<1x80x128xf32, #tpu.memory_space<vmem>>
      %dma_wait3A_958 = tpu.memref_squeeze %dma_wait3A_957 : memref<1x80x128xf32, #tpu.memory_space<vmem>> -> memref<80x128xf32, #tpu.memory_space<vmem>>
      tpu.wait_dma2 semaphore(%dma_wait3A_951 : memref<!tpu.dma_semaphore, #tpu.memory_space<semaphore_mem>>) src(%dma_wait3A_958 : memref<80x128xf32, #tpu.memory_space<vmem>>) dst(%dma_wait3A_954 : memref<80x128xf32, #tpu.memory_space<hbm>>)
      %dma_start3A_959 = arith.constant 5 : i32
      %dma_start3A_960 = arith.constant 5 : i32
      %dma_start3A_961 = arith.constant 0 : i32
      %dma_start3A_962 = arith.constant 0 : i32
      %dma_start3A_963 = tpu.memref_slice %arg6[%dma_start3A_959, %dma_start3A_961, %dma_start3A_962] : memref<6x80x128xf32, #tpu.memory_space<vmem>> -> memref<1x80x128xf32, #tpu.memory_space<vmem>>
      %dma_start3A_964 = tpu.memref_squeeze %dma_start3A_963 : memref<1x80x128xf32, #tpu.memory_space<vmem>> -> memref<80x128xf32, #tpu.memory_space<vmem>>
      %dma_start3A_965 = arith.constant 1840 : i32
      %dma_start3A_966 = tpu.memref_slice %arg5[%dma_start3A_965] : memref<3200xi32, #tpu.memory_space<vmem>> -> memref<80xi32, #tpu.memory_space<vmem>>
      %dma_start3A_967 = arith.constant 0 : i32
      %dma_start3A_968 = arith.constant 0 : i32
      %dma_start3A_969 = tpu.memref_slice %arg7[%dma_start3A_967, %dma_start3A_968] : memref<1024x128xf32, #tpu.memory_space<vmem_shared>> -> memref<1024x128xf32, #tpu.memory_space<vmem_shared>>
      %dma_start3A_970 = tpu.memref_slice %arg9[%dma_start3A_960] : memref<6x!tpu.dma_semaphore, #tpu.memory_space<semaphore_mem>> -> memref<1x!tpu.dma_semaphore, #tpu.memory_space<semaphore_mem>>
      %dma_start3A_971 = tpu.memref_squeeze %dma_start3A_970 : memref<1x!tpu.dma_semaphore, #tpu.memory_space<semaphore_mem>> -> memref<!tpu.dma_semaphore, #tpu.memory_space<semaphore_mem>>
      tpu.enqueue_indirect_dma source(%dma_start3A_969 : memref<1024x128xf32, #tpu.memory_space<vmem_shared>>) target(%dma_start3A_964 : memref<80x128xf32, #tpu.memory_space<vmem>>) offsets(%dma_start3A_966 : memref<80xi32, #tpu.memory_space<vmem>>) semaphore(%dma_start3A_971 : memref<!tpu.dma_semaphore, #tpu.memory_space<semaphore_mem>>)
    } else {
    }
    %lt3A_648 = arith.constant 31 : i32
    %lt3A_649 = arith.cmpi slt, %add3A, %lt3A_648 : i32
    %convert_element_type3A_650 = arith.extui %lt3A_649 : i1 to i32
    %cond3A_651 = arith.constant 0 : i32
    %cond3A_652 = arith.cmpi ne, %convert_element_type3A_650, %cond3A_651 : i32
    scf.if %cond3A_652 {
      %dma_wait3A_941 = arith.constant 1 : i32
      %dma_wait3A_942 = arith.constant 1 : i32
      %dma_wait3A_943 = arith.constant 0 : i32
      %dma_wait3A_944 = arith.constant 0 : i32
      %dma_wait3A_945 = tpu.memref_slice %arg6[%dma_wait3A_941, %dma_wait3A_943, %dma_wait3A_944] : memref<6x80x128xf32, #tpu.memory_space<vmem>> -> memref<1x80x128xf32, #tpu.memory_space<vmem>>
      %dma_wait3A_946 = tpu.memref_squeeze %dma_wait3A_945 : memref<1x80x128xf32, #tpu.memory_space<vmem>> -> memref<80x128xf32, #tpu.memory_space<vmem>>
      %dma_wait3A_947 = arith.constant 1520 : i32
      %dma_wait3A_948 = tpu.memref_slice %arg5[%dma_wait3A_947] : memref<3200xi32, #tpu.memory_space<vmem>> -> memref<80xi32, #tpu.memory_space<vmem>>
      %dma_wait3A_949 = arith.constant 0 : i32
      %dma_wait3A_950 = arith.constant 0 : i32
      %dma_wait3A_951 = tpu.memref_slice %arg7[%dma_wait3A_949, %dma_wait3A_950] : memref<1024x128xf32, #tpu.memory_space<vmem_shared>> -> memref<1024x128xf32, #tpu.memory_space<vmem_shared>>
      %dma_wait3A_952 = tpu.memref_slice %arg9[%dma_wait3A_942] : memref<6x!tpu.dma_semaphore, #tpu.memory_space<semaphore_mem>> -> memref<1x!tpu.dma_semaphore, #tpu.memory_space<semaphore_mem>>
      %dma_wait3A_953 = tpu.memref_squeeze %dma_wait3A_952 : memref<1x!tpu.dma_semaphore, #tpu.memory_space<semaphore_mem>> -> memref<!tpu.dma_semaphore, #tpu.memory_space<semaphore_mem>>
      tpu.wait_indirect_dma semaphore(%dma_wait3A_953 : memref<!tpu.dma_semaphore, #tpu.memory_space<semaphore_mem>>) src(%dma_wait3A_951 : memref<1024x128xf32, #tpu.memory_space<vmem_shared>>) dst(%dma_wait3A_946 : memref<80x128xf32, #tpu.memory_space<vmem>>)
      %add3A_954 = arith.constant 1520 : i32
      %add3A_955 = arith.addi %mul3A_2, %add3A_954 : i32
      %dma_start3A_956 = arith.constant 1 : i32
      %dma_start3A_957 = arith.constant 1 : i32
      %dma_start3A_958 = arith.constant 0 : i32
      %dma_start3A_959 = arith.constant 0 : i32
      %dma_start3A_960 = tpu.memref_slice %arg6[%dma_start3A_956, %dma_start3A_958, %dma_start3A_959] : memref<6x80x128xf32, #tpu.memory_space<vmem>> -> memref<1x80x128xf32, #tpu.memory_space<vmem>>
      %dma_start3A_961 = tpu.memref_squeeze %dma_start3A_960 : memref<1x80x128xf32, #tpu.memory_space<vmem>> -> memref<80x128xf32, #tpu.memory_space<vmem>>
      %dma_start3A_962 = arith.constant 0 : i32
      %dma_start3A_963 = tpu.memref_slice %arg4[%add3A_955, %dma_start3A_962] : memref<100000x128xf32, #tpu.memory_space<hbm>> -> memref<80x128xf32, #tpu.memory_space<hbm>>
      %dma_start3A_964 = tpu.memref_slice %arg10[%dma_start3A_957] : memref<6x!tpu.dma_semaphore, #tpu.memory_space<semaphore_mem>> -> memref<1x!tpu.dma_semaphore, #tpu.memory_space<semaphore_mem>>
      %dma_start3A_965 = tpu.memref_squeeze %dma_start3A_964 : memref<1x!tpu.dma_semaphore, #tpu.memory_space<semaphore_mem>> -> memref<!tpu.dma_semaphore, #tpu.memory_space<semaphore_mem>>
      %dma_start3A_966 = arith.constant 0 : i32
      %dma_start3A_967 = tpu.memref_slice %arg4[%add3A_955, %dma_start3A_966] : memref<100000x128xf32, #tpu.memory_space<hbm>> -> memref<80x128xf32, #tpu.memory_space<hbm>>
      %dma_start3A_968 = arith.constant 0 : i32
      %dma_start3A_969 = arith.constant 0 : i32
      %dma_start3A_970 = tpu.memref_slice %arg6[%dma_start3A_956, %dma_start3A_968, %dma_start3A_969] : memref<6x80x128xf32, #tpu.memory_space<vmem>> -> memref<1x80x128xf32, #tpu.memory_space<vmem>>
      %dma_start3A_971 = tpu.memref_squeeze %dma_start3A_970 : memref<1x80x128xf32, #tpu.memory_space<vmem>> -> memref<80x128xf32, #tpu.memory_space<vmem>>
      tpu.enqueue_dma source(%dma_start3A_971 : memref<80x128xf32, #tpu.memory_space<vmem>>) target(%dma_start3A_967 : memref<80x128xf32, #tpu.memory_space<hbm>>) target_semaphore(%dma_start3A_965 : memref<!tpu.dma_semaphore, #tpu.memory_space<semaphore_mem>>)
    } else {
    }
    %lt3A_653 = arith.constant 31 : i32
    %lt3A_654 = arith.cmpi slt, %add3A, %lt3A_653 : i32
    %convert_element_type3A_655 = arith.extui %lt3A_654 : i1 to i32
    %cond3A_656 = arith.constant 0 : i32
    %cond3A_657 = arith.cmpi ne, %convert_element_type3A_655, %cond3A_656 : i32
    scf.if %cond3A_657 {
      %dma_wait3A_941 = arith.constant 0 : i32
      %dma_wait3A_942 = arith.constant 0 : i32
      %dma_wait3A_943 = arith.constant 0 : i32
      %dma_wait3A_944 = arith.constant 0 : i32
      %dma_wait3A_945 = tpu.memref_slice %arg6[%dma_wait3A_941, %dma_wait3A_943, %dma_wait3A_944] : memref<6x80x128xf32, #tpu.memory_space<vmem>> -> memref<1x80x128xf32, #tpu.memory_space<vmem>>
      %dma_wait3A_946 = tpu.memref_squeeze %dma_wait3A_945 : memref<1x80x128xf32, #tpu.memory_space<vmem>> -> memref<80x128xf32, #tpu.memory_space<vmem>>
      %dma_wait3A_947 = arith.constant 0 : i32
      %dma_wait3A_948 = arith.constant 0 : i32
      %dma_wait3A_949 = tpu.memref_slice %arg4[%dma_wait3A_947, %dma_wait3A_948] : memref<100000x128xf32, #tpu.memory_space<hbm>> -> memref<80x128xf32, #tpu.memory_space<hbm>>
      %dma_wait3A_950 = tpu.memref_slice %arg10[%dma_wait3A_942] : memref<6x!tpu.dma_semaphore, #tpu.memory_space<semaphore_mem>> -> memref<1x!tpu.dma_semaphore, #tpu.memory_space<semaphore_mem>>
      %dma_wait3A_951 = tpu.memref_squeeze %dma_wait3A_950 : memref<1x!tpu.dma_semaphore, #tpu.memory_space<semaphore_mem>> -> memref<!tpu.dma_semaphore, #tpu.memory_space<semaphore_mem>>
      %dma_wait3A_952 = arith.constant 0 : i32
      %dma_wait3A_953 = arith.constant 0 : i32
      %dma_wait3A_954 = tpu.memref_slice %arg4[%dma_wait3A_952, %dma_wait3A_953] : memref<100000x128xf32, #tpu.memory_space<hbm>> -> memref<80x128xf32, #tpu.memory_space<hbm>>
      %dma_wait3A_955 = arith.constant 0 : i32
      %dma_wait3A_956 = arith.constant 0 : i32
      %dma_wait3A_957 = tpu.memref_slice %arg6[%dma_wait3A_941, %dma_wait3A_955, %dma_wait3A_956] : memref<6x80x128xf32, #tpu.memory_space<vmem>> -> memref<1x80x128xf32, #tpu.memory_space<vmem>>
      %dma_wait3A_958 = tpu.memref_squeeze %dma_wait3A_957 : memref<1x80x128xf32, #tpu.memory_space<vmem>> -> memref<80x128xf32, #tpu.memory_space<vmem>>
      tpu.wait_dma2 semaphore(%dma_wait3A_951 : memref<!tpu.dma_semaphore, #tpu.memory_space<semaphore_mem>>) src(%dma_wait3A_958 : memref<80x128xf32, #tpu.memory_space<vmem>>) dst(%dma_wait3A_954 : memref<80x128xf32, #tpu.memory_space<hbm>>)
      %dma_start3A_959 = arith.constant 0 : i32
      %dma_start3A_960 = arith.constant 0 : i32
      %dma_start3A_961 = arith.constant 0 : i32
      %dma_start3A_962 = arith.constant 0 : i32
      %dma_start3A_963 = tpu.memref_slice %arg6[%dma_start3A_959, %dma_start3A_961, %dma_start3A_962] : memref<6x80x128xf32, #tpu.memory_space<vmem>> -> memref<1x80x128xf32, #tpu.memory_space<vmem>>
      %dma_start3A_964 = tpu.memref_squeeze %dma_start3A_963 : memref<1x80x128xf32, #tpu.memory_space<vmem>> -> memref<80x128xf32, #tpu.memory_space<vmem>>
      %dma_start3A_965 = arith.constant 1920 : i32
      %dma_start3A_966 = tpu.memref_slice %arg5[%dma_start3A_965] : memref<3200xi32, #tpu.memory_space<vmem>> -> memref<80xi32, #tpu.memory_space<vmem>>
      %dma_start3A_967 = arith.constant 0 : i32
      %dma_start3A_968 = arith.constant 0 : i32
      %dma_start3A_969 = tpu.memref_slice %arg7[%dma_start3A_967, %dma_start3A_968] : memref<1024x128xf32, #tpu.memory_space<vmem_shared>> -> memref<1024x128xf32, #tpu.memory_space<vmem_shared>>
      %dma_start3A_970 = tpu.memref_slice %arg9[%dma_start3A_960] : memref<6x!tpu.dma_semaphore, #tpu.memory_space<semaphore_mem>> -> memref<1x!tpu.dma_semaphore, #tpu.memory_space<semaphore_mem>>
      %dma_start3A_971 = tpu.memref_squeeze %dma_start3A_970 : memref<1x!tpu.dma_semaphore, #tpu.memory_space<semaphore_mem>> -> memref<!tpu.dma_semaphore, #tpu.memory_space<semaphore_mem>>
      tpu.enqueue_indirect_dma source(%dma_start3A_969 : memref<1024x128xf32, #tpu.memory_space<vmem_shared>>) target(%dma_start3A_964 : memref<80x128xf32, #tpu.memory_space<vmem>>) offsets(%dma_start3A_966 : memref<80xi32, #tpu.memory_space<vmem>>) semaphore(%dma_start3A_971 : memref<!tpu.dma_semaphore, #tpu.memory_space<semaphore_mem>>)
    } else {
    }
    %lt3A_658 = arith.constant 31 : i32
    %lt3A_659 = arith.cmpi slt, %add3A, %lt3A_658 : i32
    %convert_element_type3A_660 = arith.extui %lt3A_659 : i1 to i32
    %cond3A_661 = arith.constant 0 : i32
    %cond3A_662 = arith.cmpi ne, %convert_element_type3A_660, %cond3A_661 : i32
    scf.if %cond3A_662 {
      %dma_wait3A_941 = arith.constant 2 : i32
      %dma_wait3A_942 = arith.constant 2 : i32
      %dma_wait3A_943 = arith.constant 0 : i32
      %dma_wait3A_944 = arith.constant 0 : i32
      %dma_wait3A_945 = tpu.memref_slice %arg6[%dma_wait3A_941, %dma_wait3A_943, %dma_wait3A_944] : memref<6x80x128xf32, #tpu.memory_space<vmem>> -> memref<1x80x128xf32, #tpu.memory_space<vmem>>
      %dma_wait3A_946 = tpu.memref_squeeze %dma_wait3A_945 : memref<1x80x128xf32, #tpu.memory_space<vmem>> -> memref<80x128xf32, #tpu.memory_space<vmem>>
      %dma_wait3A_947 = arith.constant 1600 : i32
      %dma_wait3A_948 = tpu.memref_slice %arg5[%dma_wait3A_947] : memref<3200xi32, #tpu.memory_space<vmem>> -> memref<80xi32, #tpu.memory_space<vmem>>
      %dma_wait3A_949 = arith.constant 0 : i32
      %dma_wait3A_950 = arith.constant 0 : i32
      %dma_wait3A_951 = tpu.memref_slice %arg7[%dma_wait3A_949, %dma_wait3A_950] : memref<1024x128xf32, #tpu.memory_space<vmem_shared>> -> memref<1024x128xf32, #tpu.memory_space<vmem_shared>>
      %dma_wait3A_952 = tpu.memref_slice %arg9[%dma_wait3A_942] : memref<6x!tpu.dma_semaphore, #tpu.memory_space<semaphore_mem>> -> memref<1x!tpu.dma_semaphore, #tpu.memory_space<semaphore_mem>>
      %dma_wait3A_953 = tpu.memref_squeeze %dma_wait3A_952 : memref<1x!tpu.dma_semaphore, #tpu.memory_space<semaphore_mem>> -> memref<!tpu.dma_semaphore, #tpu.memory_space<semaphore_mem>>
      tpu.wait_indirect_dma semaphore(%dma_wait3A_953 : memref<!tpu.dma_semaphore, #tpu.memory_space<semaphore_mem>>) src(%dma_wait3A_951 : memref<1024x128xf32, #tpu.memory_space<vmem_shared>>) dst(%dma_wait3A_946 : memref<80x128xf32, #tpu.memory_space<vmem>>)
      %add3A_954 = arith.constant 1600 : i32
      %add3A_955 = arith.addi %mul3A_2, %add3A_954 : i32
      %dma_start3A_956 = arith.constant 2 : i32
      %dma_start3A_957 = arith.constant 2 : i32
      %dma_start3A_958 = arith.constant 0 : i32
      %dma_start3A_959 = arith.constant 0 : i32
      %dma_start3A_960 = tpu.memref_slice %arg6[%dma_start3A_956, %dma_start3A_958, %dma_start3A_959] : memref<6x80x128xf32, #tpu.memory_space<vmem>> -> memref<1x80x128xf32, #tpu.memory_space<vmem>>
      %dma_start3A_961 = tpu.memref_squeeze %dma_start3A_960 : memref<1x80x128xf32, #tpu.memory_space<vmem>> -> memref<80x128xf32, #tpu.memory_space<vmem>>
      %dma_start3A_962 = arith.constant 0 : i32
      %dma_start3A_963 = tpu.memref_slice %arg4[%add3A_955, %dma_start3A_962] : memref<100000x128xf32, #tpu.memory_space<hbm>> -> memref<80x128xf32, #tpu.memory_space<hbm>>
      %dma_start3A_964 = tpu.memref_slice %arg10[%dma_start3A_957] : memref<6x!tpu.dma_semaphore, #tpu.memory_space<semaphore_mem>> -> memref<1x!tpu.dma_semaphore, #tpu.memory_space<semaphore_mem>>
      %dma_start3A_965 = tpu.memref_squeeze %dma_start3A_964 : memref<1x!tpu.dma_semaphore, #tpu.memory_space<semaphore_mem>> -> memref<!tpu.dma_semaphore, #tpu.memory_space<semaphore_mem>>
      %dma_start3A_966 = arith.constant 0 : i32
      %dma_start3A_967 = tpu.memref_slice %arg4[%add3A_955, %dma_start3A_966] : memref<100000x128xf32, #tpu.memory_space<hbm>> -> memref<80x128xf32, #tpu.memory_space<hbm>>
      %dma_start3A_968 = arith.constant 0 : i32
      %dma_start3A_969 = arith.constant 0 : i32
      %dma_start3A_970 = tpu.memref_slice %arg6[%dma_start3A_956, %dma_start3A_968, %dma_start3A_969] : memref<6x80x128xf32, #tpu.memory_space<vmem>> -> memref<1x80x128xf32, #tpu.memory_space<vmem>>
      %dma_start3A_971 = tpu.memref_squeeze %dma_start3A_970 : memref<1x80x128xf32, #tpu.memory_space<vmem>> -> memref<80x128xf32, #tpu.memory_space<vmem>>
      tpu.enqueue_dma source(%dma_start3A_971 : memref<80x128xf32, #tpu.memory_space<vmem>>) target(%dma_start3A_967 : memref<80x128xf32, #tpu.memory_space<hbm>>) target_semaphore(%dma_start3A_965 : memref<!tpu.dma_semaphore, #tpu.memory_space<semaphore_mem>>)
    } else {
    }
    %lt3A_663 = arith.constant 31 : i32
    %lt3A_664 = arith.cmpi slt, %add3A, %lt3A_663 : i32
    %convert_element_type3A_665 = arith.extui %lt3A_664 : i1 to i32
    %cond3A_666 = arith.constant 0 : i32
    %cond3A_667 = arith.cmpi ne, %convert_element_type3A_665, %cond3A_666 : i32
    scf.if %cond3A_667 {
      %dma_wait3A_941 = arith.constant 1 : i32
      %dma_wait3A_942 = arith.constant 1 : i32
      %dma_wait3A_943 = arith.constant 0 : i32
      %dma_wait3A_944 = arith.constant 0 : i32
      %dma_wait3A_945 = tpu.memref_slice %arg6[%dma_wait3A_941, %dma_wait3A_943, %dma_wait3A_944] : memref<6x80x128xf32, #tpu.memory_space<vmem>> -> memref<1x80x128xf32, #tpu.memory_space<vmem>>
      %dma_wait3A_946 = tpu.memref_squeeze %dma_wait3A_945 : memref<1x80x128xf32, #tpu.memory_space<vmem>> -> memref<80x128xf32, #tpu.memory_space<vmem>>
      %dma_wait3A_947 = arith.constant 0 : i32
      %dma_wait3A_948 = arith.constant 0 : i32
      %dma_wait3A_949 = tpu.memref_slice %arg4[%dma_wait3A_947, %dma_wait3A_948] : memref<100000x128xf32, #tpu.memory_space<hbm>> -> memref<80x128xf32, #tpu.memory_space<hbm>>
      %dma_wait3A_950 = tpu.memref_slice %arg10[%dma_wait3A_942] : memref<6x!tpu.dma_semaphore, #tpu.memory_space<semaphore_mem>> -> memref<1x!tpu.dma_semaphore, #tpu.memory_space<semaphore_mem>>
      %dma_wait3A_951 = tpu.memref_squeeze %dma_wait3A_950 : memref<1x!tpu.dma_semaphore, #tpu.memory_space<semaphore_mem>> -> memref<!tpu.dma_semaphore, #tpu.memory_space<semaphore_mem>>
      %dma_wait3A_952 = arith.constant 0 : i32
      %dma_wait3A_953 = arith.constant 0 : i32
      %dma_wait3A_954 = tpu.memref_slice %arg4[%dma_wait3A_952, %dma_wait3A_953] : memref<100000x128xf32, #tpu.memory_space<hbm>> -> memref<80x128xf32, #tpu.memory_space<hbm>>
      %dma_wait3A_955 = arith.constant 0 : i32
      %dma_wait3A_956 = arith.constant 0 : i32
      %dma_wait3A_957 = tpu.memref_slice %arg6[%dma_wait3A_941, %dma_wait3A_955, %dma_wait3A_956] : memref<6x80x128xf32, #tpu.memory_space<vmem>> -> memref<1x80x128xf32, #tpu.memory_space<vmem>>
      %dma_wait3A_958 = tpu.memref_squeeze %dma_wait3A_957 : memref<1x80x128xf32, #tpu.memory_space<vmem>> -> memref<80x128xf32, #tpu.memory_space<vmem>>
      tpu.wait_dma2 semaphore(%dma_wait3A_951 : memref<!tpu.dma_semaphore, #tpu.memory_space<semaphore_mem>>) src(%dma_wait3A_958 : memref<80x128xf32, #tpu.memory_space<vmem>>) dst(%dma_wait3A_954 : memref<80x128xf32, #tpu.memory_space<hbm>>)
      %dma_start3A_959 = arith.constant 1 : i32
      %dma_start3A_960 = arith.constant 1 : i32
      %dma_start3A_961 = arith.constant 0 : i32
      %dma_start3A_962 = arith.constant 0 : i32
      %dma_start3A_963 = tpu.memref_slice %arg6[%dma_start3A_959, %dma_start3A_961, %dma_start3A_962] : memref<6x80x128xf32, #tpu.memory_space<vmem>> -> memref<1x80x128xf32, #tpu.memory_space<vmem>>
      %dma_start3A_964 = tpu.memref_squeeze %dma_start3A_963 : memref<1x80x128xf32, #tpu.memory_space<vmem>> -> memref<80x128xf32, #tpu.memory_space<vmem>>
      %dma_start3A_965 = arith.constant 2000 : i32
      %dma_start3A_966 = tpu.memref_slice %arg5[%dma_start3A_965] : memref<3200xi32, #tpu.memory_space<vmem>> -> memref<80xi32, #tpu.memory_space<vmem>>
      %dma_start3A_967 = arith.constant 0 : i32
      %dma_start3A_968 = arith.constant 0 : i32
      %dma_start3A_969 = tpu.memref_slice %arg7[%dma_start3A_967, %dma_start3A_968] : memref<1024x128xf32, #tpu.memory_space<vmem_shared>> -> memref<1024x128xf32, #tpu.memory_space<vmem_shared>>
      %dma_start3A_970 = tpu.memref_slice %arg9[%dma_start3A_960] : memref<6x!tpu.dma_semaphore, #tpu.memory_space<semaphore_mem>> -> memref<1x!tpu.dma_semaphore, #tpu.memory_space<semaphore_mem>>
      %dma_start3A_971 = tpu.memref_squeeze %dma_start3A_970 : memref<1x!tpu.dma_semaphore, #tpu.memory_space<semaphore_mem>> -> memref<!tpu.dma_semaphore, #tpu.memory_space<semaphore_mem>>
      tpu.enqueue_indirect_dma source(%dma_start3A_969 : memref<1024x128xf32, #tpu.memory_space<vmem_shared>>) target(%dma_start3A_964 : memref<80x128xf32, #tpu.memory_space<vmem>>) offsets(%dma_start3A_966 : memref<80xi32, #tpu.memory_space<vmem>>) semaphore(%dma_start3A_971 : memref<!tpu.dma_semaphore, #tpu.memory_space<semaphore_mem>>)
    } else {
    }
    %lt3A_668 = arith.constant 31 : i32
    %lt3A_669 = arith.cmpi slt, %add3A, %lt3A_668 : i32
    %convert_element_type3A_670 = arith.extui %lt3A_669 : i1 to i32
    %cond3A_671 = arith.constant 0 : i32
    %cond3A_672 = arith.cmpi ne, %convert_element_type3A_670, %cond3A_671 : i32
    scf.if %cond3A_672 {
      %dma_wait3A_941 = arith.constant 3 : i32
      %dma_wait3A_942 = arith.constant 3 : i32
      %dma_wait3A_943 = arith.constant 0 : i32
      %dma_wait3A_944 = arith.constant 0 : i32
      %dma_wait3A_945 = tpu.memref_slice %arg6[%dma_wait3A_941, %dma_wait3A_943, %dma_wait3A_944] : memref<6x80x128xf32, #tpu.memory_space<vmem>> -> memref<1x80x128xf32, #tpu.memory_space<vmem>>
      %dma_wait3A_946 = tpu.memref_squeeze %dma_wait3A_945 : memref<1x80x128xf32, #tpu.memory_space<vmem>> -> memref<80x128xf32, #tpu.memory_space<vmem>>
      %dma_wait3A_947 = arith.constant 1680 : i32
      %dma_wait3A_948 = tpu.memref_slice %arg5[%dma_wait3A_947] : memref<3200xi32, #tpu.memory_space<vmem>> -> memref<80xi32, #tpu.memory_space<vmem>>
      %dma_wait3A_949 = arith.constant 0 : i32
      %dma_wait3A_950 = arith.constant 0 : i32
      %dma_wait3A_951 = tpu.memref_slice %arg7[%dma_wait3A_949, %dma_wait3A_950] : memref<1024x128xf32, #tpu.memory_space<vmem_shared>> -> memref<1024x128xf32, #tpu.memory_space<vmem_shared>>
      %dma_wait3A_952 = tpu.memref_slice %arg9[%dma_wait3A_942] : memref<6x!tpu.dma_semaphore, #tpu.memory_space<semaphore_mem>> -> memref<1x!tpu.dma_semaphore, #tpu.memory_space<semaphore_mem>>
      %dma_wait3A_953 = tpu.memref_squeeze %dma_wait3A_952 : memref<1x!tpu.dma_semaphore, #tpu.memory_space<semaphore_mem>> -> memref<!tpu.dma_semaphore, #tpu.memory_space<semaphore_mem>>
      tpu.wait_indirect_dma semaphore(%dma_wait3A_953 : memref<!tpu.dma_semaphore, #tpu.memory_space<semaphore_mem>>) src(%dma_wait3A_951 : memref<1024x128xf32, #tpu.memory_space<vmem_shared>>) dst(%dma_wait3A_946 : memref<80x128xf32, #tpu.memory_space<vmem>>)
      %add3A_954 = arith.constant 1680 : i32
      %add3A_955 = arith.addi %mul3A_2, %add3A_954 : i32
      %dma_start3A_956 = arith.constant 3 : i32
      %dma_start3A_957 = arith.constant 3 : i32
      %dma_start3A_958 = arith.constant 0 : i32
      %dma_start3A_959 = arith.constant 0 : i32
      %dma_start3A_960 = tpu.memref_slice %arg6[%dma_start3A_956, %dma_start3A_958, %dma_start3A_959] : memref<6x80x128xf32, #tpu.memory_space<vmem>> -> memref<1x80x128xf32, #tpu.memory_space<vmem>>
      %dma_start3A_961 = tpu.memref_squeeze %dma_start3A_960 : memref<1x80x128xf32, #tpu.memory_space<vmem>> -> memref<80x128xf32, #tpu.memory_space<vmem>>
      %dma_start3A_962 = arith.constant 0 : i32
      %dma_start3A_963 = tpu.memref_slice %arg4[%add3A_955, %dma_start3A_962] : memref<100000x128xf32, #tpu.memory_space<hbm>> -> memref<80x128xf32, #tpu.memory_space<hbm>>
      %dma_start3A_964 = tpu.memref_slice %arg10[%dma_start3A_957] : memref<6x!tpu.dma_semaphore, #tpu.memory_space<semaphore_mem>> -> memref<1x!tpu.dma_semaphore, #tpu.memory_space<semaphore_mem>>
      %dma_start3A_965 = tpu.memref_squeeze %dma_start3A_964 : memref<1x!tpu.dma_semaphore, #tpu.memory_space<semaphore_mem>> -> memref<!tpu.dma_semaphore, #tpu.memory_space<semaphore_mem>>
      %dma_start3A_966 = arith.constant 0 : i32
      %dma_start3A_967 = tpu.memref_slice %arg4[%add3A_955, %dma_start3A_966] : memref<100000x128xf32, #tpu.memory_space<hbm>> -> memref<80x128xf32, #tpu.memory_space<hbm>>
      %dma_start3A_968 = arith.constant 0 : i32
      %dma_start3A_969 = arith.constant 0 : i32
      %dma_start3A_970 = tpu.memref_slice %arg6[%dma_start3A_956, %dma_start3A_968, %dma_start3A_969] : memref<6x80x128xf32, #tpu.memory_space<vmem>> -> memref<1x80x128xf32, #tpu.memory_space<vmem>>
      %dma_start3A_971 = tpu.memref_squeeze %dma_start3A_970 : memref<1x80x128xf32, #tpu.memory_space<vmem>> -> memref<80x128xf32, #tpu.memory_space<vmem>>
      tpu.enqueue_dma source(%dma_start3A_971 : memref<80x128xf32, #tpu.memory_space<vmem>>) target(%dma_start3A_967 : memref<80x128xf32, #tpu.memory_space<hbm>>) target_semaphore(%dma_start3A_965 : memref<!tpu.dma_semaphore, #tpu.memory_space<semaphore_mem>>)
    } else {
    }
    %lt3A_673 = arith.constant 31 : i32
    %lt3A_674 = arith.cmpi slt, %add3A, %lt3A_673 : i32
    %convert_element_type3A_675 = arith.extui %lt3A_674 : i1 to i32
    %cond3A_676 = arith.constant 0 : i32
    %cond3A_677 = arith.cmpi ne, %convert_element_type3A_675, %cond3A_676 : i32
    scf.if %cond3A_677 {
      %dma_wait3A_941 = arith.constant 2 : i32
      %dma_wait3A_942 = arith.constant 2 : i32
      %dma_wait3A_943 = arith.constant 0 : i32
      %dma_wait3A_944 = arith.constant 0 : i32
      %dma_wait3A_945 = tpu.memref_slice %arg6[%dma_wait3A_941, %dma_wait3A_943, %dma_wait3A_944] : memref<6x80x128xf32, #tpu.memory_space<vmem>> -> memref<1x80x128xf32, #tpu.memory_space<vmem>>
      %dma_wait3A_946 = tpu.memref_squeeze %dma_wait3A_945 : memref<1x80x128xf32, #tpu.memory_space<vmem>> -> memref<80x128xf32, #tpu.memory_space<vmem>>
      %dma_wait3A_947 = arith.constant 0 : i32
      %dma_wait3A_948 = arith.constant 0 : i32
      %dma_wait3A_949 = tpu.memref_slice %arg4[%dma_wait3A_947, %dma_wait3A_948] : memref<100000x128xf32, #tpu.memory_space<hbm>> -> memref<80x128xf32, #tpu.memory_space<hbm>>
      %dma_wait3A_950 = tpu.memref_slice %arg10[%dma_wait3A_942] : memref<6x!tpu.dma_semaphore, #tpu.memory_space<semaphore_mem>> -> memref<1x!tpu.dma_semaphore, #tpu.memory_space<semaphore_mem>>
      %dma_wait3A_951 = tpu.memref_squeeze %dma_wait3A_950 : memref<1x!tpu.dma_semaphore, #tpu.memory_space<semaphore_mem>> -> memref<!tpu.dma_semaphore, #tpu.memory_space<semaphore_mem>>
      %dma_wait3A_952 = arith.constant 0 : i32
      %dma_wait3A_953 = arith.constant 0 : i32
      %dma_wait3A_954 = tpu.memref_slice %arg4[%dma_wait3A_952, %dma_wait3A_953] : memref<100000x128xf32, #tpu.memory_space<hbm>> -> memref<80x128xf32, #tpu.memory_space<hbm>>
      %dma_wait3A_955 = arith.constant 0 : i32
      %dma_wait3A_956 = arith.constant 0 : i32
      %dma_wait3A_957 = tpu.memref_slice %arg6[%dma_wait3A_941, %dma_wait3A_955, %dma_wait3A_956] : memref<6x80x128xf32, #tpu.memory_space<vmem>> -> memref<1x80x128xf32, #tpu.memory_space<vmem>>
      %dma_wait3A_958 = tpu.memref_squeeze %dma_wait3A_957 : memref<1x80x128xf32, #tpu.memory_space<vmem>> -> memref<80x128xf32, #tpu.memory_space<vmem>>
      tpu.wait_dma2 semaphore(%dma_wait3A_951 : memref<!tpu.dma_semaphore, #tpu.memory_space<semaphore_mem>>) src(%dma_wait3A_958 : memref<80x128xf32, #tpu.memory_space<vmem>>) dst(%dma_wait3A_954 : memref<80x128xf32, #tpu.memory_space<hbm>>)
      %dma_start3A_959 = arith.constant 2 : i32
      %dma_start3A_960 = arith.constant 2 : i32
      %dma_start3A_961 = arith.constant 0 : i32
      %dma_start3A_962 = arith.constant 0 : i32
      %dma_start3A_963 = tpu.memref_slice %arg6[%dma_start3A_959, %dma_start3A_961, %dma_start3A_962] : memref<6x80x128xf32, #tpu.memory_space<vmem>> -> memref<1x80x128xf32, #tpu.memory_space<vmem>>
      %dma_start3A_964 = tpu.memref_squeeze %dma_start3A_963 : memref<1x80x128xf32, #tpu.memory_space<vmem>> -> memref<80x128xf32, #tpu.memory_space<vmem>>
      %dma_start3A_965 = arith.constant 2080 : i32
      %dma_start3A_966 = tpu.memref_slice %arg5[%dma_start3A_965] : memref<3200xi32, #tpu.memory_space<vmem>> -> memref<80xi32, #tpu.memory_space<vmem>>
      %dma_start3A_967 = arith.constant 0 : i32
      %dma_start3A_968 = arith.constant 0 : i32
      %dma_start3A_969 = tpu.memref_slice %arg7[%dma_start3A_967, %dma_start3A_968] : memref<1024x128xf32, #tpu.memory_space<vmem_shared>> -> memref<1024x128xf32, #tpu.memory_space<vmem_shared>>
      %dma_start3A_970 = tpu.memref_slice %arg9[%dma_start3A_960] : memref<6x!tpu.dma_semaphore, #tpu.memory_space<semaphore_mem>> -> memref<1x!tpu.dma_semaphore, #tpu.memory_space<semaphore_mem>>
      %dma_start3A_971 = tpu.memref_squeeze %dma_start3A_970 : memref<1x!tpu.dma_semaphore, #tpu.memory_space<semaphore_mem>> -> memref<!tpu.dma_semaphore, #tpu.memory_space<semaphore_mem>>
      tpu.enqueue_indirect_dma source(%dma_start3A_969 : memref<1024x128xf32, #tpu.memory_space<vmem_shared>>) target(%dma_start3A_964 : memref<80x128xf32, #tpu.memory_space<vmem>>) offsets(%dma_start3A_966 : memref<80xi32, #tpu.memory_space<vmem>>) semaphore(%dma_start3A_971 : memref<!tpu.dma_semaphore, #tpu.memory_space<semaphore_mem>>)
    } else {
    }
    %lt3A_678 = arith.constant 31 : i32
    %lt3A_679 = arith.cmpi slt, %add3A, %lt3A_678 : i32
    %convert_element_type3A_680 = arith.extui %lt3A_679 : i1 to i32
    %cond3A_681 = arith.constant 0 : i32
    %cond3A_682 = arith.cmpi ne, %convert_element_type3A_680, %cond3A_681 : i32
    scf.if %cond3A_682 {
      %dma_wait3A_941 = arith.constant 4 : i32
      %dma_wait3A_942 = arith.constant 4 : i32
      %dma_wait3A_943 = arith.constant 0 : i32
      %dma_wait3A_944 = arith.constant 0 : i32
      %dma_wait3A_945 = tpu.memref_slice %arg6[%dma_wait3A_941, %dma_wait3A_943, %dma_wait3A_944] : memref<6x80x128xf32, #tpu.memory_space<vmem>> -> memref<1x80x128xf32, #tpu.memory_space<vmem>>
      %dma_wait3A_946 = tpu.memref_squeeze %dma_wait3A_945 : memref<1x80x128xf32, #tpu.memory_space<vmem>> -> memref<80x128xf32, #tpu.memory_space<vmem>>
      %dma_wait3A_947 = arith.constant 1760 : i32
      %dma_wait3A_948 = tpu.memref_slice %arg5[%dma_wait3A_947] : memref<3200xi32, #tpu.memory_space<vmem>> -> memref<80xi32, #tpu.memory_space<vmem>>
      %dma_wait3A_949 = arith.constant 0 : i32
      %dma_wait3A_950 = arith.constant 0 : i32
      %dma_wait3A_951 = tpu.memref_slice %arg7[%dma_wait3A_949, %dma_wait3A_950] : memref<1024x128xf32, #tpu.memory_space<vmem_shared>> -> memref<1024x128xf32, #tpu.memory_space<vmem_shared>>
      %dma_wait3A_952 = tpu.memref_slice %arg9[%dma_wait3A_942] : memref<6x!tpu.dma_semaphore, #tpu.memory_space<semaphore_mem>> -> memref<1x!tpu.dma_semaphore, #tpu.memory_space<semaphore_mem>>
      %dma_wait3A_953 = tpu.memref_squeeze %dma_wait3A_952 : memref<1x!tpu.dma_semaphore, #tpu.memory_space<semaphore_mem>> -> memref<!tpu.dma_semaphore, #tpu.memory_space<semaphore_mem>>
      tpu.wait_indirect_dma semaphore(%dma_wait3A_953 : memref<!tpu.dma_semaphore, #tpu.memory_space<semaphore_mem>>) src(%dma_wait3A_951 : memref<1024x128xf32, #tpu.memory_space<vmem_shared>>) dst(%dma_wait3A_946 : memref<80x128xf32, #tpu.memory_space<vmem>>)
      %add3A_954 = arith.constant 1760 : i32
      %add3A_955 = arith.addi %mul3A_2, %add3A_954 : i32
      %dma_start3A_956 = arith.constant 4 : i32
      %dma_start3A_957 = arith.constant 4 : i32
      %dma_start3A_958 = arith.constant 0 : i32
      %dma_start3A_959 = arith.constant 0 : i32
      %dma_start3A_960 = tpu.memref_slice %arg6[%dma_start3A_956, %dma_start3A_958, %dma_start3A_959] : memref<6x80x128xf32, #tpu.memory_space<vmem>> -> memref<1x80x128xf32, #tpu.memory_space<vmem>>
      %dma_start3A_961 = tpu.memref_squeeze %dma_start3A_960 : memref<1x80x128xf32, #tpu.memory_space<vmem>> -> memref<80x128xf32, #tpu.memory_space<vmem>>
      %dma_start3A_962 = arith.constant 0 : i32
      %dma_start3A_963 = tpu.memref_slice %arg4[%add3A_955, %dma_start3A_962] : memref<100000x128xf32, #tpu.memory_space<hbm>> -> memref<80x128xf32, #tpu.memory_space<hbm>>
      %dma_start3A_964 = tpu.memref_slice %arg10[%dma_start3A_957] : memref<6x!tpu.dma_semaphore, #tpu.memory_space<semaphore_mem>> -> memref<1x!tpu.dma_semaphore, #tpu.memory_space<semaphore_mem>>
      %dma_start3A_965 = tpu.memref_squeeze %dma_start3A_964 : memref<1x!tpu.dma_semaphore, #tpu.memory_space<semaphore_mem>> -> memref<!tpu.dma_semaphore, #tpu.memory_space<semaphore_mem>>
      %dma_start3A_966 = arith.constant 0 : i32
      %dma_start3A_967 = tpu.memref_slice %arg4[%add3A_955, %dma_start3A_966] : memref<100000x128xf32, #tpu.memory_space<hbm>> -> memref<80x128xf32, #tpu.memory_space<hbm>>
      %dma_start3A_968 = arith.constant 0 : i32
      %dma_start3A_969 = arith.constant 0 : i32
      %dma_start3A_970 = tpu.memref_slice %arg6[%dma_start3A_956, %dma_start3A_968, %dma_start3A_969] : memref<6x80x128xf32, #tpu.memory_space<vmem>> -> memref<1x80x128xf32, #tpu.memory_space<vmem>>
      %dma_start3A_971 = tpu.memref_squeeze %dma_start3A_970 : memref<1x80x128xf32, #tpu.memory_space<vmem>> -> memref<80x128xf32, #tpu.memory_space<vmem>>
      tpu.enqueue_dma source(%dma_start3A_971 : memref<80x128xf32, #tpu.memory_space<vmem>>) target(%dma_start3A_967 : memref<80x128xf32, #tpu.memory_space<hbm>>) target_semaphore(%dma_start3A_965 : memref<!tpu.dma_semaphore, #tpu.memory_space<semaphore_mem>>)
    } else {
    }
    %lt3A_683 = arith.constant 31 : i32
    %lt3A_684 = arith.cmpi slt, %add3A, %lt3A_683 : i32
    %convert_element_type3A_685 = arith.extui %lt3A_684 : i1 to i32
    %cond3A_686 = arith.constant 0 : i32
    %cond3A_687 = arith.cmpi ne, %convert_element_type3A_685, %cond3A_686 : i32
    scf.if %cond3A_687 {
      %dma_wait3A_941 = arith.constant 3 : i32
      %dma_wait3A_942 = arith.constant 3 : i32
      %dma_wait3A_943 = arith.constant 0 : i32
      %dma_wait3A_944 = arith.constant 0 : i32
      %dma_wait3A_945 = tpu.memref_slice %arg6[%dma_wait3A_941, %dma_wait3A_943, %dma_wait3A_944] : memref<6x80x128xf32, #tpu.memory_space<vmem>> -> memref<1x80x128xf32, #tpu.memory_space<vmem>>
      %dma_wait3A_946 = tpu.memref_squeeze %dma_wait3A_945 : memref<1x80x128xf32, #tpu.memory_space<vmem>> -> memref<80x128xf32, #tpu.memory_space<vmem>>
      %dma_wait3A_947 = arith.constant 0 : i32
      %dma_wait3A_948 = arith.constant 0 : i32
      %dma_wait3A_949 = tpu.memref_slice %arg4[%dma_wait3A_947, %dma_wait3A_948] : memref<100000x128xf32, #tpu.memory_space<hbm>> -> memref<80x128xf32, #tpu.memory_space<hbm>>
      %dma_wait3A_950 = tpu.memref_slice %arg10[%dma_wait3A_942] : memref<6x!tpu.dma_semaphore, #tpu.memory_space<semaphore_mem>> -> memref<1x!tpu.dma_semaphore, #tpu.memory_space<semaphore_mem>>
      %dma_wait3A_951 = tpu.memref_squeeze %dma_wait3A_950 : memref<1x!tpu.dma_semaphore, #tpu.memory_space<semaphore_mem>> -> memref<!tpu.dma_semaphore, #tpu.memory_space<semaphore_mem>>
      %dma_wait3A_952 = arith.constant 0 : i32
      %dma_wait3A_953 = arith.constant 0 : i32
      %dma_wait3A_954 = tpu.memref_slice %arg4[%dma_wait3A_952, %dma_wait3A_953] : memref<100000x128xf32, #tpu.memory_space<hbm>> -> memref<80x128xf32, #tpu.memory_space<hbm>>
      %dma_wait3A_955 = arith.constant 0 : i32
      %dma_wait3A_956 = arith.constant 0 : i32
      %dma_wait3A_957 = tpu.memref_slice %arg6[%dma_wait3A_941, %dma_wait3A_955, %dma_wait3A_956] : memref<6x80x128xf32, #tpu.memory_space<vmem>> -> memref<1x80x128xf32, #tpu.memory_space<vmem>>
      %dma_wait3A_958 = tpu.memref_squeeze %dma_wait3A_957 : memref<1x80x128xf32, #tpu.memory_space<vmem>> -> memref<80x128xf32, #tpu.memory_space<vmem>>
      tpu.wait_dma2 semaphore(%dma_wait3A_951 : memref<!tpu.dma_semaphore, #tpu.memory_space<semaphore_mem>>) src(%dma_wait3A_958 : memref<80x128xf32, #tpu.memory_space<vmem>>) dst(%dma_wait3A_954 : memref<80x128xf32, #tpu.memory_space<hbm>>)
      %dma_start3A_959 = arith.constant 3 : i32
      %dma_start3A_960 = arith.constant 3 : i32
      %dma_start3A_961 = arith.constant 0 : i32
      %dma_start3A_962 = arith.constant 0 : i32
      %dma_start3A_963 = tpu.memref_slice %arg6[%dma_start3A_959, %dma_start3A_961, %dma_start3A_962] : memref<6x80x128xf32, #tpu.memory_space<vmem>> -> memref<1x80x128xf32, #tpu.memory_space<vmem>>
      %dma_start3A_964 = tpu.memref_squeeze %dma_start3A_963 : memref<1x80x128xf32, #tpu.memory_space<vmem>> -> memref<80x128xf32, #tpu.memory_space<vmem>>
      %dma_start3A_965 = arith.constant 2160 : i32
      %dma_start3A_966 = tpu.memref_slice %arg5[%dma_start3A_965] : memref<3200xi32, #tpu.memory_space<vmem>> -> memref<80xi32, #tpu.memory_space<vmem>>
      %dma_start3A_967 = arith.constant 0 : i32
      %dma_start3A_968 = arith.constant 0 : i32
      %dma_start3A_969 = tpu.memref_slice %arg7[%dma_start3A_967, %dma_start3A_968] : memref<1024x128xf32, #tpu.memory_space<vmem_shared>> -> memref<1024x128xf32, #tpu.memory_space<vmem_shared>>
      %dma_start3A_970 = tpu.memref_slice %arg9[%dma_start3A_960] : memref<6x!tpu.dma_semaphore, #tpu.memory_space<semaphore_mem>> -> memref<1x!tpu.dma_semaphore, #tpu.memory_space<semaphore_mem>>
      %dma_start3A_971 = tpu.memref_squeeze %dma_start3A_970 : memref<1x!tpu.dma_semaphore, #tpu.memory_space<semaphore_mem>> -> memref<!tpu.dma_semaphore, #tpu.memory_space<semaphore_mem>>
      tpu.enqueue_indirect_dma source(%dma_start3A_969 : memref<1024x128xf32, #tpu.memory_space<vmem_shared>>) target(%dma_start3A_964 : memref<80x128xf32, #tpu.memory_space<vmem>>) offsets(%dma_start3A_966 : memref<80xi32, #tpu.memory_space<vmem>>) semaphore(%dma_start3A_971 : memref<!tpu.dma_semaphore, #tpu.memory_space<semaphore_mem>>)
    } else {
    }
    %lt3A_688 = arith.constant 31 : i32
    %lt3A_689 = arith.cmpi slt, %add3A, %lt3A_688 : i32
    %convert_element_type3A_690 = arith.extui %lt3A_689 : i1 to i32
    %cond3A_691 = arith.constant 0 : i32
    %cond3A_692 = arith.cmpi ne, %convert_element_type3A_690, %cond3A_691 : i32
    scf.if %cond3A_692 {
      %dma_wait3A_941 = arith.constant 5 : i32
      %dma_wait3A_942 = arith.constant 5 : i32
      %dma_wait3A_943 = arith.constant 0 : i32
      %dma_wait3A_944 = arith.constant 0 : i32
      %dma_wait3A_945 = tpu.memref_slice %arg6[%dma_wait3A_941, %dma_wait3A_943, %dma_wait3A_944] : memref<6x80x128xf32, #tpu.memory_space<vmem>> -> memref<1x80x128xf32, #tpu.memory_space<vmem>>
      %dma_wait3A_946 = tpu.memref_squeeze %dma_wait3A_945 : memref<1x80x128xf32, #tpu.memory_space<vmem>> -> memref<80x128xf32, #tpu.memory_space<vmem>>
      %dma_wait3A_947 = arith.constant 1840 : i32
      %dma_wait3A_948 = tpu.memref_slice %arg5[%dma_wait3A_947] : memref<3200xi32, #tpu.memory_space<vmem>> -> memref<80xi32, #tpu.memory_space<vmem>>
      %dma_wait3A_949 = arith.constant 0 : i32
      %dma_wait3A_950 = arith.constant 0 : i32
      %dma_wait3A_951 = tpu.memref_slice %arg7[%dma_wait3A_949, %dma_wait3A_950] : memref<1024x128xf32, #tpu.memory_space<vmem_shared>> -> memref<1024x128xf32, #tpu.memory_space<vmem_shared>>
      %dma_wait3A_952 = tpu.memref_slice %arg9[%dma_wait3A_942] : memref<6x!tpu.dma_semaphore, #tpu.memory_space<semaphore_mem>> -> memref<1x!tpu.dma_semaphore, #tpu.memory_space<semaphore_mem>>
      %dma_wait3A_953 = tpu.memref_squeeze %dma_wait3A_952 : memref<1x!tpu.dma_semaphore, #tpu.memory_space<semaphore_mem>> -> memref<!tpu.dma_semaphore, #tpu.memory_space<semaphore_mem>>
      tpu.wait_indirect_dma semaphore(%dma_wait3A_953 : memref<!tpu.dma_semaphore, #tpu.memory_space<semaphore_mem>>) src(%dma_wait3A_951 : memref<1024x128xf32, #tpu.memory_space<vmem_shared>>) dst(%dma_wait3A_946 : memref<80x128xf32, #tpu.memory_space<vmem>>)
      %add3A_954 = arith.constant 1840 : i32
      %add3A_955 = arith.addi %mul3A_2, %add3A_954 : i32
      %dma_start3A_956 = arith.constant 5 : i32
      %dma_start3A_957 = arith.constant 5 : i32
      %dma_start3A_958 = arith.constant 0 : i32
      %dma_start3A_959 = arith.constant 0 : i32
      %dma_start3A_960 = tpu.memref_slice %arg6[%dma_start3A_956, %dma_start3A_958, %dma_start3A_959] : memref<6x80x128xf32, #tpu.memory_space<vmem>> -> memref<1x80x128xf32, #tpu.memory_space<vmem>>
      %dma_start3A_961 = tpu.memref_squeeze %dma_start3A_960 : memref<1x80x128xf32, #tpu.memory_space<vmem>> -> memref<80x128xf32, #tpu.memory_space<vmem>>
      %dma_start3A_962 = arith.constant 0 : i32
      %dma_start3A_963 = tpu.memref_slice %arg4[%add3A_955, %dma_start3A_962] : memref<100000x128xf32, #tpu.memory_space<hbm>> -> memref<80x128xf32, #tpu.memory_space<hbm>>
      %dma_start3A_964 = tpu.memref_slice %arg10[%dma_start3A_957] : memref<6x!tpu.dma_semaphore, #tpu.memory_space<semaphore_mem>> -> memref<1x!tpu.dma_semaphore, #tpu.memory_space<semaphore_mem>>
      %dma_start3A_965 = tpu.memref_squeeze %dma_start3A_964 : memref<1x!tpu.dma_semaphore, #tpu.memory_space<semaphore_mem>> -> memref<!tpu.dma_semaphore, #tpu.memory_space<semaphore_mem>>
      %dma_start3A_966 = arith.constant 0 : i32
      %dma_start3A_967 = tpu.memref_slice %arg4[%add3A_955, %dma_start3A_966] : memref<100000x128xf32, #tpu.memory_space<hbm>> -> memref<80x128xf32, #tpu.memory_space<hbm>>
      %dma_start3A_968 = arith.constant 0 : i32
      %dma_start3A_969 = arith.constant 0 : i32
      %dma_start3A_970 = tpu.memref_slice %arg6[%dma_start3A_956, %dma_start3A_968, %dma_start3A_969] : memref<6x80x128xf32, #tpu.memory_space<vmem>> -> memref<1x80x128xf32, #tpu.memory_space<vmem>>
      %dma_start3A_971 = tpu.memref_squeeze %dma_start3A_970 : memref<1x80x128xf32, #tpu.memory_space<vmem>> -> memref<80x128xf32, #tpu.memory_space<vmem>>
      tpu.enqueue_dma source(%dma_start3A_971 : memref<80x128xf32, #tpu.memory_space<vmem>>) target(%dma_start3A_967 : memref<80x128xf32, #tpu.memory_space<hbm>>) target_semaphore(%dma_start3A_965 : memref<!tpu.dma_semaphore, #tpu.memory_space<semaphore_mem>>)
    } else {
    }
    %lt3A_693 = arith.constant 31 : i32
    %lt3A_694 = arith.cmpi slt, %add3A, %lt3A_693 : i32
    %convert_element_type3A_695 = arith.extui %lt3A_694 : i1 to i32
    %cond3A_696 = arith.constant 0 : i32
    %cond3A_697 = arith.cmpi ne, %convert_element_type3A_695, %cond3A_696 : i32
    scf.if %cond3A_697 {
      %dma_wait3A_941 = arith.constant 4 : i32
      %dma_wait3A_942 = arith.constant 4 : i32
      %dma_wait3A_943 = arith.constant 0 : i32
      %dma_wait3A_944 = arith.constant 0 : i32
      %dma_wait3A_945 = tpu.memref_slice %arg6[%dma_wait3A_941, %dma_wait3A_943, %dma_wait3A_944] : memref<6x80x128xf32, #tpu.memory_space<vmem>> -> memref<1x80x128xf32, #tpu.memory_space<vmem>>
      %dma_wait3A_946 = tpu.memref_squeeze %dma_wait3A_945 : memref<1x80x128xf32, #tpu.memory_space<vmem>> -> memref<80x128xf32, #tpu.memory_space<vmem>>
      %dma_wait3A_947 = arith.constant 0 : i32
      %dma_wait3A_948 = arith.constant 0 : i32
      %dma_wait3A_949 = tpu.memref_slice %arg4[%dma_wait3A_947, %dma_wait3A_948] : memref<100000x128xf32, #tpu.memory_space<hbm>> -> memref<80x128xf32, #tpu.memory_space<hbm>>
      %dma_wait3A_950 = tpu.memref_slice %arg10[%dma_wait3A_942] : memref<6x!tpu.dma_semaphore, #tpu.memory_space<semaphore_mem>> -> memref<1x!tpu.dma_semaphore, #tpu.memory_space<semaphore_mem>>
      %dma_wait3A_951 = tpu.memref_squeeze %dma_wait3A_950 : memref<1x!tpu.dma_semaphore, #tpu.memory_space<semaphore_mem>> -> memref<!tpu.dma_semaphore, #tpu.memory_space<semaphore_mem>>
      %dma_wait3A_952 = arith.constant 0 : i32
      %dma_wait3A_953 = arith.constant 0 : i32
      %dma_wait3A_954 = tpu.memref_slice %arg4[%dma_wait3A_952, %dma_wait3A_953] : memref<100000x128xf32, #tpu.memory_space<hbm>> -> memref<80x128xf32, #tpu.memory_space<hbm>>
      %dma_wait3A_955 = arith.constant 0 : i32
      %dma_wait3A_956 = arith.constant 0 : i32
      %dma_wait3A_957 = tpu.memref_slice %arg6[%dma_wait3A_941, %dma_wait3A_955, %dma_wait3A_956] : memref<6x80x128xf32, #tpu.memory_space<vmem>> -> memref<1x80x128xf32, #tpu.memory_space<vmem>>
      %dma_wait3A_958 = tpu.memref_squeeze %dma_wait3A_957 : memref<1x80x128xf32, #tpu.memory_space<vmem>> -> memref<80x128xf32, #tpu.memory_space<vmem>>
      tpu.wait_dma2 semaphore(%dma_wait3A_951 : memref<!tpu.dma_semaphore, #tpu.memory_space<semaphore_mem>>) src(%dma_wait3A_958 : memref<80x128xf32, #tpu.memory_space<vmem>>) dst(%dma_wait3A_954 : memref<80x128xf32, #tpu.memory_space<hbm>>)
      %dma_start3A_959 = arith.constant 4 : i32
      %dma_start3A_960 = arith.constant 4 : i32
      %dma_start3A_961 = arith.constant 0 : i32
      %dma_start3A_962 = arith.constant 0 : i32
      %dma_start3A_963 = tpu.memref_slice %arg6[%dma_start3A_959, %dma_start3A_961, %dma_start3A_962] : memref<6x80x128xf32, #tpu.memory_space<vmem>> -> memref<1x80x128xf32, #tpu.memory_space<vmem>>
      %dma_start3A_964 = tpu.memref_squeeze %dma_start3A_963 : memref<1x80x128xf32, #tpu.memory_space<vmem>> -> memref<80x128xf32, #tpu.memory_space<vmem>>
      %dma_start3A_965 = arith.constant 2240 : i32
      %dma_start3A_966 = tpu.memref_slice %arg5[%dma_start3A_965] : memref<3200xi32, #tpu.memory_space<vmem>> -> memref<80xi32, #tpu.memory_space<vmem>>
      %dma_start3A_967 = arith.constant 0 : i32
      %dma_start3A_968 = arith.constant 0 : i32
      %dma_start3A_969 = tpu.memref_slice %arg7[%dma_start3A_967, %dma_start3A_968] : memref<1024x128xf32, #tpu.memory_space<vmem_shared>> -> memref<1024x128xf32, #tpu.memory_space<vmem_shared>>
      %dma_start3A_970 = tpu.memref_slice %arg9[%dma_start3A_960] : memref<6x!tpu.dma_semaphore, #tpu.memory_space<semaphore_mem>> -> memref<1x!tpu.dma_semaphore, #tpu.memory_space<semaphore_mem>>
      %dma_start3A_971 = tpu.memref_squeeze %dma_start3A_970 : memref<1x!tpu.dma_semaphore, #tpu.memory_space<semaphore_mem>> -> memref<!tpu.dma_semaphore, #tpu.memory_space<semaphore_mem>>
      tpu.enqueue_indirect_dma source(%dma_start3A_969 : memref<1024x128xf32, #tpu.memory_space<vmem_shared>>) target(%dma_start3A_964 : memref<80x128xf32, #tpu.memory_space<vmem>>) offsets(%dma_start3A_966 : memref<80xi32, #tpu.memory_space<vmem>>) semaphore(%dma_start3A_971 : memref<!tpu.dma_semaphore, #tpu.memory_space<semaphore_mem>>)
    } else {
    }
    %lt3A_698 = arith.constant 31 : i32
    %lt3A_699 = arith.cmpi slt, %add3A, %lt3A_698 : i32
    %convert_element_type3A_700 = arith.extui %lt3A_699 : i1 to i32
    %cond3A_701 = arith.constant 0 : i32
    %cond3A_702 = arith.cmpi ne, %convert_element_type3A_700, %cond3A_701 : i32
    scf.if %cond3A_702 {
      %dma_wait3A_941 = arith.constant 0 : i32
      %dma_wait3A_942 = arith.constant 0 : i32
      %dma_wait3A_943 = arith.constant 0 : i32
      %dma_wait3A_944 = arith.constant 0 : i32
      %dma_wait3A_945 = tpu.memref_slice %arg6[%dma_wait3A_941, %dma_wait3A_943, %dma_wait3A_944] : memref<6x80x128xf32, #tpu.memory_space<vmem>> -> memref<1x80x128xf32, #tpu.memory_space<vmem>>
      %dma_wait3A_946 = tpu.memref_squeeze %dma_wait3A_945 : memref<1x80x128xf32, #tpu.memory_space<vmem>> -> memref<80x128xf32, #tpu.memory_space<vmem>>
      %dma_wait3A_947 = arith.constant 1920 : i32
      %dma_wait3A_948 = tpu.memref_slice %arg5[%dma_wait3A_947] : memref<3200xi32, #tpu.memory_space<vmem>> -> memref<80xi32, #tpu.memory_space<vmem>>
      %dma_wait3A_949 = arith.constant 0 : i32
      %dma_wait3A_950 = arith.constant 0 : i32
      %dma_wait3A_951 = tpu.memref_slice %arg7[%dma_wait3A_949, %dma_wait3A_950] : memref<1024x128xf32, #tpu.memory_space<vmem_shared>> -> memref<1024x128xf32, #tpu.memory_space<vmem_shared>>
      %dma_wait3A_952 = tpu.memref_slice %arg9[%dma_wait3A_942] : memref<6x!tpu.dma_semaphore, #tpu.memory_space<semaphore_mem>> -> memref<1x!tpu.dma_semaphore, #tpu.memory_space<semaphore_mem>>
      %dma_wait3A_953 = tpu.memref_squeeze %dma_wait3A_952 : memref<1x!tpu.dma_semaphore, #tpu.memory_space<semaphore_mem>> -> memref<!tpu.dma_semaphore, #tpu.memory_space<semaphore_mem>>
      tpu.wait_indirect_dma semaphore(%dma_wait3A_953 : memref<!tpu.dma_semaphore, #tpu.memory_space<semaphore_mem>>) src(%dma_wait3A_951 : memref<1024x128xf32, #tpu.memory_space<vmem_shared>>) dst(%dma_wait3A_946 : memref<80x128xf32, #tpu.memory_space<vmem>>)
      %add3A_954 = arith.constant 1920 : i32
      %add3A_955 = arith.addi %mul3A_2, %add3A_954 : i32
      %dma_start3A_956 = arith.constant 0 : i32
      %dma_start3A_957 = arith.constant 0 : i32
      %dma_start3A_958 = arith.constant 0 : i32
      %dma_start3A_959 = arith.constant 0 : i32
      %dma_start3A_960 = tpu.memref_slice %arg6[%dma_start3A_956, %dma_start3A_958, %dma_start3A_959] : memref<6x80x128xf32, #tpu.memory_space<vmem>> -> memref<1x80x128xf32, #tpu.memory_space<vmem>>
      %dma_start3A_961 = tpu.memref_squeeze %dma_start3A_960 : memref<1x80x128xf32, #tpu.memory_space<vmem>> -> memref<80x128xf32, #tpu.memory_space<vmem>>
      %dma_start3A_962 = arith.constant 0 : i32
      %dma_start3A_963 = tpu.memref_slice %arg4[%add3A_955, %dma_start3A_962] : memref<100000x128xf32, #tpu.memory_space<hbm>> -> memref<80x128xf32, #tpu.memory_space<hbm>>
      %dma_start3A_964 = tpu.memref_slice %arg10[%dma_start3A_957] : memref<6x!tpu.dma_semaphore, #tpu.memory_space<semaphore_mem>> -> memref<1x!tpu.dma_semaphore, #tpu.memory_space<semaphore_mem>>
      %dma_start3A_965 = tpu.memref_squeeze %dma_start3A_964 : memref<1x!tpu.dma_semaphore, #tpu.memory_space<semaphore_mem>> -> memref<!tpu.dma_semaphore, #tpu.memory_space<semaphore_mem>>
      %dma_start3A_966 = arith.constant 0 : i32
      %dma_start3A_967 = tpu.memref_slice %arg4[%add3A_955, %dma_start3A_966] : memref<100000x128xf32, #tpu.memory_space<hbm>> -> memref<80x128xf32, #tpu.memory_space<hbm>>
      %dma_start3A_968 = arith.constant 0 : i32
      %dma_start3A_969 = arith.constant 0 : i32
      %dma_start3A_970 = tpu.memref_slice %arg6[%dma_start3A_956, %dma_start3A_968, %dma_start3A_969] : memref<6x80x128xf32, #tpu.memory_space<vmem>> -> memref<1x80x128xf32, #tpu.memory_space<vmem>>
      %dma_start3A_971 = tpu.memref_squeeze %dma_start3A_970 : memref<1x80x128xf32, #tpu.memory_space<vmem>> -> memref<80x128xf32, #tpu.memory_space<vmem>>
      tpu.enqueue_dma source(%dma_start3A_971 : memref<80x128xf32, #tpu.memory_space<vmem>>) target(%dma_start3A_967 : memref<80x128xf32, #tpu.memory_space<hbm>>) target_semaphore(%dma_start3A_965 : memref<!tpu.dma_semaphore, #tpu.memory_space<semaphore_mem>>)
    } else {
    }
    %lt3A_703 = arith.constant 31 : i32
    %lt3A_704 = arith.cmpi slt, %add3A, %lt3A_703 : i32
    %convert_element_type3A_705 = arith.extui %lt3A_704 : i1 to i32
    %cond3A_706 = arith.constant 0 : i32
    %cond3A_707 = arith.cmpi ne, %convert_element_type3A_705, %cond3A_706 : i32
    scf.if %cond3A_707 {
      %dma_wait3A_941 = arith.constant 5 : i32
      %dma_wait3A_942 = arith.constant 5 : i32
      %dma_wait3A_943 = arith.constant 0 : i32
      %dma_wait3A_944 = arith.constant 0 : i32
      %dma_wait3A_945 = tpu.memref_slice %arg6[%dma_wait3A_941, %dma_wait3A_943, %dma_wait3A_944] : memref<6x80x128xf32, #tpu.memory_space<vmem>> -> memref<1x80x128xf32, #tpu.memory_space<vmem>>
      %dma_wait3A_946 = tpu.memref_squeeze %dma_wait3A_945 : memref<1x80x128xf32, #tpu.memory_space<vmem>> -> memref<80x128xf32, #tpu.memory_space<vmem>>
      %dma_wait3A_947 = arith.constant 0 : i32
      %dma_wait3A_948 = arith.constant 0 : i32
      %dma_wait3A_949 = tpu.memref_slice %arg4[%dma_wait3A_947, %dma_wait3A_948] : memref<100000x128xf32, #tpu.memory_space<hbm>> -> memref<80x128xf32, #tpu.memory_space<hbm>>
      %dma_wait3A_950 = tpu.memref_slice %arg10[%dma_wait3A_942] : memref<6x!tpu.dma_semaphore, #tpu.memory_space<semaphore_mem>> -> memref<1x!tpu.dma_semaphore, #tpu.memory_space<semaphore_mem>>
      %dma_wait3A_951 = tpu.memref_squeeze %dma_wait3A_950 : memref<1x!tpu.dma_semaphore, #tpu.memory_space<semaphore_mem>> -> memref<!tpu.dma_semaphore, #tpu.memory_space<semaphore_mem>>
      %dma_wait3A_952 = arith.constant 0 : i32
      %dma_wait3A_953 = arith.constant 0 : i32
      %dma_wait3A_954 = tpu.memref_slice %arg4[%dma_wait3A_952, %dma_wait3A_953] : memref<100000x128xf32, #tpu.memory_space<hbm>> -> memref<80x128xf32, #tpu.memory_space<hbm>>
      %dma_wait3A_955 = arith.constant 0 : i32
      %dma_wait3A_956 = arith.constant 0 : i32
      %dma_wait3A_957 = tpu.memref_slice %arg6[%dma_wait3A_941, %dma_wait3A_955, %dma_wait3A_956] : memref<6x80x128xf32, #tpu.memory_space<vmem>> -> memref<1x80x128xf32, #tpu.memory_space<vmem>>
      %dma_wait3A_958 = tpu.memref_squeeze %dma_wait3A_957 : memref<1x80x128xf32, #tpu.memory_space<vmem>> -> memref<80x128xf32, #tpu.memory_space<vmem>>
      tpu.wait_dma2 semaphore(%dma_wait3A_951 : memref<!tpu.dma_semaphore, #tpu.memory_space<semaphore_mem>>) src(%dma_wait3A_958 : memref<80x128xf32, #tpu.memory_space<vmem>>) dst(%dma_wait3A_954 : memref<80x128xf32, #tpu.memory_space<hbm>>)
      %dma_start3A_959 = arith.constant 5 : i32
      %dma_start3A_960 = arith.constant 5 : i32
      %dma_start3A_961 = arith.constant 0 : i32
      %dma_start3A_962 = arith.constant 0 : i32
      %dma_start3A_963 = tpu.memref_slice %arg6[%dma_start3A_959, %dma_start3A_961, %dma_start3A_962] : memref<6x80x128xf32, #tpu.memory_space<vmem>> -> memref<1x80x128xf32, #tpu.memory_space<vmem>>
      %dma_start3A_964 = tpu.memref_squeeze %dma_start3A_963 : memref<1x80x128xf32, #tpu.memory_space<vmem>> -> memref<80x128xf32, #tpu.memory_space<vmem>>
      %dma_start3A_965 = arith.constant 2320 : i32
      %dma_start3A_966 = tpu.memref_slice %arg5[%dma_start3A_965] : memref<3200xi32, #tpu.memory_space<vmem>> -> memref<80xi32, #tpu.memory_space<vmem>>
      %dma_start3A_967 = arith.constant 0 : i32
      %dma_start3A_968 = arith.constant 0 : i32
      %dma_start3A_969 = tpu.memref_slice %arg7[%dma_start3A_967, %dma_start3A_968] : memref<1024x128xf32, #tpu.memory_space<vmem_shared>> -> memref<1024x128xf32, #tpu.memory_space<vmem_shared>>
      %dma_start3A_970 = tpu.memref_slice %arg9[%dma_start3A_960] : memref<6x!tpu.dma_semaphore, #tpu.memory_space<semaphore_mem>> -> memref<1x!tpu.dma_semaphore, #tpu.memory_space<semaphore_mem>>
      %dma_start3A_971 = tpu.memref_squeeze %dma_start3A_970 : memref<1x!tpu.dma_semaphore, #tpu.memory_space<semaphore_mem>> -> memref<!tpu.dma_semaphore, #tpu.memory_space<semaphore_mem>>
      tpu.enqueue_indirect_dma source(%dma_start3A_969 : memref<1024x128xf32, #tpu.memory_space<vmem_shared>>) target(%dma_start3A_964 : memref<80x128xf32, #tpu.memory_space<vmem>>) offsets(%dma_start3A_966 : memref<80xi32, #tpu.memory_space<vmem>>) semaphore(%dma_start3A_971 : memref<!tpu.dma_semaphore, #tpu.memory_space<semaphore_mem>>)
    } else {
    }
    %lt3A_708 = arith.constant 31 : i32
    %lt3A_709 = arith.cmpi slt, %add3A, %lt3A_708 : i32
    %convert_element_type3A_710 = arith.extui %lt3A_709 : i1 to i32
    %cond3A_711 = arith.constant 0 : i32
    %cond3A_712 = arith.cmpi ne, %convert_element_type3A_710, %cond3A_711 : i32
    scf.if %cond3A_712 {
      %dma_wait3A_941 = arith.constant 1 : i32
      %dma_wait3A_942 = arith.constant 1 : i32
      %dma_wait3A_943 = arith.constant 0 : i32
      %dma_wait3A_944 = arith.constant 0 : i32
      %dma_wait3A_945 = tpu.memref_slice %arg6[%dma_wait3A_941, %dma_wait3A_943, %dma_wait3A_944] : memref<6x80x128xf32, #tpu.memory_space<vmem>> -> memref<1x80x128xf32, #tpu.memory_space<vmem>>
      %dma_wait3A_946 = tpu.memref_squeeze %dma_wait3A_945 : memref<1x80x128xf32, #tpu.memory_space<vmem>> -> memref<80x128xf32, #tpu.memory_space<vmem>>
      %dma_wait3A_947 = arith.constant 2000 : i32
      %dma_wait3A_948 = tpu.memref_slice %arg5[%dma_wait3A_947] : memref<3200xi32, #tpu.memory_space<vmem>> -> memref<80xi32, #tpu.memory_space<vmem>>
      %dma_wait3A_949 = arith.constant 0 : i32
      %dma_wait3A_950 = arith.constant 0 : i32
      %dma_wait3A_951 = tpu.memref_slice %arg7[%dma_wait3A_949, %dma_wait3A_950] : memref<1024x128xf32, #tpu.memory_space<vmem_shared>> -> memref<1024x128xf32, #tpu.memory_space<vmem_shared>>
      %dma_wait3A_952 = tpu.memref_slice %arg9[%dma_wait3A_942] : memref<6x!tpu.dma_semaphore, #tpu.memory_space<semaphore_mem>> -> memref<1x!tpu.dma_semaphore, #tpu.memory_space<semaphore_mem>>
      %dma_wait3A_953 = tpu.memref_squeeze %dma_wait3A_952 : memref<1x!tpu.dma_semaphore, #tpu.memory_space<semaphore_mem>> -> memref<!tpu.dma_semaphore, #tpu.memory_space<semaphore_mem>>
      tpu.wait_indirect_dma semaphore(%dma_wait3A_953 : memref<!tpu.dma_semaphore, #tpu.memory_space<semaphore_mem>>) src(%dma_wait3A_951 : memref<1024x128xf32, #tpu.memory_space<vmem_shared>>) dst(%dma_wait3A_946 : memref<80x128xf32, #tpu.memory_space<vmem>>)
      %add3A_954 = arith.constant 2000 : i32
      %add3A_955 = arith.addi %mul3A_2, %add3A_954 : i32
      %dma_start3A_956 = arith.constant 1 : i32
      %dma_start3A_957 = arith.constant 1 : i32
      %dma_start3A_958 = arith.constant 0 : i32
      %dma_start3A_959 = arith.constant 0 : i32
      %dma_start3A_960 = tpu.memref_slice %arg6[%dma_start3A_956, %dma_start3A_958, %dma_start3A_959] : memref<6x80x128xf32, #tpu.memory_space<vmem>> -> memref<1x80x128xf32, #tpu.memory_space<vmem>>
      %dma_start3A_961 = tpu.memref_squeeze %dma_start3A_960 : memref<1x80x128xf32, #tpu.memory_space<vmem>> -> memref<80x128xf32, #tpu.memory_space<vmem>>
      %dma_start3A_962 = arith.constant 0 : i32
      %dma_start3A_963 = tpu.memref_slice %arg4[%add3A_955, %dma_start3A_962] : memref<100000x128xf32, #tpu.memory_space<hbm>> -> memref<80x128xf32, #tpu.memory_space<hbm>>
      %dma_start3A_964 = tpu.memref_slice %arg10[%dma_start3A_957] : memref<6x!tpu.dma_semaphore, #tpu.memory_space<semaphore_mem>> -> memref<1x!tpu.dma_semaphore, #tpu.memory_space<semaphore_mem>>
      %dma_start3A_965 = tpu.memref_squeeze %dma_start3A_964 : memref<1x!tpu.dma_semaphore, #tpu.memory_space<semaphore_mem>> -> memref<!tpu.dma_semaphore, #tpu.memory_space<semaphore_mem>>
      %dma_start3A_966 = arith.constant 0 : i32
      %dma_start3A_967 = tpu.memref_slice %arg4[%add3A_955, %dma_start3A_966] : memref<100000x128xf32, #tpu.memory_space<hbm>> -> memref<80x128xf32, #tpu.memory_space<hbm>>
      %dma_start3A_968 = arith.constant 0 : i32
      %dma_start3A_969 = arith.constant 0 : i32
      %dma_start3A_970 = tpu.memref_slice %arg6[%dma_start3A_956, %dma_start3A_968, %dma_start3A_969] : memref<6x80x128xf32, #tpu.memory_space<vmem>> -> memref<1x80x128xf32, #tpu.memory_space<vmem>>
      %dma_start3A_971 = tpu.memref_squeeze %dma_start3A_970 : memref<1x80x128xf32, #tpu.memory_space<vmem>> -> memref<80x128xf32, #tpu.memory_space<vmem>>
      tpu.enqueue_dma source(%dma_start3A_971 : memref<80x128xf32, #tpu.memory_space<vmem>>) target(%dma_start3A_967 : memref<80x128xf32, #tpu.memory_space<hbm>>) target_semaphore(%dma_start3A_965 : memref<!tpu.dma_semaphore, #tpu.memory_space<semaphore_mem>>)
    } else {
    }
    %lt3A_713 = arith.constant 31 : i32
    %lt3A_714 = arith.cmpi slt, %add3A, %lt3A_713 : i32
    %convert_element_type3A_715 = arith.extui %lt3A_714 : i1 to i32
    %cond3A_716 = arith.constant 0 : i32
    %cond3A_717 = arith.cmpi ne, %convert_element_type3A_715, %cond3A_716 : i32
    scf.if %cond3A_717 {
      %dma_wait3A_941 = arith.constant 0 : i32
      %dma_wait3A_942 = arith.constant 0 : i32
      %dma_wait3A_943 = arith.constant 0 : i32
      %dma_wait3A_944 = arith.constant 0 : i32
      %dma_wait3A_945 = tpu.memref_slice %arg6[%dma_wait3A_941, %dma_wait3A_943, %dma_wait3A_944] : memref<6x80x128xf32, #tpu.memory_space<vmem>> -> memref<1x80x128xf32, #tpu.memory_space<vmem>>
      %dma_wait3A_946 = tpu.memref_squeeze %dma_wait3A_945 : memref<1x80x128xf32, #tpu.memory_space<vmem>> -> memref<80x128xf32, #tpu.memory_space<vmem>>
      %dma_wait3A_947 = arith.constant 0 : i32
      %dma_wait3A_948 = arith.constant 0 : i32
      %dma_wait3A_949 = tpu.memref_slice %arg4[%dma_wait3A_947, %dma_wait3A_948] : memref<100000x128xf32, #tpu.memory_space<hbm>> -> memref<80x128xf32, #tpu.memory_space<hbm>>
      %dma_wait3A_950 = tpu.memref_slice %arg10[%dma_wait3A_942] : memref<6x!tpu.dma_semaphore, #tpu.memory_space<semaphore_mem>> -> memref<1x!tpu.dma_semaphore, #tpu.memory_space<semaphore_mem>>
      %dma_wait3A_951 = tpu.memref_squeeze %dma_wait3A_950 : memref<1x!tpu.dma_semaphore, #tpu.memory_space<semaphore_mem>> -> memref<!tpu.dma_semaphore, #tpu.memory_space<semaphore_mem>>
      %dma_wait3A_952 = arith.constant 0 : i32
      %dma_wait3A_953 = arith.constant 0 : i32
      %dma_wait3A_954 = tpu.memref_slice %arg4[%dma_wait3A_952, %dma_wait3A_953] : memref<100000x128xf32, #tpu.memory_space<hbm>> -> memref<80x128xf32, #tpu.memory_space<hbm>>
      %dma_wait3A_955 = arith.constant 0 : i32
      %dma_wait3A_956 = arith.constant 0 : i32
      %dma_wait3A_957 = tpu.memref_slice %arg6[%dma_wait3A_941, %dma_wait3A_955, %dma_wait3A_956] : memref<6x80x128xf32, #tpu.memory_space<vmem>> -> memref<1x80x128xf32, #tpu.memory_space<vmem>>
      %dma_wait3A_958 = tpu.memref_squeeze %dma_wait3A_957 : memref<1x80x128xf32, #tpu.memory_space<vmem>> -> memref<80x128xf32, #tpu.memory_space<vmem>>
      tpu.wait_dma2 semaphore(%dma_wait3A_951 : memref<!tpu.dma_semaphore, #tpu.memory_space<semaphore_mem>>) src(%dma_wait3A_958 : memref<80x128xf32, #tpu.memory_space<vmem>>) dst(%dma_wait3A_954 : memref<80x128xf32, #tpu.memory_space<hbm>>)
      %dma_start3A_959 = arith.constant 0 : i32
      %dma_start3A_960 = arith.constant 0 : i32
      %dma_start3A_961 = arith.constant 0 : i32
      %dma_start3A_962 = arith.constant 0 : i32
      %dma_start3A_963 = tpu.memref_slice %arg6[%dma_start3A_959, %dma_start3A_961, %dma_start3A_962] : memref<6x80x128xf32, #tpu.memory_space<vmem>> -> memref<1x80x128xf32, #tpu.memory_space<vmem>>
      %dma_start3A_964 = tpu.memref_squeeze %dma_start3A_963 : memref<1x80x128xf32, #tpu.memory_space<vmem>> -> memref<80x128xf32, #tpu.memory_space<vmem>>
      %dma_start3A_965 = arith.constant 2400 : i32
      %dma_start3A_966 = tpu.memref_slice %arg5[%dma_start3A_965] : memref<3200xi32, #tpu.memory_space<vmem>> -> memref<80xi32, #tpu.memory_space<vmem>>
      %dma_start3A_967 = arith.constant 0 : i32
      %dma_start3A_968 = arith.constant 0 : i32
      %dma_start3A_969 = tpu.memref_slice %arg7[%dma_start3A_967, %dma_start3A_968] : memref<1024x128xf32, #tpu.memory_space<vmem_shared>> -> memref<1024x128xf32, #tpu.memory_space<vmem_shared>>
      %dma_start3A_970 = tpu.memref_slice %arg9[%dma_start3A_960] : memref<6x!tpu.dma_semaphore, #tpu.memory_space<semaphore_mem>> -> memref<1x!tpu.dma_semaphore, #tpu.memory_space<semaphore_mem>>
      %dma_start3A_971 = tpu.memref_squeeze %dma_start3A_970 : memref<1x!tpu.dma_semaphore, #tpu.memory_space<semaphore_mem>> -> memref<!tpu.dma_semaphore, #tpu.memory_space<semaphore_mem>>
      tpu.enqueue_indirect_dma source(%dma_start3A_969 : memref<1024x128xf32, #tpu.memory_space<vmem_shared>>) target(%dma_start3A_964 : memref<80x128xf32, #tpu.memory_space<vmem>>) offsets(%dma_start3A_966 : memref<80xi32, #tpu.memory_space<vmem>>) semaphore(%dma_start3A_971 : memref<!tpu.dma_semaphore, #tpu.memory_space<semaphore_mem>>)
    } else {
    }
    %lt3A_718 = arith.constant 31 : i32
    %lt3A_719 = arith.cmpi slt, %add3A, %lt3A_718 : i32
    %convert_element_type3A_720 = arith.extui %lt3A_719 : i1 to i32
    %cond3A_721 = arith.constant 0 : i32
    %cond3A_722 = arith.cmpi ne, %convert_element_type3A_720, %cond3A_721 : i32
    scf.if %cond3A_722 {
      %dma_wait3A_941 = arith.constant 2 : i32
      %dma_wait3A_942 = arith.constant 2 : i32
      %dma_wait3A_943 = arith.constant 0 : i32
      %dma_wait3A_944 = arith.constant 0 : i32
      %dma_wait3A_945 = tpu.memref_slice %arg6[%dma_wait3A_941, %dma_wait3A_943, %dma_wait3A_944] : memref<6x80x128xf32, #tpu.memory_space<vmem>> -> memref<1x80x128xf32, #tpu.memory_space<vmem>>
      %dma_wait3A_946 = tpu.memref_squeeze %dma_wait3A_945 : memref<1x80x128xf32, #tpu.memory_space<vmem>> -> memref<80x128xf32, #tpu.memory_space<vmem>>
      %dma_wait3A_947 = arith.constant 2080 : i32
      %dma_wait3A_948 = tpu.memref_slice %arg5[%dma_wait3A_947] : memref<3200xi32, #tpu.memory_space<vmem>> -> memref<80xi32, #tpu.memory_space<vmem>>
      %dma_wait3A_949 = arith.constant 0 : i32
      %dma_wait3A_950 = arith.constant 0 : i32
      %dma_wait3A_951 = tpu.memref_slice %arg7[%dma_wait3A_949, %dma_wait3A_950] : memref<1024x128xf32, #tpu.memory_space<vmem_shared>> -> memref<1024x128xf32, #tpu.memory_space<vmem_shared>>
      %dma_wait3A_952 = tpu.memref_slice %arg9[%dma_wait3A_942] : memref<6x!tpu.dma_semaphore, #tpu.memory_space<semaphore_mem>> -> memref<1x!tpu.dma_semaphore, #tpu.memory_space<semaphore_mem>>
      %dma_wait3A_953 = tpu.memref_squeeze %dma_wait3A_952 : memref<1x!tpu.dma_semaphore, #tpu.memory_space<semaphore_mem>> -> memref<!tpu.dma_semaphore, #tpu.memory_space<semaphore_mem>>
      tpu.wait_indirect_dma semaphore(%dma_wait3A_953 : memref<!tpu.dma_semaphore, #tpu.memory_space<semaphore_mem>>) src(%dma_wait3A_951 : memref<1024x128xf32, #tpu.memory_space<vmem_shared>>) dst(%dma_wait3A_946 : memref<80x128xf32, #tpu.memory_space<vmem>>)
      %add3A_954 = arith.constant 2080 : i32
      %add3A_955 = arith.addi %mul3A_2, %add3A_954 : i32
      %dma_start3A_956 = arith.constant 2 : i32
      %dma_start3A_957 = arith.constant 2 : i32
      %dma_start3A_958 = arith.constant 0 : i32
      %dma_start3A_959 = arith.constant 0 : i32
      %dma_start3A_960 = tpu.memref_slice %arg6[%dma_start3A_956, %dma_start3A_958, %dma_start3A_959] : memref<6x80x128xf32, #tpu.memory_space<vmem>> -> memref<1x80x128xf32, #tpu.memory_space<vmem>>
      %dma_start3A_961 = tpu.memref_squeeze %dma_start3A_960 : memref<1x80x128xf32, #tpu.memory_space<vmem>> -> memref<80x128xf32, #tpu.memory_space<vmem>>
      %dma_start3A_962 = arith.constant 0 : i32
      %dma_start3A_963 = tpu.memref_slice %arg4[%add3A_955, %dma_start3A_962] : memref<100000x128xf32, #tpu.memory_space<hbm>> -> memref<80x128xf32, #tpu.memory_space<hbm>>
      %dma_start3A_964 = tpu.memref_slice %arg10[%dma_start3A_957] : memref<6x!tpu.dma_semaphore, #tpu.memory_space<semaphore_mem>> -> memref<1x!tpu.dma_semaphore, #tpu.memory_space<semaphore_mem>>
      %dma_start3A_965 = tpu.memref_squeeze %dma_start3A_964 : memref<1x!tpu.dma_semaphore, #tpu.memory_space<semaphore_mem>> -> memref<!tpu.dma_semaphore, #tpu.memory_space<semaphore_mem>>
      %dma_start3A_966 = arith.constant 0 : i32
      %dma_start3A_967 = tpu.memref_slice %arg4[%add3A_955, %dma_start3A_966] : memref<100000x128xf32, #tpu.memory_space<hbm>> -> memref<80x128xf32, #tpu.memory_space<hbm>>
      %dma_start3A_968 = arith.constant 0 : i32
      %dma_start3A_969 = arith.constant 0 : i32
      %dma_start3A_970 = tpu.memref_slice %arg6[%dma_start3A_956, %dma_start3A_968, %dma_start3A_969] : memref<6x80x128xf32, #tpu.memory_space<vmem>> -> memref<1x80x128xf32, #tpu.memory_space<vmem>>
      %dma_start3A_971 = tpu.memref_squeeze %dma_start3A_970 : memref<1x80x128xf32, #tpu.memory_space<vmem>> -> memref<80x128xf32, #tpu.memory_space<vmem>>
      tpu.enqueue_dma source(%dma_start3A_971 : memref<80x128xf32, #tpu.memory_space<vmem>>) target(%dma_start3A_967 : memref<80x128xf32, #tpu.memory_space<hbm>>) target_semaphore(%dma_start3A_965 : memref<!tpu.dma_semaphore, #tpu.memory_space<semaphore_mem>>)
    } else {
    }
    %lt3A_723 = arith.constant 31 : i32
    %lt3A_724 = arith.cmpi slt, %add3A, %lt3A_723 : i32
    %convert_element_type3A_725 = arith.extui %lt3A_724 : i1 to i32
    %cond3A_726 = arith.constant 0 : i32
    %cond3A_727 = arith.cmpi ne, %convert_element_type3A_725, %cond3A_726 : i32
    scf.if %cond3A_727 {
      %dma_wait3A_941 = arith.constant 1 : i32
      %dma_wait3A_942 = arith.constant 1 : i32
      %dma_wait3A_943 = arith.constant 0 : i32
      %dma_wait3A_944 = arith.constant 0 : i32
      %dma_wait3A_945 = tpu.memref_slice %arg6[%dma_wait3A_941, %dma_wait3A_943, %dma_wait3A_944] : memref<6x80x128xf32, #tpu.memory_space<vmem>> -> memref<1x80x128xf32, #tpu.memory_space<vmem>>
      %dma_wait3A_946 = tpu.memref_squeeze %dma_wait3A_945 : memref<1x80x128xf32, #tpu.memory_space<vmem>> -> memref<80x128xf32, #tpu.memory_space<vmem>>
      %dma_wait3A_947 = arith.constant 0 : i32
      %dma_wait3A_948 = arith.constant 0 : i32
      %dma_wait3A_949 = tpu.memref_slice %arg4[%dma_wait3A_947, %dma_wait3A_948] : memref<100000x128xf32, #tpu.memory_space<hbm>> -> memref<80x128xf32, #tpu.memory_space<hbm>>
      %dma_wait3A_950 = tpu.memref_slice %arg10[%dma_wait3A_942] : memref<6x!tpu.dma_semaphore, #tpu.memory_space<semaphore_mem>> -> memref<1x!tpu.dma_semaphore, #tpu.memory_space<semaphore_mem>>
      %dma_wait3A_951 = tpu.memref_squeeze %dma_wait3A_950 : memref<1x!tpu.dma_semaphore, #tpu.memory_space<semaphore_mem>> -> memref<!tpu.dma_semaphore, #tpu.memory_space<semaphore_mem>>
      %dma_wait3A_952 = arith.constant 0 : i32
      %dma_wait3A_953 = arith.constant 0 : i32
      %dma_wait3A_954 = tpu.memref_slice %arg4[%dma_wait3A_952, %dma_wait3A_953] : memref<100000x128xf32, #tpu.memory_space<hbm>> -> memref<80x128xf32, #tpu.memory_space<hbm>>
      %dma_wait3A_955 = arith.constant 0 : i32
      %dma_wait3A_956 = arith.constant 0 : i32
      %dma_wait3A_957 = tpu.memref_slice %arg6[%dma_wait3A_941, %dma_wait3A_955, %dma_wait3A_956] : memref<6x80x128xf32, #tpu.memory_space<vmem>> -> memref<1x80x128xf32, #tpu.memory_space<vmem>>
      %dma_wait3A_958 = tpu.memref_squeeze %dma_wait3A_957 : memref<1x80x128xf32, #tpu.memory_space<vmem>> -> memref<80x128xf32, #tpu.memory_space<vmem>>
      tpu.wait_dma2 semaphore(%dma_wait3A_951 : memref<!tpu.dma_semaphore, #tpu.memory_space<semaphore_mem>>) src(%dma_wait3A_958 : memref<80x128xf32, #tpu.memory_space<vmem>>) dst(%dma_wait3A_954 : memref<80x128xf32, #tpu.memory_space<hbm>>)
      %dma_start3A_959 = arith.constant 1 : i32
      %dma_start3A_960 = arith.constant 1 : i32
      %dma_start3A_961 = arith.constant 0 : i32
      %dma_start3A_962 = arith.constant 0 : i32
      %dma_start3A_963 = tpu.memref_slice %arg6[%dma_start3A_959, %dma_start3A_961, %dma_start3A_962] : memref<6x80x128xf32, #tpu.memory_space<vmem>> -> memref<1x80x128xf32, #tpu.memory_space<vmem>>
      %dma_start3A_964 = tpu.memref_squeeze %dma_start3A_963 : memref<1x80x128xf32, #tpu.memory_space<vmem>> -> memref<80x128xf32, #tpu.memory_space<vmem>>
      %dma_start3A_965 = arith.constant 2480 : i32
      %dma_start3A_966 = tpu.memref_slice %arg5[%dma_start3A_965] : memref<3200xi32, #tpu.memory_space<vmem>> -> memref<80xi32, #tpu.memory_space<vmem>>
      %dma_start3A_967 = arith.constant 0 : i32
      %dma_start3A_968 = arith.constant 0 : i32
      %dma_start3A_969 = tpu.memref_slice %arg7[%dma_start3A_967, %dma_start3A_968] : memref<1024x128xf32, #tpu.memory_space<vmem_shared>> -> memref<1024x128xf32, #tpu.memory_space<vmem_shared>>
      %dma_start3A_970 = tpu.memref_slice %arg9[%dma_start3A_960] : memref<6x!tpu.dma_semaphore, #tpu.memory_space<semaphore_mem>> -> memref<1x!tpu.dma_semaphore, #tpu.memory_space<semaphore_mem>>
      %dma_start3A_971 = tpu.memref_squeeze %dma_start3A_970 : memref<1x!tpu.dma_semaphore, #tpu.memory_space<semaphore_mem>> -> memref<!tpu.dma_semaphore, #tpu.memory_space<semaphore_mem>>
      tpu.enqueue_indirect_dma source(%dma_start3A_969 : memref<1024x128xf32, #tpu.memory_space<vmem_shared>>) target(%dma_start3A_964 : memref<80x128xf32, #tpu.memory_space<vmem>>) offsets(%dma_start3A_966 : memref<80xi32, #tpu.memory_space<vmem>>) semaphore(%dma_start3A_971 : memref<!tpu.dma_semaphore, #tpu.memory_space<semaphore_mem>>)
    } else {
    }
    %lt3A_728 = arith.constant 31 : i32
    %lt3A_729 = arith.cmpi slt, %add3A, %lt3A_728 : i32
    %convert_element_type3A_730 = arith.extui %lt3A_729 : i1 to i32
    %cond3A_731 = arith.constant 0 : i32
    %cond3A_732 = arith.cmpi ne, %convert_element_type3A_730, %cond3A_731 : i32
    scf.if %cond3A_732 {
      %dma_wait3A_941 = arith.constant 3 : i32
      %dma_wait3A_942 = arith.constant 3 : i32
      %dma_wait3A_943 = arith.constant 0 : i32
      %dma_wait3A_944 = arith.constant 0 : i32
      %dma_wait3A_945 = tpu.memref_slice %arg6[%dma_wait3A_941, %dma_wait3A_943, %dma_wait3A_944] : memref<6x80x128xf32, #tpu.memory_space<vmem>> -> memref<1x80x128xf32, #tpu.memory_space<vmem>>
      %dma_wait3A_946 = tpu.memref_squeeze %dma_wait3A_945 : memref<1x80x128xf32, #tpu.memory_space<vmem>> -> memref<80x128xf32, #tpu.memory_space<vmem>>
      %dma_wait3A_947 = arith.constant 2160 : i32
      %dma_wait3A_948 = tpu.memref_slice %arg5[%dma_wait3A_947] : memref<3200xi32, #tpu.memory_space<vmem>> -> memref<80xi32, #tpu.memory_space<vmem>>
      %dma_wait3A_949 = arith.constant 0 : i32
      %dma_wait3A_950 = arith.constant 0 : i32
      %dma_wait3A_951 = tpu.memref_slice %arg7[%dma_wait3A_949, %dma_wait3A_950] : memref<1024x128xf32, #tpu.memory_space<vmem_shared>> -> memref<1024x128xf32, #tpu.memory_space<vmem_shared>>
      %dma_wait3A_952 = tpu.memref_slice %arg9[%dma_wait3A_942] : memref<6x!tpu.dma_semaphore, #tpu.memory_space<semaphore_mem>> -> memref<1x!tpu.dma_semaphore, #tpu.memory_space<semaphore_mem>>
      %dma_wait3A_953 = tpu.memref_squeeze %dma_wait3A_952 : memref<1x!tpu.dma_semaphore, #tpu.memory_space<semaphore_mem>> -> memref<!tpu.dma_semaphore, #tpu.memory_space<semaphore_mem>>
      tpu.wait_indirect_dma semaphore(%dma_wait3A_953 : memref<!tpu.dma_semaphore, #tpu.memory_space<semaphore_mem>>) src(%dma_wait3A_951 : memref<1024x128xf32, #tpu.memory_space<vmem_shared>>) dst(%dma_wait3A_946 : memref<80x128xf32, #tpu.memory_space<vmem>>)
      %add3A_954 = arith.constant 2160 : i32
      %add3A_955 = arith.addi %mul3A_2, %add3A_954 : i32
      %dma_start3A_956 = arith.constant 3 : i32
      %dma_start3A_957 = arith.constant 3 : i32
      %dma_start3A_958 = arith.constant 0 : i32
      %dma_start3A_959 = arith.constant 0 : i32
      %dma_start3A_960 = tpu.memref_slice %arg6[%dma_start3A_956, %dma_start3A_958, %dma_start3A_959] : memref<6x80x128xf32, #tpu.memory_space<vmem>> -> memref<1x80x128xf32, #tpu.memory_space<vmem>>
      %dma_start3A_961 = tpu.memref_squeeze %dma_start3A_960 : memref<1x80x128xf32, #tpu.memory_space<vmem>> -> memref<80x128xf32, #tpu.memory_space<vmem>>
      %dma_start3A_962 = arith.constant 0 : i32
      %dma_start3A_963 = tpu.memref_slice %arg4[%add3A_955, %dma_start3A_962] : memref<100000x128xf32, #tpu.memory_space<hbm>> -> memref<80x128xf32, #tpu.memory_space<hbm>>
      %dma_start3A_964 = tpu.memref_slice %arg10[%dma_start3A_957] : memref<6x!tpu.dma_semaphore, #tpu.memory_space<semaphore_mem>> -> memref<1x!tpu.dma_semaphore, #tpu.memory_space<semaphore_mem>>
      %dma_start3A_965 = tpu.memref_squeeze %dma_start3A_964 : memref<1x!tpu.dma_semaphore, #tpu.memory_space<semaphore_mem>> -> memref<!tpu.dma_semaphore, #tpu.memory_space<semaphore_mem>>
      %dma_start3A_966 = arith.constant 0 : i32
      %dma_start3A_967 = tpu.memref_slice %arg4[%add3A_955, %dma_start3A_966] : memref<100000x128xf32, #tpu.memory_space<hbm>> -> memref<80x128xf32, #tpu.memory_space<hbm>>
      %dma_start3A_968 = arith.constant 0 : i32
      %dma_start3A_969 = arith.constant 0 : i32
      %dma_start3A_970 = tpu.memref_slice %arg6[%dma_start3A_956, %dma_start3A_968, %dma_start3A_969] : memref<6x80x128xf32, #tpu.memory_space<vmem>> -> memref<1x80x128xf32, #tpu.memory_space<vmem>>
      %dma_start3A_971 = tpu.memref_squeeze %dma_start3A_970 : memref<1x80x128xf32, #tpu.memory_space<vmem>> -> memref<80x128xf32, #tpu.memory_space<vmem>>
      tpu.enqueue_dma source(%dma_start3A_971 : memref<80x128xf32, #tpu.memory_space<vmem>>) target(%dma_start3A_967 : memref<80x128xf32, #tpu.memory_space<hbm>>) target_semaphore(%dma_start3A_965 : memref<!tpu.dma_semaphore, #tpu.memory_space<semaphore_mem>>)
    } else {
    }
    %lt3A_733 = arith.constant 31 : i32
    %lt3A_734 = arith.cmpi slt, %add3A, %lt3A_733 : i32
    %convert_element_type3A_735 = arith.extui %lt3A_734 : i1 to i32
    %cond3A_736 = arith.constant 0 : i32
    %cond3A_737 = arith.cmpi ne, %convert_element_type3A_735, %cond3A_736 : i32
    scf.if %cond3A_737 {
      %dma_wait3A_941 = arith.constant 2 : i32
      %dma_wait3A_942 = arith.constant 2 : i32
      %dma_wait3A_943 = arith.constant 0 : i32
      %dma_wait3A_944 = arith.constant 0 : i32
      %dma_wait3A_945 = tpu.memref_slice %arg6[%dma_wait3A_941, %dma_wait3A_943, %dma_wait3A_944] : memref<6x80x128xf32, #tpu.memory_space<vmem>> -> memref<1x80x128xf32, #tpu.memory_space<vmem>>
      %dma_wait3A_946 = tpu.memref_squeeze %dma_wait3A_945 : memref<1x80x128xf32, #tpu.memory_space<vmem>> -> memref<80x128xf32, #tpu.memory_space<vmem>>
      %dma_wait3A_947 = arith.constant 0 : i32
      %dma_wait3A_948 = arith.constant 0 : i32
      %dma_wait3A_949 = tpu.memref_slice %arg4[%dma_wait3A_947, %dma_wait3A_948] : memref<100000x128xf32, #tpu.memory_space<hbm>> -> memref<80x128xf32, #tpu.memory_space<hbm>>
      %dma_wait3A_950 = tpu.memref_slice %arg10[%dma_wait3A_942] : memref<6x!tpu.dma_semaphore, #tpu.memory_space<semaphore_mem>> -> memref<1x!tpu.dma_semaphore, #tpu.memory_space<semaphore_mem>>
      %dma_wait3A_951 = tpu.memref_squeeze %dma_wait3A_950 : memref<1x!tpu.dma_semaphore, #tpu.memory_space<semaphore_mem>> -> memref<!tpu.dma_semaphore, #tpu.memory_space<semaphore_mem>>
      %dma_wait3A_952 = arith.constant 0 : i32
      %dma_wait3A_953 = arith.constant 0 : i32
      %dma_wait3A_954 = tpu.memref_slice %arg4[%dma_wait3A_952, %dma_wait3A_953] : memref<100000x128xf32, #tpu.memory_space<hbm>> -> memref<80x128xf32, #tpu.memory_space<hbm>>
      %dma_wait3A_955 = arith.constant 0 : i32
      %dma_wait3A_956 = arith.constant 0 : i32
      %dma_wait3A_957 = tpu.memref_slice %arg6[%dma_wait3A_941, %dma_wait3A_955, %dma_wait3A_956] : memref<6x80x128xf32, #tpu.memory_space<vmem>> -> memref<1x80x128xf32, #tpu.memory_space<vmem>>
      %dma_wait3A_958 = tpu.memref_squeeze %dma_wait3A_957 : memref<1x80x128xf32, #tpu.memory_space<vmem>> -> memref<80x128xf32, #tpu.memory_space<vmem>>
      tpu.wait_dma2 semaphore(%dma_wait3A_951 : memref<!tpu.dma_semaphore, #tpu.memory_space<semaphore_mem>>) src(%dma_wait3A_958 : memref<80x128xf32, #tpu.memory_space<vmem>>) dst(%dma_wait3A_954 : memref<80x128xf32, #tpu.memory_space<hbm>>)
      %dma_start3A_959 = arith.constant 2 : i32
      %dma_start3A_960 = arith.constant 2 : i32
      %dma_start3A_961 = arith.constant 0 : i32
      %dma_start3A_962 = arith.constant 0 : i32
      %dma_start3A_963 = tpu.memref_slice %arg6[%dma_start3A_959, %dma_start3A_961, %dma_start3A_962] : memref<6x80x128xf32, #tpu.memory_space<vmem>> -> memref<1x80x128xf32, #tpu.memory_space<vmem>>
      %dma_start3A_964 = tpu.memref_squeeze %dma_start3A_963 : memref<1x80x128xf32, #tpu.memory_space<vmem>> -> memref<80x128xf32, #tpu.memory_space<vmem>>
      %dma_start3A_965 = arith.constant 2560 : i32
      %dma_start3A_966 = tpu.memref_slice %arg5[%dma_start3A_965] : memref<3200xi32, #tpu.memory_space<vmem>> -> memref<80xi32, #tpu.memory_space<vmem>>
      %dma_start3A_967 = arith.constant 0 : i32
      %dma_start3A_968 = arith.constant 0 : i32
      %dma_start3A_969 = tpu.memref_slice %arg7[%dma_start3A_967, %dma_start3A_968] : memref<1024x128xf32, #tpu.memory_space<vmem_shared>> -> memref<1024x128xf32, #tpu.memory_space<vmem_shared>>
      %dma_start3A_970 = tpu.memref_slice %arg9[%dma_start3A_960] : memref<6x!tpu.dma_semaphore, #tpu.memory_space<semaphore_mem>> -> memref<1x!tpu.dma_semaphore, #tpu.memory_space<semaphore_mem>>
      %dma_start3A_971 = tpu.memref_squeeze %dma_start3A_970 : memref<1x!tpu.dma_semaphore, #tpu.memory_space<semaphore_mem>> -> memref<!tpu.dma_semaphore, #tpu.memory_space<semaphore_mem>>
      tpu.enqueue_indirect_dma source(%dma_start3A_969 : memref<1024x128xf32, #tpu.memory_space<vmem_shared>>) target(%dma_start3A_964 : memref<80x128xf32, #tpu.memory_space<vmem>>) offsets(%dma_start3A_966 : memref<80xi32, #tpu.memory_space<vmem>>) semaphore(%dma_start3A_971 : memref<!tpu.dma_semaphore, #tpu.memory_space<semaphore_mem>>)
    } else {
    }
    %lt3A_738 = arith.constant 31 : i32
    %lt3A_739 = arith.cmpi slt, %add3A, %lt3A_738 : i32
    %convert_element_type3A_740 = arith.extui %lt3A_739 : i1 to i32
    %cond3A_741 = arith.constant 0 : i32
    %cond3A_742 = arith.cmpi ne, %convert_element_type3A_740, %cond3A_741 : i32
    scf.if %cond3A_742 {
      %dma_wait3A_941 = arith.constant 4 : i32
      %dma_wait3A_942 = arith.constant 4 : i32
      %dma_wait3A_943 = arith.constant 0 : i32
      %dma_wait3A_944 = arith.constant 0 : i32
      %dma_wait3A_945 = tpu.memref_slice %arg6[%dma_wait3A_941, %dma_wait3A_943, %dma_wait3A_944] : memref<6x80x128xf32, #tpu.memory_space<vmem>> -> memref<1x80x128xf32, #tpu.memory_space<vmem>>
      %dma_wait3A_946 = tpu.memref_squeeze %dma_wait3A_945 : memref<1x80x128xf32, #tpu.memory_space<vmem>> -> memref<80x128xf32, #tpu.memory_space<vmem>>
      %dma_wait3A_947 = arith.constant 2240 : i32
      %dma_wait3A_948 = tpu.memref_slice %arg5[%dma_wait3A_947] : memref<3200xi32, #tpu.memory_space<vmem>> -> memref<80xi32, #tpu.memory_space<vmem>>
      %dma_wait3A_949 = arith.constant 0 : i32
      %dma_wait3A_950 = arith.constant 0 : i32
      %dma_wait3A_951 = tpu.memref_slice %arg7[%dma_wait3A_949, %dma_wait3A_950] : memref<1024x128xf32, #tpu.memory_space<vmem_shared>> -> memref<1024x128xf32, #tpu.memory_space<vmem_shared>>
      %dma_wait3A_952 = tpu.memref_slice %arg9[%dma_wait3A_942] : memref<6x!tpu.dma_semaphore, #tpu.memory_space<semaphore_mem>> -> memref<1x!tpu.dma_semaphore, #tpu.memory_space<semaphore_mem>>
      %dma_wait3A_953 = tpu.memref_squeeze %dma_wait3A_952 : memref<1x!tpu.dma_semaphore, #tpu.memory_space<semaphore_mem>> -> memref<!tpu.dma_semaphore, #tpu.memory_space<semaphore_mem>>
      tpu.wait_indirect_dma semaphore(%dma_wait3A_953 : memref<!tpu.dma_semaphore, #tpu.memory_space<semaphore_mem>>) src(%dma_wait3A_951 : memref<1024x128xf32, #tpu.memory_space<vmem_shared>>) dst(%dma_wait3A_946 : memref<80x128xf32, #tpu.memory_space<vmem>>)
      %add3A_954 = arith.constant 2240 : i32
      %add3A_955 = arith.addi %mul3A_2, %add3A_954 : i32
      %dma_start3A_956 = arith.constant 4 : i32
      %dma_start3A_957 = arith.constant 4 : i32
      %dma_start3A_958 = arith.constant 0 : i32
      %dma_start3A_959 = arith.constant 0 : i32
      %dma_start3A_960 = tpu.memref_slice %arg6[%dma_start3A_956, %dma_start3A_958, %dma_start3A_959] : memref<6x80x128xf32, #tpu.memory_space<vmem>> -> memref<1x80x128xf32, #tpu.memory_space<vmem>>
      %dma_start3A_961 = tpu.memref_squeeze %dma_start3A_960 : memref<1x80x128xf32, #tpu.memory_space<vmem>> -> memref<80x128xf32, #tpu.memory_space<vmem>>
      %dma_start3A_962 = arith.constant 0 : i32
      %dma_start3A_963 = tpu.memref_slice %arg4[%add3A_955, %dma_start3A_962] : memref<100000x128xf32, #tpu.memory_space<hbm>> -> memref<80x128xf32, #tpu.memory_space<hbm>>
      %dma_start3A_964 = tpu.memref_slice %arg10[%dma_start3A_957] : memref<6x!tpu.dma_semaphore, #tpu.memory_space<semaphore_mem>> -> memref<1x!tpu.dma_semaphore, #tpu.memory_space<semaphore_mem>>
      %dma_start3A_965 = tpu.memref_squeeze %dma_start3A_964 : memref<1x!tpu.dma_semaphore, #tpu.memory_space<semaphore_mem>> -> memref<!tpu.dma_semaphore, #tpu.memory_space<semaphore_mem>>
      %dma_start3A_966 = arith.constant 0 : i32
      %dma_start3A_967 = tpu.memref_slice %arg4[%add3A_955, %dma_start3A_966] : memref<100000x128xf32, #tpu.memory_space<hbm>> -> memref<80x128xf32, #tpu.memory_space<hbm>>
      %dma_start3A_968 = arith.constant 0 : i32
      %dma_start3A_969 = arith.constant 0 : i32
      %dma_start3A_970 = tpu.memref_slice %arg6[%dma_start3A_956, %dma_start3A_968, %dma_start3A_969] : memref<6x80x128xf32, #tpu.memory_space<vmem>> -> memref<1x80x128xf32, #tpu.memory_space<vmem>>
      %dma_start3A_971 = tpu.memref_squeeze %dma_start3A_970 : memref<1x80x128xf32, #tpu.memory_space<vmem>> -> memref<80x128xf32, #tpu.memory_space<vmem>>
      tpu.enqueue_dma source(%dma_start3A_971 : memref<80x128xf32, #tpu.memory_space<vmem>>) target(%dma_start3A_967 : memref<80x128xf32, #tpu.memory_space<hbm>>) target_semaphore(%dma_start3A_965 : memref<!tpu.dma_semaphore, #tpu.memory_space<semaphore_mem>>)
    } else {
    }
    %lt3A_743 = arith.constant 31 : i32
    %lt3A_744 = arith.cmpi slt, %add3A, %lt3A_743 : i32
    %convert_element_type3A_745 = arith.extui %lt3A_744 : i1 to i32
    %cond3A_746 = arith.constant 0 : i32
    %cond3A_747 = arith.cmpi ne, %convert_element_type3A_745, %cond3A_746 : i32
    scf.if %cond3A_747 {
      %dma_wait3A_941 = arith.constant 3 : i32
      %dma_wait3A_942 = arith.constant 3 : i32
      %dma_wait3A_943 = arith.constant 0 : i32
      %dma_wait3A_944 = arith.constant 0 : i32
      %dma_wait3A_945 = tpu.memref_slice %arg6[%dma_wait3A_941, %dma_wait3A_943, %dma_wait3A_944] : memref<6x80x128xf32, #tpu.memory_space<vmem>> -> memref<1x80x128xf32, #tpu.memory_space<vmem>>
      %dma_wait3A_946 = tpu.memref_squeeze %dma_wait3A_945 : memref<1x80x128xf32, #tpu.memory_space<vmem>> -> memref<80x128xf32, #tpu.memory_space<vmem>>
      %dma_wait3A_947 = arith.constant 0 : i32
      %dma_wait3A_948 = arith.constant 0 : i32
      %dma_wait3A_949 = tpu.memref_slice %arg4[%dma_wait3A_947, %dma_wait3A_948] : memref<100000x128xf32, #tpu.memory_space<hbm>> -> memref<80x128xf32, #tpu.memory_space<hbm>>
      %dma_wait3A_950 = tpu.memref_slice %arg10[%dma_wait3A_942] : memref<6x!tpu.dma_semaphore, #tpu.memory_space<semaphore_mem>> -> memref<1x!tpu.dma_semaphore, #tpu.memory_space<semaphore_mem>>
      %dma_wait3A_951 = tpu.memref_squeeze %dma_wait3A_950 : memref<1x!tpu.dma_semaphore, #tpu.memory_space<semaphore_mem>> -> memref<!tpu.dma_semaphore, #tpu.memory_space<semaphore_mem>>
      %dma_wait3A_952 = arith.constant 0 : i32
      %dma_wait3A_953 = arith.constant 0 : i32
      %dma_wait3A_954 = tpu.memref_slice %arg4[%dma_wait3A_952, %dma_wait3A_953] : memref<100000x128xf32, #tpu.memory_space<hbm>> -> memref<80x128xf32, #tpu.memory_space<hbm>>
      %dma_wait3A_955 = arith.constant 0 : i32
      %dma_wait3A_956 = arith.constant 0 : i32
      %dma_wait3A_957 = tpu.memref_slice %arg6[%dma_wait3A_941, %dma_wait3A_955, %dma_wait3A_956] : memref<6x80x128xf32, #tpu.memory_space<vmem>> -> memref<1x80x128xf32, #tpu.memory_space<vmem>>
      %dma_wait3A_958 = tpu.memref_squeeze %dma_wait3A_957 : memref<1x80x128xf32, #tpu.memory_space<vmem>> -> memref<80x128xf32, #tpu.memory_space<vmem>>
      tpu.wait_dma2 semaphore(%dma_wait3A_951 : memref<!tpu.dma_semaphore, #tpu.memory_space<semaphore_mem>>) src(%dma_wait3A_958 : memref<80x128xf32, #tpu.memory_space<vmem>>) dst(%dma_wait3A_954 : memref<80x128xf32, #tpu.memory_space<hbm>>)
      %dma_start3A_959 = arith.constant 3 : i32
      %dma_start3A_960 = arith.constant 3 : i32
      %dma_start3A_961 = arith.constant 0 : i32
      %dma_start3A_962 = arith.constant 0 : i32
      %dma_start3A_963 = tpu.memref_slice %arg6[%dma_start3A_959, %dma_start3A_961, %dma_start3A_962] : memref<6x80x128xf32, #tpu.memory_space<vmem>> -> memref<1x80x128xf32, #tpu.memory_space<vmem>>
      %dma_start3A_964 = tpu.memref_squeeze %dma_start3A_963 : memref<1x80x128xf32, #tpu.memory_space<vmem>> -> memref<80x128xf32, #tpu.memory_space<vmem>>
      %dma_start3A_965 = arith.constant 2640 : i32
      %dma_start3A_966 = tpu.memref_slice %arg5[%dma_start3A_965] : memref<3200xi32, #tpu.memory_space<vmem>> -> memref<80xi32, #tpu.memory_space<vmem>>
      %dma_start3A_967 = arith.constant 0 : i32
      %dma_start3A_968 = arith.constant 0 : i32
      %dma_start3A_969 = tpu.memref_slice %arg7[%dma_start3A_967, %dma_start3A_968] : memref<1024x128xf32, #tpu.memory_space<vmem_shared>> -> memref<1024x128xf32, #tpu.memory_space<vmem_shared>>
      %dma_start3A_970 = tpu.memref_slice %arg9[%dma_start3A_960] : memref<6x!tpu.dma_semaphore, #tpu.memory_space<semaphore_mem>> -> memref<1x!tpu.dma_semaphore, #tpu.memory_space<semaphore_mem>>
      %dma_start3A_971 = tpu.memref_squeeze %dma_start3A_970 : memref<1x!tpu.dma_semaphore, #tpu.memory_space<semaphore_mem>> -> memref<!tpu.dma_semaphore, #tpu.memory_space<semaphore_mem>>
      tpu.enqueue_indirect_dma source(%dma_start3A_969 : memref<1024x128xf32, #tpu.memory_space<vmem_shared>>) target(%dma_start3A_964 : memref<80x128xf32, #tpu.memory_space<vmem>>) offsets(%dma_start3A_966 : memref<80xi32, #tpu.memory_space<vmem>>) semaphore(%dma_start3A_971 : memref<!tpu.dma_semaphore, #tpu.memory_space<semaphore_mem>>)
    } else {
    }
    %lt3A_748 = arith.constant 31 : i32
    %lt3A_749 = arith.cmpi slt, %add3A, %lt3A_748 : i32
    %convert_element_type3A_750 = arith.extui %lt3A_749 : i1 to i32
    %cond3A_751 = arith.constant 0 : i32
    %cond3A_752 = arith.cmpi ne, %convert_element_type3A_750, %cond3A_751 : i32
    scf.if %cond3A_752 {
      %dma_wait3A_941 = arith.constant 5 : i32
      %dma_wait3A_942 = arith.constant 5 : i32
      %dma_wait3A_943 = arith.constant 0 : i32
      %dma_wait3A_944 = arith.constant 0 : i32
      %dma_wait3A_945 = tpu.memref_slice %arg6[%dma_wait3A_941, %dma_wait3A_943, %dma_wait3A_944] : memref<6x80x128xf32, #tpu.memory_space<vmem>> -> memref<1x80x128xf32, #tpu.memory_space<vmem>>
      %dma_wait3A_946 = tpu.memref_squeeze %dma_wait3A_945 : memref<1x80x128xf32, #tpu.memory_space<vmem>> -> memref<80x128xf32, #tpu.memory_space<vmem>>
      %dma_wait3A_947 = arith.constant 2320 : i32
      %dma_wait3A_948 = tpu.memref_slice %arg5[%dma_wait3A_947] : memref<3200xi32, #tpu.memory_space<vmem>> -> memref<80xi32, #tpu.memory_space<vmem>>
      %dma_wait3A_949 = arith.constant 0 : i32
      %dma_wait3A_950 = arith.constant 0 : i32
      %dma_wait3A_951 = tpu.memref_slice %arg7[%dma_wait3A_949, %dma_wait3A_950] : memref<1024x128xf32, #tpu.memory_space<vmem_shared>> -> memref<1024x128xf32, #tpu.memory_space<vmem_shared>>
      %dma_wait3A_952 = tpu.memref_slice %arg9[%dma_wait3A_942] : memref<6x!tpu.dma_semaphore, #tpu.memory_space<semaphore_mem>> -> memref<1x!tpu.dma_semaphore, #tpu.memory_space<semaphore_mem>>
      %dma_wait3A_953 = tpu.memref_squeeze %dma_wait3A_952 : memref<1x!tpu.dma_semaphore, #tpu.memory_space<semaphore_mem>> -> memref<!tpu.dma_semaphore, #tpu.memory_space<semaphore_mem>>
      tpu.wait_indirect_dma semaphore(%dma_wait3A_953 : memref<!tpu.dma_semaphore, #tpu.memory_space<semaphore_mem>>) src(%dma_wait3A_951 : memref<1024x128xf32, #tpu.memory_space<vmem_shared>>) dst(%dma_wait3A_946 : memref<80x128xf32, #tpu.memory_space<vmem>>)
      %add3A_954 = arith.constant 2320 : i32
      %add3A_955 = arith.addi %mul3A_2, %add3A_954 : i32
      %dma_start3A_956 = arith.constant 5 : i32
      %dma_start3A_957 = arith.constant 5 : i32
      %dma_start3A_958 = arith.constant 0 : i32
      %dma_start3A_959 = arith.constant 0 : i32
      %dma_start3A_960 = tpu.memref_slice %arg6[%dma_start3A_956, %dma_start3A_958, %dma_start3A_959] : memref<6x80x128xf32, #tpu.memory_space<vmem>> -> memref<1x80x128xf32, #tpu.memory_space<vmem>>
      %dma_start3A_961 = tpu.memref_squeeze %dma_start3A_960 : memref<1x80x128xf32, #tpu.memory_space<vmem>> -> memref<80x128xf32, #tpu.memory_space<vmem>>
      %dma_start3A_962 = arith.constant 0 : i32
      %dma_start3A_963 = tpu.memref_slice %arg4[%add3A_955, %dma_start3A_962] : memref<100000x128xf32, #tpu.memory_space<hbm>> -> memref<80x128xf32, #tpu.memory_space<hbm>>
      %dma_start3A_964 = tpu.memref_slice %arg10[%dma_start3A_957] : memref<6x!tpu.dma_semaphore, #tpu.memory_space<semaphore_mem>> -> memref<1x!tpu.dma_semaphore, #tpu.memory_space<semaphore_mem>>
      %dma_start3A_965 = tpu.memref_squeeze %dma_start3A_964 : memref<1x!tpu.dma_semaphore, #tpu.memory_space<semaphore_mem>> -> memref<!tpu.dma_semaphore, #tpu.memory_space<semaphore_mem>>
      %dma_start3A_966 = arith.constant 0 : i32
      %dma_start3A_967 = tpu.memref_slice %arg4[%add3A_955, %dma_start3A_966] : memref<100000x128xf32, #tpu.memory_space<hbm>> -> memref<80x128xf32, #tpu.memory_space<hbm>>
      %dma_start3A_968 = arith.constant 0 : i32
      %dma_start3A_969 = arith.constant 0 : i32
      %dma_start3A_970 = tpu.memref_slice %arg6[%dma_start3A_956, %dma_start3A_968, %dma_start3A_969] : memref<6x80x128xf32, #tpu.memory_space<vmem>> -> memref<1x80x128xf32, #tpu.memory_space<vmem>>
      %dma_start3A_971 = tpu.memref_squeeze %dma_start3A_970 : memref<1x80x128xf32, #tpu.memory_space<vmem>> -> memref<80x128xf32, #tpu.memory_space<vmem>>
      tpu.enqueue_dma source(%dma_start3A_971 : memref<80x128xf32, #tpu.memory_space<vmem>>) target(%dma_start3A_967 : memref<80x128xf32, #tpu.memory_space<hbm>>) target_semaphore(%dma_start3A_965 : memref<!tpu.dma_semaphore, #tpu.memory_space<semaphore_mem>>)
    } else {
    }
    %lt3A_753 = arith.constant 31 : i32
    %lt3A_754 = arith.cmpi slt, %add3A, %lt3A_753 : i32
    %convert_element_type3A_755 = arith.extui %lt3A_754 : i1 to i32
    %cond3A_756 = arith.constant 0 : i32
    %cond3A_757 = arith.cmpi ne, %convert_element_type3A_755, %cond3A_756 : i32
    scf.if %cond3A_757 {
      %dma_wait3A_941 = arith.constant 4 : i32
      %dma_wait3A_942 = arith.constant 4 : i32
      %dma_wait3A_943 = arith.constant 0 : i32
      %dma_wait3A_944 = arith.constant 0 : i32
      %dma_wait3A_945 = tpu.memref_slice %arg6[%dma_wait3A_941, %dma_wait3A_943, %dma_wait3A_944] : memref<6x80x128xf32, #tpu.memory_space<vmem>> -> memref<1x80x128xf32, #tpu.memory_space<vmem>>
      %dma_wait3A_946 = tpu.memref_squeeze %dma_wait3A_945 : memref<1x80x128xf32, #tpu.memory_space<vmem>> -> memref<80x128xf32, #tpu.memory_space<vmem>>
      %dma_wait3A_947 = arith.constant 0 : i32
      %dma_wait3A_948 = arith.constant 0 : i32
      %dma_wait3A_949 = tpu.memref_slice %arg4[%dma_wait3A_947, %dma_wait3A_948] : memref<100000x128xf32, #tpu.memory_space<hbm>> -> memref<80x128xf32, #tpu.memory_space<hbm>>
      %dma_wait3A_950 = tpu.memref_slice %arg10[%dma_wait3A_942] : memref<6x!tpu.dma_semaphore, #tpu.memory_space<semaphore_mem>> -> memref<1x!tpu.dma_semaphore, #tpu.memory_space<semaphore_mem>>
      %dma_wait3A_951 = tpu.memref_squeeze %dma_wait3A_950 : memref<1x!tpu.dma_semaphore, #tpu.memory_space<semaphore_mem>> -> memref<!tpu.dma_semaphore, #tpu.memory_space<semaphore_mem>>
      %dma_wait3A_952 = arith.constant 0 : i32
      %dma_wait3A_953 = arith.constant 0 : i32
      %dma_wait3A_954 = tpu.memref_slice %arg4[%dma_wait3A_952, %dma_wait3A_953] : memref<100000x128xf32, #tpu.memory_space<hbm>> -> memref<80x128xf32, #tpu.memory_space<hbm>>
      %dma_wait3A_955 = arith.constant 0 : i32
      %dma_wait3A_956 = arith.constant 0 : i32
      %dma_wait3A_957 = tpu.memref_slice %arg6[%dma_wait3A_941, %dma_wait3A_955, %dma_wait3A_956] : memref<6x80x128xf32, #tpu.memory_space<vmem>> -> memref<1x80x128xf32, #tpu.memory_space<vmem>>
      %dma_wait3A_958 = tpu.memref_squeeze %dma_wait3A_957 : memref<1x80x128xf32, #tpu.memory_space<vmem>> -> memref<80x128xf32, #tpu.memory_space<vmem>>
      tpu.wait_dma2 semaphore(%dma_wait3A_951 : memref<!tpu.dma_semaphore, #tpu.memory_space<semaphore_mem>>) src(%dma_wait3A_958 : memref<80x128xf32, #tpu.memory_space<vmem>>) dst(%dma_wait3A_954 : memref<80x128xf32, #tpu.memory_space<hbm>>)
      %dma_start3A_959 = arith.constant 4 : i32
      %dma_start3A_960 = arith.constant 4 : i32
      %dma_start3A_961 = arith.constant 0 : i32
      %dma_start3A_962 = arith.constant 0 : i32
      %dma_start3A_963 = tpu.memref_slice %arg6[%dma_start3A_959, %dma_start3A_961, %dma_start3A_962] : memref<6x80x128xf32, #tpu.memory_space<vmem>> -> memref<1x80x128xf32, #tpu.memory_space<vmem>>
      %dma_start3A_964 = tpu.memref_squeeze %dma_start3A_963 : memref<1x80x128xf32, #tpu.memory_space<vmem>> -> memref<80x128xf32, #tpu.memory_space<vmem>>
      %dma_start3A_965 = arith.constant 2720 : i32
      %dma_start3A_966 = tpu.memref_slice %arg5[%dma_start3A_965] : memref<3200xi32, #tpu.memory_space<vmem>> -> memref<80xi32, #tpu.memory_space<vmem>>
      %dma_start3A_967 = arith.constant 0 : i32
      %dma_start3A_968 = arith.constant 0 : i32
      %dma_start3A_969 = tpu.memref_slice %arg7[%dma_start3A_967, %dma_start3A_968] : memref<1024x128xf32, #tpu.memory_space<vmem_shared>> -> memref<1024x128xf32, #tpu.memory_space<vmem_shared>>
      %dma_start3A_970 = tpu.memref_slice %arg9[%dma_start3A_960] : memref<6x!tpu.dma_semaphore, #tpu.memory_space<semaphore_mem>> -> memref<1x!tpu.dma_semaphore, #tpu.memory_space<semaphore_mem>>
      %dma_start3A_971 = tpu.memref_squeeze %dma_start3A_970 : memref<1x!tpu.dma_semaphore, #tpu.memory_space<semaphore_mem>> -> memref<!tpu.dma_semaphore, #tpu.memory_space<semaphore_mem>>
      tpu.enqueue_indirect_dma source(%dma_start3A_969 : memref<1024x128xf32, #tpu.memory_space<vmem_shared>>) target(%dma_start3A_964 : memref<80x128xf32, #tpu.memory_space<vmem>>) offsets(%dma_start3A_966 : memref<80xi32, #tpu.memory_space<vmem>>) semaphore(%dma_start3A_971 : memref<!tpu.dma_semaphore, #tpu.memory_space<semaphore_mem>>)
    } else {
    }
    %lt3A_758 = arith.constant 31 : i32
    %lt3A_759 = arith.cmpi slt, %add3A, %lt3A_758 : i32
    %convert_element_type3A_760 = arith.extui %lt3A_759 : i1 to i32
    %cond3A_761 = arith.constant 0 : i32
    %cond3A_762 = arith.cmpi ne, %convert_element_type3A_760, %cond3A_761 : i32
    scf.if %cond3A_762 {
      %dma_wait3A_941 = arith.constant 0 : i32
      %dma_wait3A_942 = arith.constant 0 : i32
      %dma_wait3A_943 = arith.constant 0 : i32
      %dma_wait3A_944 = arith.constant 0 : i32
      %dma_wait3A_945 = tpu.memref_slice %arg6[%dma_wait3A_941, %dma_wait3A_943, %dma_wait3A_944] : memref<6x80x128xf32, #tpu.memory_space<vmem>> -> memref<1x80x128xf32, #tpu.memory_space<vmem>>
      %dma_wait3A_946 = tpu.memref_squeeze %dma_wait3A_945 : memref<1x80x128xf32, #tpu.memory_space<vmem>> -> memref<80x128xf32, #tpu.memory_space<vmem>>
      %dma_wait3A_947 = arith.constant 2400 : i32
      %dma_wait3A_948 = tpu.memref_slice %arg5[%dma_wait3A_947] : memref<3200xi32, #tpu.memory_space<vmem>> -> memref<80xi32, #tpu.memory_space<vmem>>
      %dma_wait3A_949 = arith.constant 0 : i32
      %dma_wait3A_950 = arith.constant 0 : i32
      %dma_wait3A_951 = tpu.memref_slice %arg7[%dma_wait3A_949, %dma_wait3A_950] : memref<1024x128xf32, #tpu.memory_space<vmem_shared>> -> memref<1024x128xf32, #tpu.memory_space<vmem_shared>>
      %dma_wait3A_952 = tpu.memref_slice %arg9[%dma_wait3A_942] : memref<6x!tpu.dma_semaphore, #tpu.memory_space<semaphore_mem>> -> memref<1x!tpu.dma_semaphore, #tpu.memory_space<semaphore_mem>>
      %dma_wait3A_953 = tpu.memref_squeeze %dma_wait3A_952 : memref<1x!tpu.dma_semaphore, #tpu.memory_space<semaphore_mem>> -> memref<!tpu.dma_semaphore, #tpu.memory_space<semaphore_mem>>
      tpu.wait_indirect_dma semaphore(%dma_wait3A_953 : memref<!tpu.dma_semaphore, #tpu.memory_space<semaphore_mem>>) src(%dma_wait3A_951 : memref<1024x128xf32, #tpu.memory_space<vmem_shared>>) dst(%dma_wait3A_946 : memref<80x128xf32, #tpu.memory_space<vmem>>)
      %add3A_954 = arith.constant 2400 : i32
      %add3A_955 = arith.addi %mul3A_2, %add3A_954 : i32
      %dma_start3A_956 = arith.constant 0 : i32
      %dma_start3A_957 = arith.constant 0 : i32
      %dma_start3A_958 = arith.constant 0 : i32
      %dma_start3A_959 = arith.constant 0 : i32
      %dma_start3A_960 = tpu.memref_slice %arg6[%dma_start3A_956, %dma_start3A_958, %dma_start3A_959] : memref<6x80x128xf32, #tpu.memory_space<vmem>> -> memref<1x80x128xf32, #tpu.memory_space<vmem>>
      %dma_start3A_961 = tpu.memref_squeeze %dma_start3A_960 : memref<1x80x128xf32, #tpu.memory_space<vmem>> -> memref<80x128xf32, #tpu.memory_space<vmem>>
      %dma_start3A_962 = arith.constant 0 : i32
      %dma_start3A_963 = tpu.memref_slice %arg4[%add3A_955, %dma_start3A_962] : memref<100000x128xf32, #tpu.memory_space<hbm>> -> memref<80x128xf32, #tpu.memory_space<hbm>>
      %dma_start3A_964 = tpu.memref_slice %arg10[%dma_start3A_957] : memref<6x!tpu.dma_semaphore, #tpu.memory_space<semaphore_mem>> -> memref<1x!tpu.dma_semaphore, #tpu.memory_space<semaphore_mem>>
      %dma_start3A_965 = tpu.memref_squeeze %dma_start3A_964 : memref<1x!tpu.dma_semaphore, #tpu.memory_space<semaphore_mem>> -> memref<!tpu.dma_semaphore, #tpu.memory_space<semaphore_mem>>
      %dma_start3A_966 = arith.constant 0 : i32
      %dma_start3A_967 = tpu.memref_slice %arg4[%add3A_955, %dma_start3A_966] : memref<100000x128xf32, #tpu.memory_space<hbm>> -> memref<80x128xf32, #tpu.memory_space<hbm>>
      %dma_start3A_968 = arith.constant 0 : i32
      %dma_start3A_969 = arith.constant 0 : i32
      %dma_start3A_970 = tpu.memref_slice %arg6[%dma_start3A_956, %dma_start3A_968, %dma_start3A_969] : memref<6x80x128xf32, #tpu.memory_space<vmem>> -> memref<1x80x128xf32, #tpu.memory_space<vmem>>
      %dma_start3A_971 = tpu.memref_squeeze %dma_start3A_970 : memref<1x80x128xf32, #tpu.memory_space<vmem>> -> memref<80x128xf32, #tpu.memory_space<vmem>>
      tpu.enqueue_dma source(%dma_start3A_971 : memref<80x128xf32, #tpu.memory_space<vmem>>) target(%dma_start3A_967 : memref<80x128xf32, #tpu.memory_space<hbm>>) target_semaphore(%dma_start3A_965 : memref<!tpu.dma_semaphore, #tpu.memory_space<semaphore_mem>>)
    } else {
    }
    %lt3A_763 = arith.constant 31 : i32
    %lt3A_764 = arith.cmpi slt, %add3A, %lt3A_763 : i32
    %convert_element_type3A_765 = arith.extui %lt3A_764 : i1 to i32
    %cond3A_766 = arith.constant 0 : i32
    %cond3A_767 = arith.cmpi ne, %convert_element_type3A_765, %cond3A_766 : i32
    scf.if %cond3A_767 {
      %dma_wait3A_941 = arith.constant 5 : i32
      %dma_wait3A_942 = arith.constant 5 : i32
      %dma_wait3A_943 = arith.constant 0 : i32
      %dma_wait3A_944 = arith.constant 0 : i32
      %dma_wait3A_945 = tpu.memref_slice %arg6[%dma_wait3A_941, %dma_wait3A_943, %dma_wait3A_944] : memref<6x80x128xf32, #tpu.memory_space<vmem>> -> memref<1x80x128xf32, #tpu.memory_space<vmem>>
      %dma_wait3A_946 = tpu.memref_squeeze %dma_wait3A_945 : memref<1x80x128xf32, #tpu.memory_space<vmem>> -> memref<80x128xf32, #tpu.memory_space<vmem>>
      %dma_wait3A_947 = arith.constant 0 : i32
      %dma_wait3A_948 = arith.constant 0 : i32
      %dma_wait3A_949 = tpu.memref_slice %arg4[%dma_wait3A_947, %dma_wait3A_948] : memref<100000x128xf32, #tpu.memory_space<hbm>> -> memref<80x128xf32, #tpu.memory_space<hbm>>
      %dma_wait3A_950 = tpu.memref_slice %arg10[%dma_wait3A_942] : memref<6x!tpu.dma_semaphore, #tpu.memory_space<semaphore_mem>> -> memref<1x!tpu.dma_semaphore, #tpu.memory_space<semaphore_mem>>
      %dma_wait3A_951 = tpu.memref_squeeze %dma_wait3A_950 : memref<1x!tpu.dma_semaphore, #tpu.memory_space<semaphore_mem>> -> memref<!tpu.dma_semaphore, #tpu.memory_space<semaphore_mem>>
      %dma_wait3A_952 = arith.constant 0 : i32
      %dma_wait3A_953 = arith.constant 0 : i32
      %dma_wait3A_954 = tpu.memref_slice %arg4[%dma_wait3A_952, %dma_wait3A_953] : memref<100000x128xf32, #tpu.memory_space<hbm>> -> memref<80x128xf32, #tpu.memory_space<hbm>>
      %dma_wait3A_955 = arith.constant 0 : i32
      %dma_wait3A_956 = arith.constant 0 : i32
      %dma_wait3A_957 = tpu.memref_slice %arg6[%dma_wait3A_941, %dma_wait3A_955, %dma_wait3A_956] : memref<6x80x128xf32, #tpu.memory_space<vmem>> -> memref<1x80x128xf32, #tpu.memory_space<vmem>>
      %dma_wait3A_958 = tpu.memref_squeeze %dma_wait3A_957 : memref<1x80x128xf32, #tpu.memory_space<vmem>> -> memref<80x128xf32, #tpu.memory_space<vmem>>
      tpu.wait_dma2 semaphore(%dma_wait3A_951 : memref<!tpu.dma_semaphore, #tpu.memory_space<semaphore_mem>>) src(%dma_wait3A_958 : memref<80x128xf32, #tpu.memory_space<vmem>>) dst(%dma_wait3A_954 : memref<80x128xf32, #tpu.memory_space<hbm>>)
      %dma_start3A_959 = arith.constant 5 : i32
      %dma_start3A_960 = arith.constant 5 : i32
      %dma_start3A_961 = arith.constant 0 : i32
      %dma_start3A_962 = arith.constant 0 : i32
      %dma_start3A_963 = tpu.memref_slice %arg6[%dma_start3A_959, %dma_start3A_961, %dma_start3A_962] : memref<6x80x128xf32, #tpu.memory_space<vmem>> -> memref<1x80x128xf32, #tpu.memory_space<vmem>>
      %dma_start3A_964 = tpu.memref_squeeze %dma_start3A_963 : memref<1x80x128xf32, #tpu.memory_space<vmem>> -> memref<80x128xf32, #tpu.memory_space<vmem>>
      %dma_start3A_965 = arith.constant 2800 : i32
      %dma_start3A_966 = tpu.memref_slice %arg5[%dma_start3A_965] : memref<3200xi32, #tpu.memory_space<vmem>> -> memref<80xi32, #tpu.memory_space<vmem>>
      %dma_start3A_967 = arith.constant 0 : i32
      %dma_start3A_968 = arith.constant 0 : i32
      %dma_start3A_969 = tpu.memref_slice %arg7[%dma_start3A_967, %dma_start3A_968] : memref<1024x128xf32, #tpu.memory_space<vmem_shared>> -> memref<1024x128xf32, #tpu.memory_space<vmem_shared>>
      %dma_start3A_970 = tpu.memref_slice %arg9[%dma_start3A_960] : memref<6x!tpu.dma_semaphore, #tpu.memory_space<semaphore_mem>> -> memref<1x!tpu.dma_semaphore, #tpu.memory_space<semaphore_mem>>
      %dma_start3A_971 = tpu.memref_squeeze %dma_start3A_970 : memref<1x!tpu.dma_semaphore, #tpu.memory_space<semaphore_mem>> -> memref<!tpu.dma_semaphore, #tpu.memory_space<semaphore_mem>>
      tpu.enqueue_indirect_dma source(%dma_start3A_969 : memref<1024x128xf32, #tpu.memory_space<vmem_shared>>) target(%dma_start3A_964 : memref<80x128xf32, #tpu.memory_space<vmem>>) offsets(%dma_start3A_966 : memref<80xi32, #tpu.memory_space<vmem>>) semaphore(%dma_start3A_971 : memref<!tpu.dma_semaphore, #tpu.memory_space<semaphore_mem>>)
    } else {
    }
    %lt3A_768 = arith.constant 31 : i32
    %lt3A_769 = arith.cmpi slt, %add3A, %lt3A_768 : i32
    %convert_element_type3A_770 = arith.extui %lt3A_769 : i1 to i32
    %cond3A_771 = arith.constant 0 : i32
    %cond3A_772 = arith.cmpi ne, %convert_element_type3A_770, %cond3A_771 : i32
    scf.if %cond3A_772 {
      %dma_wait3A_941 = arith.constant 1 : i32
      %dma_wait3A_942 = arith.constant 1 : i32
      %dma_wait3A_943 = arith.constant 0 : i32
      %dma_wait3A_944 = arith.constant 0 : i32
      %dma_wait3A_945 = tpu.memref_slice %arg6[%dma_wait3A_941, %dma_wait3A_943, %dma_wait3A_944] : memref<6x80x128xf32, #tpu.memory_space<vmem>> -> memref<1x80x128xf32, #tpu.memory_space<vmem>>
      %dma_wait3A_946 = tpu.memref_squeeze %dma_wait3A_945 : memref<1x80x128xf32, #tpu.memory_space<vmem>> -> memref<80x128xf32, #tpu.memory_space<vmem>>
      %dma_wait3A_947 = arith.constant 2480 : i32
      %dma_wait3A_948 = tpu.memref_slice %arg5[%dma_wait3A_947] : memref<3200xi32, #tpu.memory_space<vmem>> -> memref<80xi32, #tpu.memory_space<vmem>>
      %dma_wait3A_949 = arith.constant 0 : i32
      %dma_wait3A_950 = arith.constant 0 : i32
      %dma_wait3A_951 = tpu.memref_slice %arg7[%dma_wait3A_949, %dma_wait3A_950] : memref<1024x128xf32, #tpu.memory_space<vmem_shared>> -> memref<1024x128xf32, #tpu.memory_space<vmem_shared>>
      %dma_wait3A_952 = tpu.memref_slice %arg9[%dma_wait3A_942] : memref<6x!tpu.dma_semaphore, #tpu.memory_space<semaphore_mem>> -> memref<1x!tpu.dma_semaphore, #tpu.memory_space<semaphore_mem>>
      %dma_wait3A_953 = tpu.memref_squeeze %dma_wait3A_952 : memref<1x!tpu.dma_semaphore, #tpu.memory_space<semaphore_mem>> -> memref<!tpu.dma_semaphore, #tpu.memory_space<semaphore_mem>>
      tpu.wait_indirect_dma semaphore(%dma_wait3A_953 : memref<!tpu.dma_semaphore, #tpu.memory_space<semaphore_mem>>) src(%dma_wait3A_951 : memref<1024x128xf32, #tpu.memory_space<vmem_shared>>) dst(%dma_wait3A_946 : memref<80x128xf32, #tpu.memory_space<vmem>>)
      %add3A_954 = arith.constant 2480 : i32
      %add3A_955 = arith.addi %mul3A_2, %add3A_954 : i32
      %dma_start3A_956 = arith.constant 1 : i32
      %dma_start3A_957 = arith.constant 1 : i32
      %dma_start3A_958 = arith.constant 0 : i32
      %dma_start3A_959 = arith.constant 0 : i32
      %dma_start3A_960 = tpu.memref_slice %arg6[%dma_start3A_956, %dma_start3A_958, %dma_start3A_959] : memref<6x80x128xf32, #tpu.memory_space<vmem>> -> memref<1x80x128xf32, #tpu.memory_space<vmem>>
      %dma_start3A_961 = tpu.memref_squeeze %dma_start3A_960 : memref<1x80x128xf32, #tpu.memory_space<vmem>> -> memref<80x128xf32, #tpu.memory_space<vmem>>
      %dma_start3A_962 = arith.constant 0 : i32
      %dma_start3A_963 = tpu.memref_slice %arg4[%add3A_955, %dma_start3A_962] : memref<100000x128xf32, #tpu.memory_space<hbm>> -> memref<80x128xf32, #tpu.memory_space<hbm>>
      %dma_start3A_964 = tpu.memref_slice %arg10[%dma_start3A_957] : memref<6x!tpu.dma_semaphore, #tpu.memory_space<semaphore_mem>> -> memref<1x!tpu.dma_semaphore, #tpu.memory_space<semaphore_mem>>
      %dma_start3A_965 = tpu.memref_squeeze %dma_start3A_964 : memref<1x!tpu.dma_semaphore, #tpu.memory_space<semaphore_mem>> -> memref<!tpu.dma_semaphore, #tpu.memory_space<semaphore_mem>>
      %dma_start3A_966 = arith.constant 0 : i32
      %dma_start3A_967 = tpu.memref_slice %arg4[%add3A_955, %dma_start3A_966] : memref<100000x128xf32, #tpu.memory_space<hbm>> -> memref<80x128xf32, #tpu.memory_space<hbm>>
      %dma_start3A_968 = arith.constant 0 : i32
      %dma_start3A_969 = arith.constant 0 : i32
      %dma_start3A_970 = tpu.memref_slice %arg6[%dma_start3A_956, %dma_start3A_968, %dma_start3A_969] : memref<6x80x128xf32, #tpu.memory_space<vmem>> -> memref<1x80x128xf32, #tpu.memory_space<vmem>>
      %dma_start3A_971 = tpu.memref_squeeze %dma_start3A_970 : memref<1x80x128xf32, #tpu.memory_space<vmem>> -> memref<80x128xf32, #tpu.memory_space<vmem>>
      tpu.enqueue_dma source(%dma_start3A_971 : memref<80x128xf32, #tpu.memory_space<vmem>>) target(%dma_start3A_967 : memref<80x128xf32, #tpu.memory_space<hbm>>) target_semaphore(%dma_start3A_965 : memref<!tpu.dma_semaphore, #tpu.memory_space<semaphore_mem>>)
    } else {
    }
    %lt3A_773 = arith.constant 31 : i32
    %lt3A_774 = arith.cmpi slt, %add3A, %lt3A_773 : i32
    %convert_element_type3A_775 = arith.extui %lt3A_774 : i1 to i32
    %cond3A_776 = arith.constant 0 : i32
    %cond3A_777 = arith.cmpi ne, %convert_element_type3A_775, %cond3A_776 : i32
    scf.if %cond3A_777 {
      %dma_wait3A_941 = arith.constant 0 : i32
      %dma_wait3A_942 = arith.constant 0 : i32
      %dma_wait3A_943 = arith.constant 0 : i32
      %dma_wait3A_944 = arith.constant 0 : i32
      %dma_wait3A_945 = tpu.memref_slice %arg6[%dma_wait3A_941, %dma_wait3A_943, %dma_wait3A_944] : memref<6x80x128xf32, #tpu.memory_space<vmem>> -> memref<1x80x128xf32, #tpu.memory_space<vmem>>
      %dma_wait3A_946 = tpu.memref_squeeze %dma_wait3A_945 : memref<1x80x128xf32, #tpu.memory_space<vmem>> -> memref<80x128xf32, #tpu.memory_space<vmem>>
      %dma_wait3A_947 = arith.constant 0 : i32
      %dma_wait3A_948 = arith.constant 0 : i32
      %dma_wait3A_949 = tpu.memref_slice %arg4[%dma_wait3A_947, %dma_wait3A_948] : memref<100000x128xf32, #tpu.memory_space<hbm>> -> memref<80x128xf32, #tpu.memory_space<hbm>>
      %dma_wait3A_950 = tpu.memref_slice %arg10[%dma_wait3A_942] : memref<6x!tpu.dma_semaphore, #tpu.memory_space<semaphore_mem>> -> memref<1x!tpu.dma_semaphore, #tpu.memory_space<semaphore_mem>>
      %dma_wait3A_951 = tpu.memref_squeeze %dma_wait3A_950 : memref<1x!tpu.dma_semaphore, #tpu.memory_space<semaphore_mem>> -> memref<!tpu.dma_semaphore, #tpu.memory_space<semaphore_mem>>
      %dma_wait3A_952 = arith.constant 0 : i32
      %dma_wait3A_953 = arith.constant 0 : i32
      %dma_wait3A_954 = tpu.memref_slice %arg4[%dma_wait3A_952, %dma_wait3A_953] : memref<100000x128xf32, #tpu.memory_space<hbm>> -> memref<80x128xf32, #tpu.memory_space<hbm>>
      %dma_wait3A_955 = arith.constant 0 : i32
      %dma_wait3A_956 = arith.constant 0 : i32
      %dma_wait3A_957 = tpu.memref_slice %arg6[%dma_wait3A_941, %dma_wait3A_955, %dma_wait3A_956] : memref<6x80x128xf32, #tpu.memory_space<vmem>> -> memref<1x80x128xf32, #tpu.memory_space<vmem>>
      %dma_wait3A_958 = tpu.memref_squeeze %dma_wait3A_957 : memref<1x80x128xf32, #tpu.memory_space<vmem>> -> memref<80x128xf32, #tpu.memory_space<vmem>>
      tpu.wait_dma2 semaphore(%dma_wait3A_951 : memref<!tpu.dma_semaphore, #tpu.memory_space<semaphore_mem>>) src(%dma_wait3A_958 : memref<80x128xf32, #tpu.memory_space<vmem>>) dst(%dma_wait3A_954 : memref<80x128xf32, #tpu.memory_space<hbm>>)
      %dma_start3A_959 = arith.constant 0 : i32
      %dma_start3A_960 = arith.constant 0 : i32
      %dma_start3A_961 = arith.constant 0 : i32
      %dma_start3A_962 = arith.constant 0 : i32
      %dma_start3A_963 = tpu.memref_slice %arg6[%dma_start3A_959, %dma_start3A_961, %dma_start3A_962] : memref<6x80x128xf32, #tpu.memory_space<vmem>> -> memref<1x80x128xf32, #tpu.memory_space<vmem>>
      %dma_start3A_964 = tpu.memref_squeeze %dma_start3A_963 : memref<1x80x128xf32, #tpu.memory_space<vmem>> -> memref<80x128xf32, #tpu.memory_space<vmem>>
      %dma_start3A_965 = arith.constant 2880 : i32
      %dma_start3A_966 = tpu.memref_slice %arg5[%dma_start3A_965] : memref<3200xi32, #tpu.memory_space<vmem>> -> memref<80xi32, #tpu.memory_space<vmem>>
      %dma_start3A_967 = arith.constant 0 : i32
      %dma_start3A_968 = arith.constant 0 : i32
      %dma_start3A_969 = tpu.memref_slice %arg7[%dma_start3A_967, %dma_start3A_968] : memref<1024x128xf32, #tpu.memory_space<vmem_shared>> -> memref<1024x128xf32, #tpu.memory_space<vmem_shared>>
      %dma_start3A_970 = tpu.memref_slice %arg9[%dma_start3A_960] : memref<6x!tpu.dma_semaphore, #tpu.memory_space<semaphore_mem>> -> memref<1x!tpu.dma_semaphore, #tpu.memory_space<semaphore_mem>>
      %dma_start3A_971 = tpu.memref_squeeze %dma_start3A_970 : memref<1x!tpu.dma_semaphore, #tpu.memory_space<semaphore_mem>> -> memref<!tpu.dma_semaphore, #tpu.memory_space<semaphore_mem>>
      tpu.enqueue_indirect_dma source(%dma_start3A_969 : memref<1024x128xf32, #tpu.memory_space<vmem_shared>>) target(%dma_start3A_964 : memref<80x128xf32, #tpu.memory_space<vmem>>) offsets(%dma_start3A_966 : memref<80xi32, #tpu.memory_space<vmem>>) semaphore(%dma_start3A_971 : memref<!tpu.dma_semaphore, #tpu.memory_space<semaphore_mem>>)
    } else {
    }
    %lt3A_778 = arith.constant 31 : i32
    %lt3A_779 = arith.cmpi slt, %add3A, %lt3A_778 : i32
    %convert_element_type3A_780 = arith.extui %lt3A_779 : i1 to i32
    %cond3A_781 = arith.constant 0 : i32
    %cond3A_782 = arith.cmpi ne, %convert_element_type3A_780, %cond3A_781 : i32
    scf.if %cond3A_782 {
      %dma_wait3A_941 = arith.constant 2 : i32
      %dma_wait3A_942 = arith.constant 2 : i32
      %dma_wait3A_943 = arith.constant 0 : i32
      %dma_wait3A_944 = arith.constant 0 : i32
      %dma_wait3A_945 = tpu.memref_slice %arg6[%dma_wait3A_941, %dma_wait3A_943, %dma_wait3A_944] : memref<6x80x128xf32, #tpu.memory_space<vmem>> -> memref<1x80x128xf32, #tpu.memory_space<vmem>>
      %dma_wait3A_946 = tpu.memref_squeeze %dma_wait3A_945 : memref<1x80x128xf32, #tpu.memory_space<vmem>> -> memref<80x128xf32, #tpu.memory_space<vmem>>
      %dma_wait3A_947 = arith.constant 2560 : i32
      %dma_wait3A_948 = tpu.memref_slice %arg5[%dma_wait3A_947] : memref<3200xi32, #tpu.memory_space<vmem>> -> memref<80xi32, #tpu.memory_space<vmem>>
      %dma_wait3A_949 = arith.constant 0 : i32
      %dma_wait3A_950 = arith.constant 0 : i32
      %dma_wait3A_951 = tpu.memref_slice %arg7[%dma_wait3A_949, %dma_wait3A_950] : memref<1024x128xf32, #tpu.memory_space<vmem_shared>> -> memref<1024x128xf32, #tpu.memory_space<vmem_shared>>
      %dma_wait3A_952 = tpu.memref_slice %arg9[%dma_wait3A_942] : memref<6x!tpu.dma_semaphore, #tpu.memory_space<semaphore_mem>> -> memref<1x!tpu.dma_semaphore, #tpu.memory_space<semaphore_mem>>
      %dma_wait3A_953 = tpu.memref_squeeze %dma_wait3A_952 : memref<1x!tpu.dma_semaphore, #tpu.memory_space<semaphore_mem>> -> memref<!tpu.dma_semaphore, #tpu.memory_space<semaphore_mem>>
      tpu.wait_indirect_dma semaphore(%dma_wait3A_953 : memref<!tpu.dma_semaphore, #tpu.memory_space<semaphore_mem>>) src(%dma_wait3A_951 : memref<1024x128xf32, #tpu.memory_space<vmem_shared>>) dst(%dma_wait3A_946 : memref<80x128xf32, #tpu.memory_space<vmem>>)
      %add3A_954 = arith.constant 2560 : i32
      %add3A_955 = arith.addi %mul3A_2, %add3A_954 : i32
      %dma_start3A_956 = arith.constant 2 : i32
      %dma_start3A_957 = arith.constant 2 : i32
      %dma_start3A_958 = arith.constant 0 : i32
      %dma_start3A_959 = arith.constant 0 : i32
      %dma_start3A_960 = tpu.memref_slice %arg6[%dma_start3A_956, %dma_start3A_958, %dma_start3A_959] : memref<6x80x128xf32, #tpu.memory_space<vmem>> -> memref<1x80x128xf32, #tpu.memory_space<vmem>>
      %dma_start3A_961 = tpu.memref_squeeze %dma_start3A_960 : memref<1x80x128xf32, #tpu.memory_space<vmem>> -> memref<80x128xf32, #tpu.memory_space<vmem>>
      %dma_start3A_962 = arith.constant 0 : i32
      %dma_start3A_963 = tpu.memref_slice %arg4[%add3A_955, %dma_start3A_962] : memref<100000x128xf32, #tpu.memory_space<hbm>> -> memref<80x128xf32, #tpu.memory_space<hbm>>
      %dma_start3A_964 = tpu.memref_slice %arg10[%dma_start3A_957] : memref<6x!tpu.dma_semaphore, #tpu.memory_space<semaphore_mem>> -> memref<1x!tpu.dma_semaphore, #tpu.memory_space<semaphore_mem>>
      %dma_start3A_965 = tpu.memref_squeeze %dma_start3A_964 : memref<1x!tpu.dma_semaphore, #tpu.memory_space<semaphore_mem>> -> memref<!tpu.dma_semaphore, #tpu.memory_space<semaphore_mem>>
      %dma_start3A_966 = arith.constant 0 : i32
      %dma_start3A_967 = tpu.memref_slice %arg4[%add3A_955, %dma_start3A_966] : memref<100000x128xf32, #tpu.memory_space<hbm>> -> memref<80x128xf32, #tpu.memory_space<hbm>>
      %dma_start3A_968 = arith.constant 0 : i32
      %dma_start3A_969 = arith.constant 0 : i32
      %dma_start3A_970 = tpu.memref_slice %arg6[%dma_start3A_956, %dma_start3A_968, %dma_start3A_969] : memref<6x80x128xf32, #tpu.memory_space<vmem>> -> memref<1x80x128xf32, #tpu.memory_space<vmem>>
      %dma_start3A_971 = tpu.memref_squeeze %dma_start3A_970 : memref<1x80x128xf32, #tpu.memory_space<vmem>> -> memref<80x128xf32, #tpu.memory_space<vmem>>
      tpu.enqueue_dma source(%dma_start3A_971 : memref<80x128xf32, #tpu.memory_space<vmem>>) target(%dma_start3A_967 : memref<80x128xf32, #tpu.memory_space<hbm>>) target_semaphore(%dma_start3A_965 : memref<!tpu.dma_semaphore, #tpu.memory_space<semaphore_mem>>)
    } else {
    }
    %lt3A_783 = arith.constant 31 : i32
    %lt3A_784 = arith.cmpi slt, %add3A, %lt3A_783 : i32
    %convert_element_type3A_785 = arith.extui %lt3A_784 : i1 to i32
    %cond3A_786 = arith.constant 0 : i32
    %cond3A_787 = arith.cmpi ne, %convert_element_type3A_785, %cond3A_786 : i32
    scf.if %cond3A_787 {
      %dma_wait3A_941 = arith.constant 1 : i32
      %dma_wait3A_942 = arith.constant 1 : i32
      %dma_wait3A_943 = arith.constant 0 : i32
      %dma_wait3A_944 = arith.constant 0 : i32
      %dma_wait3A_945 = tpu.memref_slice %arg6[%dma_wait3A_941, %dma_wait3A_943, %dma_wait3A_944] : memref<6x80x128xf32, #tpu.memory_space<vmem>> -> memref<1x80x128xf32, #tpu.memory_space<vmem>>
      %dma_wait3A_946 = tpu.memref_squeeze %dma_wait3A_945 : memref<1x80x128xf32, #tpu.memory_space<vmem>> -> memref<80x128xf32, #tpu.memory_space<vmem>>
      %dma_wait3A_947 = arith.constant 0 : i32
      %dma_wait3A_948 = arith.constant 0 : i32
      %dma_wait3A_949 = tpu.memref_slice %arg4[%dma_wait3A_947, %dma_wait3A_948] : memref<100000x128xf32, #tpu.memory_space<hbm>> -> memref<80x128xf32, #tpu.memory_space<hbm>>
      %dma_wait3A_950 = tpu.memref_slice %arg10[%dma_wait3A_942] : memref<6x!tpu.dma_semaphore, #tpu.memory_space<semaphore_mem>> -> memref<1x!tpu.dma_semaphore, #tpu.memory_space<semaphore_mem>>
      %dma_wait3A_951 = tpu.memref_squeeze %dma_wait3A_950 : memref<1x!tpu.dma_semaphore, #tpu.memory_space<semaphore_mem>> -> memref<!tpu.dma_semaphore, #tpu.memory_space<semaphore_mem>>
      %dma_wait3A_952 = arith.constant 0 : i32
      %dma_wait3A_953 = arith.constant 0 : i32
      %dma_wait3A_954 = tpu.memref_slice %arg4[%dma_wait3A_952, %dma_wait3A_953] : memref<100000x128xf32, #tpu.memory_space<hbm>> -> memref<80x128xf32, #tpu.memory_space<hbm>>
      %dma_wait3A_955 = arith.constant 0 : i32
      %dma_wait3A_956 = arith.constant 0 : i32
      %dma_wait3A_957 = tpu.memref_slice %arg6[%dma_wait3A_941, %dma_wait3A_955, %dma_wait3A_956] : memref<6x80x128xf32, #tpu.memory_space<vmem>> -> memref<1x80x128xf32, #tpu.memory_space<vmem>>
      %dma_wait3A_958 = tpu.memref_squeeze %dma_wait3A_957 : memref<1x80x128xf32, #tpu.memory_space<vmem>> -> memref<80x128xf32, #tpu.memory_space<vmem>>
      tpu.wait_dma2 semaphore(%dma_wait3A_951 : memref<!tpu.dma_semaphore, #tpu.memory_space<semaphore_mem>>) src(%dma_wait3A_958 : memref<80x128xf32, #tpu.memory_space<vmem>>) dst(%dma_wait3A_954 : memref<80x128xf32, #tpu.memory_space<hbm>>)
      %dma_start3A_959 = arith.constant 1 : i32
      %dma_start3A_960 = arith.constant 1 : i32
      %dma_start3A_961 = arith.constant 0 : i32
      %dma_start3A_962 = arith.constant 0 : i32
      %dma_start3A_963 = tpu.memref_slice %arg6[%dma_start3A_959, %dma_start3A_961, %dma_start3A_962] : memref<6x80x128xf32, #tpu.memory_space<vmem>> -> memref<1x80x128xf32, #tpu.memory_space<vmem>>
      %dma_start3A_964 = tpu.memref_squeeze %dma_start3A_963 : memref<1x80x128xf32, #tpu.memory_space<vmem>> -> memref<80x128xf32, #tpu.memory_space<vmem>>
      %dma_start3A_965 = arith.constant 2960 : i32
      %dma_start3A_966 = tpu.memref_slice %arg5[%dma_start3A_965] : memref<3200xi32, #tpu.memory_space<vmem>> -> memref<80xi32, #tpu.memory_space<vmem>>
      %dma_start3A_967 = arith.constant 0 : i32
      %dma_start3A_968 = arith.constant 0 : i32
      %dma_start3A_969 = tpu.memref_slice %arg7[%dma_start3A_967, %dma_start3A_968] : memref<1024x128xf32, #tpu.memory_space<vmem_shared>> -> memref<1024x128xf32, #tpu.memory_space<vmem_shared>>
      %dma_start3A_970 = tpu.memref_slice %arg9[%dma_start3A_960] : memref<6x!tpu.dma_semaphore, #tpu.memory_space<semaphore_mem>> -> memref<1x!tpu.dma_semaphore, #tpu.memory_space<semaphore_mem>>
      %dma_start3A_971 = tpu.memref_squeeze %dma_start3A_970 : memref<1x!tpu.dma_semaphore, #tpu.memory_space<semaphore_mem>> -> memref<!tpu.dma_semaphore, #tpu.memory_space<semaphore_mem>>
      tpu.enqueue_indirect_dma source(%dma_start3A_969 : memref<1024x128xf32, #tpu.memory_space<vmem_shared>>) target(%dma_start3A_964 : memref<80x128xf32, #tpu.memory_space<vmem>>) offsets(%dma_start3A_966 : memref<80xi32, #tpu.memory_space<vmem>>) semaphore(%dma_start3A_971 : memref<!tpu.dma_semaphore, #tpu.memory_space<semaphore_mem>>)
    } else {
    }
    %lt3A_788 = arith.constant 31 : i32
    %lt3A_789 = arith.cmpi slt, %add3A, %lt3A_788 : i32
    %convert_element_type3A_790 = arith.extui %lt3A_789 : i1 to i32
    %cond3A_791 = arith.constant 0 : i32
    %cond3A_792 = arith.cmpi ne, %convert_element_type3A_790, %cond3A_791 : i32
    scf.if %cond3A_792 {
      %dma_wait3A_941 = arith.constant 3 : i32
      %dma_wait3A_942 = arith.constant 3 : i32
      %dma_wait3A_943 = arith.constant 0 : i32
      %dma_wait3A_944 = arith.constant 0 : i32
      %dma_wait3A_945 = tpu.memref_slice %arg6[%dma_wait3A_941, %dma_wait3A_943, %dma_wait3A_944] : memref<6x80x128xf32, #tpu.memory_space<vmem>> -> memref<1x80x128xf32, #tpu.memory_space<vmem>>
      %dma_wait3A_946 = tpu.memref_squeeze %dma_wait3A_945 : memref<1x80x128xf32, #tpu.memory_space<vmem>> -> memref<80x128xf32, #tpu.memory_space<vmem>>
      %dma_wait3A_947 = arith.constant 2640 : i32
      %dma_wait3A_948 = tpu.memref_slice %arg5[%dma_wait3A_947] : memref<3200xi32, #tpu.memory_space<vmem>> -> memref<80xi32, #tpu.memory_space<vmem>>
      %dma_wait3A_949 = arith.constant 0 : i32
      %dma_wait3A_950 = arith.constant 0 : i32
      %dma_wait3A_951 = tpu.memref_slice %arg7[%dma_wait3A_949, %dma_wait3A_950] : memref<1024x128xf32, #tpu.memory_space<vmem_shared>> -> memref<1024x128xf32, #tpu.memory_space<vmem_shared>>
      %dma_wait3A_952 = tpu.memref_slice %arg9[%dma_wait3A_942] : memref<6x!tpu.dma_semaphore, #tpu.memory_space<semaphore_mem>> -> memref<1x!tpu.dma_semaphore, #tpu.memory_space<semaphore_mem>>
      %dma_wait3A_953 = tpu.memref_squeeze %dma_wait3A_952 : memref<1x!tpu.dma_semaphore, #tpu.memory_space<semaphore_mem>> -> memref<!tpu.dma_semaphore, #tpu.memory_space<semaphore_mem>>
      tpu.wait_indirect_dma semaphore(%dma_wait3A_953 : memref<!tpu.dma_semaphore, #tpu.memory_space<semaphore_mem>>) src(%dma_wait3A_951 : memref<1024x128xf32, #tpu.memory_space<vmem_shared>>) dst(%dma_wait3A_946 : memref<80x128xf32, #tpu.memory_space<vmem>>)
      %add3A_954 = arith.constant 2640 : i32
      %add3A_955 = arith.addi %mul3A_2, %add3A_954 : i32
      %dma_start3A_956 = arith.constant 3 : i32
      %dma_start3A_957 = arith.constant 3 : i32
      %dma_start3A_958 = arith.constant 0 : i32
      %dma_start3A_959 = arith.constant 0 : i32
      %dma_start3A_960 = tpu.memref_slice %arg6[%dma_start3A_956, %dma_start3A_958, %dma_start3A_959] : memref<6x80x128xf32, #tpu.memory_space<vmem>> -> memref<1x80x128xf32, #tpu.memory_space<vmem>>
      %dma_start3A_961 = tpu.memref_squeeze %dma_start3A_960 : memref<1x80x128xf32, #tpu.memory_space<vmem>> -> memref<80x128xf32, #tpu.memory_space<vmem>>
      %dma_start3A_962 = arith.constant 0 : i32
      %dma_start3A_963 = tpu.memref_slice %arg4[%add3A_955, %dma_start3A_962] : memref<100000x128xf32, #tpu.memory_space<hbm>> -> memref<80x128xf32, #tpu.memory_space<hbm>>
      %dma_start3A_964 = tpu.memref_slice %arg10[%dma_start3A_957] : memref<6x!tpu.dma_semaphore, #tpu.memory_space<semaphore_mem>> -> memref<1x!tpu.dma_semaphore, #tpu.memory_space<semaphore_mem>>
      %dma_start3A_965 = tpu.memref_squeeze %dma_start3A_964 : memref<1x!tpu.dma_semaphore, #tpu.memory_space<semaphore_mem>> -> memref<!tpu.dma_semaphore, #tpu.memory_space<semaphore_mem>>
      %dma_start3A_966 = arith.constant 0 : i32
      %dma_start3A_967 = tpu.memref_slice %arg4[%add3A_955, %dma_start3A_966] : memref<100000x128xf32, #tpu.memory_space<hbm>> -> memref<80x128xf32, #tpu.memory_space<hbm>>
      %dma_start3A_968 = arith.constant 0 : i32
      %dma_start3A_969 = arith.constant 0 : i32
      %dma_start3A_970 = tpu.memref_slice %arg6[%dma_start3A_956, %dma_start3A_968, %dma_start3A_969] : memref<6x80x128xf32, #tpu.memory_space<vmem>> -> memref<1x80x128xf32, #tpu.memory_space<vmem>>
      %dma_start3A_971 = tpu.memref_squeeze %dma_start3A_970 : memref<1x80x128xf32, #tpu.memory_space<vmem>> -> memref<80x128xf32, #tpu.memory_space<vmem>>
      tpu.enqueue_dma source(%dma_start3A_971 : memref<80x128xf32, #tpu.memory_space<vmem>>) target(%dma_start3A_967 : memref<80x128xf32, #tpu.memory_space<hbm>>) target_semaphore(%dma_start3A_965 : memref<!tpu.dma_semaphore, #tpu.memory_space<semaphore_mem>>)
    } else {
    }
    %lt3A_793 = arith.constant 31 : i32
    %lt3A_794 = arith.cmpi slt, %add3A, %lt3A_793 : i32
    %convert_element_type3A_795 = arith.extui %lt3A_794 : i1 to i32
    %cond3A_796 = arith.constant 0 : i32
    %cond3A_797 = arith.cmpi ne, %convert_element_type3A_795, %cond3A_796 : i32
    scf.if %cond3A_797 {
      %dma_wait3A_941 = arith.constant 2 : i32
      %dma_wait3A_942 = arith.constant 2 : i32
      %dma_wait3A_943 = arith.constant 0 : i32
      %dma_wait3A_944 = arith.constant 0 : i32
      %dma_wait3A_945 = tpu.memref_slice %arg6[%dma_wait3A_941, %dma_wait3A_943, %dma_wait3A_944] : memref<6x80x128xf32, #tpu.memory_space<vmem>> -> memref<1x80x128xf32, #tpu.memory_space<vmem>>
      %dma_wait3A_946 = tpu.memref_squeeze %dma_wait3A_945 : memref<1x80x128xf32, #tpu.memory_space<vmem>> -> memref<80x128xf32, #tpu.memory_space<vmem>>
      %dma_wait3A_947 = arith.constant 0 : i32
      %dma_wait3A_948 = arith.constant 0 : i32
      %dma_wait3A_949 = tpu.memref_slice %arg4[%dma_wait3A_947, %dma_wait3A_948] : memref<100000x128xf32, #tpu.memory_space<hbm>> -> memref<80x128xf32, #tpu.memory_space<hbm>>
      %dma_wait3A_950 = tpu.memref_slice %arg10[%dma_wait3A_942] : memref<6x!tpu.dma_semaphore, #tpu.memory_space<semaphore_mem>> -> memref<1x!tpu.dma_semaphore, #tpu.memory_space<semaphore_mem>>
      %dma_wait3A_951 = tpu.memref_squeeze %dma_wait3A_950 : memref<1x!tpu.dma_semaphore, #tpu.memory_space<semaphore_mem>> -> memref<!tpu.dma_semaphore, #tpu.memory_space<semaphore_mem>>
      %dma_wait3A_952 = arith.constant 0 : i32
      %dma_wait3A_953 = arith.constant 0 : i32
      %dma_wait3A_954 = tpu.memref_slice %arg4[%dma_wait3A_952, %dma_wait3A_953] : memref<100000x128xf32, #tpu.memory_space<hbm>> -> memref<80x128xf32, #tpu.memory_space<hbm>>
      %dma_wait3A_955 = arith.constant 0 : i32
      %dma_wait3A_956 = arith.constant 0 : i32
      %dma_wait3A_957 = tpu.memref_slice %arg6[%dma_wait3A_941, %dma_wait3A_955, %dma_wait3A_956] : memref<6x80x128xf32, #tpu.memory_space<vmem>> -> memref<1x80x128xf32, #tpu.memory_space<vmem>>
      %dma_wait3A_958 = tpu.memref_squeeze %dma_wait3A_957 : memref<1x80x128xf32, #tpu.memory_space<vmem>> -> memref<80x128xf32, #tpu.memory_space<vmem>>
      tpu.wait_dma2 semaphore(%dma_wait3A_951 : memref<!tpu.dma_semaphore, #tpu.memory_space<semaphore_mem>>) src(%dma_wait3A_958 : memref<80x128xf32, #tpu.memory_space<vmem>>) dst(%dma_wait3A_954 : memref<80x128xf32, #tpu.memory_space<hbm>>)
      %dma_start3A_959 = arith.constant 2 : i32
      %dma_start3A_960 = arith.constant 2 : i32
      %dma_start3A_961 = arith.constant 0 : i32
      %dma_start3A_962 = arith.constant 0 : i32
      %dma_start3A_963 = tpu.memref_slice %arg6[%dma_start3A_959, %dma_start3A_961, %dma_start3A_962] : memref<6x80x128xf32, #tpu.memory_space<vmem>> -> memref<1x80x128xf32, #tpu.memory_space<vmem>>
      %dma_start3A_964 = tpu.memref_squeeze %dma_start3A_963 : memref<1x80x128xf32, #tpu.memory_space<vmem>> -> memref<80x128xf32, #tpu.memory_space<vmem>>
      %dma_start3A_965 = arith.constant 3040 : i32
      %dma_start3A_966 = tpu.memref_slice %arg5[%dma_start3A_965] : memref<3200xi32, #tpu.memory_space<vmem>> -> memref<80xi32, #tpu.memory_space<vmem>>
      %dma_start3A_967 = arith.constant 0 : i32
      %dma_start3A_968 = arith.constant 0 : i32
      %dma_start3A_969 = tpu.memref_slice %arg7[%dma_start3A_967, %dma_start3A_968] : memref<1024x128xf32, #tpu.memory_space<vmem_shared>> -> memref<1024x128xf32, #tpu.memory_space<vmem_shared>>
      %dma_start3A_970 = tpu.memref_slice %arg9[%dma_start3A_960] : memref<6x!tpu.dma_semaphore, #tpu.memory_space<semaphore_mem>> -> memref<1x!tpu.dma_semaphore, #tpu.memory_space<semaphore_mem>>
      %dma_start3A_971 = tpu.memref_squeeze %dma_start3A_970 : memref<1x!tpu.dma_semaphore, #tpu.memory_space<semaphore_mem>> -> memref<!tpu.dma_semaphore, #tpu.memory_space<semaphore_mem>>
      tpu.enqueue_indirect_dma source(%dma_start3A_969 : memref<1024x128xf32, #tpu.memory_space<vmem_shared>>) target(%dma_start3A_964 : memref<80x128xf32, #tpu.memory_space<vmem>>) offsets(%dma_start3A_966 : memref<80xi32, #tpu.memory_space<vmem>>) semaphore(%dma_start3A_971 : memref<!tpu.dma_semaphore, #tpu.memory_space<semaphore_mem>>)
    } else {
    }
    %lt3A_798 = arith.constant 31 : i32
    %lt3A_799 = arith.cmpi slt, %add3A, %lt3A_798 : i32
    %convert_element_type3A_800 = arith.extui %lt3A_799 : i1 to i32
    %cond3A_801 = arith.constant 0 : i32
    %cond3A_802 = arith.cmpi ne, %convert_element_type3A_800, %cond3A_801 : i32
    scf.if %cond3A_802 {
      %dma_wait3A_941 = arith.constant 4 : i32
      %dma_wait3A_942 = arith.constant 4 : i32
      %dma_wait3A_943 = arith.constant 0 : i32
      %dma_wait3A_944 = arith.constant 0 : i32
      %dma_wait3A_945 = tpu.memref_slice %arg6[%dma_wait3A_941, %dma_wait3A_943, %dma_wait3A_944] : memref<6x80x128xf32, #tpu.memory_space<vmem>> -> memref<1x80x128xf32, #tpu.memory_space<vmem>>
      %dma_wait3A_946 = tpu.memref_squeeze %dma_wait3A_945 : memref<1x80x128xf32, #tpu.memory_space<vmem>> -> memref<80x128xf32, #tpu.memory_space<vmem>>
      %dma_wait3A_947 = arith.constant 2720 : i32
      %dma_wait3A_948 = tpu.memref_slice %arg5[%dma_wait3A_947] : memref<3200xi32, #tpu.memory_space<vmem>> -> memref<80xi32, #tpu.memory_space<vmem>>
      %dma_wait3A_949 = arith.constant 0 : i32
      %dma_wait3A_950 = arith.constant 0 : i32
      %dma_wait3A_951 = tpu.memref_slice %arg7[%dma_wait3A_949, %dma_wait3A_950] : memref<1024x128xf32, #tpu.memory_space<vmem_shared>> -> memref<1024x128xf32, #tpu.memory_space<vmem_shared>>
      %dma_wait3A_952 = tpu.memref_slice %arg9[%dma_wait3A_942] : memref<6x!tpu.dma_semaphore, #tpu.memory_space<semaphore_mem>> -> memref<1x!tpu.dma_semaphore, #tpu.memory_space<semaphore_mem>>
      %dma_wait3A_953 = tpu.memref_squeeze %dma_wait3A_952 : memref<1x!tpu.dma_semaphore, #tpu.memory_space<semaphore_mem>> -> memref<!tpu.dma_semaphore, #tpu.memory_space<semaphore_mem>>
      tpu.wait_indirect_dma semaphore(%dma_wait3A_953 : memref<!tpu.dma_semaphore, #tpu.memory_space<semaphore_mem>>) src(%dma_wait3A_951 : memref<1024x128xf32, #tpu.memory_space<vmem_shared>>) dst(%dma_wait3A_946 : memref<80x128xf32, #tpu.memory_space<vmem>>)
      %add3A_954 = arith.constant 2720 : i32
      %add3A_955 = arith.addi %mul3A_2, %add3A_954 : i32
      %dma_start3A_956 = arith.constant 4 : i32
      %dma_start3A_957 = arith.constant 4 : i32
      %dma_start3A_958 = arith.constant 0 : i32
      %dma_start3A_959 = arith.constant 0 : i32
      %dma_start3A_960 = tpu.memref_slice %arg6[%dma_start3A_956, %dma_start3A_958, %dma_start3A_959] : memref<6x80x128xf32, #tpu.memory_space<vmem>> -> memref<1x80x128xf32, #tpu.memory_space<vmem>>
      %dma_start3A_961 = tpu.memref_squeeze %dma_start3A_960 : memref<1x80x128xf32, #tpu.memory_space<vmem>> -> memref<80x128xf32, #tpu.memory_space<vmem>>
      %dma_start3A_962 = arith.constant 0 : i32
      %dma_start3A_963 = tpu.memref_slice %arg4[%add3A_955, %dma_start3A_962] : memref<100000x128xf32, #tpu.memory_space<hbm>> -> memref<80x128xf32, #tpu.memory_space<hbm>>
      %dma_start3A_964 = tpu.memref_slice %arg10[%dma_start3A_957] : memref<6x!tpu.dma_semaphore, #tpu.memory_space<semaphore_mem>> -> memref<1x!tpu.dma_semaphore, #tpu.memory_space<semaphore_mem>>
      %dma_start3A_965 = tpu.memref_squeeze %dma_start3A_964 : memref<1x!tpu.dma_semaphore, #tpu.memory_space<semaphore_mem>> -> memref<!tpu.dma_semaphore, #tpu.memory_space<semaphore_mem>>
      %dma_start3A_966 = arith.constant 0 : i32
      %dma_start3A_967 = tpu.memref_slice %arg4[%add3A_955, %dma_start3A_966] : memref<100000x128xf32, #tpu.memory_space<hbm>> -> memref<80x128xf32, #tpu.memory_space<hbm>>
      %dma_start3A_968 = arith.constant 0 : i32
      %dma_start3A_969 = arith.constant 0 : i32
      %dma_start3A_970 = tpu.memref_slice %arg6[%dma_start3A_956, %dma_start3A_968, %dma_start3A_969] : memref<6x80x128xf32, #tpu.memory_space<vmem>> -> memref<1x80x128xf32, #tpu.memory_space<vmem>>
      %dma_start3A_971 = tpu.memref_squeeze %dma_start3A_970 : memref<1x80x128xf32, #tpu.memory_space<vmem>> -> memref<80x128xf32, #tpu.memory_space<vmem>>
      tpu.enqueue_dma source(%dma_start3A_971 : memref<80x128xf32, #tpu.memory_space<vmem>>) target(%dma_start3A_967 : memref<80x128xf32, #tpu.memory_space<hbm>>) target_semaphore(%dma_start3A_965 : memref<!tpu.dma_semaphore, #tpu.memory_space<semaphore_mem>>)
    } else {
    }
    %lt3A_803 = arith.constant 31 : i32
    %lt3A_804 = arith.cmpi slt, %add3A, %lt3A_803 : i32
    %convert_element_type3A_805 = arith.extui %lt3A_804 : i1 to i32
    %cond3A_806 = arith.constant 0 : i32
    %cond3A_807 = arith.cmpi ne, %convert_element_type3A_805, %cond3A_806 : i32
    scf.if %cond3A_807 {
      %dma_wait3A_941 = arith.constant 3 : i32
      %dma_wait3A_942 = arith.constant 3 : i32
      %dma_wait3A_943 = arith.constant 0 : i32
      %dma_wait3A_944 = arith.constant 0 : i32
      %dma_wait3A_945 = tpu.memref_slice %arg6[%dma_wait3A_941, %dma_wait3A_943, %dma_wait3A_944] : memref<6x80x128xf32, #tpu.memory_space<vmem>> -> memref<1x80x128xf32, #tpu.memory_space<vmem>>
      %dma_wait3A_946 = tpu.memref_squeeze %dma_wait3A_945 : memref<1x80x128xf32, #tpu.memory_space<vmem>> -> memref<80x128xf32, #tpu.memory_space<vmem>>
      %dma_wait3A_947 = arith.constant 0 : i32
      %dma_wait3A_948 = arith.constant 0 : i32
      %dma_wait3A_949 = tpu.memref_slice %arg4[%dma_wait3A_947, %dma_wait3A_948] : memref<100000x128xf32, #tpu.memory_space<hbm>> -> memref<80x128xf32, #tpu.memory_space<hbm>>
      %dma_wait3A_950 = tpu.memref_slice %arg10[%dma_wait3A_942] : memref<6x!tpu.dma_semaphore, #tpu.memory_space<semaphore_mem>> -> memref<1x!tpu.dma_semaphore, #tpu.memory_space<semaphore_mem>>
      %dma_wait3A_951 = tpu.memref_squeeze %dma_wait3A_950 : memref<1x!tpu.dma_semaphore, #tpu.memory_space<semaphore_mem>> -> memref<!tpu.dma_semaphore, #tpu.memory_space<semaphore_mem>>
      %dma_wait3A_952 = arith.constant 0 : i32
      %dma_wait3A_953 = arith.constant 0 : i32
      %dma_wait3A_954 = tpu.memref_slice %arg4[%dma_wait3A_952, %dma_wait3A_953] : memref<100000x128xf32, #tpu.memory_space<hbm>> -> memref<80x128xf32, #tpu.memory_space<hbm>>
      %dma_wait3A_955 = arith.constant 0 : i32
      %dma_wait3A_956 = arith.constant 0 : i32
      %dma_wait3A_957 = tpu.memref_slice %arg6[%dma_wait3A_941, %dma_wait3A_955, %dma_wait3A_956] : memref<6x80x128xf32, #tpu.memory_space<vmem>> -> memref<1x80x128xf32, #tpu.memory_space<vmem>>
      %dma_wait3A_958 = tpu.memref_squeeze %dma_wait3A_957 : memref<1x80x128xf32, #tpu.memory_space<vmem>> -> memref<80x128xf32, #tpu.memory_space<vmem>>
      tpu.wait_dma2 semaphore(%dma_wait3A_951 : memref<!tpu.dma_semaphore, #tpu.memory_space<semaphore_mem>>) src(%dma_wait3A_958 : memref<80x128xf32, #tpu.memory_space<vmem>>) dst(%dma_wait3A_954 : memref<80x128xf32, #tpu.memory_space<hbm>>)
      %dma_start3A_959 = arith.constant 3 : i32
      %dma_start3A_960 = arith.constant 3 : i32
      %dma_start3A_961 = arith.constant 0 : i32
      %dma_start3A_962 = arith.constant 0 : i32
      %dma_start3A_963 = tpu.memref_slice %arg6[%dma_start3A_959, %dma_start3A_961, %dma_start3A_962] : memref<6x80x128xf32, #tpu.memory_space<vmem>> -> memref<1x80x128xf32, #tpu.memory_space<vmem>>
      %dma_start3A_964 = tpu.memref_squeeze %dma_start3A_963 : memref<1x80x128xf32, #tpu.memory_space<vmem>> -> memref<80x128xf32, #tpu.memory_space<vmem>>
      %dma_start3A_965 = arith.constant 3120 : i32
      %dma_start3A_966 = tpu.memref_slice %arg5[%dma_start3A_965] : memref<3200xi32, #tpu.memory_space<vmem>> -> memref<80xi32, #tpu.memory_space<vmem>>
      %dma_start3A_967 = arith.constant 0 : i32
      %dma_start3A_968 = arith.constant 0 : i32
      %dma_start3A_969 = tpu.memref_slice %arg7[%dma_start3A_967, %dma_start3A_968] : memref<1024x128xf32, #tpu.memory_space<vmem_shared>> -> memref<1024x128xf32, #tpu.memory_space<vmem_shared>>
      %dma_start3A_970 = tpu.memref_slice %arg9[%dma_start3A_960] : memref<6x!tpu.dma_semaphore, #tpu.memory_space<semaphore_mem>> -> memref<1x!tpu.dma_semaphore, #tpu.memory_space<semaphore_mem>>
      %dma_start3A_971 = tpu.memref_squeeze %dma_start3A_970 : memref<1x!tpu.dma_semaphore, #tpu.memory_space<semaphore_mem>> -> memref<!tpu.dma_semaphore, #tpu.memory_space<semaphore_mem>>
      tpu.enqueue_indirect_dma source(%dma_start3A_969 : memref<1024x128xf32, #tpu.memory_space<vmem_shared>>) target(%dma_start3A_964 : memref<80x128xf32, #tpu.memory_space<vmem>>) offsets(%dma_start3A_966 : memref<80xi32, #tpu.memory_space<vmem>>) semaphore(%dma_start3A_971 : memref<!tpu.dma_semaphore, #tpu.memory_space<semaphore_mem>>)
    } else {
    }
    %lt3A_808 = arith.constant 31 : i32
    %lt3A_809 = arith.cmpi slt, %add3A, %lt3A_808 : i32
    %convert_element_type3A_810 = arith.extui %lt3A_809 : i1 to i32
    %cond3A_811 = arith.constant 0 : i32
    %cond3A_812 = arith.cmpi ne, %convert_element_type3A_810, %cond3A_811 : i32
    scf.if %cond3A_812 {
      %dma_wait3A_941 = arith.constant 5 : i32
      %dma_wait3A_942 = arith.constant 5 : i32
      %dma_wait3A_943 = arith.constant 0 : i32
      %dma_wait3A_944 = arith.constant 0 : i32
      %dma_wait3A_945 = tpu.memref_slice %arg6[%dma_wait3A_941, %dma_wait3A_943, %dma_wait3A_944] : memref<6x80x128xf32, #tpu.memory_space<vmem>> -> memref<1x80x128xf32, #tpu.memory_space<vmem>>
      %dma_wait3A_946 = tpu.memref_squeeze %dma_wait3A_945 : memref<1x80x128xf32, #tpu.memory_space<vmem>> -> memref<80x128xf32, #tpu.memory_space<vmem>>
      %dma_wait3A_947 = arith.constant 2800 : i32
      %dma_wait3A_948 = tpu.memref_slice %arg5[%dma_wait3A_947] : memref<3200xi32, #tpu.memory_space<vmem>> -> memref<80xi32, #tpu.memory_space<vmem>>
      %dma_wait3A_949 = arith.constant 0 : i32
      %dma_wait3A_950 = arith.constant 0 : i32
      %dma_wait3A_951 = tpu.memref_slice %arg7[%dma_wait3A_949, %dma_wait3A_950] : memref<1024x128xf32, #tpu.memory_space<vmem_shared>> -> memref<1024x128xf32, #tpu.memory_space<vmem_shared>>
      %dma_wait3A_952 = tpu.memref_slice %arg9[%dma_wait3A_942] : memref<6x!tpu.dma_semaphore, #tpu.memory_space<semaphore_mem>> -> memref<1x!tpu.dma_semaphore, #tpu.memory_space<semaphore_mem>>
      %dma_wait3A_953 = tpu.memref_squeeze %dma_wait3A_952 : memref<1x!tpu.dma_semaphore, #tpu.memory_space<semaphore_mem>> -> memref<!tpu.dma_semaphore, #tpu.memory_space<semaphore_mem>>
      tpu.wait_indirect_dma semaphore(%dma_wait3A_953 : memref<!tpu.dma_semaphore, #tpu.memory_space<semaphore_mem>>) src(%dma_wait3A_951 : memref<1024x128xf32, #tpu.memory_space<vmem_shared>>) dst(%dma_wait3A_946 : memref<80x128xf32, #tpu.memory_space<vmem>>)
      %add3A_954 = arith.constant 2800 : i32
      %add3A_955 = arith.addi %mul3A_2, %add3A_954 : i32
      %dma_start3A_956 = arith.constant 5 : i32
      %dma_start3A_957 = arith.constant 5 : i32
      %dma_start3A_958 = arith.constant 0 : i32
      %dma_start3A_959 = arith.constant 0 : i32
      %dma_start3A_960 = tpu.memref_slice %arg6[%dma_start3A_956, %dma_start3A_958, %dma_start3A_959] : memref<6x80x128xf32, #tpu.memory_space<vmem>> -> memref<1x80x128xf32, #tpu.memory_space<vmem>>
      %dma_start3A_961 = tpu.memref_squeeze %dma_start3A_960 : memref<1x80x128xf32, #tpu.memory_space<vmem>> -> memref<80x128xf32, #tpu.memory_space<vmem>>
      %dma_start3A_962 = arith.constant 0 : i32
      %dma_start3A_963 = tpu.memref_slice %arg4[%add3A_955, %dma_start3A_962] : memref<100000x128xf32, #tpu.memory_space<hbm>> -> memref<80x128xf32, #tpu.memory_space<hbm>>
      %dma_start3A_964 = tpu.memref_slice %arg10[%dma_start3A_957] : memref<6x!tpu.dma_semaphore, #tpu.memory_space<semaphore_mem>> -> memref<1x!tpu.dma_semaphore, #tpu.memory_space<semaphore_mem>>
      %dma_start3A_965 = tpu.memref_squeeze %dma_start3A_964 : memref<1x!tpu.dma_semaphore, #tpu.memory_space<semaphore_mem>> -> memref<!tpu.dma_semaphore, #tpu.memory_space<semaphore_mem>>
      %dma_start3A_966 = arith.constant 0 : i32
      %dma_start3A_967 = tpu.memref_slice %arg4[%add3A_955, %dma_start3A_966] : memref<100000x128xf32, #tpu.memory_space<hbm>> -> memref<80x128xf32, #tpu.memory_space<hbm>>
      %dma_start3A_968 = arith.constant 0 : i32
      %dma_start3A_969 = arith.constant 0 : i32
      %dma_start3A_970 = tpu.memref_slice %arg6[%dma_start3A_956, %dma_start3A_968, %dma_start3A_969] : memref<6x80x128xf32, #tpu.memory_space<vmem>> -> memref<1x80x128xf32, #tpu.memory_space<vmem>>
      %dma_start3A_971 = tpu.memref_squeeze %dma_start3A_970 : memref<1x80x128xf32, #tpu.memory_space<vmem>> -> memref<80x128xf32, #tpu.memory_space<vmem>>
      tpu.enqueue_dma source(%dma_start3A_971 : memref<80x128xf32, #tpu.memory_space<vmem>>) target(%dma_start3A_967 : memref<80x128xf32, #tpu.memory_space<hbm>>) target_semaphore(%dma_start3A_965 : memref<!tpu.dma_semaphore, #tpu.memory_space<semaphore_mem>>)
    } else {
    }
    %lt3A_813 = arith.constant 31 : i32
    %lt3A_814 = arith.cmpi slt, %add3A, %lt3A_813 : i32
    %convert_element_type3A_815 = arith.extui %lt3A_814 : i1 to i32
    %cond3A_816 = arith.constant 0 : i32
    %cond3A_817 = arith.cmpi ne, %convert_element_type3A_815, %cond3A_816 : i32
    scf.if %cond3A_817 {
      %dma_wait3A_941 = arith.constant 0 : i32
      %dma_wait3A_942 = arith.constant 0 : i32
      %dma_wait3A_943 = arith.constant 0 : i32
      %dma_wait3A_944 = arith.constant 0 : i32
      %dma_wait3A_945 = tpu.memref_slice %arg6[%dma_wait3A_941, %dma_wait3A_943, %dma_wait3A_944] : memref<6x80x128xf32, #tpu.memory_space<vmem>> -> memref<1x80x128xf32, #tpu.memory_space<vmem>>
      %dma_wait3A_946 = tpu.memref_squeeze %dma_wait3A_945 : memref<1x80x128xf32, #tpu.memory_space<vmem>> -> memref<80x128xf32, #tpu.memory_space<vmem>>
      %dma_wait3A_947 = arith.constant 2880 : i32
      %dma_wait3A_948 = tpu.memref_slice %arg5[%dma_wait3A_947] : memref<3200xi32, #tpu.memory_space<vmem>> -> memref<80xi32, #tpu.memory_space<vmem>>
      %dma_wait3A_949 = arith.constant 0 : i32
      %dma_wait3A_950 = arith.constant 0 : i32
      %dma_wait3A_951 = tpu.memref_slice %arg7[%dma_wait3A_949, %dma_wait3A_950] : memref<1024x128xf32, #tpu.memory_space<vmem_shared>> -> memref<1024x128xf32, #tpu.memory_space<vmem_shared>>
      %dma_wait3A_952 = tpu.memref_slice %arg9[%dma_wait3A_942] : memref<6x!tpu.dma_semaphore, #tpu.memory_space<semaphore_mem>> -> memref<1x!tpu.dma_semaphore, #tpu.memory_space<semaphore_mem>>
      %dma_wait3A_953 = tpu.memref_squeeze %dma_wait3A_952 : memref<1x!tpu.dma_semaphore, #tpu.memory_space<semaphore_mem>> -> memref<!tpu.dma_semaphore, #tpu.memory_space<semaphore_mem>>
      tpu.wait_indirect_dma semaphore(%dma_wait3A_953 : memref<!tpu.dma_semaphore, #tpu.memory_space<semaphore_mem>>) src(%dma_wait3A_951 : memref<1024x128xf32, #tpu.memory_space<vmem_shared>>) dst(%dma_wait3A_946 : memref<80x128xf32, #tpu.memory_space<vmem>>)
      %add3A_954 = arith.constant 2880 : i32
      %add3A_955 = arith.addi %mul3A_2, %add3A_954 : i32
      %dma_start3A_956 = arith.constant 0 : i32
      %dma_start3A_957 = arith.constant 0 : i32
      %dma_start3A_958 = arith.constant 0 : i32
      %dma_start3A_959 = arith.constant 0 : i32
      %dma_start3A_960 = tpu.memref_slice %arg6[%dma_start3A_956, %dma_start3A_958, %dma_start3A_959] : memref<6x80x128xf32, #tpu.memory_space<vmem>> -> memref<1x80x128xf32, #tpu.memory_space<vmem>>
      %dma_start3A_961 = tpu.memref_squeeze %dma_start3A_960 : memref<1x80x128xf32, #tpu.memory_space<vmem>> -> memref<80x128xf32, #tpu.memory_space<vmem>>
      %dma_start3A_962 = arith.constant 0 : i32
      %dma_start3A_963 = tpu.memref_slice %arg4[%add3A_955, %dma_start3A_962] : memref<100000x128xf32, #tpu.memory_space<hbm>> -> memref<80x128xf32, #tpu.memory_space<hbm>>
      %dma_start3A_964 = tpu.memref_slice %arg10[%dma_start3A_957] : memref<6x!tpu.dma_semaphore, #tpu.memory_space<semaphore_mem>> -> memref<1x!tpu.dma_semaphore, #tpu.memory_space<semaphore_mem>>
      %dma_start3A_965 = tpu.memref_squeeze %dma_start3A_964 : memref<1x!tpu.dma_semaphore, #tpu.memory_space<semaphore_mem>> -> memref<!tpu.dma_semaphore, #tpu.memory_space<semaphore_mem>>
      %dma_start3A_966 = arith.constant 0 : i32
      %dma_start3A_967 = tpu.memref_slice %arg4[%add3A_955, %dma_start3A_966] : memref<100000x128xf32, #tpu.memory_space<hbm>> -> memref<80x128xf32, #tpu.memory_space<hbm>>
      %dma_start3A_968 = arith.constant 0 : i32
      %dma_start3A_969 = arith.constant 0 : i32
      %dma_start3A_970 = tpu.memref_slice %arg6[%dma_start3A_956, %dma_start3A_968, %dma_start3A_969] : memref<6x80x128xf32, #tpu.memory_space<vmem>> -> memref<1x80x128xf32, #tpu.memory_space<vmem>>
      %dma_start3A_971 = tpu.memref_squeeze %dma_start3A_970 : memref<1x80x128xf32, #tpu.memory_space<vmem>> -> memref<80x128xf32, #tpu.memory_space<vmem>>
      tpu.enqueue_dma source(%dma_start3A_971 : memref<80x128xf32, #tpu.memory_space<vmem>>) target(%dma_start3A_967 : memref<80x128xf32, #tpu.memory_space<hbm>>) target_semaphore(%dma_start3A_965 : memref<!tpu.dma_semaphore, #tpu.memory_space<semaphore_mem>>)
    } else {
    }
    %lt3A_818 = arith.constant 31 : i32
    %lt3A_819 = arith.cmpi slt, %add3A, %lt3A_818 : i32
    %convert_element_type3A_820 = arith.extui %lt3A_819 : i1 to i32
    %cond3A_821 = arith.constant 0 : i32
    %cond3A_822 = arith.cmpi ne, %convert_element_type3A_820, %cond3A_821 : i32
    scf.if %cond3A_822 {
      %dma_wait3A_941 = arith.constant 1 : i32
      %dma_wait3A_942 = arith.constant 1 : i32
      %dma_wait3A_943 = arith.constant 0 : i32
      %dma_wait3A_944 = arith.constant 0 : i32
      %dma_wait3A_945 = tpu.memref_slice %arg6[%dma_wait3A_941, %dma_wait3A_943, %dma_wait3A_944] : memref<6x80x128xf32, #tpu.memory_space<vmem>> -> memref<1x80x128xf32, #tpu.memory_space<vmem>>
      %dma_wait3A_946 = tpu.memref_squeeze %dma_wait3A_945 : memref<1x80x128xf32, #tpu.memory_space<vmem>> -> memref<80x128xf32, #tpu.memory_space<vmem>>
      %dma_wait3A_947 = arith.constant 2960 : i32
      %dma_wait3A_948 = tpu.memref_slice %arg5[%dma_wait3A_947] : memref<3200xi32, #tpu.memory_space<vmem>> -> memref<80xi32, #tpu.memory_space<vmem>>
      %dma_wait3A_949 = arith.constant 0 : i32
      %dma_wait3A_950 = arith.constant 0 : i32
      %dma_wait3A_951 = tpu.memref_slice %arg7[%dma_wait3A_949, %dma_wait3A_950] : memref<1024x128xf32, #tpu.memory_space<vmem_shared>> -> memref<1024x128xf32, #tpu.memory_space<vmem_shared>>
      %dma_wait3A_952 = tpu.memref_slice %arg9[%dma_wait3A_942] : memref<6x!tpu.dma_semaphore, #tpu.memory_space<semaphore_mem>> -> memref<1x!tpu.dma_semaphore, #tpu.memory_space<semaphore_mem>>
      %dma_wait3A_953 = tpu.memref_squeeze %dma_wait3A_952 : memref<1x!tpu.dma_semaphore, #tpu.memory_space<semaphore_mem>> -> memref<!tpu.dma_semaphore, #tpu.memory_space<semaphore_mem>>
      tpu.wait_indirect_dma semaphore(%dma_wait3A_953 : memref<!tpu.dma_semaphore, #tpu.memory_space<semaphore_mem>>) src(%dma_wait3A_951 : memref<1024x128xf32, #tpu.memory_space<vmem_shared>>) dst(%dma_wait3A_946 : memref<80x128xf32, #tpu.memory_space<vmem>>)
      %add3A_954 = arith.constant 2960 : i32
      %add3A_955 = arith.addi %mul3A_2, %add3A_954 : i32
      %dma_start3A_956 = arith.constant 1 : i32
      %dma_start3A_957 = arith.constant 1 : i32
      %dma_start3A_958 = arith.constant 0 : i32
      %dma_start3A_959 = arith.constant 0 : i32
      %dma_start3A_960 = tpu.memref_slice %arg6[%dma_start3A_956, %dma_start3A_958, %dma_start3A_959] : memref<6x80x128xf32, #tpu.memory_space<vmem>> -> memref<1x80x128xf32, #tpu.memory_space<vmem>>
      %dma_start3A_961 = tpu.memref_squeeze %dma_start3A_960 : memref<1x80x128xf32, #tpu.memory_space<vmem>> -> memref<80x128xf32, #tpu.memory_space<vmem>>
      %dma_start3A_962 = arith.constant 0 : i32
      %dma_start3A_963 = tpu.memref_slice %arg4[%add3A_955, %dma_start3A_962] : memref<100000x128xf32, #tpu.memory_space<hbm>> -> memref<80x128xf32, #tpu.memory_space<hbm>>
      %dma_start3A_964 = tpu.memref_slice %arg10[%dma_start3A_957] : memref<6x!tpu.dma_semaphore, #tpu.memory_space<semaphore_mem>> -> memref<1x!tpu.dma_semaphore, #tpu.memory_space<semaphore_mem>>
      %dma_start3A_965 = tpu.memref_squeeze %dma_start3A_964 : memref<1x!tpu.dma_semaphore, #tpu.memory_space<semaphore_mem>> -> memref<!tpu.dma_semaphore, #tpu.memory_space<semaphore_mem>>
      %dma_start3A_966 = arith.constant 0 : i32
      %dma_start3A_967 = tpu.memref_slice %arg4[%add3A_955, %dma_start3A_966] : memref<100000x128xf32, #tpu.memory_space<hbm>> -> memref<80x128xf32, #tpu.memory_space<hbm>>
      %dma_start3A_968 = arith.constant 0 : i32
      %dma_start3A_969 = arith.constant 0 : i32
      %dma_start3A_970 = tpu.memref_slice %arg6[%dma_start3A_956, %dma_start3A_968, %dma_start3A_969] : memref<6x80x128xf32, #tpu.memory_space<vmem>> -> memref<1x80x128xf32, #tpu.memory_space<vmem>>
      %dma_start3A_971 = tpu.memref_squeeze %dma_start3A_970 : memref<1x80x128xf32, #tpu.memory_space<vmem>> -> memref<80x128xf32, #tpu.memory_space<vmem>>
      tpu.enqueue_dma source(%dma_start3A_971 : memref<80x128xf32, #tpu.memory_space<vmem>>) target(%dma_start3A_967 : memref<80x128xf32, #tpu.memory_space<hbm>>) target_semaphore(%dma_start3A_965 : memref<!tpu.dma_semaphore, #tpu.memory_space<semaphore_mem>>)
    } else {
    }
    %lt3A_823 = arith.constant 31 : i32
    %lt3A_824 = arith.cmpi slt, %add3A, %lt3A_823 : i32
    %convert_element_type3A_825 = arith.extui %lt3A_824 : i1 to i32
    %cond3A_826 = arith.constant 0 : i32
    %cond3A_827 = arith.cmpi ne, %convert_element_type3A_825, %cond3A_826 : i32
    scf.if %cond3A_827 {
      %dma_wait3A_941 = arith.constant 2 : i32
      %dma_wait3A_942 = arith.constant 2 : i32
      %dma_wait3A_943 = arith.constant 0 : i32
      %dma_wait3A_944 = arith.constant 0 : i32
      %dma_wait3A_945 = tpu.memref_slice %arg6[%dma_wait3A_941, %dma_wait3A_943, %dma_wait3A_944] : memref<6x80x128xf32, #tpu.memory_space<vmem>> -> memref<1x80x128xf32, #tpu.memory_space<vmem>>
      %dma_wait3A_946 = tpu.memref_squeeze %dma_wait3A_945 : memref<1x80x128xf32, #tpu.memory_space<vmem>> -> memref<80x128xf32, #tpu.memory_space<vmem>>
      %dma_wait3A_947 = arith.constant 3040 : i32
      %dma_wait3A_948 = tpu.memref_slice %arg5[%dma_wait3A_947] : memref<3200xi32, #tpu.memory_space<vmem>> -> memref<80xi32, #tpu.memory_space<vmem>>
      %dma_wait3A_949 = arith.constant 0 : i32
      %dma_wait3A_950 = arith.constant 0 : i32
      %dma_wait3A_951 = tpu.memref_slice %arg7[%dma_wait3A_949, %dma_wait3A_950] : memref<1024x128xf32, #tpu.memory_space<vmem_shared>> -> memref<1024x128xf32, #tpu.memory_space<vmem_shared>>
      %dma_wait3A_952 = tpu.memref_slice %arg9[%dma_wait3A_942] : memref<6x!tpu.dma_semaphore, #tpu.memory_space<semaphore_mem>> -> memref<1x!tpu.dma_semaphore, #tpu.memory_space<semaphore_mem>>
      %dma_wait3A_953 = tpu.memref_squeeze %dma_wait3A_952 : memref<1x!tpu.dma_semaphore, #tpu.memory_space<semaphore_mem>> -> memref<!tpu.dma_semaphore, #tpu.memory_space<semaphore_mem>>
      tpu.wait_indirect_dma semaphore(%dma_wait3A_953 : memref<!tpu.dma_semaphore, #tpu.memory_space<semaphore_mem>>) src(%dma_wait3A_951 : memref<1024x128xf32, #tpu.memory_space<vmem_shared>>) dst(%dma_wait3A_946 : memref<80x128xf32, #tpu.memory_space<vmem>>)
      %add3A_954 = arith.constant 3040 : i32
      %add3A_955 = arith.addi %mul3A_2, %add3A_954 : i32
      %dma_start3A_956 = arith.constant 2 : i32
      %dma_start3A_957 = arith.constant 2 : i32
      %dma_start3A_958 = arith.constant 0 : i32
      %dma_start3A_959 = arith.constant 0 : i32
      %dma_start3A_960 = tpu.memref_slice %arg6[%dma_start3A_956, %dma_start3A_958, %dma_start3A_959] : memref<6x80x128xf32, #tpu.memory_space<vmem>> -> memref<1x80x128xf32, #tpu.memory_space<vmem>>
      %dma_start3A_961 = tpu.memref_squeeze %dma_start3A_960 : memref<1x80x128xf32, #tpu.memory_space<vmem>> -> memref<80x128xf32, #tpu.memory_space<vmem>>
      %dma_start3A_962 = arith.constant 0 : i32
      %dma_start3A_963 = tpu.memref_slice %arg4[%add3A_955, %dma_start3A_962] : memref<100000x128xf32, #tpu.memory_space<hbm>> -> memref<80x128xf32, #tpu.memory_space<hbm>>
      %dma_start3A_964 = tpu.memref_slice %arg10[%dma_start3A_957] : memref<6x!tpu.dma_semaphore, #tpu.memory_space<semaphore_mem>> -> memref<1x!tpu.dma_semaphore, #tpu.memory_space<semaphore_mem>>
      %dma_start3A_965 = tpu.memref_squeeze %dma_start3A_964 : memref<1x!tpu.dma_semaphore, #tpu.memory_space<semaphore_mem>> -> memref<!tpu.dma_semaphore, #tpu.memory_space<semaphore_mem>>
      %dma_start3A_966 = arith.constant 0 : i32
      %dma_start3A_967 = tpu.memref_slice %arg4[%add3A_955, %dma_start3A_966] : memref<100000x128xf32, #tpu.memory_space<hbm>> -> memref<80x128xf32, #tpu.memory_space<hbm>>
      %dma_start3A_968 = arith.constant 0 : i32
      %dma_start3A_969 = arith.constant 0 : i32
      %dma_start3A_970 = tpu.memref_slice %arg6[%dma_start3A_956, %dma_start3A_968, %dma_start3A_969] : memref<6x80x128xf32, #tpu.memory_space<vmem>> -> memref<1x80x128xf32, #tpu.memory_space<vmem>>
      %dma_start3A_971 = tpu.memref_squeeze %dma_start3A_970 : memref<1x80x128xf32, #tpu.memory_space<vmem>> -> memref<80x128xf32, #tpu.memory_space<vmem>>
      tpu.enqueue_dma source(%dma_start3A_971 : memref<80x128xf32, #tpu.memory_space<vmem>>) target(%dma_start3A_967 : memref<80x128xf32, #tpu.memory_space<hbm>>) target_semaphore(%dma_start3A_965 : memref<!tpu.dma_semaphore, #tpu.memory_space<semaphore_mem>>)
    } else {
    }
    %lt3A_828 = arith.constant 31 : i32
    %lt3A_829 = arith.cmpi slt, %add3A, %lt3A_828 : i32
    %convert_element_type3A_830 = arith.extui %lt3A_829 : i1 to i32
    %cond3A_831 = arith.constant 0 : i32
    %cond3A_832 = arith.cmpi ne, %convert_element_type3A_830, %cond3A_831 : i32
    scf.if %cond3A_832 {
      %dma_wait3A_941 = arith.constant 3 : i32
      %dma_wait3A_942 = arith.constant 3 : i32
      %dma_wait3A_943 = arith.constant 0 : i32
      %dma_wait3A_944 = arith.constant 0 : i32
      %dma_wait3A_945 = tpu.memref_slice %arg6[%dma_wait3A_941, %dma_wait3A_943, %dma_wait3A_944] : memref<6x80x128xf32, #tpu.memory_space<vmem>> -> memref<1x80x128xf32, #tpu.memory_space<vmem>>
      %dma_wait3A_946 = tpu.memref_squeeze %dma_wait3A_945 : memref<1x80x128xf32, #tpu.memory_space<vmem>> -> memref<80x128xf32, #tpu.memory_space<vmem>>
      %dma_wait3A_947 = arith.constant 3120 : i32
      %dma_wait3A_948 = tpu.memref_slice %arg5[%dma_wait3A_947] : memref<3200xi32, #tpu.memory_space<vmem>> -> memref<80xi32, #tpu.memory_space<vmem>>
      %dma_wait3A_949 = arith.constant 0 : i32
      %dma_wait3A_950 = arith.constant 0 : i32
      %dma_wait3A_951 = tpu.memref_slice %arg7[%dma_wait3A_949, %dma_wait3A_950] : memref<1024x128xf32, #tpu.memory_space<vmem_shared>> -> memref<1024x128xf32, #tpu.memory_space<vmem_shared>>
      %dma_wait3A_952 = tpu.memref_slice %arg9[%dma_wait3A_942] : memref<6x!tpu.dma_semaphore, #tpu.memory_space<semaphore_mem>> -> memref<1x!tpu.dma_semaphore, #tpu.memory_space<semaphore_mem>>
      %dma_wait3A_953 = tpu.memref_squeeze %dma_wait3A_952 : memref<1x!tpu.dma_semaphore, #tpu.memory_space<semaphore_mem>> -> memref<!tpu.dma_semaphore, #tpu.memory_space<semaphore_mem>>
      tpu.wait_indirect_dma semaphore(%dma_wait3A_953 : memref<!tpu.dma_semaphore, #tpu.memory_space<semaphore_mem>>) src(%dma_wait3A_951 : memref<1024x128xf32, #tpu.memory_space<vmem_shared>>) dst(%dma_wait3A_946 : memref<80x128xf32, #tpu.memory_space<vmem>>)
      %add3A_954 = arith.constant 3120 : i32
      %add3A_955 = arith.addi %mul3A_2, %add3A_954 : i32
      %dma_start3A_956 = arith.constant 3 : i32
      %dma_start3A_957 = arith.constant 3 : i32
      %dma_start3A_958 = arith.constant 0 : i32
      %dma_start3A_959 = arith.constant 0 : i32
      %dma_start3A_960 = tpu.memref_slice %arg6[%dma_start3A_956, %dma_start3A_958, %dma_start3A_959] : memref<6x80x128xf32, #tpu.memory_space<vmem>> -> memref<1x80x128xf32, #tpu.memory_space<vmem>>
      %dma_start3A_961 = tpu.memref_squeeze %dma_start3A_960 : memref<1x80x128xf32, #tpu.memory_space<vmem>> -> memref<80x128xf32, #tpu.memory_space<vmem>>
      %dma_start3A_962 = arith.constant 0 : i32
      %dma_start3A_963 = tpu.memref_slice %arg4[%add3A_955, %dma_start3A_962] : memref<100000x128xf32, #tpu.memory_space<hbm>> -> memref<80x128xf32, #tpu.memory_space<hbm>>
      %dma_start3A_964 = tpu.memref_slice %arg10[%dma_start3A_957] : memref<6x!tpu.dma_semaphore, #tpu.memory_space<semaphore_mem>> -> memref<1x!tpu.dma_semaphore, #tpu.memory_space<semaphore_mem>>
      %dma_start3A_965 = tpu.memref_squeeze %dma_start3A_964 : memref<1x!tpu.dma_semaphore, #tpu.memory_space<semaphore_mem>> -> memref<!tpu.dma_semaphore, #tpu.memory_space<semaphore_mem>>
      %dma_start3A_966 = arith.constant 0 : i32
      %dma_start3A_967 = tpu.memref_slice %arg4[%add3A_955, %dma_start3A_966] : memref<100000x128xf32, #tpu.memory_space<hbm>> -> memref<80x128xf32, #tpu.memory_space<hbm>>
      %dma_start3A_968 = arith.constant 0 : i32
      %dma_start3A_969 = arith.constant 0 : i32
      %dma_start3A_970 = tpu.memref_slice %arg6[%dma_start3A_956, %dma_start3A_968, %dma_start3A_969] : memref<6x80x128xf32, #tpu.memory_space<vmem>> -> memref<1x80x128xf32, #tpu.memory_space<vmem>>
      %dma_start3A_971 = tpu.memref_squeeze %dma_start3A_970 : memref<1x80x128xf32, #tpu.memory_space<vmem>> -> memref<80x128xf32, #tpu.memory_space<vmem>>
      tpu.enqueue_dma source(%dma_start3A_971 : memref<80x128xf32, #tpu.memory_space<vmem>>) target(%dma_start3A_967 : memref<80x128xf32, #tpu.memory_space<hbm>>) target_semaphore(%dma_start3A_965 : memref<!tpu.dma_semaphore, #tpu.memory_space<semaphore_mem>>)
    } else {
    }
    %dma_wait3A_833 = arith.constant 0 : i32
    %dma_wait3A_834 = arith.constant 0 : i32
    %dma_wait3A_835 = arith.constant 0 : i32
    %dma_wait3A_836 = arith.constant 0 : i32
    %dma_wait3A_837 = tpu.memref_slice %arg6[%dma_wait3A_833, %dma_wait3A_835, %dma_wait3A_836] : memref<6x80x128xf32, #tpu.memory_space<vmem>> -> memref<1x80x128xf32, #tpu.memory_space<vmem>>
    %dma_wait3A_838 = tpu.memref_squeeze %dma_wait3A_837 : memref<1x80x128xf32, #tpu.memory_space<vmem>> -> memref<80x128xf32, #tpu.memory_space<vmem>>
    %dma_wait3A_839 = arith.constant 0 : i32
    %dma_wait3A_840 = arith.constant 0 : i32
    %dma_wait3A_841 = tpu.memref_slice %arg4[%dma_wait3A_839, %dma_wait3A_840] : memref<100000x128xf32, #tpu.memory_space<hbm>> -> memref<80x128xf32, #tpu.memory_space<hbm>>
    %dma_wait3A_842 = tpu.memref_slice %arg10[%dma_wait3A_834] : memref<6x!tpu.dma_semaphore, #tpu.memory_space<semaphore_mem>> -> memref<1x!tpu.dma_semaphore, #tpu.memory_space<semaphore_mem>>
    %dma_wait3A_843 = tpu.memref_squeeze %dma_wait3A_842 : memref<1x!tpu.dma_semaphore, #tpu.memory_space<semaphore_mem>> -> memref<!tpu.dma_semaphore, #tpu.memory_space<semaphore_mem>>
    %dma_wait3A_844 = arith.constant 0 : i32
    %dma_wait3A_845 = arith.constant 0 : i32
    %dma_wait3A_846 = tpu.memref_slice %arg4[%dma_wait3A_844, %dma_wait3A_845] : memref<100000x128xf32, #tpu.memory_space<hbm>> -> memref<80x128xf32, #tpu.memory_space<hbm>>
    %dma_wait3A_847 = arith.constant 0 : i32
    %dma_wait3A_848 = arith.constant 0 : i32
    %dma_wait3A_849 = tpu.memref_slice %arg6[%dma_wait3A_833, %dma_wait3A_847, %dma_wait3A_848] : memref<6x80x128xf32, #tpu.memory_space<vmem>> -> memref<1x80x128xf32, #tpu.memory_space<vmem>>
    %dma_wait3A_850 = tpu.memref_squeeze %dma_wait3A_849 : memref<1x80x128xf32, #tpu.memory_space<vmem>> -> memref<80x128xf32, #tpu.memory_space<vmem>>
    tpu.wait_dma2 semaphore(%dma_wait3A_843 : memref<!tpu.dma_semaphore, #tpu.memory_space<semaphore_mem>>) src(%dma_wait3A_850 : memref<80x128xf32, #tpu.memory_space<vmem>>) dst(%dma_wait3A_846 : memref<80x128xf32, #tpu.memory_space<hbm>>)
    %dma_wait3A_851 = arith.constant 1 : i32
    %dma_wait3A_852 = arith.constant 1 : i32
    %dma_wait3A_853 = arith.constant 0 : i32
    %dma_wait3A_854 = arith.constant 0 : i32
    %dma_wait3A_855 = tpu.memref_slice %arg6[%dma_wait3A_851, %dma_wait3A_853, %dma_wait3A_854] : memref<6x80x128xf32, #tpu.memory_space<vmem>> -> memref<1x80x128xf32, #tpu.memory_space<vmem>>
    %dma_wait3A_856 = tpu.memref_squeeze %dma_wait3A_855 : memref<1x80x128xf32, #tpu.memory_space<vmem>> -> memref<80x128xf32, #tpu.memory_space<vmem>>
    %dma_wait3A_857 = arith.constant 0 : i32
    %dma_wait3A_858 = arith.constant 0 : i32
    %dma_wait3A_859 = tpu.memref_slice %arg4[%dma_wait3A_857, %dma_wait3A_858] : memref<100000x128xf32, #tpu.memory_space<hbm>> -> memref<80x128xf32, #tpu.memory_space<hbm>>
    %dma_wait3A_860 = tpu.memref_slice %arg10[%dma_wait3A_852] : memref<6x!tpu.dma_semaphore, #tpu.memory_space<semaphore_mem>> -> memref<1x!tpu.dma_semaphore, #tpu.memory_space<semaphore_mem>>
    %dma_wait3A_861 = tpu.memref_squeeze %dma_wait3A_860 : memref<1x!tpu.dma_semaphore, #tpu.memory_space<semaphore_mem>> -> memref<!tpu.dma_semaphore, #tpu.memory_space<semaphore_mem>>
    %dma_wait3A_862 = arith.constant 0 : i32
    %dma_wait3A_863 = arith.constant 0 : i32
    %dma_wait3A_864 = tpu.memref_slice %arg4[%dma_wait3A_862, %dma_wait3A_863] : memref<100000x128xf32, #tpu.memory_space<hbm>> -> memref<80x128xf32, #tpu.memory_space<hbm>>
    %dma_wait3A_865 = arith.constant 0 : i32
    %dma_wait3A_866 = arith.constant 0 : i32
    %dma_wait3A_867 = tpu.memref_slice %arg6[%dma_wait3A_851, %dma_wait3A_865, %dma_wait3A_866] : memref<6x80x128xf32, #tpu.memory_space<vmem>> -> memref<1x80x128xf32, #tpu.memory_space<vmem>>
    %dma_wait3A_868 = tpu.memref_squeeze %dma_wait3A_867 : memref<1x80x128xf32, #tpu.memory_space<vmem>> -> memref<80x128xf32, #tpu.memory_space<vmem>>
    tpu.wait_dma2 semaphore(%dma_wait3A_861 : memref<!tpu.dma_semaphore, #tpu.memory_space<semaphore_mem>>) src(%dma_wait3A_868 : memref<80x128xf32, #tpu.memory_space<vmem>>) dst(%dma_wait3A_864 : memref<80x128xf32, #tpu.memory_space<hbm>>)
    %dma_wait3A_869 = arith.constant 2 : i32
    %dma_wait3A_870 = arith.constant 2 : i32
    %dma_wait3A_871 = arith.constant 0 : i32
    %dma_wait3A_872 = arith.constant 0 : i32
    %dma_wait3A_873 = tpu.memref_slice %arg6[%dma_wait3A_869, %dma_wait3A_871, %dma_wait3A_872] : memref<6x80x128xf32, #tpu.memory_space<vmem>> -> memref<1x80x128xf32, #tpu.memory_space<vmem>>
    %dma_wait3A_874 = tpu.memref_squeeze %dma_wait3A_873 : memref<1x80x128xf32, #tpu.memory_space<vmem>> -> memref<80x128xf32, #tpu.memory_space<vmem>>
    %dma_wait3A_875 = arith.constant 0 : i32
    %dma_wait3A_876 = arith.constant 0 : i32
    %dma_wait3A_877 = tpu.memref_slice %arg4[%dma_wait3A_875, %dma_wait3A_876] : memref<100000x128xf32, #tpu.memory_space<hbm>> -> memref<80x128xf32, #tpu.memory_space<hbm>>
    %dma_wait3A_878 = tpu.memref_slice %arg10[%dma_wait3A_870] : memref<6x!tpu.dma_semaphore, #tpu.memory_space<semaphore_mem>> -> memref<1x!tpu.dma_semaphore, #tpu.memory_space<semaphore_mem>>
    %dma_wait3A_879 = tpu.memref_squeeze %dma_wait3A_878 : memref<1x!tpu.dma_semaphore, #tpu.memory_space<semaphore_mem>> -> memref<!tpu.dma_semaphore, #tpu.memory_space<semaphore_mem>>
    %dma_wait3A_880 = arith.constant 0 : i32
    %dma_wait3A_881 = arith.constant 0 : i32
    %dma_wait3A_882 = tpu.memref_slice %arg4[%dma_wait3A_880, %dma_wait3A_881] : memref<100000x128xf32, #tpu.memory_space<hbm>> -> memref<80x128xf32, #tpu.memory_space<hbm>>
    %dma_wait3A_883 = arith.constant 0 : i32
    %dma_wait3A_884 = arith.constant 0 : i32
    %dma_wait3A_885 = tpu.memref_slice %arg6[%dma_wait3A_869, %dma_wait3A_883, %dma_wait3A_884] : memref<6x80x128xf32, #tpu.memory_space<vmem>> -> memref<1x80x128xf32, #tpu.memory_space<vmem>>
    %dma_wait3A_886 = tpu.memref_squeeze %dma_wait3A_885 : memref<1x80x128xf32, #tpu.memory_space<vmem>> -> memref<80x128xf32, #tpu.memory_space<vmem>>
    tpu.wait_dma2 semaphore(%dma_wait3A_879 : memref<!tpu.dma_semaphore, #tpu.memory_space<semaphore_mem>>) src(%dma_wait3A_886 : memref<80x128xf32, #tpu.memory_space<vmem>>) dst(%dma_wait3A_882 : memref<80x128xf32, #tpu.memory_space<hbm>>)
    %dma_wait3A_887 = arith.constant 3 : i32
    %dma_wait3A_888 = arith.constant 3 : i32
    %dma_wait3A_889 = arith.constant 0 : i32
    %dma_wait3A_890 = arith.constant 0 : i32
    %dma_wait3A_891 = tpu.memref_slice %arg6[%dma_wait3A_887, %dma_wait3A_889, %dma_wait3A_890] : memref<6x80x128xf32, #tpu.memory_space<vmem>> -> memref<1x80x128xf32, #tpu.memory_space<vmem>>
    %dma_wait3A_892 = tpu.memref_squeeze %dma_wait3A_891 : memref<1x80x128xf32, #tpu.memory_space<vmem>> -> memref<80x128xf32, #tpu.memory_space<vmem>>
    %dma_wait3A_893 = arith.constant 0 : i32
    %dma_wait3A_894 = arith.constant 0 : i32
    %dma_wait3A_895 = tpu.memref_slice %arg4[%dma_wait3A_893, %dma_wait3A_894] : memref<100000x128xf32, #tpu.memory_space<hbm>> -> memref<80x128xf32, #tpu.memory_space<hbm>>
    %dma_wait3A_896 = tpu.memref_slice %arg10[%dma_wait3A_888] : memref<6x!tpu.dma_semaphore, #tpu.memory_space<semaphore_mem>> -> memref<1x!tpu.dma_semaphore, #tpu.memory_space<semaphore_mem>>
    %dma_wait3A_897 = tpu.memref_squeeze %dma_wait3A_896 : memref<1x!tpu.dma_semaphore, #tpu.memory_space<semaphore_mem>> -> memref<!tpu.dma_semaphore, #tpu.memory_space<semaphore_mem>>
    %dma_wait3A_898 = arith.constant 0 : i32
    %dma_wait3A_899 = arith.constant 0 : i32
    %dma_wait3A_900 = tpu.memref_slice %arg4[%dma_wait3A_898, %dma_wait3A_899] : memref<100000x128xf32, #tpu.memory_space<hbm>> -> memref<80x128xf32, #tpu.memory_space<hbm>>
    %dma_wait3A_901 = arith.constant 0 : i32
    %dma_wait3A_902 = arith.constant 0 : i32
    %dma_wait3A_903 = tpu.memref_slice %arg6[%dma_wait3A_887, %dma_wait3A_901, %dma_wait3A_902] : memref<6x80x128xf32, #tpu.memory_space<vmem>> -> memref<1x80x128xf32, #tpu.memory_space<vmem>>
    %dma_wait3A_904 = tpu.memref_squeeze %dma_wait3A_903 : memref<1x80x128xf32, #tpu.memory_space<vmem>> -> memref<80x128xf32, #tpu.memory_space<vmem>>
    tpu.wait_dma2 semaphore(%dma_wait3A_897 : memref<!tpu.dma_semaphore, #tpu.memory_space<semaphore_mem>>) src(%dma_wait3A_904 : memref<80x128xf32, #tpu.memory_space<vmem>>) dst(%dma_wait3A_900 : memref<80x128xf32, #tpu.memory_space<hbm>>)
    %dma_wait3A_905 = arith.constant 4 : i32
    %dma_wait3A_906 = arith.constant 4 : i32
    %dma_wait3A_907 = arith.constant 0 : i32
    %dma_wait3A_908 = arith.constant 0 : i32
    %dma_wait3A_909 = tpu.memref_slice %arg6[%dma_wait3A_905, %dma_wait3A_907, %dma_wait3A_908] : memref<6x80x128xf32, #tpu.memory_space<vmem>> -> memref<1x80x128xf32, #tpu.memory_space<vmem>>
    %dma_wait3A_910 = tpu.memref_squeeze %dma_wait3A_909 : memref<1x80x128xf32, #tpu.memory_space<vmem>> -> memref<80x128xf32, #tpu.memory_space<vmem>>
    %dma_wait3A_911 = arith.constant 0 : i32
    %dma_wait3A_912 = arith.constant 0 : i32
    %dma_wait3A_913 = tpu.memref_slice %arg4[%dma_wait3A_911, %dma_wait3A_912] : memref<100000x128xf32, #tpu.memory_space<hbm>> -> memref<80x128xf32, #tpu.memory_space<hbm>>
    %dma_wait3A_914 = tpu.memref_slice %arg10[%dma_wait3A_906] : memref<6x!tpu.dma_semaphore, #tpu.memory_space<semaphore_mem>> -> memref<1x!tpu.dma_semaphore, #tpu.memory_space<semaphore_mem>>
    %dma_wait3A_915 = tpu.memref_squeeze %dma_wait3A_914 : memref<1x!tpu.dma_semaphore, #tpu.memory_space<semaphore_mem>> -> memref<!tpu.dma_semaphore, #tpu.memory_space<semaphore_mem>>
    %dma_wait3A_916 = arith.constant 0 : i32
    %dma_wait3A_917 = arith.constant 0 : i32
    %dma_wait3A_918 = tpu.memref_slice %arg4[%dma_wait3A_916, %dma_wait3A_917] : memref<100000x128xf32, #tpu.memory_space<hbm>> -> memref<80x128xf32, #tpu.memory_space<hbm>>
    %dma_wait3A_919 = arith.constant 0 : i32
    %dma_wait3A_920 = arith.constant 0 : i32
    %dma_wait3A_921 = tpu.memref_slice %arg6[%dma_wait3A_905, %dma_wait3A_919, %dma_wait3A_920] : memref<6x80x128xf32, #tpu.memory_space<vmem>> -> memref<1x80x128xf32, #tpu.memory_space<vmem>>
    %dma_wait3A_922 = tpu.memref_squeeze %dma_wait3A_921 : memref<1x80x128xf32, #tpu.memory_space<vmem>> -> memref<80x128xf32, #tpu.memory_space<vmem>>
    tpu.wait_dma2 semaphore(%dma_wait3A_915 : memref<!tpu.dma_semaphore, #tpu.memory_space<semaphore_mem>>) src(%dma_wait3A_922 : memref<80x128xf32, #tpu.memory_space<vmem>>) dst(%dma_wait3A_918 : memref<80x128xf32, #tpu.memory_space<hbm>>)
    %dma_wait3A_923 = arith.constant 5 : i32
    %dma_wait3A_924 = arith.constant 5 : i32
    %dma_wait3A_925 = arith.constant 0 : i32
    %dma_wait3A_926 = arith.constant 0 : i32
    %dma_wait3A_927 = tpu.memref_slice %arg6[%dma_wait3A_923, %dma_wait3A_925, %dma_wait3A_926] : memref<6x80x128xf32, #tpu.memory_space<vmem>> -> memref<1x80x128xf32, #tpu.memory_space<vmem>>
    %dma_wait3A_928 = tpu.memref_squeeze %dma_wait3A_927 : memref<1x80x128xf32, #tpu.memory_space<vmem>> -> memref<80x128xf32, #tpu.memory_space<vmem>>
    %dma_wait3A_929 = arith.constant 0 : i32
    %dma_wait3A_930 = arith.constant 0 : i32
    %dma_wait3A_931 = tpu.memref_slice %arg4[%dma_wait3A_929, %dma_wait3A_930] : memref<100000x128xf32, #tpu.memory_space<hbm>> -> memref<80x128xf32, #tpu.memory_space<hbm>>
    %dma_wait3A_932 = tpu.memref_slice %arg10[%dma_wait3A_924] : memref<6x!tpu.dma_semaphore, #tpu.memory_space<semaphore_mem>> -> memref<1x!tpu.dma_semaphore, #tpu.memory_space<semaphore_mem>>
    %dma_wait3A_933 = tpu.memref_squeeze %dma_wait3A_932 : memref<1x!tpu.dma_semaphore, #tpu.memory_space<semaphore_mem>> -> memref<!tpu.dma_semaphore, #tpu.memory_space<semaphore_mem>>
    %dma_wait3A_934 = arith.constant 0 : i32
    %dma_wait3A_935 = arith.constant 0 : i32
    %dma_wait3A_936 = tpu.memref_slice %arg4[%dma_wait3A_934, %dma_wait3A_935] : memref<100000x128xf32, #tpu.memory_space<hbm>> -> memref<80x128xf32, #tpu.memory_space<hbm>>
    %dma_wait3A_937 = arith.constant 0 : i32
    %dma_wait3A_938 = arith.constant 0 : i32
    %dma_wait3A_939 = tpu.memref_slice %arg6[%dma_wait3A_923, %dma_wait3A_937, %dma_wait3A_938] : memref<6x80x128xf32, #tpu.memory_space<vmem>> -> memref<1x80x128xf32, #tpu.memory_space<vmem>>
    %dma_wait3A_940 = tpu.memref_squeeze %dma_wait3A_939 : memref<1x80x128xf32, #tpu.memory_space<vmem>> -> memref<80x128xf32, #tpu.memory_space<vmem>>
    tpu.wait_dma2 semaphore(%dma_wait3A_933 : memref<!tpu.dma_semaphore, #tpu.memory_space<semaphore_mem>>) src(%dma_wait3A_940 : memref<80x128xf32, #tpu.memory_space<vmem>>) dst(%dma_wait3A_936 : memref<80x128xf32, #tpu.memory_space<hbm>>)
    return
  }
}

</mosaic_0001>

<sc_bundles>
// kernel: kernel.3.cloned.1.call-start
scs
__scs_entry_jumppad:
0x0: {  	(pc) =	sbr.rel $0x88, $3  }
0x1: {  	(tag) =	ssettag $0x0;
	lr =	simm.s32 $0x1  }
0x2: {  	[smem:$0x3F9F] =	sst lr;
	_ =	strace $0xD0000000  }
0x3: {  	_ = 	snop  }
0x4: {  	_ = 	snop  }
0x5: {  	_ = 	snop  }
0x6: {  	_ = 	snop  }
0x7: {  	_ = 	snop  }
__scs_overlays_trampoline_lowered:
0x8: {  	[smem:$0x3FAE] =	sst s0  }
0x9: {  	[smem:$0x3FAF] =	sst s1  }
0xa: {  	[smem:$0x3FB0] =	sst s2  }
0xb: {  	[smem:$0x3FB1] =	sst s3  }
0xc: {  	[smem:$0x3FB2] =	sst s4  }
0xd: {  	[smem:$0x3FB3] =	sst s5  }
0xe: {  	[smem:$0x3FB4] =	sst s6  }
0xf: {  	[smem:$0x3FB5] =	sst s7  }
0x10: {  	[smem:$0x3FB6] =	sst s8  }
0x11: {  	[smem:$0x3FB7] =	sst s9;
	s0 =	simm.s32 @!p0 $0x0  }
0x12: {  	s1 =	sld [smem:$0x3F9D];
	s0 =	simm.s32 @p0 $0x1  }
0x13: {  	[smem:$0x3FB8] =	sst s0;
	s0 =	simm.s32 @!p1 $0x0  }
0x14: {  	s2 =	sld [smem:$0x3F9C];
	s0 =	simm.s32 @p1 $0x1  }
0x15: {  	[smem:$0x3FB9] =	sst s0;
	s0 =	simm.s32 @!p2 $0x0  }
0x16: {  	s3 =	sld [smem:$0x3FDB];
	s0 =	simm.s32 @p2 $0x1  }
0x17: {  	s4 =	simm.s32 $0x1BF5;
	[smem:$0x3FBB] =	sst s0  }
0x18: {  	s0 =	sld [smem:$0x3F9E];
	_ =	swait.ge [sflag:s4], $0x0  }
0x19: {  	s7 =	sld [smem:$0x3F9F]  }
0x1a: {  	s8 =	sadd.s32 $0xFFFFE003, lr  }
0x1b: {  	s9 =	sadd.s32 $0xFFFFFEF7, lr;
	s5 =	simm.s32 $0xFFFFFFFF;
	p2 =	slt.u32 s8, $0xFFFFF086  }
0x1c: {  	p1 =	slt.u32 s9, $0xF7A;
	s5 =	simm.s32 @!p2 $0x0  }
0x1d: {  	s5 =	simm.s32 @p1 $0x1;
	p0 =	seq.s32 s7, s2  }
0x1e: {  	s7 =	smul.u32 @!p0 $0xF7A, s2;
	p2 =	seq.s32 @!p0 s5, $0x0  }
0x1f: {  	s9 =	smul.u32 $0xF7A, s1;
	s8 =	simm.s32 @!p0 $0x1BF5;
	p2 =	por !p2, p0  }
0x20: {  	[sflag:s8] =	ssyncset.s32 @!p0 $0xFFFFF086;
	s6 =	sadd.s32 @!p0 s3, s7;
	s7 =	simm.s32 @!p0 $0x108  }
0x21: {  	s3 =	sadd.s32 s3, s9;
	s6 =	sadd.s32 @!p0 $0x88, s6;
	s7 =	simm.s32 @p2 $0x1082  }
0x22: {  	[simem:s7], [sflag:s8] =	dma.local @!p0 [hbm:s6], $0xF7A  }
0x23: {  	s9 =	sor.u32 $0xD0000000, s2;
	s6 =	simm.s32 $0x108;
	_ =	swait.ge @!p0 [sflag:s8], $0x0  }
0x24: {  	s3 =	sadd.s32 $0x88, s3;
	s6 =	simm.s32 @!p1 $0x1082;
	[sflag:s4] =	ssyncset.s32 $0xFFFFF086  }
0x25: {  	[simem:s6], [sflag:s4] =	dma.local [hbm:s3], $0xF7A  }
0x26: {  	[smem:$0x3F9F] =	sst s1;
	(tag) =	ssettag s2;
	_ =	strace s9  }
0x27: {  	s1 =	sld [smem:$0x3FAF]  }
0x28: {  	s2 =	sld [smem:$0x3FB0]  }
0x29: {  	s4 =	sld [smem:$0x3FB2]  }
0x2a: {  	p0 =	seq.s32 s5, $0x0;
	s5 =	sld [smem:$0x3FB3]  }
0x2b: {  	s6 =	sld [smem:$0x3FB4]  }
0x2c: {  	s7 =	sld [smem:$0x3FB5]  }
0x2d: {  	s3 =	simm.s32 $0x108;
	s8 =	sld [smem:$0x3FB6]  }
0x2e: {  	s3 =	simm.s32 @!p0 $0x1082;
	s9 =	sld [smem:$0x3FB7]  }
0x2f: {  	lr =	sadd.s32 s0, s3;
	s0 =	sld [smem:$0x3FAE]  }
0x30: {  	s3 =	sld [smem:$0x3FB1]  }
0x31: {  	[smem:$0x3FBA] =	sst s10  }
0x32: {  	s10 =	sld [smem:$0x3FB8];
	_ =	sdelay $0x3  }
0x33: {  	p0 =	seq.s32 s10, $0x1;
	s10 =	sld [smem:$0x3FBA];
	_ =	sdelay $0x3  }
0x34: {  	[smem:$0x3FBA] =	sst s10  }
0x35: {  	s10 =	sld [smem:$0x3FB9];
	_ =	sdelay $0x3  }
0x36: {  	p1 =	seq.s32 s10, $0x1;
	s10 =	sld [smem:$0x3FBA];
	_ =	sdelay $0x3  }
0x37: {  	[smem:$0x3FBA] =	sst s10  }
0x38: {  	s10 =	sld [smem:$0x3FBB]  }
0x39: {  	_ = 	snop;
	(pc) =	sbr.ind lr, $3  }
0x3a: {  	_ = 	snop  }
0x3b: {  	_ = 	snop  }
0x3c: {  	p2 =	seq.s32 s10, $0x1;
	s10 =	sld [smem:$0x3FBA]  }
0x3d: {  	_ =	shalt  }
0x3e: {  	_ =	shalt  }
0x3f: {  	_ =	shalt  }
0x40: {  	_ =	shalt  }
0x41: {  	_ =	shalt  }
0x42: {  	_ =	shalt  }
0x43: {  	_ =	shalt  }
0x44: {  	_ =	shalt  }
0x45: {  	_ =	shalt  }
0x46: {  	_ =	shalt  }
0x47: {  	_ =	shalt  }
0x48: {  	_ =	shalt  }
0x49: {  	_ =	shalt  }
0x4a: {  	_ =	shalt  }
0x4b: {  	_ =	shalt  }
0x4c: {  	_ =	shalt  }
0x4d: {  	_ =	shalt  }
0x4e: {  	_ =	shalt  }
0x4f: {  	_ =	shalt  }
0x50: {  	_ =	shalt  }
0x51: {  	_ =	shalt  }
0x52: {  	_ =	shalt  }
0x53: {  	_ =	shalt  }
0x54: {  	_ =	shalt  }
0x55: {  	_ =	shalt  }
0x56: {  	_ =	shalt  }
0x57: {  	_ =	shalt  }
0x58: {  	_ =	shalt  }
0x59: {  	_ =	shalt  }
0x5a: {  	_ =	shalt  }
0x5b: {  	_ =	shalt  }
0x5c: {  	_ =	shalt  }
0x5d: {  	_ =	shalt  }
0x5e: {  	_ =	shalt  }
0x5f: {  	_ =	shalt  }
0x60: {  	_ =	shalt  }
0x61: {  	_ =	shalt  }
0x62: {  	_ =	shalt  }
0x63: {  	_ =	shalt  }
0x64: {  	_ =	shalt  }
0x65: {  	_ =	shalt  }
0x66: {  	_ =	shalt  }
0x67: {  	_ =	shalt  }
0x68: {  	_ =	shalt  }
0x69: {  	_ =	shalt  }
0x6a: {  	_ =	shalt  }
0x6b: {  	_ =	shalt  }
0x6c: {  	_ =	shalt  }
0x6d: {  	_ =	shalt  }
0x6e: {  	_ =	shalt  }
0x6f: {  	_ =	shalt  }
0x70: {  	_ =	shalt  }
0x71: {  	_ =	shalt  }
0x72: {  	_ =	shalt  }
0x73: {  	_ =	shalt  }
0x74: {  	_ =	shalt  }
0x75: {  	_ =	shalt  }
0x76: {  	_ =	shalt  }
0x77: {  	_ =	shalt  }
0x78: {  	_ =	shalt  }
0x79: {  	_ =	shalt  }
0x7a: {  	_ =	shalt  }
0x7b: {  	_ =	shalt  }
0x7c: {  	_ =	shalt  }
0x7d: {  	_ =	shalt  }
0x7e: {  	_ =	shalt  }
0x7f: {  	_ =	shalt  }
0x80: {  	_ =	shalt  }
0x81: {  	_ =	shalt  }
0x82: {  	_ =	shalt  }
0x83: {  	_ =	shalt  }
0x84: {  	_ =	shalt  }
0x85: {  	_ =	shalt  }
0x86: {  	_ =	shalt  }
0x87: {  	_ =	shalt  }
.Lfunc_end0:
.L_simem_size_0:
called_computation_lowered:
.L_overlay_start_0:
0x88: {  	s2 =	sld [smem:$0x3FD9]  }
0x89: {  	s3 =	sld [smem:$0x3FFE];
	_ =	sdelay $0x1  }
0x8a: {  	s1 =	srdreg.scid  }
0x8b: {  	s0 =	sand.u32 $0x1, s1  }
0x8c: {  	s18 =	sshll.u32 s0, $0xA;
	s2 =	sadd.s32 s3, s2  }
0x8d: {  	s2 =	sadd.s32 s2, s18  }
0x8e: {  	[smem:$0x3FC6] =	sst s2  }
0x8f: {  	_ = 	snop  }
0x90: {  	s2 =	sld [smem:$0x3FC9]  }
0x91: {  	s19 =	sld [smem:$0x3FC8]  }
0x92: {  	s4 =	sld [smem:$0x3FD0];
	(tm) =	ssettm $0x1  }
0x93: {  	s5 =	sld [smem:$0x3FFB];
	_ =	sdelay $0x3  }
0x94: {  	_ =	strace s5  }
0x95: {  	s5 =	sld [smem:$0x3FFC];
	_ =	sdelay $0x3  }
0x96: {  	_ =	strace s5  }
0x97: {  	s5 =	sld [smem:$0x3FFD];
	_ =	sdelay $0x3  }
0x98: {  	_ =	strace s5  }
0x99: {  	_ =	strace $0x8FFFFFFF  }
0x9a: {  	s20 =	sld [smem:$0x3FDB];
	_ =	sdelay $0x1  }
0x9b: {  	s6 =	simm.s32 $_scs_section_size  }
0x9c: {  	s7 =	simm.s32 $_size__tile_overlayer_lowered;
	s8 =	simm.s32 $_tile_overlayer_lowered  }
0x9d: {  	s23 =	simm.s32 $0x1BFF;
	s22 =	sshll.u32 s8, $0x1;
	s5 =	sadd.s32 s6, s20  }
0x9e: {  	s9 =	simm.s32 $0x0;
	s21 =	sshll.u32 s7, $0x1;
	s7 =	sadd.s32 s22, s5  }
0x9f: {  	[timem:s9], [sflag:s23] =	dma.local [hbm:s7], s21  }
0xa0: {  	_ =	swait.ge [sflag:s23], s21  }
0xa1: {  	s6 =	ssub.s32 $0x0, s21;
	[sflag:s23] =	ssyncset.done $0x0  }
0xa2: {  	[sflag:s23] =	ssyncadd.s32 s6;
	_ =	sdelay $0x1  }
0xa3: {  	s24 =	simm.s32 $0x1B8B  }
0xa4: {  	_ =	swait.ge [sflag:s24], $0x1  }
0xa5: {  	[sflag:s24] =	ssyncset.done $0x0  }
0xa6: {  	s25 =	simm.s32 $0x1B8E;
	[sflag:s24] =	ssyncadd.s32 $0xFFFFFFFF  }
0xa7: {  	s26 =	simm.s32 $execute0_lowered;
	[smem:$0x3FD2] =	sst s25  }
0xa8: {  	s6 =	sshll.u32 s26, $0x1;
	_ =	strace $0x80000046;
	[dreg:$0x1] =	wrdreg $0xFFFFFFFF  }
0xa9: {  	s28 =	simm.s32 $_size_execute0_lowered;
	s5 =	sadd.s32 s5, s6;
	[dreg:$0x0] =	wrdreg $0x0  }
0xaa: {  	s6 =	sshll.u32 s28, $0x1;
	[dreg:$0x2] =	wrdreg s5  }
0xab: {  	[dreg:$0x3] =	wrdreg s6  }
0xac: {  	[dreg:$0x4] =	wrdreg $0xC0  }
0xad: {  	_ =	task [dreg:s9], $0x5FFFF  }
0xae: {  	[dreg:$0x1] =	wrdreg $0xFFFFFFFF  }
0xaf: {  	[dreg:$0x0] =	wrdreg $0x60  }
0xb0: {  	[dreg:$0x2] =	wrdreg s2  }
0xb1: {  	[dreg:$0x3] =	wrdreg s19  }
0xb2: {  	[dreg:$0x4] =	wrdreg s4  }
0xb3: {  	[dreg:$0x5] =	wrdreg $0xFC800  }
0xb4: {  	[dreg:$0x6] =	wrdreg $0x9  }
0xb5: {  	_ =	task.clear_ibuf [dreg:s9], $0x7FFFF;
	_ =	strace $0x90000046  }
0xb6: {  	s29 =	simm.s32 $0x9;
	_ =	strace $0x80000048  }
0xb7: {  	_ =	swait.ge [sflag:s29], $0x1  }
0xb8: {  	[sflag:s29] =	ssyncadd.s32 $0xFFFFFFFF  }
0xb9: {  	_ =	strace $0x90000048  }
0xba: {  	_ =	sfence  }
0xbb: {  	s30 =	sld [smem:$0x0];
	_ =	sdelay $0x2  }
0xbc: {  	s31 =	sshll.u32 s1, $0xD;
	s1 =	sshrl.u32 s1, $0x2  }
0xbd: {  	s3 =	sand.u32 $0x4000, s31;
	s1 =	sadd.s32 s1, s30  }
0xbe: {  	s0 =	sor.u32 s3, s0;
	s1 =	sshll.u32 s1, $0x11  }
0xbf: {  	s0 =	sor.u32 s1, s0  }
0xc0: {  	s0 =	sadd.s32 $0x8F2B, s0  }
0xc1: {  	[sflag:s0] =	ssyncadd.remote.s32 $0x1  }
0xc2: {  	_ =	sfence.sel $0xFFFF  }
0xc3: {  	[dreg:$0x0] =	wrdreg $0xFFFFFFFF;
	(pc) =	sbr.abs _section_cstart, $3  }
0xc4: {  	[dreg:$0x1] =	wrdreg $0xFFFFFFFF  }
0xc5: {  	_ =	task.clear_ibuf [dreg:s9], $0x2FFFF;
	_ =	strace $0x9FFFFFFF  }
0xc6: {  	(tm) =	ssettm $0x7FFFFFFF  }
0xc7: {  	_ =	shalt  }
tec
execute0_lowered:
.L_overlay_start_1:
0x0: {  	(tag) =	ssettag $0x1  }
0x1: {  	s0 =	rddreg [dreg:$0x0]  }
0x2: {  	s1 =	rddreg [dreg:$0x1]  }
0x3: {  	s4 =	rddreg [dreg:$0x2];
	s3 =	srdreg.scid  }
0x4: {  	s2 =	rddreg [dreg:$0x3];
	s9 =	stileid.u32;
	s5 =	sand.u32 $0x1, s3  }
0x5: {  	s6 =	sshll.u32 s9, $0x1;
	s3 =	simm.s32 $0x0;
	s24 =	sshll.u32 s9, $0xA  }
0x6: {  	s13 =	sadd.s32 $0x185600, s4;
	s7 =	ssub.s32 $0x2, s5;
	s5 =	sor.u32 s5, s6  }
0x7: {  	[smem:$0x7FF] =	sst s3;
	s0 =	sadd.s32 s0, s24;
	s8 =	smul.u32 $0x190, s5  }
0x8: {  	s21 =	sshrl.u32 s7, $0x1;
	_ =	strace $0x80000047;
	[dreg:$0x7] =	wrdreg s0  }
0x9: {  	s22 =	smul.u32 $0x64000, s5;
	[dreg:$0xd] =	wrdreg s13;
	s8 =	sadd.s32 s1, s8  }
0xa: {  	s25 =	smul.u32 $0xC800, s5;
	s1 =	sadd.s32 $0x3070, s1;
	[dreg:$0x5] =	wrdreg s8  }
0xb: {  	s6 =	ssub.s32 s7, s21;
	s7 =	sshrl.u32 s22, $0x3;
	[dreg:$0x6] =	wrdreg s1  }
0xc: {  	s0 =	sadd.s32 s4, s7;
	s7 =	sadd.s32 s4, s25;
	s4 =	sadd.s32 $0x186000, s4  }
0xd: {  	s26 =	sadd.s32 $0xA00, s0;
	[dreg:$0x10] =	wrdreg s4  }
0xe: {  	s23 =	sshll.u32 s9, $0xD;
	s9 =	sadd.s32 $0xF00, s0;
	[dreg:$0x8] =	wrdreg s26  }
0xf: {  	s10 =	sadd.s32 $0x1400, s0;
	[dreg:$0x9] =	wrdreg s9  }
0x10: {  	s11 =	sadd.s32 $0x1900, s0;
	[dreg:$0xa] =	wrdreg s10  }
0x11: {  	s12 =	sadd.s32 $0x1E00, s0;
	[dreg:$0xb] =	wrdreg s11  }
0x12: {  	s14 =	sadd.s32 $0x2300, s0;
	[dreg:$0xc] =	wrdreg s12  }
0x13: {  	s15 =	sadd.s32 $0x2800, s0;
	[dreg:$0xe] =	wrdreg s14  }
0x14: {  	s16 =	sadd.s32 $0x2D00, s0;
	[dreg:$0xf] =	wrdreg s15  }
0x15: {  	s17 =	sadd.s32 $0x3200, s0;
	[dreg:$0x11] =	wrdreg s16  }
0x16: {  	s18 =	sadd.s32 $0x3700, s0;
	[dreg:$0x12] =	wrdreg s17  }
0x17: {  	s19 =	sadd.s32 $0x3C00, s0;
	[dreg:$0x13] =	wrdreg s18  }
0x18: {  	s20 =	sadd.s32 $0x4100, s0;
	[dreg:$0x14] =	wrdreg s19  }
0x19: {  	s21 =	sadd.s32 $0x4600, s0;
	[dreg:$0x15] =	wrdreg s20  }
0x1a: {  	s22 =	sadd.s32 $0x4B00, s0;
	[dreg:$0x16] =	wrdreg s21  }
0x1b: {  	s1 =	sadd.s32 s23, s2;
	s23 =	sadd.s32 $0x5000, s0;
	[dreg:$0x17] =	wrdreg s22  }
0x1c: {  	s24 =	sadd.s32 $0x5500, s0;
	[dreg:$0x18] =	wrdreg s23  }
0x1d: {  	s25 =	sadd.s32 $0x5A00, s0;
	[dreg:$0x19] =	wrdreg s24  }
0x1e: {  	p0 =	seq.s32 s5, $0x1F;
	s5 =	sadd.s32 $0x6400, s0;
	[dreg:$0x1a] =	wrdreg s25  }
0x1f: {  	s8 =	sadd.s32 $0x6900, s0;
	[dreg:$0x1c] =	wrdreg s5  }
0x20: {  	s13 =	sadd.s32 $0x8200, s0;
	[dreg:$0x1d] =	wrdreg s8  }
0x21: {  	s26 =	sadd.s32 $0x5F00, s0;
	[smem:$0x7EF] =	sst s13  }
0x22: {  	s9 =	sadd.s32 $0x6E00, s0;
	[dreg:$0x1b] =	wrdreg s26  }
0x23: {  	s10 =	sadd.s32 $0x7300, s0;
	[dreg:$0x1e] =	wrdreg s9  }
0x24: {  	s11 =	sadd.s32 $0x7800, s0;
	[dreg:$0x1f] =	wrdreg s10  }
0x25: {  	s12 =	sadd.s32 $0x7D00, s0;
	[smem:$0x7ED] =	sst s11  }
0x26: {  	s14 =	sadd.s32 $0x8700, s0;
	[smem:$0x7EE] =	sst s12  }
0x27: {  	s15 =	sadd.s32 $0x8C00, s0;
	[smem:$0x7F0] =	sst s14  }
0x28: {  	s16 =	sadd.s32 $0x9100, s0;
	[smem:$0x7F1] =	sst s15  }
0x29: {  	s17 =	sadd.s32 $0x9600, s0;
	[smem:$0x7F2] =	sst s16  }
0x2a: {  	s18 =	sadd.s32 $0x9B00, s0;
	[smem:$0x7F3] =	sst s17  }
0x2b: {  	s19 =	sadd.s32 $0xA000, s0;
	[smem:$0x7F4] =	sst s18  }
0x2c: {  	s20 =	sadd.s32 $0xA500, s0;
	[smem:$0x7F5] =	sst s19  }
0x2d: {  	s28 =	simm.s32 $0x8480;
	s21 =	sadd.s32 $0xAA00, s0;
	[smem:$0x7F6] =	sst s20  }
0x2e: {  	s30 =	simm.s32 $0x2;
	s22 =	sadd.s32 $0xAF00, s0;
	[smem:$0x7F7] =	sst s21  }
0x2f: {  	s29 =	simm.s32 $0xD480;
	s23 =	sadd.s32 $0xB400, s0;
	[smem:$0x7F8] =	sst s22  }
0x30: {  	s31 =	simm.s32 $0x4;
	s24 =	sadd.s32 $0xB900, s0;
	[smem:$0x7F9] =	sst s23  }
0x31: {  	s4 =	simm.s32 $0x9;
	s25 =	sadd.s32 $0xBE00, s0;
	[smem:$0x7FA] =	sst s24  }
0x32: {  	s0 =	sadd.s32 $0xC300, s0;
	s5 =	simm.s32 $0x5;
	[smem:$0x7FB] =	sst s25  }
0x33: {  	s8 =	simm.s32 $0x6;
	[smem:$0x7FC] =	sst s0;
	s19 =	smax.u32 s6, $0x1  }
0x34: {  	s26 =	sshrl.u32 s1, $0x3;
	s20 =	smov.u32 s7;
	s21 =	sadd.s32 $0x500, s7  }
.Ltmp0:
0x35: {  	s22 =	simm.s32 $0xE;
	s1 =	simm.s32 $0x50;
	(pc) =	sbr.rel .LBB2_1-.Ltmp0, $4  }
0x36: {  	s23 =	simm.s32 $0xC80;
	s24 =	simm.s32 $0x3480;
	s25 =	simm.s32 $0xAC80  }
0x37: {  	s0 =	simm.s32 $0x3;
	s18 =	simm.s32 $0x8;
	s6 =	simm.s32 $0xA  }
0x38: {  	s9 =	simm.s32 $0xB;
	s10 =	simm.s32 $0x7;
	s11 =	simm.s32 $0xC  }
0x39: {  	s12 =	simm.s32 $0xD;
	[smem:$0x7FD] =	sst s26;
	s26 =	simm.s32 $0x5C80  }
.LBB2_3:
0x3a: {  	_ =	swait.ge [sflag:s18], $0x2800  }
0x3b: {  	[sflag:s18] =	ssyncset.done $0x0  }
0x3c: {  	[sflag:s18] =	ssyncadd.s32 $0xFFFFD800  }
0x3d: {  	_ =	swait.ge [sflag:s4], $0x2800  }
0x3e: {  	[sflag:s4] =	ssyncset.done $0x0  }
0x3f: {  	[sflag:s4] =	ssyncadd.s32 $0xFFFFD800  }
0x40: {  	_ =	swait.ge [sflag:s6], $0x2800  }
0x41: {  	[sflag:s6] =	ssyncset.done $0x0  }
0x42: {  	[sflag:s6] =	ssyncadd.s32 $0xFFFFD800  }
0x43: {  	_ =	swait.ge [sflag:s9], $0x2800  }
0x44: {  	[sflag:s9] =	ssyncset.done $0x0  }
0x45: {  	s19 =	sadd.s32 $0xFFFFFFFF, s19;
	[sflag:s9] =	ssyncadd.s32 $0xFFFFD800  }
0x46: {  	p1 =	sne.s32 s19, $0x0;
	_ =	swait.ge [sflag:s11], $0x2800  }
.Ltmp1:
0x47: {  	[sflag:s11] =	ssyncset.done $0x0;
	(pc) =	sbr.rel @!p1 .LBB2_4-.Ltmp1, $4  }
0x48: {  	[sflag:s11] =	ssyncadd.s32 $0xFFFFD800  }
0x49: {  	_ =	swait.ge [sflag:s12], $0x2800  }
0x4a: {  	[sflag:s12] =	ssyncset.done $0x0  }
0x4b: {  	[sflag:s12] =	ssyncadd.s32 $0xFFFFD800  }
.LBB2_1:
0x4c: {  	s7 =	rddreg [dreg:$0x6]  }
0x4d: {  	s14 =	simm.s32 @p0 $0x0;
	s16 =	stileid.u32;
	s17 =	rddreg [dreg:$0x7]  }
0x4e: {  	[tilespmem:s14], [sflag:$0x1] =	stream.linear.gather @p0 [hbm4b:s7+s14], $0x320, $0x38;
	[tilespmem:$0x11C80] =	vst v63  }
0x4f: {  	s15 =	sshll.u32 s16, $0x6;
	s16 =	sld [smem:$0x7FD]  }
0x50: {  	s13 =	simm.s32 @!p0 $0x0;
	s7 =	rddreg [dreg:$0x5];
	s15 =	sor.u32 $0x1C0E, s15  }
0x51: {  	[tilespmem:s13], [sflag:$0x1] =	stream.linear.gather @!p0 [hbm4b:s7+s13], $0xC80, $0x38;
	[tilespmem:$0x11C80] =	vst v63  }
0x52: {  	[spmem:s16], [sflag:s15] =	dma.local [hbm:s17], $0x400  }
0x53: {  	_ =	swait.ge [sflag:s22], $0x400  }
0x54: {  	[sflag:s22] =	ssyncset.done $0x0  }
0x55: {  	[sflag:s22] =	ssyncadd.s32 $0xFFFFFC00  }
0x56: {  	s15 =	simm.s32 @p0 $0x1;
	[bflag:$0x0] =	sbarrier.arrive $0xFFFF  }
0x57: {  	_ =	swait.ge @p0 [sflag:s15], $0x320  }
0x58: {  	[sflag:s15] =	ssyncset.done @p0 $0x0  }
0x59: {  	[sflag:s15] =	ssyncadd.s32 @p0 $0xFFFFFCE0;
	s15 =	simm.s32 @!p0 $0x1  }
0x5a: {  	_ =	swait.ge @!p0 [sflag:s15], $0xC80  }
0x5b: {  	[sflag:s15] =	ssyncset.done @!p0 $0x0  }
0x5c: {  	[sflag:s15] =	ssyncadd.s32 @!p0 $0xFFFFF380  }
0x5d: {  	[tilespmem:s23], [sflag:$0x2] =	stream.indirect.gather [spmem:s2], $0x80, s3, s1, $0xb8;
	[tilespmem:$0x11C80] =	vst v63  }
0x5e: {  	_ = 	snop  }
0x5f: {  	[tilespmem:s24], [sflag:$0x3] =	stream.indirect.gather [spmem:s2], $0x80, s1, s1, $0xb8;
	[tilespmem:$0x11C80] =	vst v63  }
0x60: {  	s17 =	simm.s32 $0xA0  }
0x61: {  	[tilespmem:s26], [sflag:$0x4] =	stream.indirect.gather [spmem:s2], $0x80, s17, s1, $0xb8;
	[tilespmem:$0x11C80] =	vst v63  }
0x62: {  	s15 =	simm.s32 $0xF0  }
0x63: {  	[tilespmem:s28], [sflag:$0x5] =	stream.indirect.gather [spmem:s2], $0x80, s15, s1, $0xb8;
	[tilespmem:$0x11C80] =	vst v63  }
0x64: {  	s16 =	simm.s32 $0x140  }
0x65: {  	[tilespmem:s25], [sflag:$0x6] =	stream.indirect.gather [spmem:s2], $0x80, s16, s1, $0xb8;
	[tilespmem:$0x11C80] =	vst v63  }
0x66: {  	_ =	swait.ge [sflag:s30], $0x2800  }
0x67: {  	[sflag:s30] =	ssyncset.done $0x0  }
0x68: {  	[sflag:s30] =	ssyncadd.s32 $0xFFFFD800  }
0x69: {  	[hbm4b:s20+s3] =	stream.linear.scatter [tilespmem:s23], [sflag:$0x8], $0x2800, $0x38;
	[tilespmem:$0x11C80] =	vst v63  }
0x6a: {  	s17 =	simm.s32 $0x190  }
0x6b: {  	[tilespmem:s29], [sflag:$0x7] =	stream.indirect.gather [spmem:s2], $0x80, s17, s1, $0xb8;
	[tilespmem:$0x11C80] =	vst v63  }
0x6c: {  	_ =	swait.ge [sflag:s0], $0x2800  }
0x6d: {  	[sflag:s0] =	ssyncset.done $0x0  }
0x6e: {  	[sflag:s0] =	ssyncadd.s32 $0xFFFFD800  }
0x6f: {  	[hbm4b:s21+s3] =	stream.linear.scatter [tilespmem:s24], [sflag:$0x9], $0x2800, $0x38;
	[tilespmem:$0x11C80] =	vst v63  }
0x70: {  	_ =	swait.ge [sflag:s18], $0x2800  }
0x71: {  	[sflag:s18] =	ssyncset.done $0x0  }
0x72: {  	s15 =	simm.s32 $0x1E0;
	[sflag:s18] =	ssyncadd.s32 $0xFFFFD800  }
0x73: {  	[tilespmem:s23], [sflag:$0x2] =	stream.indirect.gather [spmem:s2], $0x80, s15, s1, $0xb8;
	[tilespmem:$0x11C80] =	vst v63  }
0x74: {  	_ =	swait.ge [sflag:s31], $0x2800  }
0x75: {  	[sflag:s31] =	ssyncset.done $0x0  }
0x76: {  	s16 =	rddreg [dreg:$0x8];
	[sflag:s31] =	ssyncadd.s32 $0xFFFFD800  }
0x77: {  	[hbm4b:s16+s3] =	stream.linear.scatter [tilespmem:s26], [sflag:$0xA], $0x2800, $0x38;
	[tilespmem:$0x11C80] =	vst v63  }
0x78: {  	_ =	swait.ge [sflag:s4], $0x2800  }
0x79: {  	[sflag:s4] =	ssyncset.done $0x0  }
0x7a: {  	s17 =	simm.s32 $0x230;
	[sflag:s4] =	ssyncadd.s32 $0xFFFFD800  }
0x7b: {  	[tilespmem:s24], [sflag:$0x3] =	stream.indirect.gather [spmem:s2], $0x80, s17, s1, $0xb8;
	[tilespmem:$0x11C80] =	vst v63  }
0x7c: {  	_ =	swait.ge [sflag:s5], $0x2800  }
0x7d: {  	[sflag:s5] =	ssyncset.done $0x0  }
0x7e: {  	s15 =	rddreg [dreg:$0x9];
	[sflag:s5] =	ssyncadd.s32 $0xFFFFD800  }
0x7f: {  	[hbm4b:s15+s3] =	stream.linear.scatter [tilespmem:s28], [sflag:$0xB], $0x2800, $0x38;
	[tilespmem:$0x11C80] =	vst v63  }
0x80: {  	_ =	swait.ge [sflag:s6], $0x2800  }
0x81: {  	[sflag:s6] =	ssyncset.done $0x0  }
0x82: {  	s16 =	simm.s32 $0x280;
	[sflag:s6] =	ssyncadd.s32 $0xFFFFD800  }
0x83: {  	[tilespmem:s26], [sflag:$0x4] =	stream.indirect.gather [spmem:s2], $0x80, s16, s1, $0xb8;
	[tilespmem:$0x11C80] =	vst v63  }
0x84: {  	_ =	swait.ge [sflag:s8], $0x2800  }
0x85: {  	[sflag:s8] =	ssyncset.done $0x0  }
0x86: {  	s17 =	rddreg [dreg:$0xa];
	[sflag:s8] =	ssyncadd.s32 $0xFFFFD800  }
0x87: {  	[hbm4b:s17+s3] =	stream.linear.scatter [tilespmem:s25], [sflag:$0xC], $0x2800, $0x38;
	[tilespmem:$0x11C80] =	vst v63  }
0x88: {  	_ =	swait.ge [sflag:s9], $0x2800  }
0x89: {  	[sflag:s9] =	ssyncset.done $0x0  }
0x8a: {  	s15 =	simm.s32 $0x2D0;
	[sflag:s9] =	ssyncadd.s32 $0xFFFFD800  }
0x8b: {  	[tilespmem:s28], [sflag:$0x5] =	stream.indirect.gather [spmem:s2], $0x80, s15, s1, $0xb8;
	[tilespmem:$0x11C80] =	vst v63  }
0x8c: {  	_ =	swait.ge [sflag:s10], $0x2800  }
0x8d: {  	[sflag:s10] =	ssyncset.done $0x0  }
0x8e: {  	s15 =	simm.s32 @p0 $0x2;
	s16 =	rddreg [dreg:$0xb];
	[sflag:s10] =	ssyncadd.s32 $0xFFFFD800  }
0x8f: {  	[hbm4b:s16+s3] =	stream.linear.scatter [tilespmem:s29], [sflag:$0xD], $0x2800, $0x38;
	[tilespmem:$0x11C80] =	vst v63  }
0x90: {  	_ =	swait.ge @p0 [sflag:s15], $0x2800  }
0x91: {  	[sflag:s15] =	ssyncset.done @p0 $0x0  }
0x92: {  	s7 =	rddreg [dreg:$0xd];
	[sflag:s15] =	ssyncadd.s32 @p0 $0xFFFFD800;
	s15 =	simm.s32 @p0 $0xC80  }
0x93: {  	[hbm4b:s7+s14] =	stream.linear.scatter @p0 [tilespmem:s15], [sflag:$0x8], $0x2800, $0x38;
	[tilespmem:$0x11C80] =	vst v63  }
0x94: {  	s15 =	simm.s32 @!p0 $0xC  }
0x95: {  	_ =	swait.ge @!p0 [sflag:s15], $0x2800  }
0x96: {  	s17 =	simm.s32 @!p0 $0xAC80;
	[sflag:s15] =	ssyncset.done @!p0 $0x0  }
0x97: {  	s16 =	simm.s32 @!p0 $0x320;
	[sflag:s15] =	ssyncadd.s32 @!p0 $0xFFFFD800;
	s15 =	simm.s32 @!p0 $0x50  }
0x98: {  	[tilespmem:s17], [sflag:$0x6] =	stream.indirect.gather @!p0 [spmem:s2], $0x80, s16, s15, $0xb8;
	[tilespmem:$0x11C80] =	vst v63  }
0x99: {  	s16 =	simm.s32 @!p0 $0x2  }
0x9a: {  	_ =	swait.ge @!p0 [sflag:s16], $0x2800  }
0x9b: {  	s17 =	simm.s32 @!p0 $0xD;
	[sflag:s16] =	ssyncset.done @!p0 $0x0  }
0x9c: {  	s7 =	rddreg [dreg:$0xc];
	[sflag:s16] =	ssyncadd.s32 @!p0 $0xFFFFD800;
	s16 =	simm.s32 @!p0 $0xC80  }
0x9d: {  	[hbm4b:s7+s13] =	stream.linear.scatter @!p0 [tilespmem:s16], [sflag:$0x8], $0x2800, $0x38;
	[tilespmem:$0x11C80] =	vst v63  }
0x9e: {  	_ =	swait.ge @!p0 [sflag:s17], $0x2800  }
0x9f: {  	[sflag:s17] =	ssyncset.done @!p0 $0x0  }
0xa0: {  	s7 =	simm.s32 @!p0 $0xD480;
	[sflag:s17] =	ssyncadd.s32 @!p0 $0xFFFFD800;
	s17 =	simm.s32 @!p0 $0x370  }
0xa1: {  	[tilespmem:s7], [sflag:$0x7] =	stream.indirect.gather @!p0 [spmem:s2], $0x80, s17, s15, $0xb8;
	[tilespmem:$0x11C80] =	vst v63  }
0xa2: {  	_ =	swait.ge [sflag:s0], $0x2800  }
0xa3: {  	[sflag:s0] =	ssyncset.done $0x0  }
0xa4: {  	s7 =	simm.s32 @p0 $0x4;
	s17 =	rddreg [dreg:$0xe];
	[sflag:s0] =	ssyncadd.s32 $0xFFFFD800  }
0xa5: {  	[hbm4b:s17+s3] =	stream.linear.scatter [tilespmem:s24], [sflag:$0x9], $0x2800, $0x38;
	[tilespmem:$0x11C80] =	vst v63  }
0xa6: {  	_ =	swait.ge @p0 [sflag:s7], $0x2800  }
0xa7: {  	[sflag:s7] =	ssyncset.done @p0 $0x0  }
0xa8: {  	s17 =	rddreg [dreg:$0x10];
	[sflag:s7] =	ssyncadd.s32 @p0 $0xFFFFD800;
	s7 =	simm.s32 @p0 $0x5C80  }
0xa9: {  	[hbm4b:s17+s14] =	stream.linear.scatter @p0 [tilespmem:s7], [sflag:$0xA], $0x2800, $0x38;
	[tilespmem:$0x11C80] =	vst v63  }
0xaa: {  	s7 =	simm.s32 @!p0 $0x8  }
0xab: {  	_ =	swait.ge @!p0 [sflag:s7], $0x2800  }
0xac: {  	[sflag:s7] =	ssyncset.done @!p0 $0x0  }
0xad: {  	[sflag:s7] =	ssyncadd.s32 @!p0 $0xFFFFD800;
	s7 =	simm.s32 @!p0 $0x3C0  }
0xae: {  	[tilespmem:s16], [sflag:$0x2] =	stream.indirect.gather @!p0 [spmem:s2], $0x80, s7, s15, $0xb8;
	[tilespmem:$0x11C80] =	vst v63  }
0xaf: {  	s7 =	simm.s32 @!p0 $0x4  }
0xb0: {  	_ =	swait.ge @!p0 [sflag:s7], $0x2800  }
0xb1: {  	[sflag:s7] =	ssyncset.done @!p0 $0x0  }
0xb2: {  	s14 =	rddreg [dreg:$0xf];
	[sflag:s7] =	ssyncadd.s32 @!p0 $0xFFFFD800;
	s7 =	simm.s32 @!p0 $0x5C80  }
0xb3: {  	[hbm4b:s14+s13] =	stream.linear.scatter @!p0 [tilespmem:s7], [sflag:$0xA], $0x2800, $0x38;
	[tilespmem:$0x11C80] =	vst v63  }
0xb4: {  	s7 =	simm.s32 @!p0 $0x9  }
0xb5: {  	_ =	swait.ge @!p0 [sflag:s7], $0x2800  }
0xb6: {  	[sflag:s7] =	ssyncset.done @!p0 $0x0  }
0xb7: {  	s13 =	simm.s32 @!p0 $0x3480;
	[sflag:s7] =	ssyncadd.s32 @!p0 $0xFFFFD800;
	s7 =	simm.s32 @!p0 $0x410  }
0xb8: {  	[tilespmem:s13], [sflag:$0x3] =	stream.indirect.gather @!p0 [spmem:s2], $0x80, s7, s15, $0xb8;
	[tilespmem:$0x11C80] =	vst v63  }
.Ltmp2:
0xb9: {  	_ = 	snop;
	(pc) =	sbr.rel @p0 .LBB2_3-.Ltmp2, $4  }
0xba: {  	_ =	swait.ge [sflag:s5], $0x2800  }
0xbb: {  	[sflag:s5] =	ssyncset.done $0x0  }
0xbc: {  	s17 =	rddreg [dreg:$0x11];
	[sflag:s5] =	ssyncadd.s32 $0xFFFFD800  }
0xbd: {  	[hbm4b:s17+s3] =	stream.linear.scatter [tilespmem:s28], [sflag:$0xB], $0x2800, $0x38;
	[tilespmem:$0x11C80] =	vst v63  }
0xbe: {  	_ =	swait.ge [sflag:s6], $0x2800  }
0xbf: {  	[sflag:s6] =	ssyncset.done $0x0  }
0xc0: {  	s7 =	simm.s32 $0x460;
	[sflag:s6] =	ssyncadd.s32 $0xFFFFD800  }
0xc1: {  	[tilespmem:s26], [sflag:$0x4] =	stream.indirect.gather [spmem:s2], $0x80, s7, s1, $0xb8;
	[tilespmem:$0x11C80] =	vst v63  }
0xc2: {  	_ =	swait.ge [sflag:s8], $0x2800  }
0xc3: {  	[sflag:s8] =	ssyncset.done $0x0  }
0xc4: {  	s13 =	rddreg [dreg:$0x12];
	[sflag:s8] =	ssyncadd.s32 $0xFFFFD800  }
0xc5: {  	[hbm4b:s13+s3] =	stream.linear.scatter [tilespmem:s25], [sflag:$0xC], $0x2800, $0x38;
	[tilespmem:$0x11C80] =	vst v63  }
0xc6: {  	_ =	swait.ge [sflag:s9], $0x2800  }
0xc7: {  	[sflag:s9] =	ssyncset.done $0x0  }
0xc8: {  	s14 =	simm.s32 $0x4B0;
	[sflag:s9] =	ssyncadd.s32 $0xFFFFD800  }
0xc9: {  	[tilespmem:s28], [sflag:$0x5] =	stream.indirect.gather [spmem:s2], $0x80, s14, s1, $0xb8;
	[tilespmem:$0x11C80] =	vst v63  }
0xca: {  	_ =	swait.ge [sflag:s10], $0x2800  }
0xcb: {  	[sflag:s10] =	ssyncset.done $0x0  }
0xcc: {  	s15 =	rddreg [dreg:$0x13];
	[sflag:s10] =	ssyncadd.s32 $0xFFFFD800  }
0xcd: {  	[hbm4b:s15+s3] =	stream.linear.scatter [tilespmem:s29], [sflag:$0xD], $0x2800, $0x38;
	[tilespmem:$0x11C80] =	vst v63  }
0xce: {  	_ =	swait.ge [sflag:s11], $0x2800  }
0xcf: {  	[sflag:s11] =	ssyncset.done $0x0  }
0xd0: {  	s16 =	simm.s32 $0x500;
	[sflag:s11] =	ssyncadd.s32 $0xFFFFD800  }
0xd1: {  	[tilespmem:s25], [sflag:$0x6] =	stream.indirect.gather [spmem:s2], $0x80, s16, s1, $0xb8;
	[tilespmem:$0x11C80] =	vst v63  }
0xd2: {  	_ =	swait.ge [sflag:s30], $0x2800  }
0xd3: {  	[sflag:s30] =	ssyncset.done $0x0  }
0xd4: {  	s17 =	rddreg [dreg:$0x14];
	[sflag:s30] =	ssyncadd.s32 $0xFFFFD800  }
0xd5: {  	[hbm4b:s17+s3] =	stream.linear.scatter [tilespmem:s23], [sflag:$0x8], $0x2800, $0x38;
	[tilespmem:$0x11C80] =	vst v63  }
0xd6: {  	_ =	swait.ge [sflag:s12], $0x2800  }
0xd7: {  	[sflag:s12] =	ssyncset.done $0x0  }
0xd8: {  	s13 =	simm.s32 $0x550;
	[sflag:s12] =	ssyncadd.s32 $0xFFFFD800  }
0xd9: {  	[tilespmem:s29], [sflag:$0x7] =	stream.indirect.gather [spmem:s2], $0x80, s13, s1, $0xb8;
	[tilespmem:$0x11C80] =	vst v63  }
0xda: {  	_ =	swait.ge [sflag:s0], $0x2800  }
0xdb: {  	[sflag:s0] =	ssyncset.done $0x0  }
0xdc: {  	s14 =	rddreg [dreg:$0x15];
	[sflag:s0] =	ssyncadd.s32 $0xFFFFD800  }
0xdd: {  	[hbm4b:s14+s3] =	stream.linear.scatter [tilespmem:s24], [sflag:$0x9], $0x2800, $0x38;
	[tilespmem:$0x11C80] =	vst v63  }
0xde: {  	_ =	swait.ge [sflag:s18], $0x2800  }
0xdf: {  	[sflag:s18] =	ssyncset.done $0x0  }
0xe0: {  	s15 =	simm.s32 $0x5A0;
	[sflag:s18] =	ssyncadd.s32 $0xFFFFD800  }
0xe1: {  	[tilespmem:s23], [sflag:$0x2] =	stream.indirect.gather [spmem:s2], $0x80, s15, s1, $0xb8;
	[tilespmem:$0x11C80] =	vst v63  }
0xe2: {  	_ =	swait.ge [sflag:s31], $0x2800  }
0xe3: {  	[sflag:s31] =	ssyncset.done $0x0  }
0xe4: {  	s16 =	rddreg [dreg:$0x16];
	[sflag:s31] =	ssyncadd.s32 $0xFFFFD800  }
0xe5: {  	[hbm4b:s16+s3] =	stream.linear.scatter [tilespmem:s26], [sflag:$0xA], $0x2800, $0x38;
	[tilespmem:$0x11C80] =	vst v63  }
0xe6: {  	_ =	swait.ge [sflag:s4], $0x2800  }
0xe7: {  	[sflag:s4] =	ssyncset.done $0x0  }
0xe8: {  	s17 =	simm.s32 $0x5F0;
	[sflag:s4] =	ssyncadd.s32 $0xFFFFD800  }
0xe9: {  	[tilespmem:s24], [sflag:$0x3] =	stream.indirect.gather [spmem:s2], $0x80, s17, s1, $0xb8;
	[tilespmem:$0x11C80] =	vst v63  }
0xea: {  	_ =	swait.ge [sflag:s5], $0x2800  }
0xeb: {  	[sflag:s5] =	ssyncset.done $0x0  }
0xec: {  	s13 =	rddreg [dreg:$0x17];
	[sflag:s5] =	ssyncadd.s32 $0xFFFFD800  }
0xed: {  	[hbm4b:s13+s3] =	stream.linear.scatter [tilespmem:s28], [sflag:$0xB], $0x2800, $0x38;
	[tilespmem:$0x11C80] =	vst v63  }
0xee: {  	_ =	swait.ge [sflag:s6], $0x2800  }
0xef: {  	[sflag:s6] =	ssyncset.done $0x0  }
0xf0: {  	s14 =	simm.s32 $0x640;
	[sflag:s6] =	ssyncadd.s32 $0xFFFFD800  }
0xf1: {  	[tilespmem:s26], [sflag:$0x4] =	stream.indirect.gather [spmem:s2], $0x80, s14, s1, $0xb8;
	[tilespmem:$0x11C80] =	vst v63  }
0xf2: {  	_ =	swait.ge [sflag:s8], $0x2800  }
0xf3: {  	[sflag:s8] =	ssyncset.done $0x0  }
0xf4: {  	s15 =	rddreg [dreg:$0x18];
	[sflag:s8] =	ssyncadd.s32 $0xFFFFD800  }
0xf5: {  	[hbm4b:s15+s3] =	stream.linear.scatter [tilespmem:s25], [sflag:$0xC], $0x2800, $0x38;
	[tilespmem:$0x11C80] =	vst v63  }
0xf6: {  	_ =	swait.ge [sflag:s9], $0x2800  }
0xf7: {  	[sflag:s9] =	ssyncset.done $0x0  }
0xf8: {  	s16 =	simm.s32 $0x690;
	[sflag:s9] =	ssyncadd.s32 $0xFFFFD800  }
0xf9: {  	[tilespmem:s28], [sflag:$0x5] =	stream.indirect.gather [spmem:s2], $0x80, s16, s1, $0xb8;
	[tilespmem:$0x11C80] =	vst v63  }
0xfa: {  	_ =	swait.ge [sflag:s10], $0x2800  }
0xfb: {  	[sflag:s10] =	ssyncset.done $0x0  }
0xfc: {  	s17 =	rddreg [dreg:$0x19];
	[sflag:s10] =	ssyncadd.s32 $0xFFFFD800  }
0xfd: {  	[hbm4b:s17+s3] =	stream.linear.scatter [tilespmem:s29], [sflag:$0xD], $0x2800, $0x38;
	[tilespmem:$0x11C80] =	vst v63  }
0xfe: {  	_ =	swait.ge [sflag:s11], $0x2800  }
0xff: {  	[sflag:s11] =	ssyncset.done $0x0  }
0x100: {  	s13 =	simm.s32 $0x6E0;
	[sflag:s11] =	ssyncadd.s32 $0xFFFFD800  }
0x101: {  	[tilespmem:s25], [sflag:$0x6] =	stream.indirect.gather [spmem:s2], $0x80, s13, s1, $0xb8;
	[tilespmem:$0x11C80] =	vst v63  }
0x102: {  	_ =	swait.ge [sflag:s30], $0x2800  }
0x103: {  	[sflag:s30] =	ssyncset.done $0x0  }
0x104: {  	s14 =	rddreg [dreg:$0x1a];
	[sflag:s30] =	ssyncadd.s32 $0xFFFFD800  }
0x105: {  	[hbm4b:s14+s3] =	stream.linear.scatter [tilespmem:s23], [sflag:$0x8], $0x2800, $0x38;
	[tilespmem:$0x11C80] =	vst v63  }
0x106: {  	_ =	swait.ge [sflag:s12], $0x2800  }
0x107: {  	[sflag:s12] =	ssyncset.done $0x0  }
0x108: {  	s15 =	simm.s32 $0x730;
	[sflag:s12] =	ssyncadd.s32 $0xFFFFD800  }
0x109: {  	[tilespmem:s29], [sflag:$0x7] =	stream.indirect.gather [spmem:s2], $0x80, s15, s1, $0xb8;
	[tilespmem:$0x11C80] =	vst v63  }
0x10a: {  	_ =	swait.ge [sflag:s0], $0x2800  }
0x10b: {  	[sflag:s0] =	ssyncset.done $0x0  }
0x10c: {  	s16 =	rddreg [dreg:$0x1b];
	[sflag:s0] =	ssyncadd.s32 $0xFFFFD800  }
0x10d: {  	[hbm4b:s16+s3] =	stream.linear.scatter [tilespmem:s24], [sflag:$0x9], $0x2800, $0x38;
	[tilespmem:$0x11C80] =	vst v63  }
0x10e: {  	_ =	swait.ge [sflag:s18], $0x2800  }
0x10f: {  	[sflag:s18] =	ssyncset.done $0x0  }
0x110: {  	s17 =	simm.s32 $0x780;
	[sflag:s18] =	ssyncadd.s32 $0xFFFFD800  }
0x111: {  	[tilespmem:s23], [sflag:$0x2] =	stream.indirect.gather [spmem:s2], $0x80, s17, s1, $0xb8;
	[tilespmem:$0x11C80] =	vst v63  }
0x112: {  	_ =	swait.ge [sflag:s31], $0x2800  }
0x113: {  	[sflag:s31] =	ssyncset.done $0x0  }
0x114: {  	s13 =	rddreg [dreg:$0x1c];
	[sflag:s31] =	ssyncadd.s32 $0xFFFFD800  }
0x115: {  	[hbm4b:s13+s3] =	stream.linear.scatter [tilespmem:s26], [sflag:$0xA], $0x2800, $0x38;
	[tilespmem:$0x11C80] =	vst v63  }
0x116: {  	_ =	swait.ge [sflag:s4], $0x2800  }
0x117: {  	[sflag:s4] =	ssyncset.done $0x0  }
0x118: {  	s14 =	simm.s32 $0x7D0;
	[sflag:s4] =	ssyncadd.s32 $0xFFFFD800  }
0x119: {  	[tilespmem:s24], [sflag:$0x3] =	stream.indirect.gather [spmem:s2], $0x80, s14, s1, $0xb8;
	[tilespmem:$0x11C80] =	vst v63  }
0x11a: {  	_ =	swait.ge [sflag:s5], $0x2800  }
0x11b: {  	[sflag:s5] =	ssyncset.done $0x0  }
0x11c: {  	s15 =	rddreg [dreg:$0x1d];
	[sflag:s5] =	ssyncadd.s32 $0xFFFFD800  }
0x11d: {  	[hbm4b:s15+s3] =	stream.linear.scatter [tilespmem:s28], [sflag:$0xB], $0x2800, $0x38;
	[tilespmem:$0x11C80] =	vst v63  }
0x11e: {  	_ =	swait.ge [sflag:s6], $0x2800  }
0x11f: {  	[sflag:s6] =	ssyncset.done $0x0  }
0x120: {  	s16 =	simm.s32 $0x820;
	[sflag:s6] =	ssyncadd.s32 $0xFFFFD800  }
0x121: {  	[tilespmem:s26], [sflag:$0x4] =	stream.indirect.gather [spmem:s2], $0x80, s16, s1, $0xb8;
	[tilespmem:$0x11C80] =	vst v63  }
0x122: {  	_ =	swait.ge [sflag:s8], $0x2800  }
0x123: {  	[sflag:s8] =	ssyncset.done $0x0  }
0x124: {  	s17 =	rddreg [dreg:$0x1e];
	[sflag:s8] =	ssyncadd.s32 $0xFFFFD800  }
0x125: {  	[hbm4b:s17+s3] =	stream.linear.scatter [tilespmem:s25], [sflag:$0xC], $0x2800, $0x38;
	[tilespmem:$0x11C80] =	vst v63  }
0x126: {  	_ =	swait.ge [sflag:s9], $0x2800  }
0x127: {  	[sflag:s9] =	ssyncset.done $0x0  }
0x128: {  	s13 =	simm.s32 $0x870;
	[sflag:s9] =	ssyncadd.s32 $0xFFFFD800  }
0x129: {  	[tilespmem:s28], [sflag:$0x5] =	stream.indirect.gather [spmem:s2], $0x80, s13, s1, $0xb8;
	[tilespmem:$0x11C80] =	vst v63  }
0x12a: {  	_ =	swait.ge [sflag:s10], $0x2800  }
0x12b: {  	[sflag:s10] =	ssyncset.done $0x0  }
0x12c: {  	s14 =	rddreg [dreg:$0x1f];
	[sflag:s10] =	ssyncadd.s32 $0xFFFFD800  }
0x12d: {  	[hbm4b:s14+s3] =	stream.linear.scatter [tilespmem:s29], [sflag:$0xD], $0x2800, $0x38;
	[tilespmem:$0x11C80] =	vst v63  }
0x12e: {  	_ =	swait.ge [sflag:s11], $0x2800  }
0x12f: {  	[sflag:s11] =	ssyncset.done $0x0  }
0x130: {  	s15 =	simm.s32 $0x8C0;
	[sflag:s11] =	ssyncadd.s32 $0xFFFFD800  }
0x131: {  	[tilespmem:s25], [sflag:$0x6] =	stream.indirect.gather [spmem:s2], $0x80, s15, s1, $0xb8;
	[tilespmem:$0x11C80] =	vst v63  }
0x132: {  	_ =	swait.ge [sflag:s30], $0x2800  }
0x133: {  	s16 =	sld [smem:$0x7ED]  }
0x134: {  	[sflag:s30] =	ssyncset.done $0x0  }
0x135: {  	[sflag:s30] =	ssyncadd.s32 $0xFFFFD800  }
0x136: {  	[hbm4b:s16+s3] =	stream.linear.scatter [tilespmem:s23], [sflag:$0x8], $0x2800, $0x38;
	[tilespmem:$0x11C80] =	vst v63  }
0x137: {  	_ =	swait.ge [sflag:s12], $0x2800  }
0x138: {  	[sflag:s12] =	ssyncset.done $0x0  }
0x139: {  	s17 =	simm.s32 $0x910;
	[sflag:s12] =	ssyncadd.s32 $0xFFFFD800  }
0x13a: {  	[tilespmem:s29], [sflag:$0x7] =	stream.indirect.gather [spmem:s2], $0x80, s17, s1, $0xb8;
	[tilespmem:$0x11C80] =	vst v63  }
0x13b: {  	_ =	swait.ge [sflag:s0], $0x2800  }
0x13c: {  	s13 =	sld [smem:$0x7EE]  }
0x13d: {  	[sflag:s0] =	ssyncset.done $0x0  }
0x13e: {  	[sflag:s0] =	ssyncadd.s32 $0xFFFFD800  }
0x13f: {  	[hbm4b:s13+s3] =	stream.linear.scatter [tilespmem:s24], [sflag:$0x9], $0x2800, $0x38;
	[tilespmem:$0x11C80] =	vst v63  }
0x140: {  	_ =	swait.ge [sflag:s18], $0x2800  }
0x141: {  	[sflag:s18] =	ssyncset.done $0x0  }
0x142: {  	s14 =	simm.s32 $0x960;
	[sflag:s18] =	ssyncadd.s32 $0xFFFFD800  }
0x143: {  	[tilespmem:s23], [sflag:$0x2] =	stream.indirect.gather [spmem:s2], $0x80, s14, s1, $0xb8;
	[tilespmem:$0x11C80] =	vst v63  }
0x144: {  	_ =	swait.ge [sflag:s31], $0x2800  }
0x145: {  	s15 =	sld [smem:$0x7EF]  }
0x146: {  	[sflag:s31] =	ssyncset.done $0x0  }
0x147: {  	[sflag:s31] =	ssyncadd.s32 $0xFFFFD800  }
0x148: {  	[hbm4b:s15+s3] =	stream.linear.scatter [tilespmem:s26], [sflag:$0xA], $0x2800, $0x38;
	[tilespmem:$0x11C80] =	vst v63  }
0x149: {  	_ =	swait.ge [sflag:s4], $0x2800  }
0x14a: {  	[sflag:s4] =	ssyncset.done $0x0  }
0x14b: {  	s16 =	simm.s32 $0x9B0;
	[sflag:s4] =	ssyncadd.s32 $0xFFFFD800  }
0x14c: {  	[tilespmem:s24], [sflag:$0x3] =	stream.indirect.gather [spmem:s2], $0x80, s16, s1, $0xb8;
	[tilespmem:$0x11C80] =	vst v63  }
0x14d: {  	_ =	swait.ge [sflag:s5], $0x2800  }
0x14e: {  	s17 =	sld [smem:$0x7F0]  }
0x14f: {  	[sflag:s5] =	ssyncset.done $0x0  }
0x150: {  	[sflag:s5] =	ssyncadd.s32 $0xFFFFD800  }
0x151: {  	[hbm4b:s17+s3] =	stream.linear.scatter [tilespmem:s28], [sflag:$0xB], $0x2800, $0x38;
	[tilespmem:$0x11C80] =	vst v63  }
0x152: {  	_ =	swait.ge [sflag:s6], $0x2800  }
0x153: {  	[sflag:s6] =	ssyncset.done $0x0  }
0x154: {  	s13 =	simm.s32 $0xA00;
	[sflag:s6] =	ssyncadd.s32 $0xFFFFD800  }
0x155: {  	[tilespmem:s26], [sflag:$0x4] =	stream.indirect.gather [spmem:s2], $0x80, s13, s1, $0xb8;
	[tilespmem:$0x11C80] =	vst v63  }
0x156: {  	_ =	swait.ge [sflag:s8], $0x2800  }
0x157: {  	s14 =	sld [smem:$0x7F1]  }
0x158: {  	[sflag:s8] =	ssyncset.done $0x0  }
0x159: {  	[sflag:s8] =	ssyncadd.s32 $0xFFFFD800  }
0x15a: {  	[hbm4b:s14+s3] =	stream.linear.scatter [tilespmem:s25], [sflag:$0xC], $0x2800, $0x38;
	[tilespmem:$0x11C80] =	vst v63  }
0x15b: {  	_ =	swait.ge [sflag:s9], $0x2800  }
0x15c: {  	[sflag:s9] =	ssyncset.done $0x0  }
0x15d: {  	s15 =	simm.s32 $0xA50;
	[sflag:s9] =	ssyncadd.s32 $0xFFFFD800  }
0x15e: {  	[tilespmem:s28], [sflag:$0x5] =	stream.indirect.gather [spmem:s2], $0x80, s15, s1, $0xb8;
	[tilespmem:$0x11C80] =	vst v63  }
0x15f: {  	_ =	swait.ge [sflag:s10], $0x2800  }
0x160: {  	s16 =	sld [smem:$0x7F2]  }
0x161: {  	[sflag:s10] =	ssyncset.done $0x0  }
0x162: {  	[sflag:s10] =	ssyncadd.s32 $0xFFFFD800  }
0x163: {  	[hbm4b:s16+s3] =	stream.linear.scatter [tilespmem:s29], [sflag:$0xD], $0x2800, $0x38;
	[tilespmem:$0x11C80] =	vst v63  }
0x164: {  	_ =	swait.ge [sflag:s11], $0x2800  }
0x165: {  	[sflag:s11] =	ssyncset.done $0x0  }
0x166: {  	s17 =	simm.s32 $0xAA0;
	[sflag:s11] =	ssyncadd.s32 $0xFFFFD800  }
0x167: {  	[tilespmem:s25], [sflag:$0x6] =	stream.indirect.gather [spmem:s2], $0x80, s17, s1, $0xb8;
	[tilespmem:$0x11C80] =	vst v63  }
0x168: {  	_ =	swait.ge [sflag:s30], $0x2800  }
0x169: {  	s13 =	sld [smem:$0x7F3]  }
0x16a: {  	[sflag:s30] =	ssyncset.done $0x0  }
0x16b: {  	[sflag:s30] =	ssyncadd.s32 $0xFFFFD800  }
0x16c: {  	[hbm4b:s13+s3] =	stream.linear.scatter [tilespmem:s23], [sflag:$0x8], $0x2800, $0x38;
	[tilespmem:$0x11C80] =	vst v63  }
0x16d: {  	_ =	swait.ge [sflag:s12], $0x2800  }
0x16e: {  	[sflag:s12] =	ssyncset.done $0x0  }
0x16f: {  	s14 =	simm.s32 $0xAF0;
	[sflag:s12] =	ssyncadd.s32 $0xFFFFD800  }
0x170: {  	[tilespmem:s29], [sflag:$0x7] =	stream.indirect.gather [spmem:s2], $0x80, s14, s1, $0xb8;
	[tilespmem:$0x11C80] =	vst v63  }
0x171: {  	_ =	swait.ge [sflag:s0], $0x2800  }
0x172: {  	s15 =	sld [smem:$0x7F4]  }
0x173: {  	[sflag:s0] =	ssyncset.done $0x0  }
0x174: {  	[sflag:s0] =	ssyncadd.s32 $0xFFFFD800  }
0x175: {  	[hbm4b:s15+s3] =	stream.linear.scatter [tilespmem:s24], [sflag:$0x9], $0x2800, $0x38;
	[tilespmem:$0x11C80] =	vst v63  }
0x176: {  	_ =	swait.ge [sflag:s18], $0x2800  }
0x177: {  	[sflag:s18] =	ssyncset.done $0x0  }
0x178: {  	s16 =	simm.s32 $0xB40;
	[sflag:s18] =	ssyncadd.s32 $0xFFFFD800  }
0x179: {  	[tilespmem:s23], [sflag:$0x2] =	stream.indirect.gather [spmem:s2], $0x80, s16, s1, $0xb8;
	[tilespmem:$0x11C80] =	vst v63  }
0x17a: {  	_ =	swait.ge [sflag:s31], $0x2800  }
0x17b: {  	s17 =	sld [smem:$0x7F5]  }
0x17c: {  	[sflag:s31] =	ssyncset.done $0x0  }
0x17d: {  	[sflag:s31] =	ssyncadd.s32 $0xFFFFD800  }
0x17e: {  	[hbm4b:s17+s3] =	stream.linear.scatter [tilespmem:s26], [sflag:$0xA], $0x2800, $0x38;
	[tilespmem:$0x11C80] =	vst v63  }
0x17f: {  	_ =	swait.ge [sflag:s4], $0x2800  }
0x180: {  	[sflag:s4] =	ssyncset.done $0x0  }
0x181: {  	s13 =	simm.s32 $0xB90;
	[sflag:s4] =	ssyncadd.s32 $0xFFFFD800  }
0x182: {  	[tilespmem:s24], [sflag:$0x3] =	stream.indirect.gather [spmem:s2], $0x80, s13, s1, $0xb8;
	[tilespmem:$0x11C80] =	vst v63  }
0x183: {  	_ =	swait.ge [sflag:s5], $0x2800  }
0x184: {  	s14 =	sld [smem:$0x7F6]  }
0x185: {  	[sflag:s5] =	ssyncset.done $0x0  }
0x186: {  	[sflag:s5] =	ssyncadd.s32 $0xFFFFD800  }
0x187: {  	[hbm4b:s14+s3] =	stream.linear.scatter [tilespmem:s28], [sflag:$0xB], $0x2800, $0x38;
	[tilespmem:$0x11C80] =	vst v63  }
0x188: {  	_ =	swait.ge [sflag:s6], $0x2800  }
0x189: {  	[sflag:s6] =	ssyncset.done $0x0  }
0x18a: {  	s15 =	simm.s32 $0xBE0;
	[sflag:s6] =	ssyncadd.s32 $0xFFFFD800  }
0x18b: {  	[tilespmem:s26], [sflag:$0x4] =	stream.indirect.gather [spmem:s2], $0x80, s15, s1, $0xb8;
	[tilespmem:$0x11C80] =	vst v63  }
0x18c: {  	_ =	swait.ge [sflag:s8], $0x2800  }
0x18d: {  	s16 =	sld [smem:$0x7F7]  }
0x18e: {  	[sflag:s8] =	ssyncset.done $0x0  }
0x18f: {  	[sflag:s8] =	ssyncadd.s32 $0xFFFFD800  }
0x190: {  	[hbm4b:s16+s3] =	stream.linear.scatter [tilespmem:s25], [sflag:$0xC], $0x2800, $0x38;
	[tilespmem:$0x11C80] =	vst v63  }
0x191: {  	_ =	swait.ge [sflag:s9], $0x2800  }
0x192: {  	[sflag:s9] =	ssyncset.done $0x0  }
0x193: {  	s17 =	simm.s32 $0xC30;
	[sflag:s9] =	ssyncadd.s32 $0xFFFFD800  }
0x194: {  	[tilespmem:s28], [sflag:$0x5] =	stream.indirect.gather [spmem:s2], $0x80, s17, s1, $0xb8;
	[tilespmem:$0x11C80] =	vst v63  }
0x195: {  	_ =	swait.ge [sflag:s10], $0x2800  }
0x196: {  	s13 =	sld [smem:$0x7F8]  }
0x197: {  	[sflag:s10] =	ssyncset.done $0x0  }
0x198: {  	[sflag:s10] =	ssyncadd.s32 $0xFFFFD800  }
0x199: {  	[hbm4b:s13+s3] =	stream.linear.scatter [tilespmem:s29], [sflag:$0xD], $0x2800, $0x38;
	[tilespmem:$0x11C80] =	vst v63  }
0x19a: {  	_ =	swait.ge [sflag:s30], $0x2800  }
0x19b: {  	s14 =	sld [smem:$0x7F9]  }
0x19c: {  	[sflag:s30] =	ssyncset.done $0x0  }
0x19d: {  	[sflag:s30] =	ssyncadd.s32 $0xFFFFD800  }
0x19e: {  	[hbm4b:s14+s3] =	stream.linear.scatter [tilespmem:s23], [sflag:$0x8], $0x2800, $0x38;
	[tilespmem:$0x11C80] =	vst v63  }
0x19f: {  	_ =	swait.ge [sflag:s0], $0x2800  }
0x1a0: {  	s15 =	sld [smem:$0x7FA]  }
0x1a1: {  	[sflag:s0] =	ssyncset.done $0x0  }
0x1a2: {  	[sflag:s0] =	ssyncadd.s32 $0xFFFFD800  }
0x1a3: {  	[hbm4b:s15+s3] =	stream.linear.scatter [tilespmem:s24], [sflag:$0x9], $0x2800, $0x38;
	[tilespmem:$0x11C80] =	vst v63  }
0x1a4: {  	_ =	swait.ge [sflag:s31], $0x2800  }
0x1a5: {  	s16 =	sld [smem:$0x7FB]  }
0x1a6: {  	[sflag:s31] =	ssyncset.done $0x0  }
0x1a7: {  	[sflag:s31] =	ssyncadd.s32 $0xFFFFD800  }
0x1a8: {  	[hbm4b:s16+s3] =	stream.linear.scatter [tilespmem:s26], [sflag:$0xA], $0x2800, $0x38;
	[tilespmem:$0x11C80] =	vst v63  }
.Ltmp3:
0x1a9: {  	_ =	swait.ge [sflag:s5], $0x2800;
	(pc) =	sbr.rel .LBB2_3-.Ltmp3, $4  }
0x1aa: {  	s17 =	sld [smem:$0x7FC]  }
0x1ab: {  	[sflag:s5] =	ssyncset.done $0x0  }
0x1ac: {  	[sflag:s5] =	ssyncadd.s32 $0xFFFFD800  }
0x1ad: {  	[hbm4b:s17+s3] =	stream.linear.scatter [tilespmem:s28], [sflag:$0xB], $0x2800, $0x38;
	[tilespmem:$0x11C80] =	vst v63  }
.LBB2_4:
0x1ae: {  	_ =	sfence.sel $0x180000  }
0x1af: {  	[bflag:$0x0] =	sbarrier.arrive $0xFFFF  }
0x1b0: {  	_ =	strace $0x90000047  }
0x1b1: {  	s0 =	stileid.u32;
	[bflag:$0x2] =	sbarrier.arrive $0xFFFF  }
0x1b2: {  	p0 =	sne.s32 s0, $0x0;
	s0 =	rddreg [dreg:$0x4]  }
0x1b3: {  	s0 =	sadd.s32 @!p0 $0x100000, s0  }
0x1b4: {  	[sflag:s0] =	ssyncadd.tile.s32 @!p0 $0x1;
	_ =	shalt  }
.Lfunc_end2:
_tile_overlayer_lowered:
.L_overlay_start_2:
0x1b5: {  	(tag) =	ssettag $0x2  }
0x1b6: {  	s0 =	rddreg [dreg:$0x0];
	s2 =	stileid.u32  }
0x1b7: {  	s1 =	rddreg [dreg:$0x1];
	p0 =	sne.s32 s2, $0x0  }
0x1b8: {  	s3 =	rddreg [dreg:$0x2];
	[bflag:$0x3] =	sbarrier.arrive $0xFFFF;
	s2 =	simm.s32 @!p0 $0x1C0E  }
0x1b9: {  	[timem:s3], [sflag:s2] =	dma.local @!p0 [hbm:s0], s1  }
0x1ba: {  	s0 =	simm.s32 @!p0 $0xE  }
0x1bb: {  	_ =	swait.ge @!p0 [sflag:s0], s1  }
0x1bc: {  	s1 =	ssub.s32 @!p0 $0x0, s1;
	[sflag:s0] =	ssyncset.done @!p0 $0x0  }
0x1bd: {  	[sflag:s0] =	ssyncadd.s32 @!p0 s1  }
0x1be: {  	[bflag:$0x3] =	sbarrier.arrive $0xFFFF  }
0x1bf: {  	_ =	shalt  }

</sc_bundles>
